<compile_context>
chip_gen: v7x
topology: tpu7x:2x2x1
jax: 0.10.2.dev20260603
libtpu: 0.0.44.dev20260713+nightly
codegen_flags: <defaults>
</compile_context>

<pallas_src>
import functools

import jax
import jax.numpy as jnp
from jax import lax
from jax.experimental import pallas as pl
from jax.experimental.pallas import tpu as pltpu
from jax.experimental.pallas import tpu_sc as plsc

N_KEYS = 100000
BATCH = 1024
DIM = 64
KBLK = 2000
NBLK = N_KEYS // KBLK

NCORE = 2
NSUB = 16
ROWS_PER_SUB = 6256
ROWS_LAST = N_KEYS - 15 * ROWS_PER_SUB
AGE_PAD = 102400
AGE_PER_SUB = AGE_PAD // NSUB
UPD_PER_SUB = BATCH // NSUB


def _attn_body(q_ref, vt_ref, g_ref, b_ref, k_ref, v_ref,
               ret_ref, sur_ref, qn_ref, dec_ref, kc_ref, vc_ref,
               m_ref, l_ref, acc_ref):
    i = pl.program_id(0)
    kc_ref[...] = k_ref[...]
    vc_ref[...] = v_ref[...]

    @pl.when(i == 0)
    def _init():
        q = q_ref[...]
        mu = jnp.mean(q, axis=1, keepdims=True)
        var = jnp.mean((q - mu) ** 2, axis=1, keepdims=True)
        qn = (q - mu) * lax.rsqrt(var + 1e-5) * g_ref[...] + b_ref[...]
        qn_ref[...] = qn
        m_ref[...] = jnp.full((BATCH, 1), -1e30, jnp.float32)
        l_ref[...] = jnp.zeros((BATCH, 1), jnp.float32)
        acc_ref[...] = jnp.zeros((BATCH, DIM), jnp.float32)

    qn = qn_ref[...]
    qsq = jnp.sum(qn * qn, axis=1, keepdims=True)
    k = k_ref[...]
    kk = jnp.sum(k * k, axis=1)[None, :]
    qk = lax.dot_general(qn, k, (((1,), (1,)), ((), ())),
                         preferred_element_type=jnp.float32)
    s = -jnp.maximum(qsq + kk - 2.0 * qk, 0.0)
    m_prev = m_ref[...]
    m_new = jnp.maximum(m_prev, jnp.max(s, axis=1, keepdims=True))
    alpha = jnp.exp(m_prev - m_new)
    p = jnp.exp(s - m_new)
    l_ref[...] = l_ref[...] * alpha + jnp.sum(p, axis=1, keepdims=True)
    acc_ref[...] = acc_ref[...] * alpha + lax.dot_general(
        p, v_ref[...], (((1,), (0,)), ((), ())),
        preferred_element_type=jnp.float32)
    m_ref[...] = m_new

    @pl.when(i == NBLK - 1)
    def _fin():
        r = acc_ref[...] / l_ref[...]
        ret_ref[...] = r
        diff = r - vt_ref[...]
        sur = jnp.mean(diff * diff, axis=1, keepdims=True)
        sur_ref[...] = sur
        w = jax.nn.sigmoid(sur - jnp.mean(sur))
        dec_ref[...] = 0.99 * (1.0 - w)


def _attention(query, value_target, keys, values, gamma, beta):
    return pl.pallas_call(
        _attn_body,
        grid=(NBLK,),
        in_specs=[
            pl.BlockSpec((BATCH, DIM), lambda i: (0, 0)),
            pl.BlockSpec((BATCH, DIM), lambda i: (0, 0)),
            pl.BlockSpec((1, DIM), lambda i: (0, 0)),
            pl.BlockSpec((1, DIM), lambda i: (0, 0)),
            pl.BlockSpec((KBLK, DIM), lambda i: (i, 0)),
            pl.BlockSpec((KBLK, DIM), lambda i: (i, 0)),
        ],
        out_specs=[
            pl.BlockSpec((BATCH, DIM), lambda i: (0, 0)),
            pl.BlockSpec((BATCH, 1), lambda i: (0, 0)),
            pl.BlockSpec((BATCH, DIM), lambda i: (0, 0)),
            pl.BlockSpec((BATCH, 1), lambda i: (0, 0)),
            pl.BlockSpec((KBLK, DIM), lambda i: (i, 0)),
            pl.BlockSpec((KBLK, DIM), lambda i: (i, 0)),
        ],
        out_shape=[
            jax.ShapeDtypeStruct((BATCH, DIM), jnp.float32),
            jax.ShapeDtypeStruct((BATCH, 1), jnp.float32),
            jax.ShapeDtypeStruct((BATCH, DIM), jnp.float32),
            jax.ShapeDtypeStruct((BATCH, 1), jnp.float32),
            jax.ShapeDtypeStruct((N_KEYS, DIM), jnp.float32),
            jax.ShapeDtypeStruct((N_KEYS, DIM), jnp.float32),
        ],
        scratch_shapes=[
            pltpu.VMEM((BATCH, 1), jnp.float32),
            pltpu.VMEM((BATCH, 1), jnp.float32),
            pltpu.VMEM((BATCH, DIM), jnp.float32),
        ],
        compiler_params=pltpu.CompilerParams(
            dimension_semantics=("arbitrary",),
        ),
    )(query, value_target, gamma.reshape(1, DIM), beta.reshape(1, DIM),
      keys, values)


def _blend_rows(rows_v, src_v, decay_v):
    def body(g, carry):
        dgrp = decay_v[pl.ds(g * 16, 16)]
        for r16 in range(16):
            r = g * 16 + r16
            d = jnp.full((16,), dgrp[r16], jnp.float32)
            omd = 1.0 - d
            for c in range(DIM // 16):
                sl = pl.ds(c * 16, 16)
                rows_v[r, sl] = d * rows_v[r, sl] + omd * src_v[r, sl]
        return carry
    lax.fori_loop(0, UPD_PER_SUB // 16, body, 0)


def _write_body(kc, vc, age_hbm, idx_hbm, decay_hbm, qn_hbm, vt_hbm,
                out_a, idx_v, decay_v, rows_v, src_v, age_v, sem):
    cid = lax.axis_index("c")
    sid = lax.axis_index("s")

    @pl.when(cid == 0)
    def _age():
        abase = sid * AGE_PER_SUB
        pltpu.sync_copy(age_hbm.at[pl.ds(abase, AGE_PER_SUB)], age_v)

        def aging(i, carry):
            sl = pl.ds(i * 16, 16)
            age_v[sl] = age_v[sl] + 1.0
            return carry
        lax.fori_loop(0, AGE_PER_SUB // 16, aging, 0)
        pltpu.sync_copy(age_v, out_a.at[pl.ds(abase, AGE_PER_SUB)])

    plsc.subcore_barrier()

    ubase = sid * UPD_PER_SUB
    pltpu.sync_copy(idx_hbm.at[pl.ds(ubase, UPD_PER_SUB)], idx_v)
    pltpu.sync_copy(decay_hbm.at[pl.ds(ubase, UPD_PER_SUB)], decay_v)

    @pl.when(cid == 0)
    def _update_keys_age():
        pltpu.async_copy(kc.at[idx_v], rows_v, sem).wait()
        pltpu.sync_copy(qn_hbm.at[pl.ds(ubase, UPD_PER_SUB), :], src_v)
        _blend_rows(rows_v, src_v, decay_v)
        pltpu.async_copy(rows_v, kc.at[idx_v], sem).wait()
        for c in range(UPD_PER_SUB // 16):
            age_v[pl.ds(c * 16, 16)] = jnp.full((16,), 1.0, jnp.float32)
        pltpu.async_copy(age_v.at[pl.ds(0, UPD_PER_SUB)], out_a.at[idx_v],
                         sem).wait()

    @pl.when(cid == 1)
    def _update_values():
        pltpu.async_copy(vc.at[idx_v], rows_v, sem).wait()
        pltpu.sync_copy(vt_hbm.at[pl.ds(ubase, UPD_PER_SUB), :], src_v)
        _blend_rows(rows_v, src_v, decay_v)
        pltpu.async_copy(rows_v, vc.at[idx_v], sem).wait()


_write = functools.partial(
    pl.kernel,
    out_type=jax.ShapeDtypeStruct((AGE_PAD,), jnp.float32),
    mesh=plsc.VectorSubcoreMesh(core_axis_name="c", subcore_axis_name="s"),
    scratch_types=[
        pltpu.VMEM((UPD_PER_SUB,), jnp.int32),
        pltpu.VMEM((UPD_PER_SUB,), jnp.float32),
        pltpu.VMEM((UPD_PER_SUB, DIM), jnp.float32),
        pltpu.VMEM((UPD_PER_SUB, DIM), jnp.float32),
        pltpu.VMEM((AGE_PER_SUB,), jnp.float32),
        pltpu.SemaphoreType.DMA,
    ],
    compiler_params=pltpu.CompilerParams(use_tc_tiling_on_sc=False),
)(_write_body)


def kernel(query, value_target, keys, values, slot_age, kn_gamma, kn_beta):
    retrieved, sur, qn, dec, kcopy, vcopy = _attention(
        query, value_target, keys, values, kn_gamma, kn_beta)
    surprise = sur[:, 0]
    decay = dec[:, 0]
    _, oldest = lax.top_k(slot_age, BATCH)
    age_pad = jnp.pad(slot_age, (0, AGE_PAD - N_KEYS))
    kc_ref = jax.new_ref(kcopy)
    vc_ref = jax.new_ref(vcopy)
    new_age = _write(kc_ref, vc_ref, age_pad, oldest, decay, qn, value_target)
    return retrieved, surprise, kc_ref[...], vc_ref[...], new_age[:N_KEYS]

# --- scband reference (transcript-rebuilt; emitter-appended) ---
"""Pipeline reference for scband-associative-memory-13194139533359 (READ-ONLY COPY).

The authoritative reference and input builder live on the scoring server;
editing this copy changes nothing except your own understanding.
"""

import jax, jax.numpy as jnp
import numpy as np


def layer_norm(x, gamma, beta, eps=1e-5):
    mu = jnp.mean(x, axis=-1, keepdims=True)
    var = jnp.var(x, axis=-1, keepdims=True)
    return (x - mu) / jnp.sqrt(var + eps) * gamma + beta


def setup_inputs(seed: int = 0) -> dict:
    key = jax.random.key(seed)
    ks = jax.random.split(key, 5)
    return {
        "query": jax.random.normal(ks[0], (1024, 64), dtype=jnp.float32),
        "value_target": jax.random.normal(ks[1], (1024, 64), dtype=jnp.float32),
        "keys": jax.random.normal(ks[2], (100000, 64), dtype=jnp.float32),
        "values": jax.random.normal(ks[3], (100000, 64), dtype=jnp.float32),
        "slot_age": jax.random.uniform(ks[4], (100000,), dtype=jnp.float32),
        "kn_gamma": jnp.ones((64,), dtype=jnp.float32),
        "kn_beta": jnp.zeros((64,), dtype=jnp.float32),
    }


def reference(query, value_target, keys, values, slot_age, kn_gamma, kn_beta):
    temperature = 1.0
    memory_decay = 0.99
    # key_norm (LayerNorm over key_dim)
    q = layer_norm(query, kn_gamma, kn_beta)
    # squared L2 distances (torch.cdist(...).pow(2))
    d2 = (jnp.sum(q * q, axis=-1, keepdims=True)
          + jnp.sum(keys * keys, axis=-1)[None, :]
          - 2.0 * (q @ keys.T))
    d2 = jnp.maximum(d2, 0.0)
    attention_logits = -d2 / temperature
    attention_weights = jax.nn.softmax(attention_logits, axis=-1)
    retrieved_values = attention_weights @ values
    # surprise = per-sample MSE
    surprise = jnp.mean((retrieved_values - value_target) ** 2, axis=-1)
    # write path (step_counter=0 -> should_update True; update_frequency=1)
    write_weights = jax.nn.sigmoid(surprise - jnp.mean(surprise))  # surprise gating
    num_to_replace = query.shape[0]  # min(batch, num_slots) = 1024
    _, oldest_indices = jax.lax.top_k(slot_age, num_to_replace)
    decay = memory_decay * (1.0 - write_weights)  # (batch,) DGD adaptive decay
    new_keys = keys.at[oldest_indices].set(
        decay[:, None] * keys[oldest_indices] + (1.0 - decay[:, None]) * q)
    new_values = values.at[oldest_indices].set(
        decay[:, None] * values[oldest_indices] + (1.0 - decay[:, None]) * value_target)
    new_slot_age = slot_age.at[oldest_indices].set(0.0) + 1.0
    return retrieved_values, surprise, new_keys, new_values, new_slot_age

if __name__ == "__main__":
    import jax
    _d = setup_inputs()
    print(jax.jit(kernel)(*tuple(_d.values())))

</pallas_src>

<mosaic_0001>
#map = affine_map<(d0, d1) -> (0, 0)>
#map1 = affine_map<(d0, d1) -> (0)>
module attributes {stable_mosaic.version = 14 : i64} {
  func.func @new_body(%arg0: i32, %arg1: i32, %arg2: memref<100000x64xf32, #tpu.memory_space<hbm>>, %arg3: memref<100000x64xf32, #tpu.memory_space<hbm>>, %arg4: memref<102400xf32, #tpu.memory_space<hbm>>, %arg5: memref<1024xi32, #tpu.memory_space<hbm>>, %arg6: memref<1024xf32, #tpu.memory_space<hbm>>, %arg7: memref<1024x64xf32, #tpu.memory_space<hbm>>, %arg8: memref<1024x64xf32, #tpu.memory_space<hbm>>, %arg9: memref<102400xf32, #tpu.memory_space<hbm>>, %arg10: memref<100000x64xf32, #tpu.memory_space<hbm>>, %arg11: memref<100000x64xf32, #tpu.memory_space<hbm>>, %arg12: memref<64xi32, #tpu.memory_space<vmem>>, %arg13: memref<64xf32, #tpu.memory_space<vmem>>, %arg14: memref<64x64xf32, #tpu.memory_space<vmem>>, %arg15: memref<64x64xf32, #tpu.memory_space<vmem>>, %arg16: memref<6400xf32, #tpu.memory_space<vmem>>, %arg17: memref<!tpu.dma_semaphore, #tpu.memory_space<semaphore_mem>>) attributes {dimension_semantics = [#tpu.dimension_semantics<core_parallel>, #tpu.dimension_semantics<subcore_parallel>], iteration_bounds = array<i64: 2, 16>, scalar_prefetch = 0 : i64, scratch_operands = 6 : i64, tpu.core_type = #tpu.core_type<sc_vector_subcore>, window_params = [{transform_indices = #map}, {transform_indices = #map}, {transform_indices = #map1}, {transform_indices = #map1}, {transform_indices = #map1}, {transform_indices = #map}, {transform_indices = #map}, {transform_indices = #map1}, {transform_indices = #map}, {transform_indices = #map}]} {
    %eq3A = arith.constant 0 : i32
    %eq3A_0 = arith.cmpi eq, %arg0, %eq3A : i32
    %convert_element_type3A = arith.extui %eq3A_0 : i1 to i32
    %cond3A = arith.constant 0 : i32
    %cond3A_1 = arith.cmpi ne, %convert_element_type3A, %cond3A : i32
    scf.if %cond3A_1 {
      %mul3A_13 = arith.constant 6400 : i32
      %mul3A_14 = arith.muli %arg1, %mul3A_13 : i32
      "tpu.region"() ({
        %run_scoped3A = tpu.sem_alloc : memref<!tpu.dma_semaphore, #tpu.memory_space<semaphore_mem>>
        %dma_start3A = tpu.memref_slice %arg4[%mul3A_14] : memref<102400xf32, #tpu.memory_space<hbm>> -> memref<6400xf32, #tpu.memory_space<hbm>>
        %dma_start3A_20 = tpu.memref_slice %arg4[%mul3A_14] : memref<102400xf32, #tpu.memory_space<hbm>> -> memref<6400xf32, #tpu.memory_space<hbm>>
        tpu.enqueue_dma source(%dma_start3A_20 : memref<6400xf32, #tpu.memory_space<hbm>>) target(%arg16 : memref<6400xf32, #tpu.memory_space<vmem>>) target_semaphore(%run_scoped3A : memref<!tpu.dma_semaphore, #tpu.memory_space<semaphore_mem>>)
        %dma_wait3A = tpu.memref_slice %arg4[%mul3A_14] : memref<102400xf32, #tpu.memory_space<hbm>> -> memref<6400xf32, #tpu.memory_space<hbm>>
        %dma_wait3A_21 = tpu.memref_slice %arg4[%mul3A_14] : memref<102400xf32, #tpu.memory_space<hbm>> -> memref<6400xf32, #tpu.memory_space<hbm>>
        tpu.wait_dma2 semaphore(%run_scoped3A : memref<!tpu.dma_semaphore, #tpu.memory_space<semaphore_mem>>) src(%dma_wait3A_21 : memref<6400xf32, #tpu.memory_space<hbm>>) dst(%arg16 : memref<6400xf32, #tpu.memory_space<vmem>>)
        tpu.yield
      }) : () -> ()
      %scan3A = arith.constant 0 : i32
      %scan3A_15 = arith.constant 0 : i32
      %scan3A_16 = arith.constant 400 : i32
      %scan3A_17 = arith.addi %scan3A_15, %scan3A_16 : i32
      %scan3A_18 = arith.constant 1 : i32
      scf.for %scan3A_20 = %scan3A_15 to %scan3A_17 step %scan3A_18  : i32 {
        %mul3A_21 = arith.constant 16 : i32
        %mul3A_22 = arith.muli %scan3A_20, %mul3A_21 : i32
        %get3A = arith.index_cast %mul3A_22 : i32 to index
        %get3A_23 = tpu.vector_load %arg16[%get3A] {strides = array<i32>} : memref<6400xf32, #tpu.memory_space<vmem>>, vector<16xf32>,
        %get3A_24 = vector.shape_cast %get3A_23 : vector<16xf32> to vector<16xf32>
        %add3A = arith.constant 1.000000e+00 : f32
        %add3A_25 = vector.broadcast %add3A : f32 to vector<16xf32>
        %add3A_26 = arith.addf %get3A_24, %add3A_25 : vector<16xf32>
        %swap3A = arith.index_cast %mul3A_22 : i32 to index
        %swap3A_27 = tpu.vector_load %arg16[%swap3A] {strides = array<i32>} : memref<6400xf32, #tpu.memory_space<vmem>>, vector<16xf32>,
        %swap3A_28 = vector.shape_cast %swap3A_27 : vector<16xf32> to vector<16xf32>
        %swap3A_29 = vector.shape_cast %add3A_26 : vector<16xf32> to vector<16xf32>
        tpu.vector_store %arg16[%swap3A], %swap3A_29 {strides = array<i32>} : memref<6400xf32, #tpu.memory_space<vmem>>, vector<16xf32>,
      }
      %scan3A_19 = arith.constant 400 : i32
      "tpu.region"() ({
        %run_scoped3A = tpu.sem_alloc : memref<!tpu.dma_semaphore, #tpu.memory_space<semaphore_mem>>
        %dma_start3A = tpu.memref_slice %arg9[%mul3A_14] : memref<102400xf32, #tpu.memory_space<hbm>> -> memref<6400xf32, #tpu.memory_space<hbm>>
        %dma_start3A_20 = tpu.memref_slice %arg9[%mul3A_14] : memref<102400xf32, #tpu.memory_space<hbm>> -> memref<6400xf32, #tpu.memory_space<hbm>>
        tpu.enqueue_dma source(%arg16 : memref<6400xf32, #tpu.memory_space<vmem>>) target(%dma_start3A_20 : memref<6400xf32, #tpu.memory_space<hbm>>) target_semaphore(%run_scoped3A : memref<!tpu.dma_semaphore, #tpu.memory_space<semaphore_mem>>)
        %dma_wait3A = tpu.memref_slice %arg9[%mul3A_14] : memref<102400xf32, #tpu.memory_space<hbm>> -> memref<6400xf32, #tpu.memory_space<hbm>>
        %dma_wait3A_21 = tpu.memref_slice %arg9[%mul3A_14] : memref<102400xf32, #tpu.memory_space<hbm>> -> memref<6400xf32, #tpu.memory_space<hbm>>
        tpu.wait_dma2 semaphore(%run_scoped3A : memref<!tpu.dma_semaphore, #tpu.memory_space<semaphore_mem>>) src(%arg16 : memref<6400xf32, #tpu.memory_space<vmem>>) dst(%dma_wait3A_21 : memref<6400xf32, #tpu.memory_space<hbm>>)
        tpu.yield
      }) : () -> ()
    } else {
    }
    %barrier3A = arith.constant 0 : index
    tpu.barrier barrier_id(%barrier3A)
    %mul3A = arith.constant 64 : i32
    %mul3A_2 = arith.muli %arg1, %mul3A : i32
    "tpu.region"() ({
      %run_scoped3A = tpu.sem_alloc : memref<!tpu.dma_semaphore, #tpu.memory_space<semaphore_mem>>
      %dma_start3A = tpu.memref_slice %arg5[%mul3A_2] : memref<1024xi32, #tpu.memory_space<hbm>> -> memref<64xi32, #tpu.memory_space<hbm>>
      %dma_start3A_13 = tpu.memref_slice %arg5[%mul3A_2] : memref<1024xi32, #tpu.memory_space<hbm>> -> memref<64xi32, #tpu.memory_space<hbm>>
      tpu.enqueue_dma source(%dma_start3A_13 : memref<64xi32, #tpu.memory_space<hbm>>) target(%arg12 : memref<64xi32, #tpu.memory_space<vmem>>) target_semaphore(%run_scoped3A : memref<!tpu.dma_semaphore, #tpu.memory_space<semaphore_mem>>)
      %dma_wait3A = tpu.memref_slice %arg5[%mul3A_2] : memref<1024xi32, #tpu.memory_space<hbm>> -> memref<64xi32, #tpu.memory_space<hbm>>
      %dma_wait3A_14 = tpu.memref_slice %arg5[%mul3A_2] : memref<1024xi32, #tpu.memory_space<hbm>> -> memref<64xi32, #tpu.memory_space<hbm>>
      tpu.wait_dma2 semaphore(%run_scoped3A : memref<!tpu.dma_semaphore, #tpu.memory_space<semaphore_mem>>) src(%dma_wait3A_14 : memref<64xi32, #tpu.memory_space<hbm>>) dst(%arg12 : memref<64xi32, #tpu.memory_space<vmem>>)
      tpu.yield
    }) : () -> ()
    "tpu.region"() ({
      %run_scoped3A = tpu.sem_alloc : memref<!tpu.dma_semaphore, #tpu.memory_space<semaphore_mem>>
      %dma_start3A = tpu.memref_slice %arg6[%mul3A_2] : memref<1024xf32, #tpu.memory_space<hbm>> -> memref<64xf32, #tpu.memory_space<hbm>>
      %dma_start3A_13 = tpu.memref_slice %arg6[%mul3A_2] : memref<1024xf32, #tpu.memory_space<hbm>> -> memref<64xf32, #tpu.memory_space<hbm>>
      tpu.enqueue_dma source(%dma_start3A_13 : memref<64xf32, #tpu.memory_space<hbm>>) target(%arg13 : memref<64xf32, #tpu.memory_space<vmem>>) target_semaphore(%run_scoped3A : memref<!tpu.dma_semaphore, #tpu.memory_space<semaphore_mem>>)
      %dma_wait3A = tpu.memref_slice %arg6[%mul3A_2] : memref<1024xf32, #tpu.memory_space<hbm>> -> memref<64xf32, #tpu.memory_space<hbm>>
      %dma_wait3A_14 = tpu.memref_slice %arg6[%mul3A_2] : memref<1024xf32, #tpu.memory_space<hbm>> -> memref<64xf32, #tpu.memory_space<hbm>>
      tpu.wait_dma2 semaphore(%run_scoped3A : memref<!tpu.dma_semaphore, #tpu.memory_space<semaphore_mem>>) src(%dma_wait3A_14 : memref<64xf32, #tpu.memory_space<hbm>>) dst(%arg13 : memref<64xf32, #tpu.memory_space<vmem>>)
      tpu.yield
    }) : () -> ()
    %eq3A_3 = arith.constant 0 : i32
    %eq3A_4 = arith.cmpi eq, %arg0, %eq3A_3 : i32
    %convert_element_type3A_5 = arith.extui %eq3A_4 : i1 to i32
    %cond3A_6 = arith.constant 0 : i32
    %cond3A_7 = arith.cmpi ne, %convert_element_type3A_5, %cond3A_6 : i32
    scf.if %cond3A_7 {
      %dma_start3A = arith.constant 0 : i32
      %dma_start3A_13 = arith.constant 0 : i32
      %dma_start3A_14 = tpu.memref_slice %arg2[%dma_start3A, %dma_start3A_13] : memref<100000x64xf32, #tpu.memory_space<hbm>> -> memref<100000x64xf32, #tpu.memory_space<hbm>>
      tpu.enqueue_indirect_dma source(%dma_start3A_14 : memref<100000x64xf32, #tpu.memory_space<hbm>>) target(%arg14 : memref<64x64xf32, #tpu.memory_space<vmem>>) offsets(%arg12 : memref<64xi32, #tpu.memory_space<vmem>>) semaphore(%arg17 : memref<!tpu.dma_semaphore, #tpu.memory_space<semaphore_mem>>)
      %dma_wait3A = arith.constant 0 : i32
      %dma_wait3A_15 = arith.constant 0 : i32
      %dma_wait3A_16 = tpu.memref_slice %arg2[%dma_wait3A, %dma_wait3A_15] : memref<100000x64xf32, #tpu.memory_space<hbm>> -> memref<100000x64xf32, #tpu.memory_space<hbm>>
      tpu.wait_indirect_dma semaphore(%arg17 : memref<!tpu.dma_semaphore, #tpu.memory_space<semaphore_mem>>) src(%dma_wait3A_16 : memref<100000x64xf32, #tpu.memory_space<hbm>>) dst(%arg14 : memref<64x64xf32, #tpu.memory_space<vmem>>)
      "tpu.region"() ({
        %run_scoped3A = tpu.sem_alloc : memref<!tpu.dma_semaphore, #tpu.memory_space<semaphore_mem>>
        %dma_start3A_58 = arith.constant 0 : i32
        %dma_start3A_59 = tpu.memref_slice %arg7[%mul3A_2, %dma_start3A_58] : memref<1024x64xf32, #tpu.memory_space<hbm>> -> memref<64x64xf32, #tpu.memory_space<hbm>>
        %dma_start3A_60 = arith.constant 0 : i32
        %dma_start3A_61 = tpu.memref_slice %arg7[%mul3A_2, %dma_start3A_60] : memref<1024x64xf32, #tpu.memory_space<hbm>> -> memref<64x64xf32, #tpu.memory_space<hbm>>
        tpu.enqueue_dma source(%dma_start3A_61 : memref<64x64xf32, #tpu.memory_space<hbm>>) target(%arg15 : memref<64x64xf32, #tpu.memory_space<vmem>>) target_semaphore(%run_scoped3A : memref<!tpu.dma_semaphore, #tpu.memory_space<semaphore_mem>>)
        %dma_wait3A_62 = arith.constant 0 : i32
        %dma_wait3A_63 = tpu.memref_slice %arg7[%mul3A_2, %dma_wait3A_62] : memref<1024x64xf32, #tpu.memory_space<hbm>> -> memref<64x64xf32, #tpu.memory_space<hbm>>
        %dma_wait3A_64 = arith.constant 0 : i32
        %dma_wait3A_65 = tpu.memref_slice %arg7[%mul3A_2, %dma_wait3A_64] : memref<1024x64xf32, #tpu.memory_space<hbm>> -> memref<64x64xf32, #tpu.memory_space<hbm>>
        tpu.wait_dma2 semaphore(%run_scoped3A : memref<!tpu.dma_semaphore, #tpu.memory_space<semaphore_mem>>) src(%dma_wait3A_65 : memref<64x64xf32, #tpu.memory_space<hbm>>) dst(%arg15 : memref<64x64xf32, #tpu.memory_space<vmem>>)
        tpu.yield
      }) : () -> ()
      %scan3A = arith.constant 0 : i32
      %scan3A_17 = arith.constant 0 : i32
      %scan3A_18 = arith.constant 4 : i32
      %scan3A_19 = arith.addi %scan3A_17, %scan3A_18 : i32
      %scan3A_20 = arith.constant 1 : i32
      scf.for %scan3A_58 = %scan3A_17 to %scan3A_19 step %scan3A_20  : i32 {
        %mul3A_59 = arith.constant 16 : i32
        %mul3A_60 = arith.muli %scan3A_58, %mul3A_59 : i32
        %get3A = arith.index_cast %mul3A_60 : i32 to index
        %get3A_61 = tpu.vector_load %arg13[%get3A] {strides = array<i32>} : memref<64xf32, #tpu.memory_space<vmem>>, vector<16xf32>,
        %get3A_62 = vector.shape_cast %get3A_61 : vector<16xf32> to vector<16xf32>
        %mul3A_63 = arith.constant 16 : i32
        %mul3A_64 = arith.muli %scan3A_58, %mul3A_63 : i32
        %add3A = arith.constant 0 : i32
        %add3A_65 = arith.addi %mul3A_64, %add3A : i32
        %slice3A = vector.extract_strided_slice %get3A_62 {offsets = [0], sizes = [1], strides = [1]} : vector<16xf32> to vector<1xf32>
        %squeeze3A = vector.extract %slice3A[0] : f32 from vector<1xf32>
        %broadcast_in_dim3A_66 = vector.broadcast %squeeze3A : f32 to vector<16xf32>
        %sub3A = arith.constant 1.000000e+00 : f32
        %sub3A_67 = vector.broadcast %sub3A : f32 to vector<16xf32>
        %sub3A_68 = arith.subf %sub3A_67, %broadcast_in_dim3A_66 : vector<16xf32>
        %get3A_69 = arith.index_cast %add3A_65 : i32 to index
        %get3A_70 = arith.constant 0 : index
        %get3A_71 = tpu.vector_load %arg14[%get3A_69, %get3A_70] {strides = array<i32>} : memref<64x64xf32, #tpu.memory_space<vmem>>, vector<1x16xf32>,
        %get3A_72 = vector.shape_cast %get3A_71 : vector<1x16xf32> to vector<16xf32>
        %mul3A_73 = arith.mulf %broadcast_in_dim3A_66, %get3A_72 : vector<16xf32>
        %get3A_74 = arith.index_cast %add3A_65 : i32 to index
        %get3A_75 = arith.constant 0 : index
        %get3A_76 = tpu.vector_load %arg15[%get3A_74, %get3A_75] {strides = array<i32>} : memref<64x64xf32, #tpu.memory_space<vmem>>, vector<1x16xf32>,
        %get3A_77 = vector.shape_cast %get3A_76 : vector<1x16xf32> to vector<16xf32>
        %mul3A_78 = arith.mulf %sub3A_68, %get3A_77 : vector<16xf32>
        %add3A_79 = arith.addf %mul3A_73, %mul3A_78 : vector<16xf32>
        %swap3A_80 = arith.index_cast %add3A_65 : i32 to index
        %swap3A_81 = arith.constant 0 : index
        %swap3A_82 = tpu.vector_load %arg14[%swap3A_80, %swap3A_81] {strides = array<i32>} : memref<64x64xf32, #tpu.memory_space<vmem>>, vector<1x16xf32>,
        %swap3A_83 = vector.shape_cast %swap3A_82 : vector<1x16xf32> to vector<16xf32>
        %swap3A_84 = vector.shape_cast %add3A_79 : vector<16xf32> to vector<1x16xf32>
        tpu.vector_store %arg14[%swap3A_80, %swap3A_81], %swap3A_84 {strides = array<i32>} : memref<64x64xf32, #tpu.memory_space<vmem>>, vector<1x16xf32>,
        %get3A_85 = arith.index_cast %add3A_65 : i32 to index
        %get3A_86 = arith.constant 16 : index
        %get3A_87 = tpu.vector_load %arg14[%get3A_85, %get3A_86] {strides = array<i32>} : memref<64x64xf32, #tpu.memory_space<vmem>>, vector<1x16xf32>,
        %get3A_88 = vector.shape_cast %get3A_87 : vector<1x16xf32> to vector<16xf32>
        %mul3A_89 = arith.mulf %broadcast_in_dim3A_66, %get3A_88 : vector<16xf32>
        %get3A_90 = arith.index_cast %add3A_65 : i32 to index
        %get3A_91 = arith.constant 16 : index
        %get3A_92 = tpu.vector_load %arg15[%get3A_90, %get3A_91] {strides = array<i32>} : memref<64x64xf32, #tpu.memory_space<vmem>>, vector<1x16xf32>,
        %get3A_93 = vector.shape_cast %get3A_92 : vector<1x16xf32> to vector<16xf32>
        %mul3A_94 = arith.mulf %sub3A_68, %get3A_93 : vector<16xf32>
        %add3A_95 = arith.addf %mul3A_89, %mul3A_94 : vector<16xf32>
        %swap3A_96 = arith.index_cast %add3A_65 : i32 to index
        %swap3A_97 = arith.constant 16 : index
        %swap3A_98 = tpu.vector_load %arg14[%swap3A_96, %swap3A_97] {strides = array<i32>} : memref<64x64xf32, #tpu.memory_space<vmem>>, vector<1x16xf32>,
        %swap3A_99 = vector.shape_cast %swap3A_98 : vector<1x16xf32> to vector<16xf32>
        %swap3A_100 = vector.shape_cast %add3A_95 : vector<16xf32> to vector<1x16xf32>
        tpu.vector_store %arg14[%swap3A_96, %swap3A_97], %swap3A_100 {strides = array<i32>} : memref<64x64xf32, #tpu.memory_space<vmem>>, vector<1x16xf32>,
        %get3A_101 = arith.index_cast %add3A_65 : i32 to index
        %get3A_102 = arith.constant 32 : index
        %get3A_103 = tpu.vector_load %arg14[%get3A_101, %get3A_102] {strides = array<i32>} : memref<64x64xf32, #tpu.memory_space<vmem>>, vector<1x16xf32>,
        %get3A_104 = vector.shape_cast %get3A_103 : vector<1x16xf32> to vector<16xf32>
        %mul3A_105 = arith.mulf %broadcast_in_dim3A_66, %get3A_104 : vector<16xf32>
        %get3A_106 = arith.index_cast %add3A_65 : i32 to index
        %get3A_107 = arith.constant 32 : index
        %get3A_108 = tpu.vector_load %arg15[%get3A_106, %get3A_107] {strides = array<i32>} : memref<64x64xf32, #tpu.memory_space<vmem>>, vector<1x16xf32>,
        %get3A_109 = vector.shape_cast %get3A_108 : vector<1x16xf32> to vector<16xf32>
        %mul3A_110 = arith.mulf %sub3A_68, %get3A_109 : vector<16xf32>
        %add3A_111 = arith.addf %mul3A_105, %mul3A_110 : vector<16xf32>
        %swap3A_112 = arith.index_cast %add3A_65 : i32 to index
        %swap3A_113 = arith.constant 32 : index
        %swap3A_114 = tpu.vector_load %arg14[%swap3A_112, %swap3A_113] {strides = array<i32>} : memref<64x64xf32, #tpu.memory_space<vmem>>, vector<1x16xf32>,
        %swap3A_115 = vector.shape_cast %swap3A_114 : vector<1x16xf32> to vector<16xf32>
        %swap3A_116 = vector.shape_cast %add3A_111 : vector<16xf32> to vector<1x16xf32>
        tpu.vector_store %arg14[%swap3A_112, %swap3A_113], %swap3A_116 {strides = array<i32>} : memref<64x64xf32, #tpu.memory_space<vmem>>, vector<1x16xf32>,
        %get3A_117 = arith.index_cast %add3A_65 : i32 to index
        %get3A_118 = arith.constant 48 : index
        %get3A_119 = tpu.vector_load %arg14[%get3A_117, %get3A_118] {strides = array<i32>} : memref<64x64xf32, #tpu.memory_space<vmem>>, vector<1x16xf32>,
        %get3A_120 = vector.shape_cast %get3A_119 : vector<1x16xf32> to vector<16xf32>
        %mul3A_121 = arith.mulf %broadcast_in_dim3A_66, %get3A_120 : vector<16xf32>
        %get3A_122 = arith.index_cast %add3A_65 : i32 to index
        %get3A_123 = arith.constant 48 : index
        %get3A_124 = tpu.vector_load %arg15[%get3A_122, %get3A_123] {strides = array<i32>} : memref<64x64xf32, #tpu.memory_space<vmem>>, vector<1x16xf32>,
        %get3A_125 = vector.shape_cast %get3A_124 : vector<1x16xf32> to vector<16xf32>
        %mul3A_126 = arith.mulf %sub3A_68, %get3A_125 : vector<16xf32>
        %add3A_127 = arith.addf %mul3A_121, %mul3A_126 : vector<16xf32>
        %swap3A_128 = arith.index_cast %add3A_65 : i32 to index
        %swap3A_129 = arith.constant 48 : index
        %swap3A_130 = tpu.vector_load %arg14[%swap3A_128, %swap3A_129] {strides = array<i32>} : memref<64x64xf32, #tpu.memory_space<vmem>>, vector<1x16xf32>,
        %swap3A_131 = vector.shape_cast %swap3A_130 : vector<1x16xf32> to vector<16xf32>
        %swap3A_132 = vector.shape_cast %add3A_127 : vector<16xf32> to vector<1x16xf32>
        tpu.vector_store %arg14[%swap3A_128, %swap3A_129], %swap3A_132 {strides = array<i32>} : memref<64x64xf32, #tpu.memory_space<vmem>>, vector<1x16xf32>,
        %mul3A_133 = arith.constant 16 : i32
        %mul3A_134 = arith.muli %scan3A_58, %mul3A_133 : i32
        %add3A_135 = arith.constant 1 : i32
        %add3A_136 = arith.addi %mul3A_134, %add3A_135 : i32
        %slice3A_137 = vector.extract_strided_slice %get3A_62 {offsets = [1], sizes = [1], strides = [1]} : vector<16xf32> to vector<1xf32>
        %squeeze3A_138 = vector.extract %slice3A_137[0] : f32 from vector<1xf32>
        %broadcast_in_dim3A_139 = vector.broadcast %squeeze3A_138 : f32 to vector<16xf32>
        %sub3A_140 = arith.constant 1.000000e+00 : f32
        %sub3A_141 = vector.broadcast %sub3A_140 : f32 to vector<16xf32>
        %sub3A_142 = arith.subf %sub3A_141, %broadcast_in_dim3A_139 : vector<16xf32>
        %get3A_143 = arith.index_cast %add3A_136 : i32 to index
        %get3A_144 = arith.constant 0 : index
        %get3A_145 = tpu.vector_load %arg14[%get3A_143, %get3A_144] {strides = array<i32>} : memref<64x64xf32, #tpu.memory_space<vmem>>, vector<1x16xf32>,
        %get3A_146 = vector.shape_cast %get3A_145 : vector<1x16xf32> to vector<16xf32>
        %mul3A_147 = arith.mulf %broadcast_in_dim3A_139, %get3A_146 : vector<16xf32>
        %get3A_148 = arith.index_cast %add3A_136 : i32 to index
        %get3A_149 = arith.constant 0 : index
        %get3A_150 = tpu.vector_load %arg15[%get3A_148, %get3A_149] {strides = array<i32>} : memref<64x64xf32, #tpu.memory_space<vmem>>, vector<1x16xf32>,
        %get3A_151 = vector.shape_cast %get3A_150 : vector<1x16xf32> to vector<16xf32>
        %mul3A_152 = arith.mulf %sub3A_142, %get3A_151 : vector<16xf32>
        %add3A_153 = arith.addf %mul3A_147, %mul3A_152 : vector<16xf32>
        %swap3A_154 = arith.index_cast %add3A_136 : i32 to index
        %swap3A_155 = arith.constant 0 : index
        %swap3A_156 = tpu.vector_load %arg14[%swap3A_154, %swap3A_155] {strides = array<i32>} : memref<64x64xf32, #tpu.memory_space<vmem>>, vector<1x16xf32>,
        %swap3A_157 = vector.shape_cast %swap3A_156 : vector<1x16xf32> to vector<16xf32>
        %swap3A_158 = vector.shape_cast %add3A_153 : vector<16xf32> to vector<1x16xf32>
        tpu.vector_store %arg14[%swap3A_154, %swap3A_155], %swap3A_158 {strides = array<i32>} : memref<64x64xf32, #tpu.memory_space<vmem>>, vector<1x16xf32>,
        %get3A_159 = arith.index_cast %add3A_136 : i32 to index
        %get3A_160 = arith.constant 16 : index
        %get3A_161 = tpu.vector_load %arg14[%get3A_159, %get3A_160] {strides = array<i32>} : memref<64x64xf32, #tpu.memory_space<vmem>>, vector<1x16xf32>,
        %get3A_162 = vector.shape_cast %get3A_161 : vector<1x16xf32> to vector<16xf32>
        %mul3A_163 = arith.mulf %broadcast_in_dim3A_139, %get3A_162 : vector<16xf32>
        %get3A_164 = arith.index_cast %add3A_136 : i32 to index
        %get3A_165 = arith.constant 16 : index
        %get3A_166 = tpu.vector_load %arg15[%get3A_164, %get3A_165] {strides = array<i32>} : memref<64x64xf32, #tpu.memory_space<vmem>>, vector<1x16xf32>,
        %get3A_167 = vector.shape_cast %get3A_166 : vector<1x16xf32> to vector<16xf32>
        %mul3A_168 = arith.mulf %sub3A_142, %get3A_167 : vector<16xf32>
        %add3A_169 = arith.addf %mul3A_163, %mul3A_168 : vector<16xf32>
        %swap3A_170 = arith.index_cast %add3A_136 : i32 to index
        %swap3A_171 = arith.constant 16 : index
        %swap3A_172 = tpu.vector_load %arg14[%swap3A_170, %swap3A_171] {strides = array<i32>} : memref<64x64xf32, #tpu.memory_space<vmem>>, vector<1x16xf32>,
        %swap3A_173 = vector.shape_cast %swap3A_172 : vector<1x16xf32> to vector<16xf32>
        %swap3A_174 = vector.shape_cast %add3A_169 : vector<16xf32> to vector<1x16xf32>
        tpu.vector_store %arg14[%swap3A_170, %swap3A_171], %swap3A_174 {strides = array<i32>} : memref<64x64xf32, #tpu.memory_space<vmem>>, vector<1x16xf32>,
        %get3A_175 = arith.index_cast %add3A_136 : i32 to index
        %get3A_176 = arith.constant 32 : index
        %get3A_177 = tpu.vector_load %arg14[%get3A_175, %get3A_176] {strides = array<i32>} : memref<64x64xf32, #tpu.memory_space<vmem>>, vector<1x16xf32>,
        %get3A_178 = vector.shape_cast %get3A_177 : vector<1x16xf32> to vector<16xf32>
        %mul3A_179 = arith.mulf %broadcast_in_dim3A_139, %get3A_178 : vector<16xf32>
        %get3A_180 = arith.index_cast %add3A_136 : i32 to index
        %get3A_181 = arith.constant 32 : index
        %get3A_182 = tpu.vector_load %arg15[%get3A_180, %get3A_181] {strides = array<i32>} : memref<64x64xf32, #tpu.memory_space<vmem>>, vector<1x16xf32>,
        %get3A_183 = vector.shape_cast %get3A_182 : vector<1x16xf32> to vector<16xf32>
        %mul3A_184 = arith.mulf %sub3A_142, %get3A_183 : vector<16xf32>
        %add3A_185 = arith.addf %mul3A_179, %mul3A_184 : vector<16xf32>
        %swap3A_186 = arith.index_cast %add3A_136 : i32 to index
        %swap3A_187 = arith.constant 32 : index
        %swap3A_188 = tpu.vector_load %arg14[%swap3A_186, %swap3A_187] {strides = array<i32>} : memref<64x64xf32, #tpu.memory_space<vmem>>, vector<1x16xf32>,
        %swap3A_189 = vector.shape_cast %swap3A_188 : vector<1x16xf32> to vector<16xf32>
        %swap3A_190 = vector.shape_cast %add3A_185 : vector<16xf32> to vector<1x16xf32>
        tpu.vector_store %arg14[%swap3A_186, %swap3A_187], %swap3A_190 {strides = array<i32>} : memref<64x64xf32, #tpu.memory_space<vmem>>, vector<1x16xf32>,
        %get3A_191 = arith.index_cast %add3A_136 : i32 to index
        %get3A_192 = arith.constant 48 : index
        %get3A_193 = tpu.vector_load %arg14[%get3A_191, %get3A_192] {strides = array<i32>} : memref<64x64xf32, #tpu.memory_space<vmem>>, vector<1x16xf32>,
        %get3A_194 = vector.shape_cast %get3A_193 : vector<1x16xf32> to vector<16xf32>
        %mul3A_195 = arith.mulf %broadcast_in_dim3A_139, %get3A_194 : vector<16xf32>
        %get3A_196 = arith.index_cast %add3A_136 : i32 to index
        %get3A_197 = arith.constant 48 : index
        %get3A_198 = tpu.vector_load %arg15[%get3A_196, %get3A_197] {strides = array<i32>} : memref<64x64xf32, #tpu.memory_space<vmem>>, vector<1x16xf32>,
        %get3A_199 = vector.shape_cast %get3A_198 : vector<1x16xf32> to vector<16xf32>
        %mul3A_200 = arith.mulf %sub3A_142, %get3A_199 : vector<16xf32>
        %add3A_201 = arith.addf %mul3A_195, %mul3A_200 : vector<16xf32>
        %swap3A_202 = arith.index_cast %add3A_136 : i32 to index
        %swap3A_203 = arith.constant 48 : index
        %swap3A_204 = tpu.vector_load %arg14[%swap3A_202, %swap3A_203] {strides = array<i32>} : memref<64x64xf32, #tpu.memory_space<vmem>>, vector<1x16xf32>,
        %swap3A_205 = vector.shape_cast %swap3A_204 : vector<1x16xf32> to vector<16xf32>
        %swap3A_206 = vector.shape_cast %add3A_201 : vector<16xf32> to vector<1x16xf32>
        tpu.vector_store %arg14[%swap3A_202, %swap3A_203], %swap3A_206 {strides = array<i32>} : memref<64x64xf32, #tpu.memory_space<vmem>>, vector<1x16xf32>,
        %mul3A_207 = arith.constant 16 : i32
        %mul3A_208 = arith.muli %scan3A_58, %mul3A_207 : i32
        %add3A_209 = arith.constant 2 : i32
        %add3A_210 = arith.addi %mul3A_208, %add3A_209 : i32
        %slice3A_211 = vector.extract_strided_slice %get3A_62 {offsets = [2], sizes = [1], strides = [1]} : vector<16xf32> to vector<1xf32>
        %squeeze3A_212 = vector.extract %slice3A_211[0] : f32 from vector<1xf32>
        %broadcast_in_dim3A_213 = vector.broadcast %squeeze3A_212 : f32 to vector<16xf32>
        %sub3A_214 = arith.constant 1.000000e+00 : f32
        %sub3A_215 = vector.broadcast %sub3A_214 : f32 to vector<16xf32>
        %sub3A_216 = arith.subf %sub3A_215, %broadcast_in_dim3A_213 : vector<16xf32>
        %get3A_217 = arith.index_cast %add3A_210 : i32 to index
        %get3A_218 = arith.constant 0 : index
        %get3A_219 = tpu.vector_load %arg14[%get3A_217, %get3A_218] {strides = array<i32>} : memref<64x64xf32, #tpu.memory_space<vmem>>, vector<1x16xf32>,
        %get3A_220 = vector.shape_cast %get3A_219 : vector<1x16xf32> to vector<16xf32>
        %mul3A_221 = arith.mulf %broadcast_in_dim3A_213, %get3A_220 : vector<16xf32>
        %get3A_222 = arith.index_cast %add3A_210 : i32 to index
        %get3A_223 = arith.constant 0 : index
        %get3A_224 = tpu.vector_load %arg15[%get3A_222, %get3A_223] {strides = array<i32>} : memref<64x64xf32, #tpu.memory_space<vmem>>, vector<1x16xf32>,
        %get3A_225 = vector.shape_cast %get3A_224 : vector<1x16xf32> to vector<16xf32>
        %mul3A_226 = arith.mulf %sub3A_216, %get3A_225 : vector<16xf32>
        %add3A_227 = arith.addf %mul3A_221, %mul3A_226 : vector<16xf32>
        %swap3A_228 = arith.index_cast %add3A_210 : i32 to index
        %swap3A_229 = arith.constant 0 : index
        %swap3A_230 = tpu.vector_load %arg14[%swap3A_228, %swap3A_229] {strides = array<i32>} : memref<64x64xf32, #tpu.memory_space<vmem>>, vector<1x16xf32>,
        %swap3A_231 = vector.shape_cast %swap3A_230 : vector<1x16xf32> to vector<16xf32>
        %swap3A_232 = vector.shape_cast %add3A_227 : vector<16xf32> to vector<1x16xf32>
        tpu.vector_store %arg14[%swap3A_228, %swap3A_229], %swap3A_232 {strides = array<i32>} : memref<64x64xf32, #tpu.memory_space<vmem>>, vector<1x16xf32>,
        %get3A_233 = arith.index_cast %add3A_210 : i32 to index
        %get3A_234 = arith.constant 16 : index
        %get3A_235 = tpu.vector_load %arg14[%get3A_233, %get3A_234] {strides = array<i32>} : memref<64x64xf32, #tpu.memory_space<vmem>>, vector<1x16xf32>,
        %get3A_236 = vector.shape_cast %get3A_235 : vector<1x16xf32> to vector<16xf32>
        %mul3A_237 = arith.mulf %broadcast_in_dim3A_213, %get3A_236 : vector<16xf32>
        %get3A_238 = arith.index_cast %add3A_210 : i32 to index
        %get3A_239 = arith.constant 16 : index
        %get3A_240 = tpu.vector_load %arg15[%get3A_238, %get3A_239] {strides = array<i32>} : memref<64x64xf32, #tpu.memory_space<vmem>>, vector<1x16xf32>,
        %get3A_241 = vector.shape_cast %get3A_240 : vector<1x16xf32> to vector<16xf32>
        %mul3A_242 = arith.mulf %sub3A_216, %get3A_241 : vector<16xf32>
        %add3A_243 = arith.addf %mul3A_237, %mul3A_242 : vector<16xf32>
        %swap3A_244 = arith.index_cast %add3A_210 : i32 to index
        %swap3A_245 = arith.constant 16 : index
        %swap3A_246 = tpu.vector_load %arg14[%swap3A_244, %swap3A_245] {strides = array<i32>} : memref<64x64xf32, #tpu.memory_space<vmem>>, vector<1x16xf32>,
        %swap3A_247 = vector.shape_cast %swap3A_246 : vector<1x16xf32> to vector<16xf32>
        %swap3A_248 = vector.shape_cast %add3A_243 : vector<16xf32> to vector<1x16xf32>
        tpu.vector_store %arg14[%swap3A_244, %swap3A_245], %swap3A_248 {strides = array<i32>} : memref<64x64xf32, #tpu.memory_space<vmem>>, vector<1x16xf32>,
        %get3A_249 = arith.index_cast %add3A_210 : i32 to index
        %get3A_250 = arith.constant 32 : index
        %get3A_251 = tpu.vector_load %arg14[%get3A_249, %get3A_250] {strides = array<i32>} : memref<64x64xf32, #tpu.memory_space<vmem>>, vector<1x16xf32>,
        %get3A_252 = vector.shape_cast %get3A_251 : vector<1x16xf32> to vector<16xf32>
        %mul3A_253 = arith.mulf %broadcast_in_dim3A_213, %get3A_252 : vector<16xf32>
        %get3A_254 = arith.index_cast %add3A_210 : i32 to index
        %get3A_255 = arith.constant 32 : index
        %get3A_256 = tpu.vector_load %arg15[%get3A_254, %get3A_255] {strides = array<i32>} : memref<64x64xf32, #tpu.memory_space<vmem>>, vector<1x16xf32>,
        %get3A_257 = vector.shape_cast %get3A_256 : vector<1x16xf32> to vector<16xf32>
        %mul3A_258 = arith.mulf %sub3A_216, %get3A_257 : vector<16xf32>
        %add3A_259 = arith.addf %mul3A_253, %mul3A_258 : vector<16xf32>
        %swap3A_260 = arith.index_cast %add3A_210 : i32 to index
        %swap3A_261 = arith.constant 32 : index
        %swap3A_262 = tpu.vector_load %arg14[%swap3A_260, %swap3A_261] {strides = array<i32>} : memref<64x64xf32, #tpu.memory_space<vmem>>, vector<1x16xf32>,
        %swap3A_263 = vector.shape_cast %swap3A_262 : vector<1x16xf32> to vector<16xf32>
        %swap3A_264 = vector.shape_cast %add3A_259 : vector<16xf32> to vector<1x16xf32>
        tpu.vector_store %arg14[%swap3A_260, %swap3A_261], %swap3A_264 {strides = array<i32>} : memref<64x64xf32, #tpu.memory_space<vmem>>, vector<1x16xf32>,
        %get3A_265 = arith.index_cast %add3A_210 : i32 to index
        %get3A_266 = arith.constant 48 : index
        %get3A_267 = tpu.vector_load %arg14[%get3A_265, %get3A_266] {strides = array<i32>} : memref<64x64xf32, #tpu.memory_space<vmem>>, vector<1x16xf32>,
        %get3A_268 = vector.shape_cast %get3A_267 : vector<1x16xf32> to vector<16xf32>
        %mul3A_269 = arith.mulf %broadcast_in_dim3A_213, %get3A_268 : vector<16xf32>
        %get3A_270 = arith.index_cast %add3A_210 : i32 to index
        %get3A_271 = arith.constant 48 : index
        %get3A_272 = tpu.vector_load %arg15[%get3A_270, %get3A_271] {strides = array<i32>} : memref<64x64xf32, #tpu.memory_space<vmem>>, vector<1x16xf32>,
        %get3A_273 = vector.shape_cast %get3A_272 : vector<1x16xf32> to vector<16xf32>
        %mul3A_274 = arith.mulf %sub3A_216, %get3A_273 : vector<16xf32>
        %add3A_275 = arith.addf %mul3A_269, %mul3A_274 : vector<16xf32>
        %swap3A_276 = arith.index_cast %add3A_210 : i32 to index
        %swap3A_277 = arith.constant 48 : index
        %swap3A_278 = tpu.vector_load %arg14[%swap3A_276, %swap3A_277] {strides = array<i32>} : memref<64x64xf32, #tpu.memory_space<vmem>>, vector<1x16xf32>,
        %swap3A_279 = vector.shape_cast %swap3A_278 : vector<1x16xf32> to vector<16xf32>
        %swap3A_280 = vector.shape_cast %add3A_275 : vector<16xf32> to vector<1x16xf32>
        tpu.vector_store %arg14[%swap3A_276, %swap3A_277], %swap3A_280 {strides = array<i32>} : memref<64x64xf32, #tpu.memory_space<vmem>>, vector<1x16xf32>,
        %mul3A_281 = arith.constant 16 : i32
        %mul3A_282 = arith.muli %scan3A_58, %mul3A_281 : i32
        %add3A_283 = arith.constant 3 : i32
        %add3A_284 = arith.addi %mul3A_282, %add3A_283 : i32
        %slice3A_285 = vector.extract_strided_slice %get3A_62 {offsets = [3], sizes = [1], strides = [1]} : vector<16xf32> to vector<1xf32>
        %squeeze3A_286 = vector.extract %slice3A_285[0] : f32 from vector<1xf32>
        %broadcast_in_dim3A_287 = vector.broadcast %squeeze3A_286 : f32 to vector<16xf32>
        %sub3A_288 = arith.constant 1.000000e+00 : f32
        %sub3A_289 = vector.broadcast %sub3A_288 : f32 to vector<16xf32>
        %sub3A_290 = arith.subf %sub3A_289, %broadcast_in_dim3A_287 : vector<16xf32>
        %get3A_291 = arith.index_cast %add3A_284 : i32 to index
        %get3A_292 = arith.constant 0 : index
        %get3A_293 = tpu.vector_load %arg14[%get3A_291, %get3A_292] {strides = array<i32>} : memref<64x64xf32, #tpu.memory_space<vmem>>, vector<1x16xf32>,
        %get3A_294 = vector.shape_cast %get3A_293 : vector<1x16xf32> to vector<16xf32>
        %mul3A_295 = arith.mulf %broadcast_in_dim3A_287, %get3A_294 : vector<16xf32>
        %get3A_296 = arith.index_cast %add3A_284 : i32 to index
        %get3A_297 = arith.constant 0 : index
        %get3A_298 = tpu.vector_load %arg15[%get3A_296, %get3A_297] {strides = array<i32>} : memref<64x64xf32, #tpu.memory_space<vmem>>, vector<1x16xf32>,
        %get3A_299 = vector.shape_cast %get3A_298 : vector<1x16xf32> to vector<16xf32>
        %mul3A_300 = arith.mulf %sub3A_290, %get3A_299 : vector<16xf32>
        %add3A_301 = arith.addf %mul3A_295, %mul3A_300 : vector<16xf32>
        %swap3A_302 = arith.index_cast %add3A_284 : i32 to index
        %swap3A_303 = arith.constant 0 : index
        %swap3A_304 = tpu.vector_load %arg14[%swap3A_302, %swap3A_303] {strides = array<i32>} : memref<64x64xf32, #tpu.memory_space<vmem>>, vector<1x16xf32>,
        %swap3A_305 = vector.shape_cast %swap3A_304 : vector<1x16xf32> to vector<16xf32>
        %swap3A_306 = vector.shape_cast %add3A_301 : vector<16xf32> to vector<1x16xf32>
        tpu.vector_store %arg14[%swap3A_302, %swap3A_303], %swap3A_306 {strides = array<i32>} : memref<64x64xf32, #tpu.memory_space<vmem>>, vector<1x16xf32>,
        %get3A_307 = arith.index_cast %add3A_284 : i32 to index
        %get3A_308 = arith.constant 16 : index
        %get3A_309 = tpu.vector_load %arg14[%get3A_307, %get3A_308] {strides = array<i32>} : memref<64x64xf32, #tpu.memory_space<vmem>>, vector<1x16xf32>,
        %get3A_310 = vector.shape_cast %get3A_309 : vector<1x16xf32> to vector<16xf32>
        %mul3A_311 = arith.mulf %broadcast_in_dim3A_287, %get3A_310 : vector<16xf32>
        %get3A_312 = arith.index_cast %add3A_284 : i32 to index
        %get3A_313 = arith.constant 16 : index
        %get3A_314 = tpu.vector_load %arg15[%get3A_312, %get3A_313] {strides = array<i32>} : memref<64x64xf32, #tpu.memory_space<vmem>>, vector<1x16xf32>,
        %get3A_315 = vector.shape_cast %get3A_314 : vector<1x16xf32> to vector<16xf32>
        %mul3A_316 = arith.mulf %sub3A_290, %get3A_315 : vector<16xf32>
        %add3A_317 = arith.addf %mul3A_311, %mul3A_316 : vector<16xf32>
        %swap3A_318 = arith.index_cast %add3A_284 : i32 to index
        %swap3A_319 = arith.constant 16 : index
        %swap3A_320 = tpu.vector_load %arg14[%swap3A_318, %swap3A_319] {strides = array<i32>} : memref<64x64xf32, #tpu.memory_space<vmem>>, vector<1x16xf32>,
        %swap3A_321 = vector.shape_cast %swap3A_320 : vector<1x16xf32> to vector<16xf32>
        %swap3A_322 = vector.shape_cast %add3A_317 : vector<16xf32> to vector<1x16xf32>
        tpu.vector_store %arg14[%swap3A_318, %swap3A_319], %swap3A_322 {strides = array<i32>} : memref<64x64xf32, #tpu.memory_space<vmem>>, vector<1x16xf32>,
        %get3A_323 = arith.index_cast %add3A_284 : i32 to index
        %get3A_324 = arith.constant 32 : index
        %get3A_325 = tpu.vector_load %arg14[%get3A_323, %get3A_324] {strides = array<i32>} : memref<64x64xf32, #tpu.memory_space<vmem>>, vector<1x16xf32>,
        %get3A_326 = vector.shape_cast %get3A_325 : vector<1x16xf32> to vector<16xf32>
        %mul3A_327 = arith.mulf %broadcast_in_dim3A_287, %get3A_326 : vector<16xf32>
        %get3A_328 = arith.index_cast %add3A_284 : i32 to index
        %get3A_329 = arith.constant 32 : index
        %get3A_330 = tpu.vector_load %arg15[%get3A_328, %get3A_329] {strides = array<i32>} : memref<64x64xf32, #tpu.memory_space<vmem>>, vector<1x16xf32>,
        %get3A_331 = vector.shape_cast %get3A_330 : vector<1x16xf32> to vector<16xf32>
        %mul3A_332 = arith.mulf %sub3A_290, %get3A_331 : vector<16xf32>
        %add3A_333 = arith.addf %mul3A_327, %mul3A_332 : vector<16xf32>
        %swap3A_334 = arith.index_cast %add3A_284 : i32 to index
        %swap3A_335 = arith.constant 32 : index
        %swap3A_336 = tpu.vector_load %arg14[%swap3A_334, %swap3A_335] {strides = array<i32>} : memref<64x64xf32, #tpu.memory_space<vmem>>, vector<1x16xf32>,
        %swap3A_337 = vector.shape_cast %swap3A_336 : vector<1x16xf32> to vector<16xf32>
        %swap3A_338 = vector.shape_cast %add3A_333 : vector<16xf32> to vector<1x16xf32>
        tpu.vector_store %arg14[%swap3A_334, %swap3A_335], %swap3A_338 {strides = array<i32>} : memref<64x64xf32, #tpu.memory_space<vmem>>, vector<1x16xf32>,
        %get3A_339 = arith.index_cast %add3A_284 : i32 to index
        %get3A_340 = arith.constant 48 : index
        %get3A_341 = tpu.vector_load %arg14[%get3A_339, %get3A_340] {strides = array<i32>} : memref<64x64xf32, #tpu.memory_space<vmem>>, vector<1x16xf32>,
        %get3A_342 = vector.shape_cast %get3A_341 : vector<1x16xf32> to vector<16xf32>
        %mul3A_343 = arith.mulf %broadcast_in_dim3A_287, %get3A_342 : vector<16xf32>
        %get3A_344 = arith.index_cast %add3A_284 : i32 to index
        %get3A_345 = arith.constant 48 : index
        %get3A_346 = tpu.vector_load %arg15[%get3A_344, %get3A_345] {strides = array<i32>} : memref<64x64xf32, #tpu.memory_space<vmem>>, vector<1x16xf32>,
        %get3A_347 = vector.shape_cast %get3A_346 : vector<1x16xf32> to vector<16xf32>
        %mul3A_348 = arith.mulf %sub3A_290, %get3A_347 : vector<16xf32>
        %add3A_349 = arith.addf %mul3A_343, %mul3A_348 : vector<16xf32>
        %swap3A_350 = arith.index_cast %add3A_284 : i32 to index
        %swap3A_351 = arith.constant 48 : index
        %swap3A_352 = tpu.vector_load %arg14[%swap3A_350, %swap3A_351] {strides = array<i32>} : memref<64x64xf32, #tpu.memory_space<vmem>>, vector<1x16xf32>,
        %swap3A_353 = vector.shape_cast %swap3A_352 : vector<1x16xf32> to vector<16xf32>
        %swap3A_354 = vector.shape_cast %add3A_349 : vector<16xf32> to vector<1x16xf32>
        tpu.vector_store %arg14[%swap3A_350, %swap3A_351], %swap3A_354 {strides = array<i32>} : memref<64x64xf32, #tpu.memory_space<vmem>>, vector<1x16xf32>,
        %mul3A_355 = arith.constant 16 : i32
        %mul3A_356 = arith.muli %scan3A_58, %mul3A_355 : i32
        %add3A_357 = arith.constant 4 : i32
        %add3A_358 = arith.addi %mul3A_356, %add3A_357 : i32
        %slice3A_359 = vector.extract_strided_slice %get3A_62 {offsets = [4], sizes = [1], strides = [1]} : vector<16xf32> to vector<1xf32>
        %squeeze3A_360 = vector.extract %slice3A_359[0] : f32 from vector<1xf32>
        %broadcast_in_dim3A_361 = vector.broadcast %squeeze3A_360 : f32 to vector<16xf32>
        %sub3A_362 = arith.constant 1.000000e+00 : f32
        %sub3A_363 = vector.broadcast %sub3A_362 : f32 to vector<16xf32>
        %sub3A_364 = arith.subf %sub3A_363, %broadcast_in_dim3A_361 : vector<16xf32>
        %get3A_365 = arith.index_cast %add3A_358 : i32 to index
        %get3A_366 = arith.constant 0 : index
        %get3A_367 = tpu.vector_load %arg14[%get3A_365, %get3A_366] {strides = array<i32>} : memref<64x64xf32, #tpu.memory_space<vmem>>, vector<1x16xf32>,
        %get3A_368 = vector.shape_cast %get3A_367 : vector<1x16xf32> to vector<16xf32>
        %mul3A_369 = arith.mulf %broadcast_in_dim3A_361, %get3A_368 : vector<16xf32>
        %get3A_370 = arith.index_cast %add3A_358 : i32 to index
        %get3A_371 = arith.constant 0 : index
        %get3A_372 = tpu.vector_load %arg15[%get3A_370, %get3A_371] {strides = array<i32>} : memref<64x64xf32, #tpu.memory_space<vmem>>, vector<1x16xf32>,
        %get3A_373 = vector.shape_cast %get3A_372 : vector<1x16xf32> to vector<16xf32>
        %mul3A_374 = arith.mulf %sub3A_364, %get3A_373 : vector<16xf32>
        %add3A_375 = arith.addf %mul3A_369, %mul3A_374 : vector<16xf32>
        %swap3A_376 = arith.index_cast %add3A_358 : i32 to index
        %swap3A_377 = arith.constant 0 : index
        %swap3A_378 = tpu.vector_load %arg14[%swap3A_376, %swap3A_377] {strides = array<i32>} : memref<64x64xf32, #tpu.memory_space<vmem>>, vector<1x16xf32>,
        %swap3A_379 = vector.shape_cast %swap3A_378 : vector<1x16xf32> to vector<16xf32>
        %swap3A_380 = vector.shape_cast %add3A_375 : vector<16xf32> to vector<1x16xf32>
        tpu.vector_store %arg14[%swap3A_376, %swap3A_377], %swap3A_380 {strides = array<i32>} : memref<64x64xf32, #tpu.memory_space<vmem>>, vector<1x16xf32>,
        %get3A_381 = arith.index_cast %add3A_358 : i32 to index
        %get3A_382 = arith.constant 16 : index
        %get3A_383 = tpu.vector_load %arg14[%get3A_381, %get3A_382] {strides = array<i32>} : memref<64x64xf32, #tpu.memory_space<vmem>>, vector<1x16xf32>,
        %get3A_384 = vector.shape_cast %get3A_383 : vector<1x16xf32> to vector<16xf32>
        %mul3A_385 = arith.mulf %broadcast_in_dim3A_361, %get3A_384 : vector<16xf32>
        %get3A_386 = arith.index_cast %add3A_358 : i32 to index
        %get3A_387 = arith.constant 16 : index
        %get3A_388 = tpu.vector_load %arg15[%get3A_386, %get3A_387] {strides = array<i32>} : memref<64x64xf32, #tpu.memory_space<vmem>>, vector<1x16xf32>,
        %get3A_389 = vector.shape_cast %get3A_388 : vector<1x16xf32> to vector<16xf32>
        %mul3A_390 = arith.mulf %sub3A_364, %get3A_389 : vector<16xf32>
        %add3A_391 = arith.addf %mul3A_385, %mul3A_390 : vector<16xf32>
        %swap3A_392 = arith.index_cast %add3A_358 : i32 to index
        %swap3A_393 = arith.constant 16 : index
        %swap3A_394 = tpu.vector_load %arg14[%swap3A_392, %swap3A_393] {strides = array<i32>} : memref<64x64xf32, #tpu.memory_space<vmem>>, vector<1x16xf32>,
        %swap3A_395 = vector.shape_cast %swap3A_394 : vector<1x16xf32> to vector<16xf32>
        %swap3A_396 = vector.shape_cast %add3A_391 : vector<16xf32> to vector<1x16xf32>
        tpu.vector_store %arg14[%swap3A_392, %swap3A_393], %swap3A_396 {strides = array<i32>} : memref<64x64xf32, #tpu.memory_space<vmem>>, vector<1x16xf32>,
        %get3A_397 = arith.index_cast %add3A_358 : i32 to index
        %get3A_398 = arith.constant 32 : index
        %get3A_399 = tpu.vector_load %arg14[%get3A_397, %get3A_398] {strides = array<i32>} : memref<64x64xf32, #tpu.memory_space<vmem>>, vector<1x16xf32>,
        %get3A_400 = vector.shape_cast %get3A_399 : vector<1x16xf32> to vector<16xf32>
        %mul3A_401 = arith.mulf %broadcast_in_dim3A_361, %get3A_400 : vector<16xf32>
        %get3A_402 = arith.index_cast %add3A_358 : i32 to index
        %get3A_403 = arith.constant 32 : index
        %get3A_404 = tpu.vector_load %arg15[%get3A_402, %get3A_403] {strides = array<i32>} : memref<64x64xf32, #tpu.memory_space<vmem>>, vector<1x16xf32>,
        %get3A_405 = vector.shape_cast %get3A_404 : vector<1x16xf32> to vector<16xf32>
        %mul3A_406 = arith.mulf %sub3A_364, %get3A_405 : vector<16xf32>
        %add3A_407 = arith.addf %mul3A_401, %mul3A_406 : vector<16xf32>
        %swap3A_408 = arith.index_cast %add3A_358 : i32 to index
        %swap3A_409 = arith.constant 32 : index
        %swap3A_410 = tpu.vector_load %arg14[%swap3A_408, %swap3A_409] {strides = array<i32>} : memref<64x64xf32, #tpu.memory_space<vmem>>, vector<1x16xf32>,
        %swap3A_411 = vector.shape_cast %swap3A_410 : vector<1x16xf32> to vector<16xf32>
        %swap3A_412 = vector.shape_cast %add3A_407 : vector<16xf32> to vector<1x16xf32>
        tpu.vector_store %arg14[%swap3A_408, %swap3A_409], %swap3A_412 {strides = array<i32>} : memref<64x64xf32, #tpu.memory_space<vmem>>, vector<1x16xf32>,
        %get3A_413 = arith.index_cast %add3A_358 : i32 to index
        %get3A_414 = arith.constant 48 : index
        %get3A_415 = tpu.vector_load %arg14[%get3A_413, %get3A_414] {strides = array<i32>} : memref<64x64xf32, #tpu.memory_space<vmem>>, vector<1x16xf32>,
        %get3A_416 = vector.shape_cast %get3A_415 : vector<1x16xf32> to vector<16xf32>
        %mul3A_417 = arith.mulf %broadcast_in_dim3A_361, %get3A_416 : vector<16xf32>
        %get3A_418 = arith.index_cast %add3A_358 : i32 to index
        %get3A_419 = arith.constant 48 : index
        %get3A_420 = tpu.vector_load %arg15[%get3A_418, %get3A_419] {strides = array<i32>} : memref<64x64xf32, #tpu.memory_space<vmem>>, vector<1x16xf32>,
        %get3A_421 = vector.shape_cast %get3A_420 : vector<1x16xf32> to vector<16xf32>
        %mul3A_422 = arith.mulf %sub3A_364, %get3A_421 : vector<16xf32>
        %add3A_423 = arith.addf %mul3A_417, %mul3A_422 : vector<16xf32>
        %swap3A_424 = arith.index_cast %add3A_358 : i32 to index
        %swap3A_425 = arith.constant 48 : index
        %swap3A_426 = tpu.vector_load %arg14[%swap3A_424, %swap3A_425] {strides = array<i32>} : memref<64x64xf32, #tpu.memory_space<vmem>>, vector<1x16xf32>,
        %swap3A_427 = vector.shape_cast %swap3A_426 : vector<1x16xf32> to vector<16xf32>
        %swap3A_428 = vector.shape_cast %add3A_423 : vector<16xf32> to vector<1x16xf32>
        tpu.vector_store %arg14[%swap3A_424, %swap3A_425], %swap3A_428 {strides = array<i32>} : memref<64x64xf32, #tpu.memory_space<vmem>>, vector<1x16xf32>,
        %mul3A_429 = arith.constant 16 : i32
        %mul3A_430 = arith.muli %scan3A_58, %mul3A_429 : i32
        %add3A_431 = arith.constant 5 : i32
        %add3A_432 = arith.addi %mul3A_430, %add3A_431 : i32
        %slice3A_433 = vector.extract_strided_slice %get3A_62 {offsets = [5], sizes = [1], strides = [1]} : vector<16xf32> to vector<1xf32>
        %squeeze3A_434 = vector.extract %slice3A_433[0] : f32 from vector<1xf32>
        %broadcast_in_dim3A_435 = vector.broadcast %squeeze3A_434 : f32 to vector<16xf32>
        %sub3A_436 = arith.constant 1.000000e+00 : f32
        %sub3A_437 = vector.broadcast %sub3A_436 : f32 to vector<16xf32>
        %sub3A_438 = arith.subf %sub3A_437, %broadcast_in_dim3A_435 : vector<16xf32>
        %get3A_439 = arith.index_cast %add3A_432 : i32 to index
        %get3A_440 = arith.constant 0 : index
        %get3A_441 = tpu.vector_load %arg14[%get3A_439, %get3A_440] {strides = array<i32>} : memref<64x64xf32, #tpu.memory_space<vmem>>, vector<1x16xf32>,
        %get3A_442 = vector.shape_cast %get3A_441 : vector<1x16xf32> to vector<16xf32>
        %mul3A_443 = arith.mulf %broadcast_in_dim3A_435, %get3A_442 : vector<16xf32>
        %get3A_444 = arith.index_cast %add3A_432 : i32 to index
        %get3A_445 = arith.constant 0 : index
        %get3A_446 = tpu.vector_load %arg15[%get3A_444, %get3A_445] {strides = array<i32>} : memref<64x64xf32, #tpu.memory_space<vmem>>, vector<1x16xf32>,
        %get3A_447 = vector.shape_cast %get3A_446 : vector<1x16xf32> to vector<16xf32>
        %mul3A_448 = arith.mulf %sub3A_438, %get3A_447 : vector<16xf32>
        %add3A_449 = arith.addf %mul3A_443, %mul3A_448 : vector<16xf32>
        %swap3A_450 = arith.index_cast %add3A_432 : i32 to index
        %swap3A_451 = arith.constant 0 : index
        %swap3A_452 = tpu.vector_load %arg14[%swap3A_450, %swap3A_451] {strides = array<i32>} : memref<64x64xf32, #tpu.memory_space<vmem>>, vector<1x16xf32>,
        %swap3A_453 = vector.shape_cast %swap3A_452 : vector<1x16xf32> to vector<16xf32>
        %swap3A_454 = vector.shape_cast %add3A_449 : vector<16xf32> to vector<1x16xf32>
        tpu.vector_store %arg14[%swap3A_450, %swap3A_451], %swap3A_454 {strides = array<i32>} : memref<64x64xf32, #tpu.memory_space<vmem>>, vector<1x16xf32>,
        %get3A_455 = arith.index_cast %add3A_432 : i32 to index
        %get3A_456 = arith.constant 16 : index
        %get3A_457 = tpu.vector_load %arg14[%get3A_455, %get3A_456] {strides = array<i32>} : memref<64x64xf32, #tpu.memory_space<vmem>>, vector<1x16xf32>,
        %get3A_458 = vector.shape_cast %get3A_457 : vector<1x16xf32> to vector<16xf32>
        %mul3A_459 = arith.mulf %broadcast_in_dim3A_435, %get3A_458 : vector<16xf32>
        %get3A_460 = arith.index_cast %add3A_432 : i32 to index
        %get3A_461 = arith.constant 16 : index
        %get3A_462 = tpu.vector_load %arg15[%get3A_460, %get3A_461] {strides = array<i32>} : memref<64x64xf32, #tpu.memory_space<vmem>>, vector<1x16xf32>,
        %get3A_463 = vector.shape_cast %get3A_462 : vector<1x16xf32> to vector<16xf32>
        %mul3A_464 = arith.mulf %sub3A_438, %get3A_463 : vector<16xf32>
        %add3A_465 = arith.addf %mul3A_459, %mul3A_464 : vector<16xf32>
        %swap3A_466 = arith.index_cast %add3A_432 : i32 to index
        %swap3A_467 = arith.constant 16 : index
        %swap3A_468 = tpu.vector_load %arg14[%swap3A_466, %swap3A_467] {strides = array<i32>} : memref<64x64xf32, #tpu.memory_space<vmem>>, vector<1x16xf32>,
        %swap3A_469 = vector.shape_cast %swap3A_468 : vector<1x16xf32> to vector<16xf32>
        %swap3A_470 = vector.shape_cast %add3A_465 : vector<16xf32> to vector<1x16xf32>
        tpu.vector_store %arg14[%swap3A_466, %swap3A_467], %swap3A_470 {strides = array<i32>} : memref<64x64xf32, #tpu.memory_space<vmem>>, vector<1x16xf32>,
        %get3A_471 = arith.index_cast %add3A_432 : i32 to index
        %get3A_472 = arith.constant 32 : index
        %get3A_473 = tpu.vector_load %arg14[%get3A_471, %get3A_472] {strides = array<i32>} : memref<64x64xf32, #tpu.memory_space<vmem>>, vector<1x16xf32>,
        %get3A_474 = vector.shape_cast %get3A_473 : vector<1x16xf32> to vector<16xf32>
        %mul3A_475 = arith.mulf %broadcast_in_dim3A_435, %get3A_474 : vector<16xf32>
        %get3A_476 = arith.index_cast %add3A_432 : i32 to index
        %get3A_477 = arith.constant 32 : index
        %get3A_478 = tpu.vector_load %arg15[%get3A_476, %get3A_477] {strides = array<i32>} : memref<64x64xf32, #tpu.memory_space<vmem>>, vector<1x16xf32>,
        %get3A_479 = vector.shape_cast %get3A_478 : vector<1x16xf32> to vector<16xf32>
        %mul3A_480 = arith.mulf %sub3A_438, %get3A_479 : vector<16xf32>
        %add3A_481 = arith.addf %mul3A_475, %mul3A_480 : vector<16xf32>
        %swap3A_482 = arith.index_cast %add3A_432 : i32 to index
        %swap3A_483 = arith.constant 32 : index
        %swap3A_484 = tpu.vector_load %arg14[%swap3A_482, %swap3A_483] {strides = array<i32>} : memref<64x64xf32, #tpu.memory_space<vmem>>, vector<1x16xf32>,
        %swap3A_485 = vector.shape_cast %swap3A_484 : vector<1x16xf32> to vector<16xf32>
        %swap3A_486 = vector.shape_cast %add3A_481 : vector<16xf32> to vector<1x16xf32>
        tpu.vector_store %arg14[%swap3A_482, %swap3A_483], %swap3A_486 {strides = array<i32>} : memref<64x64xf32, #tpu.memory_space<vmem>>, vector<1x16xf32>,
        %get3A_487 = arith.index_cast %add3A_432 : i32 to index
        %get3A_488 = arith.constant 48 : index
        %get3A_489 = tpu.vector_load %arg14[%get3A_487, %get3A_488] {strides = array<i32>} : memref<64x64xf32, #tpu.memory_space<vmem>>, vector<1x16xf32>,
        %get3A_490 = vector.shape_cast %get3A_489 : vector<1x16xf32> to vector<16xf32>
        %mul3A_491 = arith.mulf %broadcast_in_dim3A_435, %get3A_490 : vector<16xf32>
        %get3A_492 = arith.index_cast %add3A_432 : i32 to index
        %get3A_493 = arith.constant 48 : index
        %get3A_494 = tpu.vector_load %arg15[%get3A_492, %get3A_493] {strides = array<i32>} : memref<64x64xf32, #tpu.memory_space<vmem>>, vector<1x16xf32>,
        %get3A_495 = vector.shape_cast %get3A_494 : vector<1x16xf32> to vector<16xf32>
        %mul3A_496 = arith.mulf %sub3A_438, %get3A_495 : vector<16xf32>
        %add3A_497 = arith.addf %mul3A_491, %mul3A_496 : vector<16xf32>
        %swap3A_498 = arith.index_cast %add3A_432 : i32 to index
        %swap3A_499 = arith.constant 48 : index
        %swap3A_500 = tpu.vector_load %arg14[%swap3A_498, %swap3A_499] {strides = array<i32>} : memref<64x64xf32, #tpu.memory_space<vmem>>, vector<1x16xf32>,
        %swap3A_501 = vector.shape_cast %swap3A_500 : vector<1x16xf32> to vector<16xf32>
        %swap3A_502 = vector.shape_cast %add3A_497 : vector<16xf32> to vector<1x16xf32>
        tpu.vector_store %arg14[%swap3A_498, %swap3A_499], %swap3A_502 {strides = array<i32>} : memref<64x64xf32, #tpu.memory_space<vmem>>, vector<1x16xf32>,
        %mul3A_503 = arith.constant 16 : i32
        %mul3A_504 = arith.muli %scan3A_58, %mul3A_503 : i32
        %add3A_505 = arith.constant 6 : i32
        %add3A_506 = arith.addi %mul3A_504, %add3A_505 : i32
        %slice3A_507 = vector.extract_strided_slice %get3A_62 {offsets = [6], sizes = [1], strides = [1]} : vector<16xf32> to vector<1xf32>
        %squeeze3A_508 = vector.extract %slice3A_507[0] : f32 from vector<1xf32>
        %broadcast_in_dim3A_509 = vector.broadcast %squeeze3A_508 : f32 to vector<16xf32>
        %sub3A_510 = arith.constant 1.000000e+00 : f32
        %sub3A_511 = vector.broadcast %sub3A_510 : f32 to vector<16xf32>
        %sub3A_512 = arith.subf %sub3A_511, %broadcast_in_dim3A_509 : vector<16xf32>
        %get3A_513 = arith.index_cast %add3A_506 : i32 to index
        %get3A_514 = arith.constant 0 : index
        %get3A_515 = tpu.vector_load %arg14[%get3A_513, %get3A_514] {strides = array<i32>} : memref<64x64xf32, #tpu.memory_space<vmem>>, vector<1x16xf32>,
        %get3A_516 = vector.shape_cast %get3A_515 : vector<1x16xf32> to vector<16xf32>
        %mul3A_517 = arith.mulf %broadcast_in_dim3A_509, %get3A_516 : vector<16xf32>
        %get3A_518 = arith.index_cast %add3A_506 : i32 to index
        %get3A_519 = arith.constant 0 : index
        %get3A_520 = tpu.vector_load %arg15[%get3A_518, %get3A_519] {strides = array<i32>} : memref<64x64xf32, #tpu.memory_space<vmem>>, vector<1x16xf32>,
        %get3A_521 = vector.shape_cast %get3A_520 : vector<1x16xf32> to vector<16xf32>
        %mul3A_522 = arith.mulf %sub3A_512, %get3A_521 : vector<16xf32>
        %add3A_523 = arith.addf %mul3A_517, %mul3A_522 : vector<16xf32>
        %swap3A_524 = arith.index_cast %add3A_506 : i32 to index
        %swap3A_525 = arith.constant 0 : index
        %swap3A_526 = tpu.vector_load %arg14[%swap3A_524, %swap3A_525] {strides = array<i32>} : memref<64x64xf32, #tpu.memory_space<vmem>>, vector<1x16xf32>,
        %swap3A_527 = vector.shape_cast %swap3A_526 : vector<1x16xf32> to vector<16xf32>
        %swap3A_528 = vector.shape_cast %add3A_523 : vector<16xf32> to vector<1x16xf32>
        tpu.vector_store %arg14[%swap3A_524, %swap3A_525], %swap3A_528 {strides = array<i32>} : memref<64x64xf32, #tpu.memory_space<vmem>>, vector<1x16xf32>,
        %get3A_529 = arith.index_cast %add3A_506 : i32 to index
        %get3A_530 = arith.constant 16 : index
        %get3A_531 = tpu.vector_load %arg14[%get3A_529, %get3A_530] {strides = array<i32>} : memref<64x64xf32, #tpu.memory_space<vmem>>, vector<1x16xf32>,
        %get3A_532 = vector.shape_cast %get3A_531 : vector<1x16xf32> to vector<16xf32>
        %mul3A_533 = arith.mulf %broadcast_in_dim3A_509, %get3A_532 : vector<16xf32>
        %get3A_534 = arith.index_cast %add3A_506 : i32 to index
        %get3A_535 = arith.constant 16 : index
        %get3A_536 = tpu.vector_load %arg15[%get3A_534, %get3A_535] {strides = array<i32>} : memref<64x64xf32, #tpu.memory_space<vmem>>, vector<1x16xf32>,
        %get3A_537 = vector.shape_cast %get3A_536 : vector<1x16xf32> to vector<16xf32>
        %mul3A_538 = arith.mulf %sub3A_512, %get3A_537 : vector<16xf32>
        %add3A_539 = arith.addf %mul3A_533, %mul3A_538 : vector<16xf32>
        %swap3A_540 = arith.index_cast %add3A_506 : i32 to index
        %swap3A_541 = arith.constant 16 : index
        %swap3A_542 = tpu.vector_load %arg14[%swap3A_540, %swap3A_541] {strides = array<i32>} : memref<64x64xf32, #tpu.memory_space<vmem>>, vector<1x16xf32>,
        %swap3A_543 = vector.shape_cast %swap3A_542 : vector<1x16xf32> to vector<16xf32>
        %swap3A_544 = vector.shape_cast %add3A_539 : vector<16xf32> to vector<1x16xf32>
        tpu.vector_store %arg14[%swap3A_540, %swap3A_541], %swap3A_544 {strides = array<i32>} : memref<64x64xf32, #tpu.memory_space<vmem>>, vector<1x16xf32>,
        %get3A_545 = arith.index_cast %add3A_506 : i32 to index
        %get3A_546 = arith.constant 32 : index
        %get3A_547 = tpu.vector_load %arg14[%get3A_545, %get3A_546] {strides = array<i32>} : memref<64x64xf32, #tpu.memory_space<vmem>>, vector<1x16xf32>,
        %get3A_548 = vector.shape_cast %get3A_547 : vector<1x16xf32> to vector<16xf32>
        %mul3A_549 = arith.mulf %broadcast_in_dim3A_509, %get3A_548 : vector<16xf32>
        %get3A_550 = arith.index_cast %add3A_506 : i32 to index
        %get3A_551 = arith.constant 32 : index
        %get3A_552 = tpu.vector_load %arg15[%get3A_550, %get3A_551] {strides = array<i32>} : memref<64x64xf32, #tpu.memory_space<vmem>>, vector<1x16xf32>,
        %get3A_553 = vector.shape_cast %get3A_552 : vector<1x16xf32> to vector<16xf32>
        %mul3A_554 = arith.mulf %sub3A_512, %get3A_553 : vector<16xf32>
        %add3A_555 = arith.addf %mul3A_549, %mul3A_554 : vector<16xf32>
        %swap3A_556 = arith.index_cast %add3A_506 : i32 to index
        %swap3A_557 = arith.constant 32 : index
        %swap3A_558 = tpu.vector_load %arg14[%swap3A_556, %swap3A_557] {strides = array<i32>} : memref<64x64xf32, #tpu.memory_space<vmem>>, vector<1x16xf32>,
        %swap3A_559 = vector.shape_cast %swap3A_558 : vector<1x16xf32> to vector<16xf32>
        %swap3A_560 = vector.shape_cast %add3A_555 : vector<16xf32> to vector<1x16xf32>
        tpu.vector_store %arg14[%swap3A_556, %swap3A_557], %swap3A_560 {strides = array<i32>} : memref<64x64xf32, #tpu.memory_space<vmem>>, vector<1x16xf32>,
        %get3A_561 = arith.index_cast %add3A_506 : i32 to index
        %get3A_562 = arith.constant 48 : index
        %get3A_563 = tpu.vector_load %arg14[%get3A_561, %get3A_562] {strides = array<i32>} : memref<64x64xf32, #tpu.memory_space<vmem>>, vector<1x16xf32>,
        %get3A_564 = vector.shape_cast %get3A_563 : vector<1x16xf32> to vector<16xf32>
        %mul3A_565 = arith.mulf %broadcast_in_dim3A_509, %get3A_564 : vector<16xf32>
        %get3A_566 = arith.index_cast %add3A_506 : i32 to index
        %get3A_567 = arith.constant 48 : index
        %get3A_568 = tpu.vector_load %arg15[%get3A_566, %get3A_567] {strides = array<i32>} : memref<64x64xf32, #tpu.memory_space<vmem>>, vector<1x16xf32>,
        %get3A_569 = vector.shape_cast %get3A_568 : vector<1x16xf32> to vector<16xf32>
        %mul3A_570 = arith.mulf %sub3A_512, %get3A_569 : vector<16xf32>
        %add3A_571 = arith.addf %mul3A_565, %mul3A_570 : vector<16xf32>
        %swap3A_572 = arith.index_cast %add3A_506 : i32 to index
        %swap3A_573 = arith.constant 48 : index
        %swap3A_574 = tpu.vector_load %arg14[%swap3A_572, %swap3A_573] {strides = array<i32>} : memref<64x64xf32, #tpu.memory_space<vmem>>, vector<1x16xf32>,
        %swap3A_575 = vector.shape_cast %swap3A_574 : vector<1x16xf32> to vector<16xf32>
        %swap3A_576 = vector.shape_cast %add3A_571 : vector<16xf32> to vector<1x16xf32>
        tpu.vector_store %arg14[%swap3A_572, %swap3A_573], %swap3A_576 {strides = array<i32>} : memref<64x64xf32, #tpu.memory_space<vmem>>, vector<1x16xf32>,
        %mul3A_577 = arith.constant 16 : i32
        %mul3A_578 = arith.muli %scan3A_58, %mul3A_577 : i32
        %add3A_579 = arith.constant 7 : i32
        %add3A_580 = arith.addi %mul3A_578, %add3A_579 : i32
        %slice3A_581 = vector.extract_strided_slice %get3A_62 {offsets = [7], sizes = [1], strides = [1]} : vector<16xf32> to vector<1xf32>
        %squeeze3A_582 = vector.extract %slice3A_581[0] : f32 from vector<1xf32>
        %broadcast_in_dim3A_583 = vector.broadcast %squeeze3A_582 : f32 to vector<16xf32>
        %sub3A_584 = arith.constant 1.000000e+00 : f32
        %sub3A_585 = vector.broadcast %sub3A_584 : f32 to vector<16xf32>
        %sub3A_586 = arith.subf %sub3A_585, %broadcast_in_dim3A_583 : vector<16xf32>
        %get3A_587 = arith.index_cast %add3A_580 : i32 to index
        %get3A_588 = arith.constant 0 : index
        %get3A_589 = tpu.vector_load %arg14[%get3A_587, %get3A_588] {strides = array<i32>} : memref<64x64xf32, #tpu.memory_space<vmem>>, vector<1x16xf32>,
        %get3A_590 = vector.shape_cast %get3A_589 : vector<1x16xf32> to vector<16xf32>
        %mul3A_591 = arith.mulf %broadcast_in_dim3A_583, %get3A_590 : vector<16xf32>
        %get3A_592 = arith.index_cast %add3A_580 : i32 to index
        %get3A_593 = arith.constant 0 : index
        %get3A_594 = tpu.vector_load %arg15[%get3A_592, %get3A_593] {strides = array<i32>} : memref<64x64xf32, #tpu.memory_space<vmem>>, vector<1x16xf32>,
        %get3A_595 = vector.shape_cast %get3A_594 : vector<1x16xf32> to vector<16xf32>
        %mul3A_596 = arith.mulf %sub3A_586, %get3A_595 : vector<16xf32>
        %add3A_597 = arith.addf %mul3A_591, %mul3A_596 : vector<16xf32>
        %swap3A_598 = arith.index_cast %add3A_580 : i32 to index
        %swap3A_599 = arith.constant 0 : index
        %swap3A_600 = tpu.vector_load %arg14[%swap3A_598, %swap3A_599] {strides = array<i32>} : memref<64x64xf32, #tpu.memory_space<vmem>>, vector<1x16xf32>,
        %swap3A_601 = vector.shape_cast %swap3A_600 : vector<1x16xf32> to vector<16xf32>
        %swap3A_602 = vector.shape_cast %add3A_597 : vector<16xf32> to vector<1x16xf32>
        tpu.vector_store %arg14[%swap3A_598, %swap3A_599], %swap3A_602 {strides = array<i32>} : memref<64x64xf32, #tpu.memory_space<vmem>>, vector<1x16xf32>,
        %get3A_603 = arith.index_cast %add3A_580 : i32 to index
        %get3A_604 = arith.constant 16 : index
        %get3A_605 = tpu.vector_load %arg14[%get3A_603, %get3A_604] {strides = array<i32>} : memref<64x64xf32, #tpu.memory_space<vmem>>, vector<1x16xf32>,
        %get3A_606 = vector.shape_cast %get3A_605 : vector<1x16xf32> to vector<16xf32>
        %mul3A_607 = arith.mulf %broadcast_in_dim3A_583, %get3A_606 : vector<16xf32>
        %get3A_608 = arith.index_cast %add3A_580 : i32 to index
        %get3A_609 = arith.constant 16 : index
        %get3A_610 = tpu.vector_load %arg15[%get3A_608, %get3A_609] {strides = array<i32>} : memref<64x64xf32, #tpu.memory_space<vmem>>, vector<1x16xf32>,
        %get3A_611 = vector.shape_cast %get3A_610 : vector<1x16xf32> to vector<16xf32>
        %mul3A_612 = arith.mulf %sub3A_586, %get3A_611 : vector<16xf32>
        %add3A_613 = arith.addf %mul3A_607, %mul3A_612 : vector<16xf32>
        %swap3A_614 = arith.index_cast %add3A_580 : i32 to index
        %swap3A_615 = arith.constant 16 : index
        %swap3A_616 = tpu.vector_load %arg14[%swap3A_614, %swap3A_615] {strides = array<i32>} : memref<64x64xf32, #tpu.memory_space<vmem>>, vector<1x16xf32>,
        %swap3A_617 = vector.shape_cast %swap3A_616 : vector<1x16xf32> to vector<16xf32>
        %swap3A_618 = vector.shape_cast %add3A_613 : vector<16xf32> to vector<1x16xf32>
        tpu.vector_store %arg14[%swap3A_614, %swap3A_615], %swap3A_618 {strides = array<i32>} : memref<64x64xf32, #tpu.memory_space<vmem>>, vector<1x16xf32>,
        %get3A_619 = arith.index_cast %add3A_580 : i32 to index
        %get3A_620 = arith.constant 32 : index
        %get3A_621 = tpu.vector_load %arg14[%get3A_619, %get3A_620] {strides = array<i32>} : memref<64x64xf32, #tpu.memory_space<vmem>>, vector<1x16xf32>,
        %get3A_622 = vector.shape_cast %get3A_621 : vector<1x16xf32> to vector<16xf32>
        %mul3A_623 = arith.mulf %broadcast_in_dim3A_583, %get3A_622 : vector<16xf32>
        %get3A_624 = arith.index_cast %add3A_580 : i32 to index
        %get3A_625 = arith.constant 32 : index
        %get3A_626 = tpu.vector_load %arg15[%get3A_624, %get3A_625] {strides = array<i32>} : memref<64x64xf32, #tpu.memory_space<vmem>>, vector<1x16xf32>,
        %get3A_627 = vector.shape_cast %get3A_626 : vector<1x16xf32> to vector<16xf32>
        %mul3A_628 = arith.mulf %sub3A_586, %get3A_627 : vector<16xf32>
        %add3A_629 = arith.addf %mul3A_623, %mul3A_628 : vector<16xf32>
        %swap3A_630 = arith.index_cast %add3A_580 : i32 to index
        %swap3A_631 = arith.constant 32 : index
        %swap3A_632 = tpu.vector_load %arg14[%swap3A_630, %swap3A_631] {strides = array<i32>} : memref<64x64xf32, #tpu.memory_space<vmem>>, vector<1x16xf32>,
        %swap3A_633 = vector.shape_cast %swap3A_632 : vector<1x16xf32> to vector<16xf32>
        %swap3A_634 = vector.shape_cast %add3A_629 : vector<16xf32> to vector<1x16xf32>
        tpu.vector_store %arg14[%swap3A_630, %swap3A_631], %swap3A_634 {strides = array<i32>} : memref<64x64xf32, #tpu.memory_space<vmem>>, vector<1x16xf32>,
        %get3A_635 = arith.index_cast %add3A_580 : i32 to index
        %get3A_636 = arith.constant 48 : index
        %get3A_637 = tpu.vector_load %arg14[%get3A_635, %get3A_636] {strides = array<i32>} : memref<64x64xf32, #tpu.memory_space<vmem>>, vector<1x16xf32>,
        %get3A_638 = vector.shape_cast %get3A_637 : vector<1x16xf32> to vector<16xf32>
        %mul3A_639 = arith.mulf %broadcast_in_dim3A_583, %get3A_638 : vector<16xf32>
        %get3A_640 = arith.index_cast %add3A_580 : i32 to index
        %get3A_641 = arith.constant 48 : index
        %get3A_642 = tpu.vector_load %arg15[%get3A_640, %get3A_641] {strides = array<i32>} : memref<64x64xf32, #tpu.memory_space<vmem>>, vector<1x16xf32>,
        %get3A_643 = vector.shape_cast %get3A_642 : vector<1x16xf32> to vector<16xf32>
        %mul3A_644 = arith.mulf %sub3A_586, %get3A_643 : vector<16xf32>
        %add3A_645 = arith.addf %mul3A_639, %mul3A_644 : vector<16xf32>
        %swap3A_646 = arith.index_cast %add3A_580 : i32 to index
        %swap3A_647 = arith.constant 48 : index
        %swap3A_648 = tpu.vector_load %arg14[%swap3A_646, %swap3A_647] {strides = array<i32>} : memref<64x64xf32, #tpu.memory_space<vmem>>, vector<1x16xf32>,
        %swap3A_649 = vector.shape_cast %swap3A_648 : vector<1x16xf32> to vector<16xf32>
        %swap3A_650 = vector.shape_cast %add3A_645 : vector<16xf32> to vector<1x16xf32>
        tpu.vector_store %arg14[%swap3A_646, %swap3A_647], %swap3A_650 {strides = array<i32>} : memref<64x64xf32, #tpu.memory_space<vmem>>, vector<1x16xf32>,
        %mul3A_651 = arith.constant 16 : i32
        %mul3A_652 = arith.muli %scan3A_58, %mul3A_651 : i32
        %add3A_653 = arith.constant 8 : i32
        %add3A_654 = arith.addi %mul3A_652, %add3A_653 : i32
        %slice3A_655 = vector.extract_strided_slice %get3A_62 {offsets = [8], sizes = [1], strides = [1]} : vector<16xf32> to vector<1xf32>
        %squeeze3A_656 = vector.extract %slice3A_655[0] : f32 from vector<1xf32>
        %broadcast_in_dim3A_657 = vector.broadcast %squeeze3A_656 : f32 to vector<16xf32>
        %sub3A_658 = arith.constant 1.000000e+00 : f32
        %sub3A_659 = vector.broadcast %sub3A_658 : f32 to vector<16xf32>
        %sub3A_660 = arith.subf %sub3A_659, %broadcast_in_dim3A_657 : vector<16xf32>
        %get3A_661 = arith.index_cast %add3A_654 : i32 to index
        %get3A_662 = arith.constant 0 : index
        %get3A_663 = tpu.vector_load %arg14[%get3A_661, %get3A_662] {strides = array<i32>} : memref<64x64xf32, #tpu.memory_space<vmem>>, vector<1x16xf32>,
        %get3A_664 = vector.shape_cast %get3A_663 : vector<1x16xf32> to vector<16xf32>
        %mul3A_665 = arith.mulf %broadcast_in_dim3A_657, %get3A_664 : vector<16xf32>
        %get3A_666 = arith.index_cast %add3A_654 : i32 to index
        %get3A_667 = arith.constant 0 : index
        %get3A_668 = tpu.vector_load %arg15[%get3A_666, %get3A_667] {strides = array<i32>} : memref<64x64xf32, #tpu.memory_space<vmem>>, vector<1x16xf32>,
        %get3A_669 = vector.shape_cast %get3A_668 : vector<1x16xf32> to vector<16xf32>
        %mul3A_670 = arith.mulf %sub3A_660, %get3A_669 : vector<16xf32>
        %add3A_671 = arith.addf %mul3A_665, %mul3A_670 : vector<16xf32>
        %swap3A_672 = arith.index_cast %add3A_654 : i32 to index
        %swap3A_673 = arith.constant 0 : index
        %swap3A_674 = tpu.vector_load %arg14[%swap3A_672, %swap3A_673] {strides = array<i32>} : memref<64x64xf32, #tpu.memory_space<vmem>>, vector<1x16xf32>,
        %swap3A_675 = vector.shape_cast %swap3A_674 : vector<1x16xf32> to vector<16xf32>
        %swap3A_676 = vector.shape_cast %add3A_671 : vector<16xf32> to vector<1x16xf32>
        tpu.vector_store %arg14[%swap3A_672, %swap3A_673], %swap3A_676 {strides = array<i32>} : memref<64x64xf32, #tpu.memory_space<vmem>>, vector<1x16xf32>,
        %get3A_677 = arith.index_cast %add3A_654 : i32 to index
        %get3A_678 = arith.constant 16 : index
        %get3A_679 = tpu.vector_load %arg14[%get3A_677, %get3A_678] {strides = array<i32>} : memref<64x64xf32, #tpu.memory_space<vmem>>, vector<1x16xf32>,
        %get3A_680 = vector.shape_cast %get3A_679 : vector<1x16xf32> to vector<16xf32>
        %mul3A_681 = arith.mulf %broadcast_in_dim3A_657, %get3A_680 : vector<16xf32>
        %get3A_682 = arith.index_cast %add3A_654 : i32 to index
        %get3A_683 = arith.constant 16 : index
        %get3A_684 = tpu.vector_load %arg15[%get3A_682, %get3A_683] {strides = array<i32>} : memref<64x64xf32, #tpu.memory_space<vmem>>, vector<1x16xf32>,
        %get3A_685 = vector.shape_cast %get3A_684 : vector<1x16xf32> to vector<16xf32>
        %mul3A_686 = arith.mulf %sub3A_660, %get3A_685 : vector<16xf32>
        %add3A_687 = arith.addf %mul3A_681, %mul3A_686 : vector<16xf32>
        %swap3A_688 = arith.index_cast %add3A_654 : i32 to index
        %swap3A_689 = arith.constant 16 : index
        %swap3A_690 = tpu.vector_load %arg14[%swap3A_688, %swap3A_689] {strides = array<i32>} : memref<64x64xf32, #tpu.memory_space<vmem>>, vector<1x16xf32>,
        %swap3A_691 = vector.shape_cast %swap3A_690 : vector<1x16xf32> to vector<16xf32>
        %swap3A_692 = vector.shape_cast %add3A_687 : vector<16xf32> to vector<1x16xf32>
        tpu.vector_store %arg14[%swap3A_688, %swap3A_689], %swap3A_692 {strides = array<i32>} : memref<64x64xf32, #tpu.memory_space<vmem>>, vector<1x16xf32>,
        %get3A_693 = arith.index_cast %add3A_654 : i32 to index
        %get3A_694 = arith.constant 32 : index
        %get3A_695 = tpu.vector_load %arg14[%get3A_693, %get3A_694] {strides = array<i32>} : memref<64x64xf32, #tpu.memory_space<vmem>>, vector<1x16xf32>,
        %get3A_696 = vector.shape_cast %get3A_695 : vector<1x16xf32> to vector<16xf32>
        %mul3A_697 = arith.mulf %broadcast_in_dim3A_657, %get3A_696 : vector<16xf32>
        %get3A_698 = arith.index_cast %add3A_654 : i32 to index
        %get3A_699 = arith.constant 32 : index
        %get3A_700 = tpu.vector_load %arg15[%get3A_698, %get3A_699] {strides = array<i32>} : memref<64x64xf32, #tpu.memory_space<vmem>>, vector<1x16xf32>,
        %get3A_701 = vector.shape_cast %get3A_700 : vector<1x16xf32> to vector<16xf32>
        %mul3A_702 = arith.mulf %sub3A_660, %get3A_701 : vector<16xf32>
        %add3A_703 = arith.addf %mul3A_697, %mul3A_702 : vector<16xf32>
        %swap3A_704 = arith.index_cast %add3A_654 : i32 to index
        %swap3A_705 = arith.constant 32 : index
        %swap3A_706 = tpu.vector_load %arg14[%swap3A_704, %swap3A_705] {strides = array<i32>} : memref<64x64xf32, #tpu.memory_space<vmem>>, vector<1x16xf32>,
        %swap3A_707 = vector.shape_cast %swap3A_706 : vector<1x16xf32> to vector<16xf32>
        %swap3A_708 = vector.shape_cast %add3A_703 : vector<16xf32> to vector<1x16xf32>
        tpu.vector_store %arg14[%swap3A_704, %swap3A_705], %swap3A_708 {strides = array<i32>} : memref<64x64xf32, #tpu.memory_space<vmem>>, vector<1x16xf32>,
        %get3A_709 = arith.index_cast %add3A_654 : i32 to index
        %get3A_710 = arith.constant 48 : index
        %get3A_711 = tpu.vector_load %arg14[%get3A_709, %get3A_710] {strides = array<i32>} : memref<64x64xf32, #tpu.memory_space<vmem>>, vector<1x16xf32>,
        %get3A_712 = vector.shape_cast %get3A_711 : vector<1x16xf32> to vector<16xf32>
        %mul3A_713 = arith.mulf %broadcast_in_dim3A_657, %get3A_712 : vector<16xf32>
        %get3A_714 = arith.index_cast %add3A_654 : i32 to index
        %get3A_715 = arith.constant 48 : index
        %get3A_716 = tpu.vector_load %arg15[%get3A_714, %get3A_715] {strides = array<i32>} : memref<64x64xf32, #tpu.memory_space<vmem>>, vector<1x16xf32>,
        %get3A_717 = vector.shape_cast %get3A_716 : vector<1x16xf32> to vector<16xf32>
        %mul3A_718 = arith.mulf %sub3A_660, %get3A_717 : vector<16xf32>
        %add3A_719 = arith.addf %mul3A_713, %mul3A_718 : vector<16xf32>
        %swap3A_720 = arith.index_cast %add3A_654 : i32 to index
        %swap3A_721 = arith.constant 48 : index
        %swap3A_722 = tpu.vector_load %arg14[%swap3A_720, %swap3A_721] {strides = array<i32>} : memref<64x64xf32, #tpu.memory_space<vmem>>, vector<1x16xf32>,
        %swap3A_723 = vector.shape_cast %swap3A_722 : vector<1x16xf32> to vector<16xf32>
        %swap3A_724 = vector.shape_cast %add3A_719 : vector<16xf32> to vector<1x16xf32>
        tpu.vector_store %arg14[%swap3A_720, %swap3A_721], %swap3A_724 {strides = array<i32>} : memref<64x64xf32, #tpu.memory_space<vmem>>, vector<1x16xf32>,
        %mul3A_725 = arith.constant 16 : i32
        %mul3A_726 = arith.muli %scan3A_58, %mul3A_725 : i32
        %add3A_727 = arith.constant 9 : i32
        %add3A_728 = arith.addi %mul3A_726, %add3A_727 : i32
        %slice3A_729 = vector.extract_strided_slice %get3A_62 {offsets = [9], sizes = [1], strides = [1]} : vector<16xf32> to vector<1xf32>
        %squeeze3A_730 = vector.extract %slice3A_729[0] : f32 from vector<1xf32>
        %broadcast_in_dim3A_731 = vector.broadcast %squeeze3A_730 : f32 to vector<16xf32>
        %sub3A_732 = arith.constant 1.000000e+00 : f32
        %sub3A_733 = vector.broadcast %sub3A_732 : f32 to vector<16xf32>
        %sub3A_734 = arith.subf %sub3A_733, %broadcast_in_dim3A_731 : vector<16xf32>
        %get3A_735 = arith.index_cast %add3A_728 : i32 to index
        %get3A_736 = arith.constant 0 : index
        %get3A_737 = tpu.vector_load %arg14[%get3A_735, %get3A_736] {strides = array<i32>} : memref<64x64xf32, #tpu.memory_space<vmem>>, vector<1x16xf32>,
        %get3A_738 = vector.shape_cast %get3A_737 : vector<1x16xf32> to vector<16xf32>
        %mul3A_739 = arith.mulf %broadcast_in_dim3A_731, %get3A_738 : vector<16xf32>
        %get3A_740 = arith.index_cast %add3A_728 : i32 to index
        %get3A_741 = arith.constant 0 : index
        %get3A_742 = tpu.vector_load %arg15[%get3A_740, %get3A_741] {strides = array<i32>} : memref<64x64xf32, #tpu.memory_space<vmem>>, vector<1x16xf32>,
        %get3A_743 = vector.shape_cast %get3A_742 : vector<1x16xf32> to vector<16xf32>
        %mul3A_744 = arith.mulf %sub3A_734, %get3A_743 : vector<16xf32>
        %add3A_745 = arith.addf %mul3A_739, %mul3A_744 : vector<16xf32>
        %swap3A_746 = arith.index_cast %add3A_728 : i32 to index
        %swap3A_747 = arith.constant 0 : index
        %swap3A_748 = tpu.vector_load %arg14[%swap3A_746, %swap3A_747] {strides = array<i32>} : memref<64x64xf32, #tpu.memory_space<vmem>>, vector<1x16xf32>,
        %swap3A_749 = vector.shape_cast %swap3A_748 : vector<1x16xf32> to vector<16xf32>
        %swap3A_750 = vector.shape_cast %add3A_745 : vector<16xf32> to vector<1x16xf32>
        tpu.vector_store %arg14[%swap3A_746, %swap3A_747], %swap3A_750 {strides = array<i32>} : memref<64x64xf32, #tpu.memory_space<vmem>>, vector<1x16xf32>,
        %get3A_751 = arith.index_cast %add3A_728 : i32 to index
        %get3A_752 = arith.constant 16 : index
        %get3A_753 = tpu.vector_load %arg14[%get3A_751, %get3A_752] {strides = array<i32>} : memref<64x64xf32, #tpu.memory_space<vmem>>, vector<1x16xf32>,
        %get3A_754 = vector.shape_cast %get3A_753 : vector<1x16xf32> to vector<16xf32>
        %mul3A_755 = arith.mulf %broadcast_in_dim3A_731, %get3A_754 : vector<16xf32>
        %get3A_756 = arith.index_cast %add3A_728 : i32 to index
        %get3A_757 = arith.constant 16 : index
        %get3A_758 = tpu.vector_load %arg15[%get3A_756, %get3A_757] {strides = array<i32>} : memref<64x64xf32, #tpu.memory_space<vmem>>, vector<1x16xf32>,
        %get3A_759 = vector.shape_cast %get3A_758 : vector<1x16xf32> to vector<16xf32>
        %mul3A_760 = arith.mulf %sub3A_734, %get3A_759 : vector<16xf32>
        %add3A_761 = arith.addf %mul3A_755, %mul3A_760 : vector<16xf32>
        %swap3A_762 = arith.index_cast %add3A_728 : i32 to index
        %swap3A_763 = arith.constant 16 : index
        %swap3A_764 = tpu.vector_load %arg14[%swap3A_762, %swap3A_763] {strides = array<i32>} : memref<64x64xf32, #tpu.memory_space<vmem>>, vector<1x16xf32>,
        %swap3A_765 = vector.shape_cast %swap3A_764 : vector<1x16xf32> to vector<16xf32>
        %swap3A_766 = vector.shape_cast %add3A_761 : vector<16xf32> to vector<1x16xf32>
        tpu.vector_store %arg14[%swap3A_762, %swap3A_763], %swap3A_766 {strides = array<i32>} : memref<64x64xf32, #tpu.memory_space<vmem>>, vector<1x16xf32>,
        %get3A_767 = arith.index_cast %add3A_728 : i32 to index
        %get3A_768 = arith.constant 32 : index
        %get3A_769 = tpu.vector_load %arg14[%get3A_767, %get3A_768] {strides = array<i32>} : memref<64x64xf32, #tpu.memory_space<vmem>>, vector<1x16xf32>,
        %get3A_770 = vector.shape_cast %get3A_769 : vector<1x16xf32> to vector<16xf32>
        %mul3A_771 = arith.mulf %broadcast_in_dim3A_731, %get3A_770 : vector<16xf32>
        %get3A_772 = arith.index_cast %add3A_728 : i32 to index
        %get3A_773 = arith.constant 32 : index
        %get3A_774 = tpu.vector_load %arg15[%get3A_772, %get3A_773] {strides = array<i32>} : memref<64x64xf32, #tpu.memory_space<vmem>>, vector<1x16xf32>,
        %get3A_775 = vector.shape_cast %get3A_774 : vector<1x16xf32> to vector<16xf32>
        %mul3A_776 = arith.mulf %sub3A_734, %get3A_775 : vector<16xf32>
        %add3A_777 = arith.addf %mul3A_771, %mul3A_776 : vector<16xf32>
        %swap3A_778 = arith.index_cast %add3A_728 : i32 to index
        %swap3A_779 = arith.constant 32 : index
        %swap3A_780 = tpu.vector_load %arg14[%swap3A_778, %swap3A_779] {strides = array<i32>} : memref<64x64xf32, #tpu.memory_space<vmem>>, vector<1x16xf32>,
        %swap3A_781 = vector.shape_cast %swap3A_780 : vector<1x16xf32> to vector<16xf32>
        %swap3A_782 = vector.shape_cast %add3A_777 : vector<16xf32> to vector<1x16xf32>
        tpu.vector_store %arg14[%swap3A_778, %swap3A_779], %swap3A_782 {strides = array<i32>} : memref<64x64xf32, #tpu.memory_space<vmem>>, vector<1x16xf32>,
        %get3A_783 = arith.index_cast %add3A_728 : i32 to index
        %get3A_784 = arith.constant 48 : index
        %get3A_785 = tpu.vector_load %arg14[%get3A_783, %get3A_784] {strides = array<i32>} : memref<64x64xf32, #tpu.memory_space<vmem>>, vector<1x16xf32>,
        %get3A_786 = vector.shape_cast %get3A_785 : vector<1x16xf32> to vector<16xf32>
        %mul3A_787 = arith.mulf %broadcast_in_dim3A_731, %get3A_786 : vector<16xf32>
        %get3A_788 = arith.index_cast %add3A_728 : i32 to index
        %get3A_789 = arith.constant 48 : index
        %get3A_790 = tpu.vector_load %arg15[%get3A_788, %get3A_789] {strides = array<i32>} : memref<64x64xf32, #tpu.memory_space<vmem>>, vector<1x16xf32>,
        %get3A_791 = vector.shape_cast %get3A_790 : vector<1x16xf32> to vector<16xf32>
        %mul3A_792 = arith.mulf %sub3A_734, %get3A_791 : vector<16xf32>
        %add3A_793 = arith.addf %mul3A_787, %mul3A_792 : vector<16xf32>
        %swap3A_794 = arith.index_cast %add3A_728 : i32 to index
        %swap3A_795 = arith.constant 48 : index
        %swap3A_796 = tpu.vector_load %arg14[%swap3A_794, %swap3A_795] {strides = array<i32>} : memref<64x64xf32, #tpu.memory_space<vmem>>, vector<1x16xf32>,
        %swap3A_797 = vector.shape_cast %swap3A_796 : vector<1x16xf32> to vector<16xf32>
        %swap3A_798 = vector.shape_cast %add3A_793 : vector<16xf32> to vector<1x16xf32>
        tpu.vector_store %arg14[%swap3A_794, %swap3A_795], %swap3A_798 {strides = array<i32>} : memref<64x64xf32, #tpu.memory_space<vmem>>, vector<1x16xf32>,
        %mul3A_799 = arith.constant 16 : i32
        %mul3A_800 = arith.muli %scan3A_58, %mul3A_799 : i32
        %add3A_801 = arith.constant 10 : i32
        %add3A_802 = arith.addi %mul3A_800, %add3A_801 : i32
        %slice3A_803 = vector.extract_strided_slice %get3A_62 {offsets = [10], sizes = [1], strides = [1]} : vector<16xf32> to vector<1xf32>
        %squeeze3A_804 = vector.extract %slice3A_803[0] : f32 from vector<1xf32>
        %broadcast_in_dim3A_805 = vector.broadcast %squeeze3A_804 : f32 to vector<16xf32>
        %sub3A_806 = arith.constant 1.000000e+00 : f32
        %sub3A_807 = vector.broadcast %sub3A_806 : f32 to vector<16xf32>
        %sub3A_808 = arith.subf %sub3A_807, %broadcast_in_dim3A_805 : vector<16xf32>
        %get3A_809 = arith.index_cast %add3A_802 : i32 to index
        %get3A_810 = arith.constant 0 : index
        %get3A_811 = tpu.vector_load %arg14[%get3A_809, %get3A_810] {strides = array<i32>} : memref<64x64xf32, #tpu.memory_space<vmem>>, vector<1x16xf32>,
        %get3A_812 = vector.shape_cast %get3A_811 : vector<1x16xf32> to vector<16xf32>
        %mul3A_813 = arith.mulf %broadcast_in_dim3A_805, %get3A_812 : vector<16xf32>
        %get3A_814 = arith.index_cast %add3A_802 : i32 to index
        %get3A_815 = arith.constant 0 : index
        %get3A_816 = tpu.vector_load %arg15[%get3A_814, %get3A_815] {strides = array<i32>} : memref<64x64xf32, #tpu.memory_space<vmem>>, vector<1x16xf32>,
        %get3A_817 = vector.shape_cast %get3A_816 : vector<1x16xf32> to vector<16xf32>
        %mul3A_818 = arith.mulf %sub3A_808, %get3A_817 : vector<16xf32>
        %add3A_819 = arith.addf %mul3A_813, %mul3A_818 : vector<16xf32>
        %swap3A_820 = arith.index_cast %add3A_802 : i32 to index
        %swap3A_821 = arith.constant 0 : index
        %swap3A_822 = tpu.vector_load %arg14[%swap3A_820, %swap3A_821] {strides = array<i32>} : memref<64x64xf32, #tpu.memory_space<vmem>>, vector<1x16xf32>,
        %swap3A_823 = vector.shape_cast %swap3A_822 : vector<1x16xf32> to vector<16xf32>
        %swap3A_824 = vector.shape_cast %add3A_819 : vector<16xf32> to vector<1x16xf32>
        tpu.vector_store %arg14[%swap3A_820, %swap3A_821], %swap3A_824 {strides = array<i32>} : memref<64x64xf32, #tpu.memory_space<vmem>>, vector<1x16xf32>,
        %get3A_825 = arith.index_cast %add3A_802 : i32 to index
        %get3A_826 = arith.constant 16 : index
        %get3A_827 = tpu.vector_load %arg14[%get3A_825, %get3A_826] {strides = array<i32>} : memref<64x64xf32, #tpu.memory_space<vmem>>, vector<1x16xf32>,
        %get3A_828 = vector.shape_cast %get3A_827 : vector<1x16xf32> to vector<16xf32>
        %mul3A_829 = arith.mulf %broadcast_in_dim3A_805, %get3A_828 : vector<16xf32>
        %get3A_830 = arith.index_cast %add3A_802 : i32 to index
        %get3A_831 = arith.constant 16 : index
        %get3A_832 = tpu.vector_load %arg15[%get3A_830, %get3A_831] {strides = array<i32>} : memref<64x64xf32, #tpu.memory_space<vmem>>, vector<1x16xf32>,
        %get3A_833 = vector.shape_cast %get3A_832 : vector<1x16xf32> to vector<16xf32>
        %mul3A_834 = arith.mulf %sub3A_808, %get3A_833 : vector<16xf32>
        %add3A_835 = arith.addf %mul3A_829, %mul3A_834 : vector<16xf32>
        %swap3A_836 = arith.index_cast %add3A_802 : i32 to index
        %swap3A_837 = arith.constant 16 : index
        %swap3A_838 = tpu.vector_load %arg14[%swap3A_836, %swap3A_837] {strides = array<i32>} : memref<64x64xf32, #tpu.memory_space<vmem>>, vector<1x16xf32>,
        %swap3A_839 = vector.shape_cast %swap3A_838 : vector<1x16xf32> to vector<16xf32>
        %swap3A_840 = vector.shape_cast %add3A_835 : vector<16xf32> to vector<1x16xf32>
        tpu.vector_store %arg14[%swap3A_836, %swap3A_837], %swap3A_840 {strides = array<i32>} : memref<64x64xf32, #tpu.memory_space<vmem>>, vector<1x16xf32>,
        %get3A_841 = arith.index_cast %add3A_802 : i32 to index
        %get3A_842 = arith.constant 32 : index
        %get3A_843 = tpu.vector_load %arg14[%get3A_841, %get3A_842] {strides = array<i32>} : memref<64x64xf32, #tpu.memory_space<vmem>>, vector<1x16xf32>,
        %get3A_844 = vector.shape_cast %get3A_843 : vector<1x16xf32> to vector<16xf32>
        %mul3A_845 = arith.mulf %broadcast_in_dim3A_805, %get3A_844 : vector<16xf32>
        %get3A_846 = arith.index_cast %add3A_802 : i32 to index
        %get3A_847 = arith.constant 32 : index
        %get3A_848 = tpu.vector_load %arg15[%get3A_846, %get3A_847] {strides = array<i32>} : memref<64x64xf32, #tpu.memory_space<vmem>>, vector<1x16xf32>,
        %get3A_849 = vector.shape_cast %get3A_848 : vector<1x16xf32> to vector<16xf32>
        %mul3A_850 = arith.mulf %sub3A_808, %get3A_849 : vector<16xf32>
        %add3A_851 = arith.addf %mul3A_845, %mul3A_850 : vector<16xf32>
        %swap3A_852 = arith.index_cast %add3A_802 : i32 to index
        %swap3A_853 = arith.constant 32 : index
        %swap3A_854 = tpu.vector_load %arg14[%swap3A_852, %swap3A_853] {strides = array<i32>} : memref<64x64xf32, #tpu.memory_space<vmem>>, vector<1x16xf32>,
        %swap3A_855 = vector.shape_cast %swap3A_854 : vector<1x16xf32> to vector<16xf32>
        %swap3A_856 = vector.shape_cast %add3A_851 : vector<16xf32> to vector<1x16xf32>
        tpu.vector_store %arg14[%swap3A_852, %swap3A_853], %swap3A_856 {strides = array<i32>} : memref<64x64xf32, #tpu.memory_space<vmem>>, vector<1x16xf32>,
        %get3A_857 = arith.index_cast %add3A_802 : i32 to index
        %get3A_858 = arith.constant 48 : index
        %get3A_859 = tpu.vector_load %arg14[%get3A_857, %get3A_858] {strides = array<i32>} : memref<64x64xf32, #tpu.memory_space<vmem>>, vector<1x16xf32>,
        %get3A_860 = vector.shape_cast %get3A_859 : vector<1x16xf32> to vector<16xf32>
        %mul3A_861 = arith.mulf %broadcast_in_dim3A_805, %get3A_860 : vector<16xf32>
        %get3A_862 = arith.index_cast %add3A_802 : i32 to index
        %get3A_863 = arith.constant 48 : index
        %get3A_864 = tpu.vector_load %arg15[%get3A_862, %get3A_863] {strides = array<i32>} : memref<64x64xf32, #tpu.memory_space<vmem>>, vector<1x16xf32>,
        %get3A_865 = vector.shape_cast %get3A_864 : vector<1x16xf32> to vector<16xf32>
        %mul3A_866 = arith.mulf %sub3A_808, %get3A_865 : vector<16xf32>
        %add3A_867 = arith.addf %mul3A_861, %mul3A_866 : vector<16xf32>
        %swap3A_868 = arith.index_cast %add3A_802 : i32 to index
        %swap3A_869 = arith.constant 48 : index
        %swap3A_870 = tpu.vector_load %arg14[%swap3A_868, %swap3A_869] {strides = array<i32>} : memref<64x64xf32, #tpu.memory_space<vmem>>, vector<1x16xf32>,
        %swap3A_871 = vector.shape_cast %swap3A_870 : vector<1x16xf32> to vector<16xf32>
        %swap3A_872 = vector.shape_cast %add3A_867 : vector<16xf32> to vector<1x16xf32>
        tpu.vector_store %arg14[%swap3A_868, %swap3A_869], %swap3A_872 {strides = array<i32>} : memref<64x64xf32, #tpu.memory_space<vmem>>, vector<1x16xf32>,
        %mul3A_873 = arith.constant 16 : i32
        %mul3A_874 = arith.muli %scan3A_58, %mul3A_873 : i32
        %add3A_875 = arith.constant 11 : i32
        %add3A_876 = arith.addi %mul3A_874, %add3A_875 : i32
        %slice3A_877 = vector.extract_strided_slice %get3A_62 {offsets = [11], sizes = [1], strides = [1]} : vector<16xf32> to vector<1xf32>
        %squeeze3A_878 = vector.extract %slice3A_877[0] : f32 from vector<1xf32>
        %broadcast_in_dim3A_879 = vector.broadcast %squeeze3A_878 : f32 to vector<16xf32>
        %sub3A_880 = arith.constant 1.000000e+00 : f32
        %sub3A_881 = vector.broadcast %sub3A_880 : f32 to vector<16xf32>
        %sub3A_882 = arith.subf %sub3A_881, %broadcast_in_dim3A_879 : vector<16xf32>
        %get3A_883 = arith.index_cast %add3A_876 : i32 to index
        %get3A_884 = arith.constant 0 : index
        %get3A_885 = tpu.vector_load %arg14[%get3A_883, %get3A_884] {strides = array<i32>} : memref<64x64xf32, #tpu.memory_space<vmem>>, vector<1x16xf32>,
        %get3A_886 = vector.shape_cast %get3A_885 : vector<1x16xf32> to vector<16xf32>
        %mul3A_887 = arith.mulf %broadcast_in_dim3A_879, %get3A_886 : vector<16xf32>
        %get3A_888 = arith.index_cast %add3A_876 : i32 to index
        %get3A_889 = arith.constant 0 : index
        %get3A_890 = tpu.vector_load %arg15[%get3A_888, %get3A_889] {strides = array<i32>} : memref<64x64xf32, #tpu.memory_space<vmem>>, vector<1x16xf32>,
        %get3A_891 = vector.shape_cast %get3A_890 : vector<1x16xf32> to vector<16xf32>
        %mul3A_892 = arith.mulf %sub3A_882, %get3A_891 : vector<16xf32>
        %add3A_893 = arith.addf %mul3A_887, %mul3A_892 : vector<16xf32>
        %swap3A_894 = arith.index_cast %add3A_876 : i32 to index
        %swap3A_895 = arith.constant 0 : index
        %swap3A_896 = tpu.vector_load %arg14[%swap3A_894, %swap3A_895] {strides = array<i32>} : memref<64x64xf32, #tpu.memory_space<vmem>>, vector<1x16xf32>,
        %swap3A_897 = vector.shape_cast %swap3A_896 : vector<1x16xf32> to vector<16xf32>
        %swap3A_898 = vector.shape_cast %add3A_893 : vector<16xf32> to vector<1x16xf32>
        tpu.vector_store %arg14[%swap3A_894, %swap3A_895], %swap3A_898 {strides = array<i32>} : memref<64x64xf32, #tpu.memory_space<vmem>>, vector<1x16xf32>,
        %get3A_899 = arith.index_cast %add3A_876 : i32 to index
        %get3A_900 = arith.constant 16 : index
        %get3A_901 = tpu.vector_load %arg14[%get3A_899, %get3A_900] {strides = array<i32>} : memref<64x64xf32, #tpu.memory_space<vmem>>, vector<1x16xf32>,
        %get3A_902 = vector.shape_cast %get3A_901 : vector<1x16xf32> to vector<16xf32>
        %mul3A_903 = arith.mulf %broadcast_in_dim3A_879, %get3A_902 : vector<16xf32>
        %get3A_904 = arith.index_cast %add3A_876 : i32 to index
        %get3A_905 = arith.constant 16 : index
        %get3A_906 = tpu.vector_load %arg15[%get3A_904, %get3A_905] {strides = array<i32>} : memref<64x64xf32, #tpu.memory_space<vmem>>, vector<1x16xf32>,
        %get3A_907 = vector.shape_cast %get3A_906 : vector<1x16xf32> to vector<16xf32>
        %mul3A_908 = arith.mulf %sub3A_882, %get3A_907 : vector<16xf32>
        %add3A_909 = arith.addf %mul3A_903, %mul3A_908 : vector<16xf32>
        %swap3A_910 = arith.index_cast %add3A_876 : i32 to index
        %swap3A_911 = arith.constant 16 : index
        %swap3A_912 = tpu.vector_load %arg14[%swap3A_910, %swap3A_911] {strides = array<i32>} : memref<64x64xf32, #tpu.memory_space<vmem>>, vector<1x16xf32>,
        %swap3A_913 = vector.shape_cast %swap3A_912 : vector<1x16xf32> to vector<16xf32>
        %swap3A_914 = vector.shape_cast %add3A_909 : vector<16xf32> to vector<1x16xf32>
        tpu.vector_store %arg14[%swap3A_910, %swap3A_911], %swap3A_914 {strides = array<i32>} : memref<64x64xf32, #tpu.memory_space<vmem>>, vector<1x16xf32>,
        %get3A_915 = arith.index_cast %add3A_876 : i32 to index
        %get3A_916 = arith.constant 32 : index
        %get3A_917 = tpu.vector_load %arg14[%get3A_915, %get3A_916] {strides = array<i32>} : memref<64x64xf32, #tpu.memory_space<vmem>>, vector<1x16xf32>,
        %get3A_918 = vector.shape_cast %get3A_917 : vector<1x16xf32> to vector<16xf32>
        %mul3A_919 = arith.mulf %broadcast_in_dim3A_879, %get3A_918 : vector<16xf32>
        %get3A_920 = arith.index_cast %add3A_876 : i32 to index
        %get3A_921 = arith.constant 32 : index
        %get3A_922 = tpu.vector_load %arg15[%get3A_920, %get3A_921] {strides = array<i32>} : memref<64x64xf32, #tpu.memory_space<vmem>>, vector<1x16xf32>,
        %get3A_923 = vector.shape_cast %get3A_922 : vector<1x16xf32> to vector<16xf32>
        %mul3A_924 = arith.mulf %sub3A_882, %get3A_923 : vector<16xf32>
        %add3A_925 = arith.addf %mul3A_919, %mul3A_924 : vector<16xf32>
        %swap3A_926 = arith.index_cast %add3A_876 : i32 to index
        %swap3A_927 = arith.constant 32 : index
        %swap3A_928 = tpu.vector_load %arg14[%swap3A_926, %swap3A_927] {strides = array<i32>} : memref<64x64xf32, #tpu.memory_space<vmem>>, vector<1x16xf32>,
        %swap3A_929 = vector.shape_cast %swap3A_928 : vector<1x16xf32> to vector<16xf32>
        %swap3A_930 = vector.shape_cast %add3A_925 : vector<16xf32> to vector<1x16xf32>
        tpu.vector_store %arg14[%swap3A_926, %swap3A_927], %swap3A_930 {strides = array<i32>} : memref<64x64xf32, #tpu.memory_space<vmem>>, vector<1x16xf32>,
        %get3A_931 = arith.index_cast %add3A_876 : i32 to index
        %get3A_932 = arith.constant 48 : index
        %get3A_933 = tpu.vector_load %arg14[%get3A_931, %get3A_932] {strides = array<i32>} : memref<64x64xf32, #tpu.memory_space<vmem>>, vector<1x16xf32>,
        %get3A_934 = vector.shape_cast %get3A_933 : vector<1x16xf32> to vector<16xf32>
        %mul3A_935 = arith.mulf %broadcast_in_dim3A_879, %get3A_934 : vector<16xf32>
        %get3A_936 = arith.index_cast %add3A_876 : i32 to index
        %get3A_937 = arith.constant 48 : index
        %get3A_938 = tpu.vector_load %arg15[%get3A_936, %get3A_937] {strides = array<i32>} : memref<64x64xf32, #tpu.memory_space<vmem>>, vector<1x16xf32>,
        %get3A_939 = vector.shape_cast %get3A_938 : vector<1x16xf32> to vector<16xf32>
        %mul3A_940 = arith.mulf %sub3A_882, %get3A_939 : vector<16xf32>
        %add3A_941 = arith.addf %mul3A_935, %mul3A_940 : vector<16xf32>
        %swap3A_942 = arith.index_cast %add3A_876 : i32 to index
        %swap3A_943 = arith.constant 48 : index
        %swap3A_944 = tpu.vector_load %arg14[%swap3A_942, %swap3A_943] {strides = array<i32>} : memref<64x64xf32, #tpu.memory_space<vmem>>, vector<1x16xf32>,
        %swap3A_945 = vector.shape_cast %swap3A_944 : vector<1x16xf32> to vector<16xf32>
        %swap3A_946 = vector.shape_cast %add3A_941 : vector<16xf32> to vector<1x16xf32>
        tpu.vector_store %arg14[%swap3A_942, %swap3A_943], %swap3A_946 {strides = array<i32>} : memref<64x64xf32, #tpu.memory_space<vmem>>, vector<1x16xf32>,
        %mul3A_947 = arith.constant 16 : i32
        %mul3A_948 = arith.muli %scan3A_58, %mul3A_947 : i32
        %add3A_949 = arith.constant 12 : i32
        %add3A_950 = arith.addi %mul3A_948, %add3A_949 : i32
        %slice3A_951 = vector.extract_strided_slice %get3A_62 {offsets = [12], sizes = [1], strides = [1]} : vector<16xf32> to vector<1xf32>
        %squeeze3A_952 = vector.extract %slice3A_951[0] : f32 from vector<1xf32>
        %broadcast_in_dim3A_953 = vector.broadcast %squeeze3A_952 : f32 to vector<16xf32>
        %sub3A_954 = arith.constant 1.000000e+00 : f32
        %sub3A_955 = vector.broadcast %sub3A_954 : f32 to vector<16xf32>
        %sub3A_956 = arith.subf %sub3A_955, %broadcast_in_dim3A_953 : vector<16xf32>
        %get3A_957 = arith.index_cast %add3A_950 : i32 to index
        %get3A_958 = arith.constant 0 : index
        %get3A_959 = tpu.vector_load %arg14[%get3A_957, %get3A_958] {strides = array<i32>} : memref<64x64xf32, #tpu.memory_space<vmem>>, vector<1x16xf32>,
        %get3A_960 = vector.shape_cast %get3A_959 : vector<1x16xf32> to vector<16xf32>
        %mul3A_961 = arith.mulf %broadcast_in_dim3A_953, %get3A_960 : vector<16xf32>
        %get3A_962 = arith.index_cast %add3A_950 : i32 to index
        %get3A_963 = arith.constant 0 : index
        %get3A_964 = tpu.vector_load %arg15[%get3A_962, %get3A_963] {strides = array<i32>} : memref<64x64xf32, #tpu.memory_space<vmem>>, vector<1x16xf32>,
        %get3A_965 = vector.shape_cast %get3A_964 : vector<1x16xf32> to vector<16xf32>
        %mul3A_966 = arith.mulf %sub3A_956, %get3A_965 : vector<16xf32>
        %add3A_967 = arith.addf %mul3A_961, %mul3A_966 : vector<16xf32>
        %swap3A_968 = arith.index_cast %add3A_950 : i32 to index
        %swap3A_969 = arith.constant 0 : index
        %swap3A_970 = tpu.vector_load %arg14[%swap3A_968, %swap3A_969] {strides = array<i32>} : memref<64x64xf32, #tpu.memory_space<vmem>>, vector<1x16xf32>,
        %swap3A_971 = vector.shape_cast %swap3A_970 : vector<1x16xf32> to vector<16xf32>
        %swap3A_972 = vector.shape_cast %add3A_967 : vector<16xf32> to vector<1x16xf32>
        tpu.vector_store %arg14[%swap3A_968, %swap3A_969], %swap3A_972 {strides = array<i32>} : memref<64x64xf32, #tpu.memory_space<vmem>>, vector<1x16xf32>,
        %get3A_973 = arith.index_cast %add3A_950 : i32 to index
        %get3A_974 = arith.constant 16 : index
        %get3A_975 = tpu.vector_load %arg14[%get3A_973, %get3A_974] {strides = array<i32>} : memref<64x64xf32, #tpu.memory_space<vmem>>, vector<1x16xf32>,
        %get3A_976 = vector.shape_cast %get3A_975 : vector<1x16xf32> to vector<16xf32>
        %mul3A_977 = arith.mulf %broadcast_in_dim3A_953, %get3A_976 : vector<16xf32>
        %get3A_978 = arith.index_cast %add3A_950 : i32 to index
        %get3A_979 = arith.constant 16 : index
        %get3A_980 = tpu.vector_load %arg15[%get3A_978, %get3A_979] {strides = array<i32>} : memref<64x64xf32, #tpu.memory_space<vmem>>, vector<1x16xf32>,
        %get3A_981 = vector.shape_cast %get3A_980 : vector<1x16xf32> to vector<16xf32>
        %mul3A_982 = arith.mulf %sub3A_956, %get3A_981 : vector<16xf32>
        %add3A_983 = arith.addf %mul3A_977, %mul3A_982 : vector<16xf32>
        %swap3A_984 = arith.index_cast %add3A_950 : i32 to index
        %swap3A_985 = arith.constant 16 : index
        %swap3A_986 = tpu.vector_load %arg14[%swap3A_984, %swap3A_985] {strides = array<i32>} : memref<64x64xf32, #tpu.memory_space<vmem>>, vector<1x16xf32>,
        %swap3A_987 = vector.shape_cast %swap3A_986 : vector<1x16xf32> to vector<16xf32>
        %swap3A_988 = vector.shape_cast %add3A_983 : vector<16xf32> to vector<1x16xf32>
        tpu.vector_store %arg14[%swap3A_984, %swap3A_985], %swap3A_988 {strides = array<i32>} : memref<64x64xf32, #tpu.memory_space<vmem>>, vector<1x16xf32>,
        %get3A_989 = arith.index_cast %add3A_950 : i32 to index
        %get3A_990 = arith.constant 32 : index
        %get3A_991 = tpu.vector_load %arg14[%get3A_989, %get3A_990] {strides = array<i32>} : memref<64x64xf32, #tpu.memory_space<vmem>>, vector<1x16xf32>,
        %get3A_992 = vector.shape_cast %get3A_991 : vector<1x16xf32> to vector<16xf32>
        %mul3A_993 = arith.mulf %broadcast_in_dim3A_953, %get3A_992 : vector<16xf32>
        %get3A_994 = arith.index_cast %add3A_950 : i32 to index
        %get3A_995 = arith.constant 32 : index
        %get3A_996 = tpu.vector_load %arg15[%get3A_994, %get3A_995] {strides = array<i32>} : memref<64x64xf32, #tpu.memory_space<vmem>>, vector<1x16xf32>,
        %get3A_997 = vector.shape_cast %get3A_996 : vector<1x16xf32> to vector<16xf32>
        %mul3A_998 = arith.mulf %sub3A_956, %get3A_997 : vector<16xf32>
        %add3A_999 = arith.addf %mul3A_993, %mul3A_998 : vector<16xf32>
        %swap3A_1000 = arith.index_cast %add3A_950 : i32 to index
        %swap3A_1001 = arith.constant 32 : index
        %swap3A_1002 = tpu.vector_load %arg14[%swap3A_1000, %swap3A_1001] {strides = array<i32>} : memref<64x64xf32, #tpu.memory_space<vmem>>, vector<1x16xf32>,
        %swap3A_1003 = vector.shape_cast %swap3A_1002 : vector<1x16xf32> to vector<16xf32>
        %swap3A_1004 = vector.shape_cast %add3A_999 : vector<16xf32> to vector<1x16xf32>
        tpu.vector_store %arg14[%swap3A_1000, %swap3A_1001], %swap3A_1004 {strides = array<i32>} : memref<64x64xf32, #tpu.memory_space<vmem>>, vector<1x16xf32>,
        %get3A_1005 = arith.index_cast %add3A_950 : i32 to index
        %get3A_1006 = arith.constant 48 : index
        %get3A_1007 = tpu.vector_load %arg14[%get3A_1005, %get3A_1006] {strides = array<i32>} : memref<64x64xf32, #tpu.memory_space<vmem>>, vector<1x16xf32>,
        %get3A_1008 = vector.shape_cast %get3A_1007 : vector<1x16xf32> to vector<16xf32>
        %mul3A_1009 = arith.mulf %broadcast_in_dim3A_953, %get3A_1008 : vector<16xf32>
        %get3A_1010 = arith.index_cast %add3A_950 : i32 to index
        %get3A_1011 = arith.constant 48 : index
        %get3A_1012 = tpu.vector_load %arg15[%get3A_1010, %get3A_1011] {strides = array<i32>} : memref<64x64xf32, #tpu.memory_space<vmem>>, vector<1x16xf32>,
        %get3A_1013 = vector.shape_cast %get3A_1012 : vector<1x16xf32> to vector<16xf32>
        %mul3A_1014 = arith.mulf %sub3A_956, %get3A_1013 : vector<16xf32>
        %add3A_1015 = arith.addf %mul3A_1009, %mul3A_1014 : vector<16xf32>
        %swap3A_1016 = arith.index_cast %add3A_950 : i32 to index
        %swap3A_1017 = arith.constant 48 : index
        %swap3A_1018 = tpu.vector_load %arg14[%swap3A_1016, %swap3A_1017] {strides = array<i32>} : memref<64x64xf32, #tpu.memory_space<vmem>>, vector<1x16xf32>,
        %swap3A_1019 = vector.shape_cast %swap3A_1018 : vector<1x16xf32> to vector<16xf32>
        %swap3A_1020 = vector.shape_cast %add3A_1015 : vector<16xf32> to vector<1x16xf32>
        tpu.vector_store %arg14[%swap3A_1016, %swap3A_1017], %swap3A_1020 {strides = array<i32>} : memref<64x64xf32, #tpu.memory_space<vmem>>, vector<1x16xf32>,
        %mul3A_1021 = arith.constant 16 : i32
        %mul3A_1022 = arith.muli %scan3A_58, %mul3A_1021 : i32
        %add3A_1023 = arith.constant 13 : i32
        %add3A_1024 = arith.addi %mul3A_1022, %add3A_1023 : i32
        %slice3A_1025 = vector.extract_strided_slice %get3A_62 {offsets = [13], sizes = [1], strides = [1]} : vector<16xf32> to vector<1xf32>
        %squeeze3A_1026 = vector.extract %slice3A_1025[0] : f32 from vector<1xf32>
        %broadcast_in_dim3A_1027 = vector.broadcast %squeeze3A_1026 : f32 to vector<16xf32>
        %sub3A_1028 = arith.constant 1.000000e+00 : f32
        %sub3A_1029 = vector.broadcast %sub3A_1028 : f32 to vector<16xf32>
        %sub3A_1030 = arith.subf %sub3A_1029, %broadcast_in_dim3A_1027 : vector<16xf32>
        %get3A_1031 = arith.index_cast %add3A_1024 : i32 to index
        %get3A_1032 = arith.constant 0 : index
        %get3A_1033 = tpu.vector_load %arg14[%get3A_1031, %get3A_1032] {strides = array<i32>} : memref<64x64xf32, #tpu.memory_space<vmem>>, vector<1x16xf32>,
        %get3A_1034 = vector.shape_cast %get3A_1033 : vector<1x16xf32> to vector<16xf32>
        %mul3A_1035 = arith.mulf %broadcast_in_dim3A_1027, %get3A_1034 : vector<16xf32>
        %get3A_1036 = arith.index_cast %add3A_1024 : i32 to index
        %get3A_1037 = arith.constant 0 : index
        %get3A_1038 = tpu.vector_load %arg15[%get3A_1036, %get3A_1037] {strides = array<i32>} : memref<64x64xf32, #tpu.memory_space<vmem>>, vector<1x16xf32>,
        %get3A_1039 = vector.shape_cast %get3A_1038 : vector<1x16xf32> to vector<16xf32>
        %mul3A_1040 = arith.mulf %sub3A_1030, %get3A_1039 : vector<16xf32>
        %add3A_1041 = arith.addf %mul3A_1035, %mul3A_1040 : vector<16xf32>
        %swap3A_1042 = arith.index_cast %add3A_1024 : i32 to index
        %swap3A_1043 = arith.constant 0 : index
        %swap3A_1044 = tpu.vector_load %arg14[%swap3A_1042, %swap3A_1043] {strides = array<i32>} : memref<64x64xf32, #tpu.memory_space<vmem>>, vector<1x16xf32>,
        %swap3A_1045 = vector.shape_cast %swap3A_1044 : vector<1x16xf32> to vector<16xf32>
        %swap3A_1046 = vector.shape_cast %add3A_1041 : vector<16xf32> to vector<1x16xf32>
        tpu.vector_store %arg14[%swap3A_1042, %swap3A_1043], %swap3A_1046 {strides = array<i32>} : memref<64x64xf32, #tpu.memory_space<vmem>>, vector<1x16xf32>,
        %get3A_1047 = arith.index_cast %add3A_1024 : i32 to index
        %get3A_1048 = arith.constant 16 : index
        %get3A_1049 = tpu.vector_load %arg14[%get3A_1047, %get3A_1048] {strides = array<i32>} : memref<64x64xf32, #tpu.memory_space<vmem>>, vector<1x16xf32>,
        %get3A_1050 = vector.shape_cast %get3A_1049 : vector<1x16xf32> to vector<16xf32>
        %mul3A_1051 = arith.mulf %broadcast_in_dim3A_1027, %get3A_1050 : vector<16xf32>
        %get3A_1052 = arith.index_cast %add3A_1024 : i32 to index
        %get3A_1053 = arith.constant 16 : index
        %get3A_1054 = tpu.vector_load %arg15[%get3A_1052, %get3A_1053] {strides = array<i32>} : memref<64x64xf32, #tpu.memory_space<vmem>>, vector<1x16xf32>,
        %get3A_1055 = vector.shape_cast %get3A_1054 : vector<1x16xf32> to vector<16xf32>
        %mul3A_1056 = arith.mulf %sub3A_1030, %get3A_1055 : vector<16xf32>
        %add3A_1057 = arith.addf %mul3A_1051, %mul3A_1056 : vector<16xf32>
        %swap3A_1058 = arith.index_cast %add3A_1024 : i32 to index
        %swap3A_1059 = arith.constant 16 : index
        %swap3A_1060 = tpu.vector_load %arg14[%swap3A_1058, %swap3A_1059] {strides = array<i32>} : memref<64x64xf32, #tpu.memory_space<vmem>>, vector<1x16xf32>,
        %swap3A_1061 = vector.shape_cast %swap3A_1060 : vector<1x16xf32> to vector<16xf32>
        %swap3A_1062 = vector.shape_cast %add3A_1057 : vector<16xf32> to vector<1x16xf32>
        tpu.vector_store %arg14[%swap3A_1058, %swap3A_1059], %swap3A_1062 {strides = array<i32>} : memref<64x64xf32, #tpu.memory_space<vmem>>, vector<1x16xf32>,
        %get3A_1063 = arith.index_cast %add3A_1024 : i32 to index
        %get3A_1064 = arith.constant 32 : index
        %get3A_1065 = tpu.vector_load %arg14[%get3A_1063, %get3A_1064] {strides = array<i32>} : memref<64x64xf32, #tpu.memory_space<vmem>>, vector<1x16xf32>,
        %get3A_1066 = vector.shape_cast %get3A_1065 : vector<1x16xf32> to vector<16xf32>
        %mul3A_1067 = arith.mulf %broadcast_in_dim3A_1027, %get3A_1066 : vector<16xf32>
        %get3A_1068 = arith.index_cast %add3A_1024 : i32 to index
        %get3A_1069 = arith.constant 32 : index
        %get3A_1070 = tpu.vector_load %arg15[%get3A_1068, %get3A_1069] {strides = array<i32>} : memref<64x64xf32, #tpu.memory_space<vmem>>, vector<1x16xf32>,
        %get3A_1071 = vector.shape_cast %get3A_1070 : vector<1x16xf32> to vector<16xf32>
        %mul3A_1072 = arith.mulf %sub3A_1030, %get3A_1071 : vector<16xf32>
        %add3A_1073 = arith.addf %mul3A_1067, %mul3A_1072 : vector<16xf32>
        %swap3A_1074 = arith.index_cast %add3A_1024 : i32 to index
        %swap3A_1075 = arith.constant 32 : index
        %swap3A_1076 = tpu.vector_load %arg14[%swap3A_1074, %swap3A_1075] {strides = array<i32>} : memref<64x64xf32, #tpu.memory_space<vmem>>, vector<1x16xf32>,
        %swap3A_1077 = vector.shape_cast %swap3A_1076 : vector<1x16xf32> to vector<16xf32>
        %swap3A_1078 = vector.shape_cast %add3A_1073 : vector<16xf32> to vector<1x16xf32>
        tpu.vector_store %arg14[%swap3A_1074, %swap3A_1075], %swap3A_1078 {strides = array<i32>} : memref<64x64xf32, #tpu.memory_space<vmem>>, vector<1x16xf32>,
        %get3A_1079 = arith.index_cast %add3A_1024 : i32 to index
        %get3A_1080 = arith.constant 48 : index
        %get3A_1081 = tpu.vector_load %arg14[%get3A_1079, %get3A_1080] {strides = array<i32>} : memref<64x64xf32, #tpu.memory_space<vmem>>, vector<1x16xf32>,
        %get3A_1082 = vector.shape_cast %get3A_1081 : vector<1x16xf32> to vector<16xf32>
        %mul3A_1083 = arith.mulf %broadcast_in_dim3A_1027, %get3A_1082 : vector<16xf32>
        %get3A_1084 = arith.index_cast %add3A_1024 : i32 to index
        %get3A_1085 = arith.constant 48 : index
        %get3A_1086 = tpu.vector_load %arg15[%get3A_1084, %get3A_1085] {strides = array<i32>} : memref<64x64xf32, #tpu.memory_space<vmem>>, vector<1x16xf32>,
        %get3A_1087 = vector.shape_cast %get3A_1086 : vector<1x16xf32> to vector<16xf32>
        %mul3A_1088 = arith.mulf %sub3A_1030, %get3A_1087 : vector<16xf32>
        %add3A_1089 = arith.addf %mul3A_1083, %mul3A_1088 : vector<16xf32>
        %swap3A_1090 = arith.index_cast %add3A_1024 : i32 to index
        %swap3A_1091 = arith.constant 48 : index
        %swap3A_1092 = tpu.vector_load %arg14[%swap3A_1090, %swap3A_1091] {strides = array<i32>} : memref<64x64xf32, #tpu.memory_space<vmem>>, vector<1x16xf32>,
        %swap3A_1093 = vector.shape_cast %swap3A_1092 : vector<1x16xf32> to vector<16xf32>
        %swap3A_1094 = vector.shape_cast %add3A_1089 : vector<16xf32> to vector<1x16xf32>
        tpu.vector_store %arg14[%swap3A_1090, %swap3A_1091], %swap3A_1094 {strides = array<i32>} : memref<64x64xf32, #tpu.memory_space<vmem>>, vector<1x16xf32>,
        %mul3A_1095 = arith.constant 16 : i32
        %mul3A_1096 = arith.muli %scan3A_58, %mul3A_1095 : i32
        %add3A_1097 = arith.constant 14 : i32
        %add3A_1098 = arith.addi %mul3A_1096, %add3A_1097 : i32
        %slice3A_1099 = vector.extract_strided_slice %get3A_62 {offsets = [14], sizes = [1], strides = [1]} : vector<16xf32> to vector<1xf32>
        %squeeze3A_1100 = vector.extract %slice3A_1099[0] : f32 from vector<1xf32>
        %broadcast_in_dim3A_1101 = vector.broadcast %squeeze3A_1100 : f32 to vector<16xf32>
        %sub3A_1102 = arith.constant 1.000000e+00 : f32
        %sub3A_1103 = vector.broadcast %sub3A_1102 : f32 to vector<16xf32>
        %sub3A_1104 = arith.subf %sub3A_1103, %broadcast_in_dim3A_1101 : vector<16xf32>
        %get3A_1105 = arith.index_cast %add3A_1098 : i32 to index
        %get3A_1106 = arith.constant 0 : index
        %get3A_1107 = tpu.vector_load %arg14[%get3A_1105, %get3A_1106] {strides = array<i32>} : memref<64x64xf32, #tpu.memory_space<vmem>>, vector<1x16xf32>,
        %get3A_1108 = vector.shape_cast %get3A_1107 : vector<1x16xf32> to vector<16xf32>
        %mul3A_1109 = arith.mulf %broadcast_in_dim3A_1101, %get3A_1108 : vector<16xf32>
        %get3A_1110 = arith.index_cast %add3A_1098 : i32 to index
        %get3A_1111 = arith.constant 0 : index
        %get3A_1112 = tpu.vector_load %arg15[%get3A_1110, %get3A_1111] {strides = array<i32>} : memref<64x64xf32, #tpu.memory_space<vmem>>, vector<1x16xf32>,
        %get3A_1113 = vector.shape_cast %get3A_1112 : vector<1x16xf32> to vector<16xf32>
        %mul3A_1114 = arith.mulf %sub3A_1104, %get3A_1113 : vector<16xf32>
        %add3A_1115 = arith.addf %mul3A_1109, %mul3A_1114 : vector<16xf32>
        %swap3A_1116 = arith.index_cast %add3A_1098 : i32 to index
        %swap3A_1117 = arith.constant 0 : index
        %swap3A_1118 = tpu.vector_load %arg14[%swap3A_1116, %swap3A_1117] {strides = array<i32>} : memref<64x64xf32, #tpu.memory_space<vmem>>, vector<1x16xf32>,
        %swap3A_1119 = vector.shape_cast %swap3A_1118 : vector<1x16xf32> to vector<16xf32>
        %swap3A_1120 = vector.shape_cast %add3A_1115 : vector<16xf32> to vector<1x16xf32>
        tpu.vector_store %arg14[%swap3A_1116, %swap3A_1117], %swap3A_1120 {strides = array<i32>} : memref<64x64xf32, #tpu.memory_space<vmem>>, vector<1x16xf32>,
        %get3A_1121 = arith.index_cast %add3A_1098 : i32 to index
        %get3A_1122 = arith.constant 16 : index
        %get3A_1123 = tpu.vector_load %arg14[%get3A_1121, %get3A_1122] {strides = array<i32>} : memref<64x64xf32, #tpu.memory_space<vmem>>, vector<1x16xf32>,
        %get3A_1124 = vector.shape_cast %get3A_1123 : vector<1x16xf32> to vector<16xf32>
        %mul3A_1125 = arith.mulf %broadcast_in_dim3A_1101, %get3A_1124 : vector<16xf32>
        %get3A_1126 = arith.index_cast %add3A_1098 : i32 to index
        %get3A_1127 = arith.constant 16 : index
        %get3A_1128 = tpu.vector_load %arg15[%get3A_1126, %get3A_1127] {strides = array<i32>} : memref<64x64xf32, #tpu.memory_space<vmem>>, vector<1x16xf32>,
        %get3A_1129 = vector.shape_cast %get3A_1128 : vector<1x16xf32> to vector<16xf32>
        %mul3A_1130 = arith.mulf %sub3A_1104, %get3A_1129 : vector<16xf32>
        %add3A_1131 = arith.addf %mul3A_1125, %mul3A_1130 : vector<16xf32>
        %swap3A_1132 = arith.index_cast %add3A_1098 : i32 to index
        %swap3A_1133 = arith.constant 16 : index
        %swap3A_1134 = tpu.vector_load %arg14[%swap3A_1132, %swap3A_1133] {strides = array<i32>} : memref<64x64xf32, #tpu.memory_space<vmem>>, vector<1x16xf32>,
        %swap3A_1135 = vector.shape_cast %swap3A_1134 : vector<1x16xf32> to vector<16xf32>
        %swap3A_1136 = vector.shape_cast %add3A_1131 : vector<16xf32> to vector<1x16xf32>
        tpu.vector_store %arg14[%swap3A_1132, %swap3A_1133], %swap3A_1136 {strides = array<i32>} : memref<64x64xf32, #tpu.memory_space<vmem>>, vector<1x16xf32>,
        %get3A_1137 = arith.index_cast %add3A_1098 : i32 to index
        %get3A_1138 = arith.constant 32 : index
        %get3A_1139 = tpu.vector_load %arg14[%get3A_1137, %get3A_1138] {strides = array<i32>} : memref<64x64xf32, #tpu.memory_space<vmem>>, vector<1x16xf32>,
        %get3A_1140 = vector.shape_cast %get3A_1139 : vector<1x16xf32> to vector<16xf32>
        %mul3A_1141 = arith.mulf %broadcast_in_dim3A_1101, %get3A_1140 : vector<16xf32>
        %get3A_1142 = arith.index_cast %add3A_1098 : i32 to index
        %get3A_1143 = arith.constant 32 : index
        %get3A_1144 = tpu.vector_load %arg15[%get3A_1142, %get3A_1143] {strides = array<i32>} : memref<64x64xf32, #tpu.memory_space<vmem>>, vector<1x16xf32>,
        %get3A_1145 = vector.shape_cast %get3A_1144 : vector<1x16xf32> to vector<16xf32>
        %mul3A_1146 = arith.mulf %sub3A_1104, %get3A_1145 : vector<16xf32>
        %add3A_1147 = arith.addf %mul3A_1141, %mul3A_1146 : vector<16xf32>
        %swap3A_1148 = arith.index_cast %add3A_1098 : i32 to index
        %swap3A_1149 = arith.constant 32 : index
        %swap3A_1150 = tpu.vector_load %arg14[%swap3A_1148, %swap3A_1149] {strides = array<i32>} : memref<64x64xf32, #tpu.memory_space<vmem>>, vector<1x16xf32>,
        %swap3A_1151 = vector.shape_cast %swap3A_1150 : vector<1x16xf32> to vector<16xf32>
        %swap3A_1152 = vector.shape_cast %add3A_1147 : vector<16xf32> to vector<1x16xf32>
        tpu.vector_store %arg14[%swap3A_1148, %swap3A_1149], %swap3A_1152 {strides = array<i32>} : memref<64x64xf32, #tpu.memory_space<vmem>>, vector<1x16xf32>,
        %get3A_1153 = arith.index_cast %add3A_1098 : i32 to index
        %get3A_1154 = arith.constant 48 : index
        %get3A_1155 = tpu.vector_load %arg14[%get3A_1153, %get3A_1154] {strides = array<i32>} : memref<64x64xf32, #tpu.memory_space<vmem>>, vector<1x16xf32>,
        %get3A_1156 = vector.shape_cast %get3A_1155 : vector<1x16xf32> to vector<16xf32>
        %mul3A_1157 = arith.mulf %broadcast_in_dim3A_1101, %get3A_1156 : vector<16xf32>
        %get3A_1158 = arith.index_cast %add3A_1098 : i32 to index
        %get3A_1159 = arith.constant 48 : index
        %get3A_1160 = tpu.vector_load %arg15[%get3A_1158, %get3A_1159] {strides = array<i32>} : memref<64x64xf32, #tpu.memory_space<vmem>>, vector<1x16xf32>,
        %get3A_1161 = vector.shape_cast %get3A_1160 : vector<1x16xf32> to vector<16xf32>
        %mul3A_1162 = arith.mulf %sub3A_1104, %get3A_1161 : vector<16xf32>
        %add3A_1163 = arith.addf %mul3A_1157, %mul3A_1162 : vector<16xf32>
        %swap3A_1164 = arith.index_cast %add3A_1098 : i32 to index
        %swap3A_1165 = arith.constant 48 : index
        %swap3A_1166 = tpu.vector_load %arg14[%swap3A_1164, %swap3A_1165] {strides = array<i32>} : memref<64x64xf32, #tpu.memory_space<vmem>>, vector<1x16xf32>,
        %swap3A_1167 = vector.shape_cast %swap3A_1166 : vector<1x16xf32> to vector<16xf32>
        %swap3A_1168 = vector.shape_cast %add3A_1163 : vector<16xf32> to vector<1x16xf32>
        tpu.vector_store %arg14[%swap3A_1164, %swap3A_1165], %swap3A_1168 {strides = array<i32>} : memref<64x64xf32, #tpu.memory_space<vmem>>, vector<1x16xf32>,
        %mul3A_1169 = arith.constant 16 : i32
        %mul3A_1170 = arith.muli %scan3A_58, %mul3A_1169 : i32
        %add3A_1171 = arith.constant 15 : i32
        %add3A_1172 = arith.addi %mul3A_1170, %add3A_1171 : i32
        %slice3A_1173 = vector.extract_strided_slice %get3A_62 {offsets = [15], sizes = [1], strides = [1]} : vector<16xf32> to vector<1xf32>
        %squeeze3A_1174 = vector.extract %slice3A_1173[0] : f32 from vector<1xf32>
        %broadcast_in_dim3A_1175 = vector.broadcast %squeeze3A_1174 : f32 to vector<16xf32>
        %sub3A_1176 = arith.constant 1.000000e+00 : f32
        %sub3A_1177 = vector.broadcast %sub3A_1176 : f32 to vector<16xf32>
        %sub3A_1178 = arith.subf %sub3A_1177, %broadcast_in_dim3A_1175 : vector<16xf32>
        %get3A_1179 = arith.index_cast %add3A_1172 : i32 to index
        %get3A_1180 = arith.constant 0 : index
        %get3A_1181 = tpu.vector_load %arg14[%get3A_1179, %get3A_1180] {strides = array<i32>} : memref<64x64xf32, #tpu.memory_space<vmem>>, vector<1x16xf32>,
        %get3A_1182 = vector.shape_cast %get3A_1181 : vector<1x16xf32> to vector<16xf32>
        %mul3A_1183 = arith.mulf %broadcast_in_dim3A_1175, %get3A_1182 : vector<16xf32>
        %get3A_1184 = arith.index_cast %add3A_1172 : i32 to index
        %get3A_1185 = arith.constant 0 : index
        %get3A_1186 = tpu.vector_load %arg15[%get3A_1184, %get3A_1185] {strides = array<i32>} : memref<64x64xf32, #tpu.memory_space<vmem>>, vector<1x16xf32>,
        %get3A_1187 = vector.shape_cast %get3A_1186 : vector<1x16xf32> to vector<16xf32>
        %mul3A_1188 = arith.mulf %sub3A_1178, %get3A_1187 : vector<16xf32>
        %add3A_1189 = arith.addf %mul3A_1183, %mul3A_1188 : vector<16xf32>
        %swap3A_1190 = arith.index_cast %add3A_1172 : i32 to index
        %swap3A_1191 = arith.constant 0 : index
        %swap3A_1192 = tpu.vector_load %arg14[%swap3A_1190, %swap3A_1191] {strides = array<i32>} : memref<64x64xf32, #tpu.memory_space<vmem>>, vector<1x16xf32>,
        %swap3A_1193 = vector.shape_cast %swap3A_1192 : vector<1x16xf32> to vector<16xf32>
        %swap3A_1194 = vector.shape_cast %add3A_1189 : vector<16xf32> to vector<1x16xf32>
        tpu.vector_store %arg14[%swap3A_1190, %swap3A_1191], %swap3A_1194 {strides = array<i32>} : memref<64x64xf32, #tpu.memory_space<vmem>>, vector<1x16xf32>,
        %get3A_1195 = arith.index_cast %add3A_1172 : i32 to index
        %get3A_1196 = arith.constant 16 : index
        %get3A_1197 = tpu.vector_load %arg14[%get3A_1195, %get3A_1196] {strides = array<i32>} : memref<64x64xf32, #tpu.memory_space<vmem>>, vector<1x16xf32>,
        %get3A_1198 = vector.shape_cast %get3A_1197 : vector<1x16xf32> to vector<16xf32>
        %mul3A_1199 = arith.mulf %broadcast_in_dim3A_1175, %get3A_1198 : vector<16xf32>
        %get3A_1200 = arith.index_cast %add3A_1172 : i32 to index
        %get3A_1201 = arith.constant 16 : index
        %get3A_1202 = tpu.vector_load %arg15[%get3A_1200, %get3A_1201] {strides = array<i32>} : memref<64x64xf32, #tpu.memory_space<vmem>>, vector<1x16xf32>,
        %get3A_1203 = vector.shape_cast %get3A_1202 : vector<1x16xf32> to vector<16xf32>
        %mul3A_1204 = arith.mulf %sub3A_1178, %get3A_1203 : vector<16xf32>
        %add3A_1205 = arith.addf %mul3A_1199, %mul3A_1204 : vector<16xf32>
        %swap3A_1206 = arith.index_cast %add3A_1172 : i32 to index
        %swap3A_1207 = arith.constant 16 : index
        %swap3A_1208 = tpu.vector_load %arg14[%swap3A_1206, %swap3A_1207] {strides = array<i32>} : memref<64x64xf32, #tpu.memory_space<vmem>>, vector<1x16xf32>,
        %swap3A_1209 = vector.shape_cast %swap3A_1208 : vector<1x16xf32> to vector<16xf32>
        %swap3A_1210 = vector.shape_cast %add3A_1205 : vector<16xf32> to vector<1x16xf32>
        tpu.vector_store %arg14[%swap3A_1206, %swap3A_1207], %swap3A_1210 {strides = array<i32>} : memref<64x64xf32, #tpu.memory_space<vmem>>, vector<1x16xf32>,
        %get3A_1211 = arith.index_cast %add3A_1172 : i32 to index
        %get3A_1212 = arith.constant 32 : index
        %get3A_1213 = tpu.vector_load %arg14[%get3A_1211, %get3A_1212] {strides = array<i32>} : memref<64x64xf32, #tpu.memory_space<vmem>>, vector<1x16xf32>,
        %get3A_1214 = vector.shape_cast %get3A_1213 : vector<1x16xf32> to vector<16xf32>
        %mul3A_1215 = arith.mulf %broadcast_in_dim3A_1175, %get3A_1214 : vector<16xf32>
        %get3A_1216 = arith.index_cast %add3A_1172 : i32 to index
        %get3A_1217 = arith.constant 32 : index
        %get3A_1218 = tpu.vector_load %arg15[%get3A_1216, %get3A_1217] {strides = array<i32>} : memref<64x64xf32, #tpu.memory_space<vmem>>, vector<1x16xf32>,
        %get3A_1219 = vector.shape_cast %get3A_1218 : vector<1x16xf32> to vector<16xf32>
        %mul3A_1220 = arith.mulf %sub3A_1178, %get3A_1219 : vector<16xf32>
        %add3A_1221 = arith.addf %mul3A_1215, %mul3A_1220 : vector<16xf32>
        %swap3A_1222 = arith.index_cast %add3A_1172 : i32 to index
        %swap3A_1223 = arith.constant 32 : index
        %swap3A_1224 = tpu.vector_load %arg14[%swap3A_1222, %swap3A_1223] {strides = array<i32>} : memref<64x64xf32, #tpu.memory_space<vmem>>, vector<1x16xf32>,
        %swap3A_1225 = vector.shape_cast %swap3A_1224 : vector<1x16xf32> to vector<16xf32>
        %swap3A_1226 = vector.shape_cast %add3A_1221 : vector<16xf32> to vector<1x16xf32>
        tpu.vector_store %arg14[%swap3A_1222, %swap3A_1223], %swap3A_1226 {strides = array<i32>} : memref<64x64xf32, #tpu.memory_space<vmem>>, vector<1x16xf32>,
        %get3A_1227 = arith.index_cast %add3A_1172 : i32 to index
        %get3A_1228 = arith.constant 48 : index
        %get3A_1229 = tpu.vector_load %arg14[%get3A_1227, %get3A_1228] {strides = array<i32>} : memref<64x64xf32, #tpu.memory_space<vmem>>, vector<1x16xf32>,
        %get3A_1230 = vector.shape_cast %get3A_1229 : vector<1x16xf32> to vector<16xf32>
        %mul3A_1231 = arith.mulf %broadcast_in_dim3A_1175, %get3A_1230 : vector<16xf32>
        %get3A_1232 = arith.index_cast %add3A_1172 : i32 to index
        %get3A_1233 = arith.constant 48 : index
        %get3A_1234 = tpu.vector_load %arg15[%get3A_1232, %get3A_1233] {strides = array<i32>} : memref<64x64xf32, #tpu.memory_space<vmem>>, vector<1x16xf32>,
        %get3A_1235 = vector.shape_cast %get3A_1234 : vector<1x16xf32> to vector<16xf32>
        %mul3A_1236 = arith.mulf %sub3A_1178, %get3A_1235 : vector<16xf32>
        %add3A_1237 = arith.addf %mul3A_1231, %mul3A_1236 : vector<16xf32>
        %swap3A_1238 = arith.index_cast %add3A_1172 : i32 to index
        %swap3A_1239 = arith.constant 48 : index
        %swap3A_1240 = tpu.vector_load %arg14[%swap3A_1238, %swap3A_1239] {strides = array<i32>} : memref<64x64xf32, #tpu.memory_space<vmem>>, vector<1x16xf32>,
        %swap3A_1241 = vector.shape_cast %swap3A_1240 : vector<1x16xf32> to vector<16xf32>
        %swap3A_1242 = vector.shape_cast %add3A_1237 : vector<16xf32> to vector<1x16xf32>
        tpu.vector_store %arg14[%swap3A_1238, %swap3A_1239], %swap3A_1242 {strides = array<i32>} : memref<64x64xf32, #tpu.memory_space<vmem>>, vector<1x16xf32>,
      }
      %scan3A_21 = arith.constant 4 : i32
      %dma_start3A_22 = arith.constant 0 : i32
      %dma_start3A_23 = arith.constant 0 : i32
      %dma_start3A_24 = tpu.memref_slice %arg2[%dma_start3A_22, %dma_start3A_23] : memref<100000x64xf32, #tpu.memory_space<hbm>> -> memref<100000x64xf32, #tpu.memory_space<hbm>>
      tpu.enqueue_indirect_dma source(%arg14 : memref<64x64xf32, #tpu.memory_space<vmem>>) target(%dma_start3A_24 : memref<100000x64xf32, #tpu.memory_space<hbm>>) offsets(%arg12 : memref<64xi32, #tpu.memory_space<vmem>>) semaphore(%arg17 : memref<!tpu.dma_semaphore, #tpu.memory_space<semaphore_mem>>)
      %dma_wait3A_25 = arith.constant 0 : i32
      %dma_wait3A_26 = arith.constant 0 : i32
      %dma_wait3A_27 = tpu.memref_slice %arg2[%dma_wait3A_25, %dma_wait3A_26] : memref<100000x64xf32, #tpu.memory_space<hbm>> -> memref<100000x64xf32, #tpu.memory_space<hbm>>
      tpu.wait_indirect_dma semaphore(%arg17 : memref<!tpu.dma_semaphore, #tpu.memory_space<semaphore_mem>>) src(%arg14 : memref<64x64xf32, #tpu.memory_space<vmem>>) dst(%dma_wait3A_27 : memref<100000x64xf32, #tpu.memory_space<hbm>>)
      %broadcast_in_dim3A = arith.constant 1.000000e+00 : f32
      %broadcast_in_dim3A_28 = vector.broadcast %broadcast_in_dim3A : f32 to vector<16xf32>
      %swap3A = arith.constant 0 : index
      %swap3A_29 = tpu.vector_load %arg16[%swap3A] {strides = array<i32>} : memref<6400xf32, #tpu.memory_space<vmem>>, vector<16xf32>,
      %swap3A_30 = vector.shape_cast %swap3A_29 : vector<16xf32> to vector<16xf32>
      %swap3A_31 = vector.shape_cast %broadcast_in_dim3A_28 : vector<16xf32> to vector<16xf32>
      tpu.vector_store %arg16[%swap3A], %swap3A_31 {strides = array<i32>} : memref<6400xf32, #tpu.memory_space<vmem>>, vector<16xf32>,
      %broadcast_in_dim3A_32 = arith.constant 1.000000e+00 : f32
      %broadcast_in_dim3A_33 = vector.broadcast %broadcast_in_dim3A_32 : f32 to vector<16xf32>
      %swap3A_34 = arith.constant 16 : index
      %swap3A_35 = tpu.vector_load %arg16[%swap3A_34] {strides = array<i32>} : memref<6400xf32, #tpu.memory_space<vmem>>, vector<16xf32>,
      %swap3A_36 = vector.shape_cast %swap3A_35 : vector<16xf32> to vector<16xf32>
      %swap3A_37 = vector.shape_cast %broadcast_in_dim3A_33 : vector<16xf32> to vector<16xf32>
      tpu.vector_store %arg16[%swap3A_34], %swap3A_37 {strides = array<i32>} : memref<6400xf32, #tpu.memory_space<vmem>>, vector<16xf32>,
      %broadcast_in_dim3A_38 = arith.constant 1.000000e+00 : f32
      %broadcast_in_dim3A_39 = vector.broadcast %broadcast_in_dim3A_38 : f32 to vector<16xf32>
      %swap3A_40 = arith.constant 32 : index
      %swap3A_41 = tpu.vector_load %arg16[%swap3A_40] {strides = array<i32>} : memref<6400xf32, #tpu.memory_space<vmem>>, vector<16xf32>,
      %swap3A_42 = vector.shape_cast %swap3A_41 : vector<16xf32> to vector<16xf32>
      %swap3A_43 = vector.shape_cast %broadcast_in_dim3A_39 : vector<16xf32> to vector<16xf32>
      tpu.vector_store %arg16[%swap3A_40], %swap3A_43 {strides = array<i32>} : memref<6400xf32, #tpu.memory_space<vmem>>, vector<16xf32>,
      %broadcast_in_dim3A_44 = arith.constant 1.000000e+00 : f32
      %broadcast_in_dim3A_45 = vector.broadcast %broadcast_in_dim3A_44 : f32 to vector<16xf32>
      %swap3A_46 = arith.constant 48 : index
      %swap3A_47 = tpu.vector_load %arg16[%swap3A_46] {strides = array<i32>} : memref<6400xf32, #tpu.memory_space<vmem>>, vector<16xf32>,
      %swap3A_48 = vector.shape_cast %swap3A_47 : vector<16xf32> to vector<16xf32>
      %swap3A_49 = vector.shape_cast %broadcast_in_dim3A_45 : vector<16xf32> to vector<16xf32>
      tpu.vector_store %arg16[%swap3A_46], %swap3A_49 {strides = array<i32>} : memref<6400xf32, #tpu.memory_space<vmem>>, vector<16xf32>,
      %dma_start3A_50 = arith.constant 0 : i32
      %dma_start3A_51 = tpu.memref_slice %arg16[%dma_start3A_50] : memref<6400xf32, #tpu.memory_space<vmem>> -> memref<64xf32, #tpu.memory_space<vmem>>
      %dma_start3A_52 = arith.constant 0 : i32
      %dma_start3A_53 = tpu.memref_slice %arg9[%dma_start3A_52] : memref<102400xf32, #tpu.memory_space<hbm>> -> memref<102400xf32, #tpu.memory_space<hbm>>
      tpu.enqueue_indirect_dma source(%dma_start3A_51 : memref<64xf32, #tpu.memory_space<vmem>>) target(%dma_start3A_53 : memref<102400xf32, #tpu.memory_space<hbm>>) offsets(%arg12 : memref<64xi32, #tpu.memory_space<vmem>>) semaphore(%arg17 : memref<!tpu.dma_semaphore, #tpu.memory_space<semaphore_mem>>)
      %dma_wait3A_54 = arith.constant 0 : i32
      %dma_wait3A_55 = tpu.memref_slice %arg16[%dma_wait3A_54] : memref<6400xf32, #tpu.memory_space<vmem>> -> memref<64xf32, #tpu.memory_space<vmem>>
      %dma_wait3A_56 = arith.constant 0 : i32
      %dma_wait3A_57 = tpu.memref_slice %arg9[%dma_wait3A_56] : memref<102400xf32, #tpu.memory_space<hbm>> -> memref<102400xf32, #tpu.memory_space<hbm>>
      tpu.wait_indirect_dma semaphore(%arg17 : memref<!tpu.dma_semaphore, #tpu.memory_space<semaphore_mem>>) src(%dma_wait3A_55 : memref<64xf32, #tpu.memory_space<vmem>>) dst(%dma_wait3A_57 : memref<102400xf32, #tpu.memory_space<hbm>>)
    } else {
    }
    %eq3A_8 = arith.constant 1 : i32
    %eq3A_9 = arith.cmpi eq, %arg0, %eq3A_8 : i32
    %convert_element_type3A_10 = arith.extui %eq3A_9 : i1 to i32
    %cond3A_11 = arith.constant 0 : i32
    %cond3A_12 = arith.cmpi ne, %convert_element_type3A_10, %cond3A_11 : i32
    scf.if %cond3A_12 {
      %dma_start3A = arith.constant 0 : i32
      %dma_start3A_13 = arith.constant 0 : i32
      %dma_start3A_14 = tpu.memref_slice %arg3[%dma_start3A, %dma_start3A_13] : memref<100000x64xf32, #tpu.memory_space<hbm>> -> memref<100000x64xf32, #tpu.memory_space<hbm>>
      tpu.enqueue_indirect_dma source(%dma_start3A_14 : memref<100000x64xf32, #tpu.memory_space<hbm>>) target(%arg14 : memref<64x64xf32, #tpu.memory_space<vmem>>) offsets(%arg12 : memref<64xi32, #tpu.memory_space<vmem>>) semaphore(%arg17 : memref<!tpu.dma_semaphore, #tpu.memory_space<semaphore_mem>>)
      %dma_wait3A = arith.constant 0 : i32
      %dma_wait3A_15 = arith.constant 0 : i32
      %dma_wait3A_16 = tpu.memref_slice %arg3[%dma_wait3A, %dma_wait3A_15] : memref<100000x64xf32, #tpu.memory_space<hbm>> -> memref<100000x64xf32, #tpu.memory_space<hbm>>
      tpu.wait_indirect_dma semaphore(%arg17 : memref<!tpu.dma_semaphore, #tpu.memory_space<semaphore_mem>>) src(%dma_wait3A_16 : memref<100000x64xf32, #tpu.memory_space<hbm>>) dst(%arg14 : memref<64x64xf32, #tpu.memory_space<vmem>>)
      "tpu.region"() ({
        %run_scoped3A = tpu.sem_alloc : memref<!tpu.dma_semaphore, #tpu.memory_space<semaphore_mem>>
        %dma_start3A_28 = arith.constant 0 : i32
        %dma_start3A_29 = tpu.memref_slice %arg8[%mul3A_2, %dma_start3A_28] : memref<1024x64xf32, #tpu.memory_space<hbm>> -> memref<64x64xf32, #tpu.memory_space<hbm>>
        %dma_start3A_30 = arith.constant 0 : i32
        %dma_start3A_31 = tpu.memref_slice %arg8[%mul3A_2, %dma_start3A_30] : memref<1024x64xf32, #tpu.memory_space<hbm>> -> memref<64x64xf32, #tpu.memory_space<hbm>>
        tpu.enqueue_dma source(%dma_start3A_31 : memref<64x64xf32, #tpu.memory_space<hbm>>) target(%arg15 : memref<64x64xf32, #tpu.memory_space<vmem>>) target_semaphore(%run_scoped3A : memref<!tpu.dma_semaphore, #tpu.memory_space<semaphore_mem>>)
        %dma_wait3A_32 = arith.constant 0 : i32
        %dma_wait3A_33 = tpu.memref_slice %arg8[%mul3A_2, %dma_wait3A_32] : memref<1024x64xf32, #tpu.memory_space<hbm>> -> memref<64x64xf32, #tpu.memory_space<hbm>>
        %dma_wait3A_34 = arith.constant 0 : i32
        %dma_wait3A_35 = tpu.memref_slice %arg8[%mul3A_2, %dma_wait3A_34] : memref<1024x64xf32, #tpu.memory_space<hbm>> -> memref<64x64xf32, #tpu.memory_space<hbm>>
        tpu.wait_dma2 semaphore(%run_scoped3A : memref<!tpu.dma_semaphore, #tpu.memory_space<semaphore_mem>>) src(%dma_wait3A_35 : memref<64x64xf32, #tpu.memory_space<hbm>>) dst(%arg15 : memref<64x64xf32, #tpu.memory_space<vmem>>)
        tpu.yield
      }) : () -> ()
      %scan3A = arith.constant 0 : i32
      %scan3A_17 = arith.constant 0 : i32
      %scan3A_18 = arith.constant 4 : i32
      %scan3A_19 = arith.addi %scan3A_17, %scan3A_18 : i32
      %scan3A_20 = arith.constant 1 : i32
      scf.for %scan3A_28 = %scan3A_17 to %scan3A_19 step %scan3A_20  : i32 {
        %mul3A_29 = arith.constant 16 : i32
        %mul3A_30 = arith.muli %scan3A_28, %mul3A_29 : i32
        %get3A = arith.index_cast %mul3A_30 : i32 to index
        %get3A_31 = tpu.vector_load %arg13[%get3A] {strides = array<i32>} : memref<64xf32, #tpu.memory_space<vmem>>, vector<16xf32>,
        %get3A_32 = vector.shape_cast %get3A_31 : vector<16xf32> to vector<16xf32>
        %mul3A_33 = arith.constant 16 : i32
        %mul3A_34 = arith.muli %scan3A_28, %mul3A_33 : i32
        %add3A = arith.constant 0 : i32
        %add3A_35 = arith.addi %mul3A_34, %add3A : i32
        %slice3A = vector.extract_strided_slice %get3A_32 {offsets = [0], sizes = [1], strides = [1]} : vector<16xf32> to vector<1xf32>
        %squeeze3A = vector.extract %slice3A[0] : f32 from vector<1xf32>
        %broadcast_in_dim3A = vector.broadcast %squeeze3A : f32 to vector<16xf32>
        %sub3A = arith.constant 1.000000e+00 : f32
        %sub3A_36 = vector.broadcast %sub3A : f32 to vector<16xf32>
        %sub3A_37 = arith.subf %sub3A_36, %broadcast_in_dim3A : vector<16xf32>
        %get3A_38 = arith.index_cast %add3A_35 : i32 to index
        %get3A_39 = arith.constant 0 : index
        %get3A_40 = tpu.vector_load %arg14[%get3A_38, %get3A_39] {strides = array<i32>} : memref<64x64xf32, #tpu.memory_space<vmem>>, vector<1x16xf32>,
        %get3A_41 = vector.shape_cast %get3A_40 : vector<1x16xf32> to vector<16xf32>
        %mul3A_42 = arith.mulf %broadcast_in_dim3A, %get3A_41 : vector<16xf32>
        %get3A_43 = arith.index_cast %add3A_35 : i32 to index
        %get3A_44 = arith.constant 0 : index
        %get3A_45 = tpu.vector_load %arg15[%get3A_43, %get3A_44] {strides = array<i32>} : memref<64x64xf32, #tpu.memory_space<vmem>>, vector<1x16xf32>,
        %get3A_46 = vector.shape_cast %get3A_45 : vector<1x16xf32> to vector<16xf32>
        %mul3A_47 = arith.mulf %sub3A_37, %get3A_46 : vector<16xf32>
        %add3A_48 = arith.addf %mul3A_42, %mul3A_47 : vector<16xf32>
        %swap3A = arith.index_cast %add3A_35 : i32 to index
        %swap3A_49 = arith.constant 0 : index
        %swap3A_50 = tpu.vector_load %arg14[%swap3A, %swap3A_49] {strides = array<i32>} : memref<64x64xf32, #tpu.memory_space<vmem>>, vector<1x16xf32>,
        %swap3A_51 = vector.shape_cast %swap3A_50 : vector<1x16xf32> to vector<16xf32>
        %swap3A_52 = vector.shape_cast %add3A_48 : vector<16xf32> to vector<1x16xf32>
        tpu.vector_store %arg14[%swap3A, %swap3A_49], %swap3A_52 {strides = array<i32>} : memref<64x64xf32, #tpu.memory_space<vmem>>, vector<1x16xf32>,
        %get3A_53 = arith.index_cast %add3A_35 : i32 to index
        %get3A_54 = arith.constant 16 : index
        %get3A_55 = tpu.vector_load %arg14[%get3A_53, %get3A_54] {strides = array<i32>} : memref<64x64xf32, #tpu.memory_space<vmem>>, vector<1x16xf32>,
        %get3A_56 = vector.shape_cast %get3A_55 : vector<1x16xf32> to vector<16xf32>
        %mul3A_57 = arith.mulf %broadcast_in_dim3A, %get3A_56 : vector<16xf32>
        %get3A_58 = arith.index_cast %add3A_35 : i32 to index
        %get3A_59 = arith.constant 16 : index
        %get3A_60 = tpu.vector_load %arg15[%get3A_58, %get3A_59] {strides = array<i32>} : memref<64x64xf32, #tpu.memory_space<vmem>>, vector<1x16xf32>,
        %get3A_61 = vector.shape_cast %get3A_60 : vector<1x16xf32> to vector<16xf32>
        %mul3A_62 = arith.mulf %sub3A_37, %get3A_61 : vector<16xf32>
        %add3A_63 = arith.addf %mul3A_57, %mul3A_62 : vector<16xf32>
        %swap3A_64 = arith.index_cast %add3A_35 : i32 to index
        %swap3A_65 = arith.constant 16 : index
        %swap3A_66 = tpu.vector_load %arg14[%swap3A_64, %swap3A_65] {strides = array<i32>} : memref<64x64xf32, #tpu.memory_space<vmem>>, vector<1x16xf32>,
        %swap3A_67 = vector.shape_cast %swap3A_66 : vector<1x16xf32> to vector<16xf32>
        %swap3A_68 = vector.shape_cast %add3A_63 : vector<16xf32> to vector<1x16xf32>
        tpu.vector_store %arg14[%swap3A_64, %swap3A_65], %swap3A_68 {strides = array<i32>} : memref<64x64xf32, #tpu.memory_space<vmem>>, vector<1x16xf32>,
        %get3A_69 = arith.index_cast %add3A_35 : i32 to index
        %get3A_70 = arith.constant 32 : index
        %get3A_71 = tpu.vector_load %arg14[%get3A_69, %get3A_70] {strides = array<i32>} : memref<64x64xf32, #tpu.memory_space<vmem>>, vector<1x16xf32>,
        %get3A_72 = vector.shape_cast %get3A_71 : vector<1x16xf32> to vector<16xf32>
        %mul3A_73 = arith.mulf %broadcast_in_dim3A, %get3A_72 : vector<16xf32>
        %get3A_74 = arith.index_cast %add3A_35 : i32 to index
        %get3A_75 = arith.constant 32 : index
        %get3A_76 = tpu.vector_load %arg15[%get3A_74, %get3A_75] {strides = array<i32>} : memref<64x64xf32, #tpu.memory_space<vmem>>, vector<1x16xf32>,
        %get3A_77 = vector.shape_cast %get3A_76 : vector<1x16xf32> to vector<16xf32>
        %mul3A_78 = arith.mulf %sub3A_37, %get3A_77 : vector<16xf32>
        %add3A_79 = arith.addf %mul3A_73, %mul3A_78 : vector<16xf32>
        %swap3A_80 = arith.index_cast %add3A_35 : i32 to index
        %swap3A_81 = arith.constant 32 : index
        %swap3A_82 = tpu.vector_load %arg14[%swap3A_80, %swap3A_81] {strides = array<i32>} : memref<64x64xf32, #tpu.memory_space<vmem>>, vector<1x16xf32>,
        %swap3A_83 = vector.shape_cast %swap3A_82 : vector<1x16xf32> to vector<16xf32>
        %swap3A_84 = vector.shape_cast %add3A_79 : vector<16xf32> to vector<1x16xf32>
        tpu.vector_store %arg14[%swap3A_80, %swap3A_81], %swap3A_84 {strides = array<i32>} : memref<64x64xf32, #tpu.memory_space<vmem>>, vector<1x16xf32>,
        %get3A_85 = arith.index_cast %add3A_35 : i32 to index
        %get3A_86 = arith.constant 48 : index
        %get3A_87 = tpu.vector_load %arg14[%get3A_85, %get3A_86] {strides = array<i32>} : memref<64x64xf32, #tpu.memory_space<vmem>>, vector<1x16xf32>,
        %get3A_88 = vector.shape_cast %get3A_87 : vector<1x16xf32> to vector<16xf32>
        %mul3A_89 = arith.mulf %broadcast_in_dim3A, %get3A_88 : vector<16xf32>
        %get3A_90 = arith.index_cast %add3A_35 : i32 to index
        %get3A_91 = arith.constant 48 : index
        %get3A_92 = tpu.vector_load %arg15[%get3A_90, %get3A_91] {strides = array<i32>} : memref<64x64xf32, #tpu.memory_space<vmem>>, vector<1x16xf32>,
        %get3A_93 = vector.shape_cast %get3A_92 : vector<1x16xf32> to vector<16xf32>
        %mul3A_94 = arith.mulf %sub3A_37, %get3A_93 : vector<16xf32>
        %add3A_95 = arith.addf %mul3A_89, %mul3A_94 : vector<16xf32>
        %swap3A_96 = arith.index_cast %add3A_35 : i32 to index
        %swap3A_97 = arith.constant 48 : index
        %swap3A_98 = tpu.vector_load %arg14[%swap3A_96, %swap3A_97] {strides = array<i32>} : memref<64x64xf32, #tpu.memory_space<vmem>>, vector<1x16xf32>,
        %swap3A_99 = vector.shape_cast %swap3A_98 : vector<1x16xf32> to vector<16xf32>
        %swap3A_100 = vector.shape_cast %add3A_95 : vector<16xf32> to vector<1x16xf32>
        tpu.vector_store %arg14[%swap3A_96, %swap3A_97], %swap3A_100 {strides = array<i32>} : memref<64x64xf32, #tpu.memory_space<vmem>>, vector<1x16xf32>,
        %mul3A_101 = arith.constant 16 : i32
        %mul3A_102 = arith.muli %scan3A_28, %mul3A_101 : i32
        %add3A_103 = arith.constant 1 : i32
        %add3A_104 = arith.addi %mul3A_102, %add3A_103 : i32
        %slice3A_105 = vector.extract_strided_slice %get3A_32 {offsets = [1], sizes = [1], strides = [1]} : vector<16xf32> to vector<1xf32>
        %squeeze3A_106 = vector.extract %slice3A_105[0] : f32 from vector<1xf32>
        %broadcast_in_dim3A_107 = vector.broadcast %squeeze3A_106 : f32 to vector<16xf32>
        %sub3A_108 = arith.constant 1.000000e+00 : f32
        %sub3A_109 = vector.broadcast %sub3A_108 : f32 to vector<16xf32>
        %sub3A_110 = arith.subf %sub3A_109, %broadcast_in_dim3A_107 : vector<16xf32>
        %get3A_111 = arith.index_cast %add3A_104 : i32 to index
        %get3A_112 = arith.constant 0 : index
        %get3A_113 = tpu.vector_load %arg14[%get3A_111, %get3A_112] {strides = array<i32>} : memref<64x64xf32, #tpu.memory_space<vmem>>, vector<1x16xf32>,
        %get3A_114 = vector.shape_cast %get3A_113 : vector<1x16xf32> to vector<16xf32>
        %mul3A_115 = arith.mulf %broadcast_in_dim3A_107, %get3A_114 : vector<16xf32>
        %get3A_116 = arith.index_cast %add3A_104 : i32 to index
        %get3A_117 = arith.constant 0 : index
        %get3A_118 = tpu.vector_load %arg15[%get3A_116, %get3A_117] {strides = array<i32>} : memref<64x64xf32, #tpu.memory_space<vmem>>, vector<1x16xf32>,
        %get3A_119 = vector.shape_cast %get3A_118 : vector<1x16xf32> to vector<16xf32>
        %mul3A_120 = arith.mulf %sub3A_110, %get3A_119 : vector<16xf32>
        %add3A_121 = arith.addf %mul3A_115, %mul3A_120 : vector<16xf32>
        %swap3A_122 = arith.index_cast %add3A_104 : i32 to index
        %swap3A_123 = arith.constant 0 : index
        %swap3A_124 = tpu.vector_load %arg14[%swap3A_122, %swap3A_123] {strides = array<i32>} : memref<64x64xf32, #tpu.memory_space<vmem>>, vector<1x16xf32>,
        %swap3A_125 = vector.shape_cast %swap3A_124 : vector<1x16xf32> to vector<16xf32>
        %swap3A_126 = vector.shape_cast %add3A_121 : vector<16xf32> to vector<1x16xf32>
        tpu.vector_store %arg14[%swap3A_122, %swap3A_123], %swap3A_126 {strides = array<i32>} : memref<64x64xf32, #tpu.memory_space<vmem>>, vector<1x16xf32>,
        %get3A_127 = arith.index_cast %add3A_104 : i32 to index
        %get3A_128 = arith.constant 16 : index
        %get3A_129 = tpu.vector_load %arg14[%get3A_127, %get3A_128] {strides = array<i32>} : memref<64x64xf32, #tpu.memory_space<vmem>>, vector<1x16xf32>,
        %get3A_130 = vector.shape_cast %get3A_129 : vector<1x16xf32> to vector<16xf32>
        %mul3A_131 = arith.mulf %broadcast_in_dim3A_107, %get3A_130 : vector<16xf32>
        %get3A_132 = arith.index_cast %add3A_104 : i32 to index
        %get3A_133 = arith.constant 16 : index
        %get3A_134 = tpu.vector_load %arg15[%get3A_132, %get3A_133] {strides = array<i32>} : memref<64x64xf32, #tpu.memory_space<vmem>>, vector<1x16xf32>,
        %get3A_135 = vector.shape_cast %get3A_134 : vector<1x16xf32> to vector<16xf32>
        %mul3A_136 = arith.mulf %sub3A_110, %get3A_135 : vector<16xf32>
        %add3A_137 = arith.addf %mul3A_131, %mul3A_136 : vector<16xf32>
        %swap3A_138 = arith.index_cast %add3A_104 : i32 to index
        %swap3A_139 = arith.constant 16 : index
        %swap3A_140 = tpu.vector_load %arg14[%swap3A_138, %swap3A_139] {strides = array<i32>} : memref<64x64xf32, #tpu.memory_space<vmem>>, vector<1x16xf32>,
        %swap3A_141 = vector.shape_cast %swap3A_140 : vector<1x16xf32> to vector<16xf32>
        %swap3A_142 = vector.shape_cast %add3A_137 : vector<16xf32> to vector<1x16xf32>
        tpu.vector_store %arg14[%swap3A_138, %swap3A_139], %swap3A_142 {strides = array<i32>} : memref<64x64xf32, #tpu.memory_space<vmem>>, vector<1x16xf32>,
        %get3A_143 = arith.index_cast %add3A_104 : i32 to index
        %get3A_144 = arith.constant 32 : index
        %get3A_145 = tpu.vector_load %arg14[%get3A_143, %get3A_144] {strides = array<i32>} : memref<64x64xf32, #tpu.memory_space<vmem>>, vector<1x16xf32>,
        %get3A_146 = vector.shape_cast %get3A_145 : vector<1x16xf32> to vector<16xf32>
        %mul3A_147 = arith.mulf %broadcast_in_dim3A_107, %get3A_146 : vector<16xf32>
        %get3A_148 = arith.index_cast %add3A_104 : i32 to index
        %get3A_149 = arith.constant 32 : index
        %get3A_150 = tpu.vector_load %arg15[%get3A_148, %get3A_149] {strides = array<i32>} : memref<64x64xf32, #tpu.memory_space<vmem>>, vector<1x16xf32>,
        %get3A_151 = vector.shape_cast %get3A_150 : vector<1x16xf32> to vector<16xf32>
        %mul3A_152 = arith.mulf %sub3A_110, %get3A_151 : vector<16xf32>
        %add3A_153 = arith.addf %mul3A_147, %mul3A_152 : vector<16xf32>
        %swap3A_154 = arith.index_cast %add3A_104 : i32 to index
        %swap3A_155 = arith.constant 32 : index
        %swap3A_156 = tpu.vector_load %arg14[%swap3A_154, %swap3A_155] {strides = array<i32>} : memref<64x64xf32, #tpu.memory_space<vmem>>, vector<1x16xf32>,
        %swap3A_157 = vector.shape_cast %swap3A_156 : vector<1x16xf32> to vector<16xf32>
        %swap3A_158 = vector.shape_cast %add3A_153 : vector<16xf32> to vector<1x16xf32>
        tpu.vector_store %arg14[%swap3A_154, %swap3A_155], %swap3A_158 {strides = array<i32>} : memref<64x64xf32, #tpu.memory_space<vmem>>, vector<1x16xf32>,
        %get3A_159 = arith.index_cast %add3A_104 : i32 to index
        %get3A_160 = arith.constant 48 : index
        %get3A_161 = tpu.vector_load %arg14[%get3A_159, %get3A_160] {strides = array<i32>} : memref<64x64xf32, #tpu.memory_space<vmem>>, vector<1x16xf32>,
        %get3A_162 = vector.shape_cast %get3A_161 : vector<1x16xf32> to vector<16xf32>
        %mul3A_163 = arith.mulf %broadcast_in_dim3A_107, %get3A_162 : vector<16xf32>
        %get3A_164 = arith.index_cast %add3A_104 : i32 to index
        %get3A_165 = arith.constant 48 : index
        %get3A_166 = tpu.vector_load %arg15[%get3A_164, %get3A_165] {strides = array<i32>} : memref<64x64xf32, #tpu.memory_space<vmem>>, vector<1x16xf32>,
        %get3A_167 = vector.shape_cast %get3A_166 : vector<1x16xf32> to vector<16xf32>
        %mul3A_168 = arith.mulf %sub3A_110, %get3A_167 : vector<16xf32>
        %add3A_169 = arith.addf %mul3A_163, %mul3A_168 : vector<16xf32>
        %swap3A_170 = arith.index_cast %add3A_104 : i32 to index
        %swap3A_171 = arith.constant 48 : index
        %swap3A_172 = tpu.vector_load %arg14[%swap3A_170, %swap3A_171] {strides = array<i32>} : memref<64x64xf32, #tpu.memory_space<vmem>>, vector<1x16xf32>,
        %swap3A_173 = vector.shape_cast %swap3A_172 : vector<1x16xf32> to vector<16xf32>
        %swap3A_174 = vector.shape_cast %add3A_169 : vector<16xf32> to vector<1x16xf32>
        tpu.vector_store %arg14[%swap3A_170, %swap3A_171], %swap3A_174 {strides = array<i32>} : memref<64x64xf32, #tpu.memory_space<vmem>>, vector<1x16xf32>,
        %mul3A_175 = arith.constant 16 : i32
        %mul3A_176 = arith.muli %scan3A_28, %mul3A_175 : i32
        %add3A_177 = arith.constant 2 : i32
        %add3A_178 = arith.addi %mul3A_176, %add3A_177 : i32
        %slice3A_179 = vector.extract_strided_slice %get3A_32 {offsets = [2], sizes = [1], strides = [1]} : vector<16xf32> to vector<1xf32>
        %squeeze3A_180 = vector.extract %slice3A_179[0] : f32 from vector<1xf32>
        %broadcast_in_dim3A_181 = vector.broadcast %squeeze3A_180 : f32 to vector<16xf32>
        %sub3A_182 = arith.constant 1.000000e+00 : f32
        %sub3A_183 = vector.broadcast %sub3A_182 : f32 to vector<16xf32>
        %sub3A_184 = arith.subf %sub3A_183, %broadcast_in_dim3A_181 : vector<16xf32>
        %get3A_185 = arith.index_cast %add3A_178 : i32 to index
        %get3A_186 = arith.constant 0 : index
        %get3A_187 = tpu.vector_load %arg14[%get3A_185, %get3A_186] {strides = array<i32>} : memref<64x64xf32, #tpu.memory_space<vmem>>, vector<1x16xf32>,
        %get3A_188 = vector.shape_cast %get3A_187 : vector<1x16xf32> to vector<16xf32>
        %mul3A_189 = arith.mulf %broadcast_in_dim3A_181, %get3A_188 : vector<16xf32>
        %get3A_190 = arith.index_cast %add3A_178 : i32 to index
        %get3A_191 = arith.constant 0 : index
        %get3A_192 = tpu.vector_load %arg15[%get3A_190, %get3A_191] {strides = array<i32>} : memref<64x64xf32, #tpu.memory_space<vmem>>, vector<1x16xf32>,
        %get3A_193 = vector.shape_cast %get3A_192 : vector<1x16xf32> to vector<16xf32>
        %mul3A_194 = arith.mulf %sub3A_184, %get3A_193 : vector<16xf32>
        %add3A_195 = arith.addf %mul3A_189, %mul3A_194 : vector<16xf32>
        %swap3A_196 = arith.index_cast %add3A_178 : i32 to index
        %swap3A_197 = arith.constant 0 : index
        %swap3A_198 = tpu.vector_load %arg14[%swap3A_196, %swap3A_197] {strides = array<i32>} : memref<64x64xf32, #tpu.memory_space<vmem>>, vector<1x16xf32>,
        %swap3A_199 = vector.shape_cast %swap3A_198 : vector<1x16xf32> to vector<16xf32>
        %swap3A_200 = vector.shape_cast %add3A_195 : vector<16xf32> to vector<1x16xf32>
        tpu.vector_store %arg14[%swap3A_196, %swap3A_197], %swap3A_200 {strides = array<i32>} : memref<64x64xf32, #tpu.memory_space<vmem>>, vector<1x16xf32>,
        %get3A_201 = arith.index_cast %add3A_178 : i32 to index
        %get3A_202 = arith.constant 16 : index
        %get3A_203 = tpu.vector_load %arg14[%get3A_201, %get3A_202] {strides = array<i32>} : memref<64x64xf32, #tpu.memory_space<vmem>>, vector<1x16xf32>,
        %get3A_204 = vector.shape_cast %get3A_203 : vector<1x16xf32> to vector<16xf32>
        %mul3A_205 = arith.mulf %broadcast_in_dim3A_181, %get3A_204 : vector<16xf32>
        %get3A_206 = arith.index_cast %add3A_178 : i32 to index
        %get3A_207 = arith.constant 16 : index
        %get3A_208 = tpu.vector_load %arg15[%get3A_206, %get3A_207] {strides = array<i32>} : memref<64x64xf32, #tpu.memory_space<vmem>>, vector<1x16xf32>,
        %get3A_209 = vector.shape_cast %get3A_208 : vector<1x16xf32> to vector<16xf32>
        %mul3A_210 = arith.mulf %sub3A_184, %get3A_209 : vector<16xf32>
        %add3A_211 = arith.addf %mul3A_205, %mul3A_210 : vector<16xf32>
        %swap3A_212 = arith.index_cast %add3A_178 : i32 to index
        %swap3A_213 = arith.constant 16 : index
        %swap3A_214 = tpu.vector_load %arg14[%swap3A_212, %swap3A_213] {strides = array<i32>} : memref<64x64xf32, #tpu.memory_space<vmem>>, vector<1x16xf32>,
        %swap3A_215 = vector.shape_cast %swap3A_214 : vector<1x16xf32> to vector<16xf32>
        %swap3A_216 = vector.shape_cast %add3A_211 : vector<16xf32> to vector<1x16xf32>
        tpu.vector_store %arg14[%swap3A_212, %swap3A_213], %swap3A_216 {strides = array<i32>} : memref<64x64xf32, #tpu.memory_space<vmem>>, vector<1x16xf32>,
        %get3A_217 = arith.index_cast %add3A_178 : i32 to index
        %get3A_218 = arith.constant 32 : index
        %get3A_219 = tpu.vector_load %arg14[%get3A_217, %get3A_218] {strides = array<i32>} : memref<64x64xf32, #tpu.memory_space<vmem>>, vector<1x16xf32>,
        %get3A_220 = vector.shape_cast %get3A_219 : vector<1x16xf32> to vector<16xf32>
        %mul3A_221 = arith.mulf %broadcast_in_dim3A_181, %get3A_220 : vector<16xf32>
        %get3A_222 = arith.index_cast %add3A_178 : i32 to index
        %get3A_223 = arith.constant 32 : index
        %get3A_224 = tpu.vector_load %arg15[%get3A_222, %get3A_223] {strides = array<i32>} : memref<64x64xf32, #tpu.memory_space<vmem>>, vector<1x16xf32>,
        %get3A_225 = vector.shape_cast %get3A_224 : vector<1x16xf32> to vector<16xf32>
        %mul3A_226 = arith.mulf %sub3A_184, %get3A_225 : vector<16xf32>
        %add3A_227 = arith.addf %mul3A_221, %mul3A_226 : vector<16xf32>
        %swap3A_228 = arith.index_cast %add3A_178 : i32 to index
        %swap3A_229 = arith.constant 32 : index
        %swap3A_230 = tpu.vector_load %arg14[%swap3A_228, %swap3A_229] {strides = array<i32>} : memref<64x64xf32, #tpu.memory_space<vmem>>, vector<1x16xf32>,
        %swap3A_231 = vector.shape_cast %swap3A_230 : vector<1x16xf32> to vector<16xf32>
        %swap3A_232 = vector.shape_cast %add3A_227 : vector<16xf32> to vector<1x16xf32>
        tpu.vector_store %arg14[%swap3A_228, %swap3A_229], %swap3A_232 {strides = array<i32>} : memref<64x64xf32, #tpu.memory_space<vmem>>, vector<1x16xf32>,
        %get3A_233 = arith.index_cast %add3A_178 : i32 to index
        %get3A_234 = arith.constant 48 : index
        %get3A_235 = tpu.vector_load %arg14[%get3A_233, %get3A_234] {strides = array<i32>} : memref<64x64xf32, #tpu.memory_space<vmem>>, vector<1x16xf32>,
        %get3A_236 = vector.shape_cast %get3A_235 : vector<1x16xf32> to vector<16xf32>
        %mul3A_237 = arith.mulf %broadcast_in_dim3A_181, %get3A_236 : vector<16xf32>
        %get3A_238 = arith.index_cast %add3A_178 : i32 to index
        %get3A_239 = arith.constant 48 : index
        %get3A_240 = tpu.vector_load %arg15[%get3A_238, %get3A_239] {strides = array<i32>} : memref<64x64xf32, #tpu.memory_space<vmem>>, vector<1x16xf32>,
        %get3A_241 = vector.shape_cast %get3A_240 : vector<1x16xf32> to vector<16xf32>
        %mul3A_242 = arith.mulf %sub3A_184, %get3A_241 : vector<16xf32>
        %add3A_243 = arith.addf %mul3A_237, %mul3A_242 : vector<16xf32>
        %swap3A_244 = arith.index_cast %add3A_178 : i32 to index
        %swap3A_245 = arith.constant 48 : index
        %swap3A_246 = tpu.vector_load %arg14[%swap3A_244, %swap3A_245] {strides = array<i32>} : memref<64x64xf32, #tpu.memory_space<vmem>>, vector<1x16xf32>,
        %swap3A_247 = vector.shape_cast %swap3A_246 : vector<1x16xf32> to vector<16xf32>
        %swap3A_248 = vector.shape_cast %add3A_243 : vector<16xf32> to vector<1x16xf32>
        tpu.vector_store %arg14[%swap3A_244, %swap3A_245], %swap3A_248 {strides = array<i32>} : memref<64x64xf32, #tpu.memory_space<vmem>>, vector<1x16xf32>,
        %mul3A_249 = arith.constant 16 : i32
        %mul3A_250 = arith.muli %scan3A_28, %mul3A_249 : i32
        %add3A_251 = arith.constant 3 : i32
        %add3A_252 = arith.addi %mul3A_250, %add3A_251 : i32
        %slice3A_253 = vector.extract_strided_slice %get3A_32 {offsets = [3], sizes = [1], strides = [1]} : vector<16xf32> to vector<1xf32>
        %squeeze3A_254 = vector.extract %slice3A_253[0] : f32 from vector<1xf32>
        %broadcast_in_dim3A_255 = vector.broadcast %squeeze3A_254 : f32 to vector<16xf32>
        %sub3A_256 = arith.constant 1.000000e+00 : f32
        %sub3A_257 = vector.broadcast %sub3A_256 : f32 to vector<16xf32>
        %sub3A_258 = arith.subf %sub3A_257, %broadcast_in_dim3A_255 : vector<16xf32>
        %get3A_259 = arith.index_cast %add3A_252 : i32 to index
        %get3A_260 = arith.constant 0 : index
        %get3A_261 = tpu.vector_load %arg14[%get3A_259, %get3A_260] {strides = array<i32>} : memref<64x64xf32, #tpu.memory_space<vmem>>, vector<1x16xf32>,
        %get3A_262 = vector.shape_cast %get3A_261 : vector<1x16xf32> to vector<16xf32>
        %mul3A_263 = arith.mulf %broadcast_in_dim3A_255, %get3A_262 : vector<16xf32>
        %get3A_264 = arith.index_cast %add3A_252 : i32 to index
        %get3A_265 = arith.constant 0 : index
        %get3A_266 = tpu.vector_load %arg15[%get3A_264, %get3A_265] {strides = array<i32>} : memref<64x64xf32, #tpu.memory_space<vmem>>, vector<1x16xf32>,
        %get3A_267 = vector.shape_cast %get3A_266 : vector<1x16xf32> to vector<16xf32>
        %mul3A_268 = arith.mulf %sub3A_258, %get3A_267 : vector<16xf32>
        %add3A_269 = arith.addf %mul3A_263, %mul3A_268 : vector<16xf32>
        %swap3A_270 = arith.index_cast %add3A_252 : i32 to index
        %swap3A_271 = arith.constant 0 : index
        %swap3A_272 = tpu.vector_load %arg14[%swap3A_270, %swap3A_271] {strides = array<i32>} : memref<64x64xf32, #tpu.memory_space<vmem>>, vector<1x16xf32>,
        %swap3A_273 = vector.shape_cast %swap3A_272 : vector<1x16xf32> to vector<16xf32>
        %swap3A_274 = vector.shape_cast %add3A_269 : vector<16xf32> to vector<1x16xf32>
        tpu.vector_store %arg14[%swap3A_270, %swap3A_271], %swap3A_274 {strides = array<i32>} : memref<64x64xf32, #tpu.memory_space<vmem>>, vector<1x16xf32>,
        %get3A_275 = arith.index_cast %add3A_252 : i32 to index
        %get3A_276 = arith.constant 16 : index
        %get3A_277 = tpu.vector_load %arg14[%get3A_275, %get3A_276] {strides = array<i32>} : memref<64x64xf32, #tpu.memory_space<vmem>>, vector<1x16xf32>,
        %get3A_278 = vector.shape_cast %get3A_277 : vector<1x16xf32> to vector<16xf32>
        %mul3A_279 = arith.mulf %broadcast_in_dim3A_255, %get3A_278 : vector<16xf32>
        %get3A_280 = arith.index_cast %add3A_252 : i32 to index
        %get3A_281 = arith.constant 16 : index
        %get3A_282 = tpu.vector_load %arg15[%get3A_280, %get3A_281] {strides = array<i32>} : memref<64x64xf32, #tpu.memory_space<vmem>>, vector<1x16xf32>,
        %get3A_283 = vector.shape_cast %get3A_282 : vector<1x16xf32> to vector<16xf32>
        %mul3A_284 = arith.mulf %sub3A_258, %get3A_283 : vector<16xf32>
        %add3A_285 = arith.addf %mul3A_279, %mul3A_284 : vector<16xf32>
        %swap3A_286 = arith.index_cast %add3A_252 : i32 to index
        %swap3A_287 = arith.constant 16 : index
        %swap3A_288 = tpu.vector_load %arg14[%swap3A_286, %swap3A_287] {strides = array<i32>} : memref<64x64xf32, #tpu.memory_space<vmem>>, vector<1x16xf32>,
        %swap3A_289 = vector.shape_cast %swap3A_288 : vector<1x16xf32> to vector<16xf32>
        %swap3A_290 = vector.shape_cast %add3A_285 : vector<16xf32> to vector<1x16xf32>
        tpu.vector_store %arg14[%swap3A_286, %swap3A_287], %swap3A_290 {strides = array<i32>} : memref<64x64xf32, #tpu.memory_space<vmem>>, vector<1x16xf32>,
        %get3A_291 = arith.index_cast %add3A_252 : i32 to index
        %get3A_292 = arith.constant 32 : index
        %get3A_293 = tpu.vector_load %arg14[%get3A_291, %get3A_292] {strides = array<i32>} : memref<64x64xf32, #tpu.memory_space<vmem>>, vector<1x16xf32>,
        %get3A_294 = vector.shape_cast %get3A_293 : vector<1x16xf32> to vector<16xf32>
        %mul3A_295 = arith.mulf %broadcast_in_dim3A_255, %get3A_294 : vector<16xf32>
        %get3A_296 = arith.index_cast %add3A_252 : i32 to index
        %get3A_297 = arith.constant 32 : index
        %get3A_298 = tpu.vector_load %arg15[%get3A_296, %get3A_297] {strides = array<i32>} : memref<64x64xf32, #tpu.memory_space<vmem>>, vector<1x16xf32>,
        %get3A_299 = vector.shape_cast %get3A_298 : vector<1x16xf32> to vector<16xf32>
        %mul3A_300 = arith.mulf %sub3A_258, %get3A_299 : vector<16xf32>
        %add3A_301 = arith.addf %mul3A_295, %mul3A_300 : vector<16xf32>
        %swap3A_302 = arith.index_cast %add3A_252 : i32 to index
        %swap3A_303 = arith.constant 32 : index
        %swap3A_304 = tpu.vector_load %arg14[%swap3A_302, %swap3A_303] {strides = array<i32>} : memref<64x64xf32, #tpu.memory_space<vmem>>, vector<1x16xf32>,
        %swap3A_305 = vector.shape_cast %swap3A_304 : vector<1x16xf32> to vector<16xf32>
        %swap3A_306 = vector.shape_cast %add3A_301 : vector<16xf32> to vector<1x16xf32>
        tpu.vector_store %arg14[%swap3A_302, %swap3A_303], %swap3A_306 {strides = array<i32>} : memref<64x64xf32, #tpu.memory_space<vmem>>, vector<1x16xf32>,
        %get3A_307 = arith.index_cast %add3A_252 : i32 to index
        %get3A_308 = arith.constant 48 : index
        %get3A_309 = tpu.vector_load %arg14[%get3A_307, %get3A_308] {strides = array<i32>} : memref<64x64xf32, #tpu.memory_space<vmem>>, vector<1x16xf32>,
        %get3A_310 = vector.shape_cast %get3A_309 : vector<1x16xf32> to vector<16xf32>
        %mul3A_311 = arith.mulf %broadcast_in_dim3A_255, %get3A_310 : vector<16xf32>
        %get3A_312 = arith.index_cast %add3A_252 : i32 to index
        %get3A_313 = arith.constant 48 : index
        %get3A_314 = tpu.vector_load %arg15[%get3A_312, %get3A_313] {strides = array<i32>} : memref<64x64xf32, #tpu.memory_space<vmem>>, vector<1x16xf32>,
        %get3A_315 = vector.shape_cast %get3A_314 : vector<1x16xf32> to vector<16xf32>
        %mul3A_316 = arith.mulf %sub3A_258, %get3A_315 : vector<16xf32>
        %add3A_317 = arith.addf %mul3A_311, %mul3A_316 : vector<16xf32>
        %swap3A_318 = arith.index_cast %add3A_252 : i32 to index
        %swap3A_319 = arith.constant 48 : index
        %swap3A_320 = tpu.vector_load %arg14[%swap3A_318, %swap3A_319] {strides = array<i32>} : memref<64x64xf32, #tpu.memory_space<vmem>>, vector<1x16xf32>,
        %swap3A_321 = vector.shape_cast %swap3A_320 : vector<1x16xf32> to vector<16xf32>
        %swap3A_322 = vector.shape_cast %add3A_317 : vector<16xf32> to vector<1x16xf32>
        tpu.vector_store %arg14[%swap3A_318, %swap3A_319], %swap3A_322 {strides = array<i32>} : memref<64x64xf32, #tpu.memory_space<vmem>>, vector<1x16xf32>,
        %mul3A_323 = arith.constant 16 : i32
        %mul3A_324 = arith.muli %scan3A_28, %mul3A_323 : i32
        %add3A_325 = arith.constant 4 : i32
        %add3A_326 = arith.addi %mul3A_324, %add3A_325 : i32
        %slice3A_327 = vector.extract_strided_slice %get3A_32 {offsets = [4], sizes = [1], strides = [1]} : vector<16xf32> to vector<1xf32>
        %squeeze3A_328 = vector.extract %slice3A_327[0] : f32 from vector<1xf32>
        %broadcast_in_dim3A_329 = vector.broadcast %squeeze3A_328 : f32 to vector<16xf32>
        %sub3A_330 = arith.constant 1.000000e+00 : f32
        %sub3A_331 = vector.broadcast %sub3A_330 : f32 to vector<16xf32>
        %sub3A_332 = arith.subf %sub3A_331, %broadcast_in_dim3A_329 : vector<16xf32>
        %get3A_333 = arith.index_cast %add3A_326 : i32 to index
        %get3A_334 = arith.constant 0 : index
        %get3A_335 = tpu.vector_load %arg14[%get3A_333, %get3A_334] {strides = array<i32>} : memref<64x64xf32, #tpu.memory_space<vmem>>, vector<1x16xf32>,
        %get3A_336 = vector.shape_cast %get3A_335 : vector<1x16xf32> to vector<16xf32>
        %mul3A_337 = arith.mulf %broadcast_in_dim3A_329, %get3A_336 : vector<16xf32>
        %get3A_338 = arith.index_cast %add3A_326 : i32 to index
        %get3A_339 = arith.constant 0 : index
        %get3A_340 = tpu.vector_load %arg15[%get3A_338, %get3A_339] {strides = array<i32>} : memref<64x64xf32, #tpu.memory_space<vmem>>, vector<1x16xf32>,
        %get3A_341 = vector.shape_cast %get3A_340 : vector<1x16xf32> to vector<16xf32>
        %mul3A_342 = arith.mulf %sub3A_332, %get3A_341 : vector<16xf32>
        %add3A_343 = arith.addf %mul3A_337, %mul3A_342 : vector<16xf32>
        %swap3A_344 = arith.index_cast %add3A_326 : i32 to index
        %swap3A_345 = arith.constant 0 : index
        %swap3A_346 = tpu.vector_load %arg14[%swap3A_344, %swap3A_345] {strides = array<i32>} : memref<64x64xf32, #tpu.memory_space<vmem>>, vector<1x16xf32>,
        %swap3A_347 = vector.shape_cast %swap3A_346 : vector<1x16xf32> to vector<16xf32>
        %swap3A_348 = vector.shape_cast %add3A_343 : vector<16xf32> to vector<1x16xf32>
        tpu.vector_store %arg14[%swap3A_344, %swap3A_345], %swap3A_348 {strides = array<i32>} : memref<64x64xf32, #tpu.memory_space<vmem>>, vector<1x16xf32>,
        %get3A_349 = arith.index_cast %add3A_326 : i32 to index
        %get3A_350 = arith.constant 16 : index
        %get3A_351 = tpu.vector_load %arg14[%get3A_349, %get3A_350] {strides = array<i32>} : memref<64x64xf32, #tpu.memory_space<vmem>>, vector<1x16xf32>,
        %get3A_352 = vector.shape_cast %get3A_351 : vector<1x16xf32> to vector<16xf32>
        %mul3A_353 = arith.mulf %broadcast_in_dim3A_329, %get3A_352 : vector<16xf32>
        %get3A_354 = arith.index_cast %add3A_326 : i32 to index
        %get3A_355 = arith.constant 16 : index
        %get3A_356 = tpu.vector_load %arg15[%get3A_354, %get3A_355] {strides = array<i32>} : memref<64x64xf32, #tpu.memory_space<vmem>>, vector<1x16xf32>,
        %get3A_357 = vector.shape_cast %get3A_356 : vector<1x16xf32> to vector<16xf32>
        %mul3A_358 = arith.mulf %sub3A_332, %get3A_357 : vector<16xf32>
        %add3A_359 = arith.addf %mul3A_353, %mul3A_358 : vector<16xf32>
        %swap3A_360 = arith.index_cast %add3A_326 : i32 to index
        %swap3A_361 = arith.constant 16 : index
        %swap3A_362 = tpu.vector_load %arg14[%swap3A_360, %swap3A_361] {strides = array<i32>} : memref<64x64xf32, #tpu.memory_space<vmem>>, vector<1x16xf32>,
        %swap3A_363 = vector.shape_cast %swap3A_362 : vector<1x16xf32> to vector<16xf32>
        %swap3A_364 = vector.shape_cast %add3A_359 : vector<16xf32> to vector<1x16xf32>
        tpu.vector_store %arg14[%swap3A_360, %swap3A_361], %swap3A_364 {strides = array<i32>} : memref<64x64xf32, #tpu.memory_space<vmem>>, vector<1x16xf32>,
        %get3A_365 = arith.index_cast %add3A_326 : i32 to index
        %get3A_366 = arith.constant 32 : index
        %get3A_367 = tpu.vector_load %arg14[%get3A_365, %get3A_366] {strides = array<i32>} : memref<64x64xf32, #tpu.memory_space<vmem>>, vector<1x16xf32>,
        %get3A_368 = vector.shape_cast %get3A_367 : vector<1x16xf32> to vector<16xf32>
        %mul3A_369 = arith.mulf %broadcast_in_dim3A_329, %get3A_368 : vector<16xf32>
        %get3A_370 = arith.index_cast %add3A_326 : i32 to index
        %get3A_371 = arith.constant 32 : index
        %get3A_372 = tpu.vector_load %arg15[%get3A_370, %get3A_371] {strides = array<i32>} : memref<64x64xf32, #tpu.memory_space<vmem>>, vector<1x16xf32>,
        %get3A_373 = vector.shape_cast %get3A_372 : vector<1x16xf32> to vector<16xf32>
        %mul3A_374 = arith.mulf %sub3A_332, %get3A_373 : vector<16xf32>
        %add3A_375 = arith.addf %mul3A_369, %mul3A_374 : vector<16xf32>
        %swap3A_376 = arith.index_cast %add3A_326 : i32 to index
        %swap3A_377 = arith.constant 32 : index
        %swap3A_378 = tpu.vector_load %arg14[%swap3A_376, %swap3A_377] {strides = array<i32>} : memref<64x64xf32, #tpu.memory_space<vmem>>, vector<1x16xf32>,
        %swap3A_379 = vector.shape_cast %swap3A_378 : vector<1x16xf32> to vector<16xf32>
        %swap3A_380 = vector.shape_cast %add3A_375 : vector<16xf32> to vector<1x16xf32>
        tpu.vector_store %arg14[%swap3A_376, %swap3A_377], %swap3A_380 {strides = array<i32>} : memref<64x64xf32, #tpu.memory_space<vmem>>, vector<1x16xf32>,
        %get3A_381 = arith.index_cast %add3A_326 : i32 to index
        %get3A_382 = arith.constant 48 : index
        %get3A_383 = tpu.vector_load %arg14[%get3A_381, %get3A_382] {strides = array<i32>} : memref<64x64xf32, #tpu.memory_space<vmem>>, vector<1x16xf32>,
        %get3A_384 = vector.shape_cast %get3A_383 : vector<1x16xf32> to vector<16xf32>
        %mul3A_385 = arith.mulf %broadcast_in_dim3A_329, %get3A_384 : vector<16xf32>
        %get3A_386 = arith.index_cast %add3A_326 : i32 to index
        %get3A_387 = arith.constant 48 : index
        %get3A_388 = tpu.vector_load %arg15[%get3A_386, %get3A_387] {strides = array<i32>} : memref<64x64xf32, #tpu.memory_space<vmem>>, vector<1x16xf32>,
        %get3A_389 = vector.shape_cast %get3A_388 : vector<1x16xf32> to vector<16xf32>
        %mul3A_390 = arith.mulf %sub3A_332, %get3A_389 : vector<16xf32>
        %add3A_391 = arith.addf %mul3A_385, %mul3A_390 : vector<16xf32>
        %swap3A_392 = arith.index_cast %add3A_326 : i32 to index
        %swap3A_393 = arith.constant 48 : index
        %swap3A_394 = tpu.vector_load %arg14[%swap3A_392, %swap3A_393] {strides = array<i32>} : memref<64x64xf32, #tpu.memory_space<vmem>>, vector<1x16xf32>,
        %swap3A_395 = vector.shape_cast %swap3A_394 : vector<1x16xf32> to vector<16xf32>
        %swap3A_396 = vector.shape_cast %add3A_391 : vector<16xf32> to vector<1x16xf32>
        tpu.vector_store %arg14[%swap3A_392, %swap3A_393], %swap3A_396 {strides = array<i32>} : memref<64x64xf32, #tpu.memory_space<vmem>>, vector<1x16xf32>,
        %mul3A_397 = arith.constant 16 : i32
        %mul3A_398 = arith.muli %scan3A_28, %mul3A_397 : i32
        %add3A_399 = arith.constant 5 : i32
        %add3A_400 = arith.addi %mul3A_398, %add3A_399 : i32
        %slice3A_401 = vector.extract_strided_slice %get3A_32 {offsets = [5], sizes = [1], strides = [1]} : vector<16xf32> to vector<1xf32>
        %squeeze3A_402 = vector.extract %slice3A_401[0] : f32 from vector<1xf32>
        %broadcast_in_dim3A_403 = vector.broadcast %squeeze3A_402 : f32 to vector<16xf32>
        %sub3A_404 = arith.constant 1.000000e+00 : f32
        %sub3A_405 = vector.broadcast %sub3A_404 : f32 to vector<16xf32>
        %sub3A_406 = arith.subf %sub3A_405, %broadcast_in_dim3A_403 : vector<16xf32>
        %get3A_407 = arith.index_cast %add3A_400 : i32 to index
        %get3A_408 = arith.constant 0 : index
        %get3A_409 = tpu.vector_load %arg14[%get3A_407, %get3A_408] {strides = array<i32>} : memref<64x64xf32, #tpu.memory_space<vmem>>, vector<1x16xf32>,
        %get3A_410 = vector.shape_cast %get3A_409 : vector<1x16xf32> to vector<16xf32>
        %mul3A_411 = arith.mulf %broadcast_in_dim3A_403, %get3A_410 : vector<16xf32>
        %get3A_412 = arith.index_cast %add3A_400 : i32 to index
        %get3A_413 = arith.constant 0 : index
        %get3A_414 = tpu.vector_load %arg15[%get3A_412, %get3A_413] {strides = array<i32>} : memref<64x64xf32, #tpu.memory_space<vmem>>, vector<1x16xf32>,
        %get3A_415 = vector.shape_cast %get3A_414 : vector<1x16xf32> to vector<16xf32>
        %mul3A_416 = arith.mulf %sub3A_406, %get3A_415 : vector<16xf32>
        %add3A_417 = arith.addf %mul3A_411, %mul3A_416 : vector<16xf32>
        %swap3A_418 = arith.index_cast %add3A_400 : i32 to index
        %swap3A_419 = arith.constant 0 : index
        %swap3A_420 = tpu.vector_load %arg14[%swap3A_418, %swap3A_419] {strides = array<i32>} : memref<64x64xf32, #tpu.memory_space<vmem>>, vector<1x16xf32>,
        %swap3A_421 = vector.shape_cast %swap3A_420 : vector<1x16xf32> to vector<16xf32>
        %swap3A_422 = vector.shape_cast %add3A_417 : vector<16xf32> to vector<1x16xf32>
        tpu.vector_store %arg14[%swap3A_418, %swap3A_419], %swap3A_422 {strides = array<i32>} : memref<64x64xf32, #tpu.memory_space<vmem>>, vector<1x16xf32>,
        %get3A_423 = arith.index_cast %add3A_400 : i32 to index
        %get3A_424 = arith.constant 16 : index
        %get3A_425 = tpu.vector_load %arg14[%get3A_423, %get3A_424] {strides = array<i32>} : memref<64x64xf32, #tpu.memory_space<vmem>>, vector<1x16xf32>,
        %get3A_426 = vector.shape_cast %get3A_425 : vector<1x16xf32> to vector<16xf32>
        %mul3A_427 = arith.mulf %broadcast_in_dim3A_403, %get3A_426 : vector<16xf32>
        %get3A_428 = arith.index_cast %add3A_400 : i32 to index
        %get3A_429 = arith.constant 16 : index
        %get3A_430 = tpu.vector_load %arg15[%get3A_428, %get3A_429] {strides = array<i32>} : memref<64x64xf32, #tpu.memory_space<vmem>>, vector<1x16xf32>,
        %get3A_431 = vector.shape_cast %get3A_430 : vector<1x16xf32> to vector<16xf32>
        %mul3A_432 = arith.mulf %sub3A_406, %get3A_431 : vector<16xf32>
        %add3A_433 = arith.addf %mul3A_427, %mul3A_432 : vector<16xf32>
        %swap3A_434 = arith.index_cast %add3A_400 : i32 to index
        %swap3A_435 = arith.constant 16 : index
        %swap3A_436 = tpu.vector_load %arg14[%swap3A_434, %swap3A_435] {strides = array<i32>} : memref<64x64xf32, #tpu.memory_space<vmem>>, vector<1x16xf32>,
        %swap3A_437 = vector.shape_cast %swap3A_436 : vector<1x16xf32> to vector<16xf32>
        %swap3A_438 = vector.shape_cast %add3A_433 : vector<16xf32> to vector<1x16xf32>
        tpu.vector_store %arg14[%swap3A_434, %swap3A_435], %swap3A_438 {strides = array<i32>} : memref<64x64xf32, #tpu.memory_space<vmem>>, vector<1x16xf32>,
        %get3A_439 = arith.index_cast %add3A_400 : i32 to index
        %get3A_440 = arith.constant 32 : index
        %get3A_441 = tpu.vector_load %arg14[%get3A_439, %get3A_440] {strides = array<i32>} : memref<64x64xf32, #tpu.memory_space<vmem>>, vector<1x16xf32>,
        %get3A_442 = vector.shape_cast %get3A_441 : vector<1x16xf32> to vector<16xf32>
        %mul3A_443 = arith.mulf %broadcast_in_dim3A_403, %get3A_442 : vector<16xf32>
        %get3A_444 = arith.index_cast %add3A_400 : i32 to index
        %get3A_445 = arith.constant 32 : index
        %get3A_446 = tpu.vector_load %arg15[%get3A_444, %get3A_445] {strides = array<i32>} : memref<64x64xf32, #tpu.memory_space<vmem>>, vector<1x16xf32>,
        %get3A_447 = vector.shape_cast %get3A_446 : vector<1x16xf32> to vector<16xf32>
        %mul3A_448 = arith.mulf %sub3A_406, %get3A_447 : vector<16xf32>
        %add3A_449 = arith.addf %mul3A_443, %mul3A_448 : vector<16xf32>
        %swap3A_450 = arith.index_cast %add3A_400 : i32 to index
        %swap3A_451 = arith.constant 32 : index
        %swap3A_452 = tpu.vector_load %arg14[%swap3A_450, %swap3A_451] {strides = array<i32>} : memref<64x64xf32, #tpu.memory_space<vmem>>, vector<1x16xf32>,
        %swap3A_453 = vector.shape_cast %swap3A_452 : vector<1x16xf32> to vector<16xf32>
        %swap3A_454 = vector.shape_cast %add3A_449 : vector<16xf32> to vector<1x16xf32>
        tpu.vector_store %arg14[%swap3A_450, %swap3A_451], %swap3A_454 {strides = array<i32>} : memref<64x64xf32, #tpu.memory_space<vmem>>, vector<1x16xf32>,
        %get3A_455 = arith.index_cast %add3A_400 : i32 to index
        %get3A_456 = arith.constant 48 : index
        %get3A_457 = tpu.vector_load %arg14[%get3A_455, %get3A_456] {strides = array<i32>} : memref<64x64xf32, #tpu.memory_space<vmem>>, vector<1x16xf32>,
        %get3A_458 = vector.shape_cast %get3A_457 : vector<1x16xf32> to vector<16xf32>
        %mul3A_459 = arith.mulf %broadcast_in_dim3A_403, %get3A_458 : vector<16xf32>
        %get3A_460 = arith.index_cast %add3A_400 : i32 to index
        %get3A_461 = arith.constant 48 : index
        %get3A_462 = tpu.vector_load %arg15[%get3A_460, %get3A_461] {strides = array<i32>} : memref<64x64xf32, #tpu.memory_space<vmem>>, vector<1x16xf32>,
        %get3A_463 = vector.shape_cast %get3A_462 : vector<1x16xf32> to vector<16xf32>
        %mul3A_464 = arith.mulf %sub3A_406, %get3A_463 : vector<16xf32>
        %add3A_465 = arith.addf %mul3A_459, %mul3A_464 : vector<16xf32>
        %swap3A_466 = arith.index_cast %add3A_400 : i32 to index
        %swap3A_467 = arith.constant 48 : index
        %swap3A_468 = tpu.vector_load %arg14[%swap3A_466, %swap3A_467] {strides = array<i32>} : memref<64x64xf32, #tpu.memory_space<vmem>>, vector<1x16xf32>,
        %swap3A_469 = vector.shape_cast %swap3A_468 : vector<1x16xf32> to vector<16xf32>
        %swap3A_470 = vector.shape_cast %add3A_465 : vector<16xf32> to vector<1x16xf32>
        tpu.vector_store %arg14[%swap3A_466, %swap3A_467], %swap3A_470 {strides = array<i32>} : memref<64x64xf32, #tpu.memory_space<vmem>>, vector<1x16xf32>,
        %mul3A_471 = arith.constant 16 : i32
        %mul3A_472 = arith.muli %scan3A_28, %mul3A_471 : i32
        %add3A_473 = arith.constant 6 : i32
        %add3A_474 = arith.addi %mul3A_472, %add3A_473 : i32
        %slice3A_475 = vector.extract_strided_slice %get3A_32 {offsets = [6], sizes = [1], strides = [1]} : vector<16xf32> to vector<1xf32>
        %squeeze3A_476 = vector.extract %slice3A_475[0] : f32 from vector<1xf32>
        %broadcast_in_dim3A_477 = vector.broadcast %squeeze3A_476 : f32 to vector<16xf32>
        %sub3A_478 = arith.constant 1.000000e+00 : f32
        %sub3A_479 = vector.broadcast %sub3A_478 : f32 to vector<16xf32>
        %sub3A_480 = arith.subf %sub3A_479, %broadcast_in_dim3A_477 : vector<16xf32>
        %get3A_481 = arith.index_cast %add3A_474 : i32 to index
        %get3A_482 = arith.constant 0 : index
        %get3A_483 = tpu.vector_load %arg14[%get3A_481, %get3A_482] {strides = array<i32>} : memref<64x64xf32, #tpu.memory_space<vmem>>, vector<1x16xf32>,
        %get3A_484 = vector.shape_cast %get3A_483 : vector<1x16xf32> to vector<16xf32>
        %mul3A_485 = arith.mulf %broadcast_in_dim3A_477, %get3A_484 : vector<16xf32>
        %get3A_486 = arith.index_cast %add3A_474 : i32 to index
        %get3A_487 = arith.constant 0 : index
        %get3A_488 = tpu.vector_load %arg15[%get3A_486, %get3A_487] {strides = array<i32>} : memref<64x64xf32, #tpu.memory_space<vmem>>, vector<1x16xf32>,
        %get3A_489 = vector.shape_cast %get3A_488 : vector<1x16xf32> to vector<16xf32>
        %mul3A_490 = arith.mulf %sub3A_480, %get3A_489 : vector<16xf32>
        %add3A_491 = arith.addf %mul3A_485, %mul3A_490 : vector<16xf32>
        %swap3A_492 = arith.index_cast %add3A_474 : i32 to index
        %swap3A_493 = arith.constant 0 : index
        %swap3A_494 = tpu.vector_load %arg14[%swap3A_492, %swap3A_493] {strides = array<i32>} : memref<64x64xf32, #tpu.memory_space<vmem>>, vector<1x16xf32>,
        %swap3A_495 = vector.shape_cast %swap3A_494 : vector<1x16xf32> to vector<16xf32>
        %swap3A_496 = vector.shape_cast %add3A_491 : vector<16xf32> to vector<1x16xf32>
        tpu.vector_store %arg14[%swap3A_492, %swap3A_493], %swap3A_496 {strides = array<i32>} : memref<64x64xf32, #tpu.memory_space<vmem>>, vector<1x16xf32>,
        %get3A_497 = arith.index_cast %add3A_474 : i32 to index
        %get3A_498 = arith.constant 16 : index
        %get3A_499 = tpu.vector_load %arg14[%get3A_497, %get3A_498] {strides = array<i32>} : memref<64x64xf32, #tpu.memory_space<vmem>>, vector<1x16xf32>,
        %get3A_500 = vector.shape_cast %get3A_499 : vector<1x16xf32> to vector<16xf32>
        %mul3A_501 = arith.mulf %broadcast_in_dim3A_477, %get3A_500 : vector<16xf32>
        %get3A_502 = arith.index_cast %add3A_474 : i32 to index
        %get3A_503 = arith.constant 16 : index
        %get3A_504 = tpu.vector_load %arg15[%get3A_502, %get3A_503] {strides = array<i32>} : memref<64x64xf32, #tpu.memory_space<vmem>>, vector<1x16xf32>,
        %get3A_505 = vector.shape_cast %get3A_504 : vector<1x16xf32> to vector<16xf32>
        %mul3A_506 = arith.mulf %sub3A_480, %get3A_505 : vector<16xf32>
        %add3A_507 = arith.addf %mul3A_501, %mul3A_506 : vector<16xf32>
        %swap3A_508 = arith.index_cast %add3A_474 : i32 to index
        %swap3A_509 = arith.constant 16 : index
        %swap3A_510 = tpu.vector_load %arg14[%swap3A_508, %swap3A_509] {strides = array<i32>} : memref<64x64xf32, #tpu.memory_space<vmem>>, vector<1x16xf32>,
        %swap3A_511 = vector.shape_cast %swap3A_510 : vector<1x16xf32> to vector<16xf32>
        %swap3A_512 = vector.shape_cast %add3A_507 : vector<16xf32> to vector<1x16xf32>
        tpu.vector_store %arg14[%swap3A_508, %swap3A_509], %swap3A_512 {strides = array<i32>} : memref<64x64xf32, #tpu.memory_space<vmem>>, vector<1x16xf32>,
        %get3A_513 = arith.index_cast %add3A_474 : i32 to index
        %get3A_514 = arith.constant 32 : index
        %get3A_515 = tpu.vector_load %arg14[%get3A_513, %get3A_514] {strides = array<i32>} : memref<64x64xf32, #tpu.memory_space<vmem>>, vector<1x16xf32>,
        %get3A_516 = vector.shape_cast %get3A_515 : vector<1x16xf32> to vector<16xf32>
        %mul3A_517 = arith.mulf %broadcast_in_dim3A_477, %get3A_516 : vector<16xf32>
        %get3A_518 = arith.index_cast %add3A_474 : i32 to index
        %get3A_519 = arith.constant 32 : index
        %get3A_520 = tpu.vector_load %arg15[%get3A_518, %get3A_519] {strides = array<i32>} : memref<64x64xf32, #tpu.memory_space<vmem>>, vector<1x16xf32>,
        %get3A_521 = vector.shape_cast %get3A_520 : vector<1x16xf32> to vector<16xf32>
        %mul3A_522 = arith.mulf %sub3A_480, %get3A_521 : vector<16xf32>
        %add3A_523 = arith.addf %mul3A_517, %mul3A_522 : vector<16xf32>
        %swap3A_524 = arith.index_cast %add3A_474 : i32 to index
        %swap3A_525 = arith.constant 32 : index
        %swap3A_526 = tpu.vector_load %arg14[%swap3A_524, %swap3A_525] {strides = array<i32>} : memref<64x64xf32, #tpu.memory_space<vmem>>, vector<1x16xf32>,
        %swap3A_527 = vector.shape_cast %swap3A_526 : vector<1x16xf32> to vector<16xf32>
        %swap3A_528 = vector.shape_cast %add3A_523 : vector<16xf32> to vector<1x16xf32>
        tpu.vector_store %arg14[%swap3A_524, %swap3A_525], %swap3A_528 {strides = array<i32>} : memref<64x64xf32, #tpu.memory_space<vmem>>, vector<1x16xf32>,
        %get3A_529 = arith.index_cast %add3A_474 : i32 to index
        %get3A_530 = arith.constant 48 : index
        %get3A_531 = tpu.vector_load %arg14[%get3A_529, %get3A_530] {strides = array<i32>} : memref<64x64xf32, #tpu.memory_space<vmem>>, vector<1x16xf32>,
        %get3A_532 = vector.shape_cast %get3A_531 : vector<1x16xf32> to vector<16xf32>
        %mul3A_533 = arith.mulf %broadcast_in_dim3A_477, %get3A_532 : vector<16xf32>
        %get3A_534 = arith.index_cast %add3A_474 : i32 to index
        %get3A_535 = arith.constant 48 : index
        %get3A_536 = tpu.vector_load %arg15[%get3A_534, %get3A_535] {strides = array<i32>} : memref<64x64xf32, #tpu.memory_space<vmem>>, vector<1x16xf32>,
        %get3A_537 = vector.shape_cast %get3A_536 : vector<1x16xf32> to vector<16xf32>
        %mul3A_538 = arith.mulf %sub3A_480, %get3A_537 : vector<16xf32>
        %add3A_539 = arith.addf %mul3A_533, %mul3A_538 : vector<16xf32>
        %swap3A_540 = arith.index_cast %add3A_474 : i32 to index
        %swap3A_541 = arith.constant 48 : index
        %swap3A_542 = tpu.vector_load %arg14[%swap3A_540, %swap3A_541] {strides = array<i32>} : memref<64x64xf32, #tpu.memory_space<vmem>>, vector<1x16xf32>,
        %swap3A_543 = vector.shape_cast %swap3A_542 : vector<1x16xf32> to vector<16xf32>
        %swap3A_544 = vector.shape_cast %add3A_539 : vector<16xf32> to vector<1x16xf32>
        tpu.vector_store %arg14[%swap3A_540, %swap3A_541], %swap3A_544 {strides = array<i32>} : memref<64x64xf32, #tpu.memory_space<vmem>>, vector<1x16xf32>,
        %mul3A_545 = arith.constant 16 : i32
        %mul3A_546 = arith.muli %scan3A_28, %mul3A_545 : i32
        %add3A_547 = arith.constant 7 : i32
        %add3A_548 = arith.addi %mul3A_546, %add3A_547 : i32
        %slice3A_549 = vector.extract_strided_slice %get3A_32 {offsets = [7], sizes = [1], strides = [1]} : vector<16xf32> to vector<1xf32>
        %squeeze3A_550 = vector.extract %slice3A_549[0] : f32 from vector<1xf32>
        %broadcast_in_dim3A_551 = vector.broadcast %squeeze3A_550 : f32 to vector<16xf32>
        %sub3A_552 = arith.constant 1.000000e+00 : f32
        %sub3A_553 = vector.broadcast %sub3A_552 : f32 to vector<16xf32>
        %sub3A_554 = arith.subf %sub3A_553, %broadcast_in_dim3A_551 : vector<16xf32>
        %get3A_555 = arith.index_cast %add3A_548 : i32 to index
        %get3A_556 = arith.constant 0 : index
        %get3A_557 = tpu.vector_load %arg14[%get3A_555, %get3A_556] {strides = array<i32>} : memref<64x64xf32, #tpu.memory_space<vmem>>, vector<1x16xf32>,
        %get3A_558 = vector.shape_cast %get3A_557 : vector<1x16xf32> to vector<16xf32>
        %mul3A_559 = arith.mulf %broadcast_in_dim3A_551, %get3A_558 : vector<16xf32>
        %get3A_560 = arith.index_cast %add3A_548 : i32 to index
        %get3A_561 = arith.constant 0 : index
        %get3A_562 = tpu.vector_load %arg15[%get3A_560, %get3A_561] {strides = array<i32>} : memref<64x64xf32, #tpu.memory_space<vmem>>, vector<1x16xf32>,
        %get3A_563 = vector.shape_cast %get3A_562 : vector<1x16xf32> to vector<16xf32>
        %mul3A_564 = arith.mulf %sub3A_554, %get3A_563 : vector<16xf32>
        %add3A_565 = arith.addf %mul3A_559, %mul3A_564 : vector<16xf32>
        %swap3A_566 = arith.index_cast %add3A_548 : i32 to index
        %swap3A_567 = arith.constant 0 : index
        %swap3A_568 = tpu.vector_load %arg14[%swap3A_566, %swap3A_567] {strides = array<i32>} : memref<64x64xf32, #tpu.memory_space<vmem>>, vector<1x16xf32>,
        %swap3A_569 = vector.shape_cast %swap3A_568 : vector<1x16xf32> to vector<16xf32>
        %swap3A_570 = vector.shape_cast %add3A_565 : vector<16xf32> to vector<1x16xf32>
        tpu.vector_store %arg14[%swap3A_566, %swap3A_567], %swap3A_570 {strides = array<i32>} : memref<64x64xf32, #tpu.memory_space<vmem>>, vector<1x16xf32>,
        %get3A_571 = arith.index_cast %add3A_548 : i32 to index
        %get3A_572 = arith.constant 16 : index
        %get3A_573 = tpu.vector_load %arg14[%get3A_571, %get3A_572] {strides = array<i32>} : memref<64x64xf32, #tpu.memory_space<vmem>>, vector<1x16xf32>,
        %get3A_574 = vector.shape_cast %get3A_573 : vector<1x16xf32> to vector<16xf32>
        %mul3A_575 = arith.mulf %broadcast_in_dim3A_551, %get3A_574 : vector<16xf32>
        %get3A_576 = arith.index_cast %add3A_548 : i32 to index
        %get3A_577 = arith.constant 16 : index
        %get3A_578 = tpu.vector_load %arg15[%get3A_576, %get3A_577] {strides = array<i32>} : memref<64x64xf32, #tpu.memory_space<vmem>>, vector<1x16xf32>,
        %get3A_579 = vector.shape_cast %get3A_578 : vector<1x16xf32> to vector<16xf32>
        %mul3A_580 = arith.mulf %sub3A_554, %get3A_579 : vector<16xf32>
        %add3A_581 = arith.addf %mul3A_575, %mul3A_580 : vector<16xf32>
        %swap3A_582 = arith.index_cast %add3A_548 : i32 to index
        %swap3A_583 = arith.constant 16 : index
        %swap3A_584 = tpu.vector_load %arg14[%swap3A_582, %swap3A_583] {strides = array<i32>} : memref<64x64xf32, #tpu.memory_space<vmem>>, vector<1x16xf32>,
        %swap3A_585 = vector.shape_cast %swap3A_584 : vector<1x16xf32> to vector<16xf32>
        %swap3A_586 = vector.shape_cast %add3A_581 : vector<16xf32> to vector<1x16xf32>
        tpu.vector_store %arg14[%swap3A_582, %swap3A_583], %swap3A_586 {strides = array<i32>} : memref<64x64xf32, #tpu.memory_space<vmem>>, vector<1x16xf32>,
        %get3A_587 = arith.index_cast %add3A_548 : i32 to index
        %get3A_588 = arith.constant 32 : index
        %get3A_589 = tpu.vector_load %arg14[%get3A_587, %get3A_588] {strides = array<i32>} : memref<64x64xf32, #tpu.memory_space<vmem>>, vector<1x16xf32>,
        %get3A_590 = vector.shape_cast %get3A_589 : vector<1x16xf32> to vector<16xf32>
        %mul3A_591 = arith.mulf %broadcast_in_dim3A_551, %get3A_590 : vector<16xf32>
        %get3A_592 = arith.index_cast %add3A_548 : i32 to index
        %get3A_593 = arith.constant 32 : index
        %get3A_594 = tpu.vector_load %arg15[%get3A_592, %get3A_593] {strides = array<i32>} : memref<64x64xf32, #tpu.memory_space<vmem>>, vector<1x16xf32>,
        %get3A_595 = vector.shape_cast %get3A_594 : vector<1x16xf32> to vector<16xf32>
        %mul3A_596 = arith.mulf %sub3A_554, %get3A_595 : vector<16xf32>
        %add3A_597 = arith.addf %mul3A_591, %mul3A_596 : vector<16xf32>
        %swap3A_598 = arith.index_cast %add3A_548 : i32 to index
        %swap3A_599 = arith.constant 32 : index
        %swap3A_600 = tpu.vector_load %arg14[%swap3A_598, %swap3A_599] {strides = array<i32>} : memref<64x64xf32, #tpu.memory_space<vmem>>, vector<1x16xf32>,
        %swap3A_601 = vector.shape_cast %swap3A_600 : vector<1x16xf32> to vector<16xf32>
        %swap3A_602 = vector.shape_cast %add3A_597 : vector<16xf32> to vector<1x16xf32>
        tpu.vector_store %arg14[%swap3A_598, %swap3A_599], %swap3A_602 {strides = array<i32>} : memref<64x64xf32, #tpu.memory_space<vmem>>, vector<1x16xf32>,
        %get3A_603 = arith.index_cast %add3A_548 : i32 to index
        %get3A_604 = arith.constant 48 : index
        %get3A_605 = tpu.vector_load %arg14[%get3A_603, %get3A_604] {strides = array<i32>} : memref<64x64xf32, #tpu.memory_space<vmem>>, vector<1x16xf32>,
        %get3A_606 = vector.shape_cast %get3A_605 : vector<1x16xf32> to vector<16xf32>
        %mul3A_607 = arith.mulf %broadcast_in_dim3A_551, %get3A_606 : vector<16xf32>
        %get3A_608 = arith.index_cast %add3A_548 : i32 to index
        %get3A_609 = arith.constant 48 : index
        %get3A_610 = tpu.vector_load %arg15[%get3A_608, %get3A_609] {strides = array<i32>} : memref<64x64xf32, #tpu.memory_space<vmem>>, vector<1x16xf32>,
        %get3A_611 = vector.shape_cast %get3A_610 : vector<1x16xf32> to vector<16xf32>
        %mul3A_612 = arith.mulf %sub3A_554, %get3A_611 : vector<16xf32>
        %add3A_613 = arith.addf %mul3A_607, %mul3A_612 : vector<16xf32>
        %swap3A_614 = arith.index_cast %add3A_548 : i32 to index
        %swap3A_615 = arith.constant 48 : index
        %swap3A_616 = tpu.vector_load %arg14[%swap3A_614, %swap3A_615] {strides = array<i32>} : memref<64x64xf32, #tpu.memory_space<vmem>>, vector<1x16xf32>,
        %swap3A_617 = vector.shape_cast %swap3A_616 : vector<1x16xf32> to vector<16xf32>
        %swap3A_618 = vector.shape_cast %add3A_613 : vector<16xf32> to vector<1x16xf32>
        tpu.vector_store %arg14[%swap3A_614, %swap3A_615], %swap3A_618 {strides = array<i32>} : memref<64x64xf32, #tpu.memory_space<vmem>>, vector<1x16xf32>,
        %mul3A_619 = arith.constant 16 : i32
        %mul3A_620 = arith.muli %scan3A_28, %mul3A_619 : i32
        %add3A_621 = arith.constant 8 : i32
        %add3A_622 = arith.addi %mul3A_620, %add3A_621 : i32
        %slice3A_623 = vector.extract_strided_slice %get3A_32 {offsets = [8], sizes = [1], strides = [1]} : vector<16xf32> to vector<1xf32>
        %squeeze3A_624 = vector.extract %slice3A_623[0] : f32 from vector<1xf32>
        %broadcast_in_dim3A_625 = vector.broadcast %squeeze3A_624 : f32 to vector<16xf32>
        %sub3A_626 = arith.constant 1.000000e+00 : f32
        %sub3A_627 = vector.broadcast %sub3A_626 : f32 to vector<16xf32>
        %sub3A_628 = arith.subf %sub3A_627, %broadcast_in_dim3A_625 : vector<16xf32>
        %get3A_629 = arith.index_cast %add3A_622 : i32 to index
        %get3A_630 = arith.constant 0 : index
        %get3A_631 = tpu.vector_load %arg14[%get3A_629, %get3A_630] {strides = array<i32>} : memref<64x64xf32, #tpu.memory_space<vmem>>, vector<1x16xf32>,
        %get3A_632 = vector.shape_cast %get3A_631 : vector<1x16xf32> to vector<16xf32>
        %mul3A_633 = arith.mulf %broadcast_in_dim3A_625, %get3A_632 : vector<16xf32>
        %get3A_634 = arith.index_cast %add3A_622 : i32 to index
        %get3A_635 = arith.constant 0 : index
        %get3A_636 = tpu.vector_load %arg15[%get3A_634, %get3A_635] {strides = array<i32>} : memref<64x64xf32, #tpu.memory_space<vmem>>, vector<1x16xf32>,
        %get3A_637 = vector.shape_cast %get3A_636 : vector<1x16xf32> to vector<16xf32>
        %mul3A_638 = arith.mulf %sub3A_628, %get3A_637 : vector<16xf32>
        %add3A_639 = arith.addf %mul3A_633, %mul3A_638 : vector<16xf32>
        %swap3A_640 = arith.index_cast %add3A_622 : i32 to index
        %swap3A_641 = arith.constant 0 : index
        %swap3A_642 = tpu.vector_load %arg14[%swap3A_640, %swap3A_641] {strides = array<i32>} : memref<64x64xf32, #tpu.memory_space<vmem>>, vector<1x16xf32>,
        %swap3A_643 = vector.shape_cast %swap3A_642 : vector<1x16xf32> to vector<16xf32>
        %swap3A_644 = vector.shape_cast %add3A_639 : vector<16xf32> to vector<1x16xf32>
        tpu.vector_store %arg14[%swap3A_640, %swap3A_641], %swap3A_644 {strides = array<i32>} : memref<64x64xf32, #tpu.memory_space<vmem>>, vector<1x16xf32>,
        %get3A_645 = arith.index_cast %add3A_622 : i32 to index
        %get3A_646 = arith.constant 16 : index
        %get3A_647 = tpu.vector_load %arg14[%get3A_645, %get3A_646] {strides = array<i32>} : memref<64x64xf32, #tpu.memory_space<vmem>>, vector<1x16xf32>,
        %get3A_648 = vector.shape_cast %get3A_647 : vector<1x16xf32> to vector<16xf32>
        %mul3A_649 = arith.mulf %broadcast_in_dim3A_625, %get3A_648 : vector<16xf32>
        %get3A_650 = arith.index_cast %add3A_622 : i32 to index
        %get3A_651 = arith.constant 16 : index
        %get3A_652 = tpu.vector_load %arg15[%get3A_650, %get3A_651] {strides = array<i32>} : memref<64x64xf32, #tpu.memory_space<vmem>>, vector<1x16xf32>,
        %get3A_653 = vector.shape_cast %get3A_652 : vector<1x16xf32> to vector<16xf32>
        %mul3A_654 = arith.mulf %sub3A_628, %get3A_653 : vector<16xf32>
        %add3A_655 = arith.addf %mul3A_649, %mul3A_654 : vector<16xf32>
        %swap3A_656 = arith.index_cast %add3A_622 : i32 to index
        %swap3A_657 = arith.constant 16 : index
        %swap3A_658 = tpu.vector_load %arg14[%swap3A_656, %swap3A_657] {strides = array<i32>} : memref<64x64xf32, #tpu.memory_space<vmem>>, vector<1x16xf32>,
        %swap3A_659 = vector.shape_cast %swap3A_658 : vector<1x16xf32> to vector<16xf32>
        %swap3A_660 = vector.shape_cast %add3A_655 : vector<16xf32> to vector<1x16xf32>
        tpu.vector_store %arg14[%swap3A_656, %swap3A_657], %swap3A_660 {strides = array<i32>} : memref<64x64xf32, #tpu.memory_space<vmem>>, vector<1x16xf32>,
        %get3A_661 = arith.index_cast %add3A_622 : i32 to index
        %get3A_662 = arith.constant 32 : index
        %get3A_663 = tpu.vector_load %arg14[%get3A_661, %get3A_662] {strides = array<i32>} : memref<64x64xf32, #tpu.memory_space<vmem>>, vector<1x16xf32>,
        %get3A_664 = vector.shape_cast %get3A_663 : vector<1x16xf32> to vector<16xf32>
        %mul3A_665 = arith.mulf %broadcast_in_dim3A_625, %get3A_664 : vector<16xf32>
        %get3A_666 = arith.index_cast %add3A_622 : i32 to index
        %get3A_667 = arith.constant 32 : index
        %get3A_668 = tpu.vector_load %arg15[%get3A_666, %get3A_667] {strides = array<i32>} : memref<64x64xf32, #tpu.memory_space<vmem>>, vector<1x16xf32>,
        %get3A_669 = vector.shape_cast %get3A_668 : vector<1x16xf32> to vector<16xf32>
        %mul3A_670 = arith.mulf %sub3A_628, %get3A_669 : vector<16xf32>
        %add3A_671 = arith.addf %mul3A_665, %mul3A_670 : vector<16xf32>
        %swap3A_672 = arith.index_cast %add3A_622 : i32 to index
        %swap3A_673 = arith.constant 32 : index
        %swap3A_674 = tpu.vector_load %arg14[%swap3A_672, %swap3A_673] {strides = array<i32>} : memref<64x64xf32, #tpu.memory_space<vmem>>, vector<1x16xf32>,
        %swap3A_675 = vector.shape_cast %swap3A_674 : vector<1x16xf32> to vector<16xf32>
        %swap3A_676 = vector.shape_cast %add3A_671 : vector<16xf32> to vector<1x16xf32>
        tpu.vector_store %arg14[%swap3A_672, %swap3A_673], %swap3A_676 {strides = array<i32>} : memref<64x64xf32, #tpu.memory_space<vmem>>, vector<1x16xf32>,
        %get3A_677 = arith.index_cast %add3A_622 : i32 to index
        %get3A_678 = arith.constant 48 : index
        %get3A_679 = tpu.vector_load %arg14[%get3A_677, %get3A_678] {strides = array<i32>} : memref<64x64xf32, #tpu.memory_space<vmem>>, vector<1x16xf32>,
        %get3A_680 = vector.shape_cast %get3A_679 : vector<1x16xf32> to vector<16xf32>
        %mul3A_681 = arith.mulf %broadcast_in_dim3A_625, %get3A_680 : vector<16xf32>
        %get3A_682 = arith.index_cast %add3A_622 : i32 to index
        %get3A_683 = arith.constant 48 : index
        %get3A_684 = tpu.vector_load %arg15[%get3A_682, %get3A_683] {strides = array<i32>} : memref<64x64xf32, #tpu.memory_space<vmem>>, vector<1x16xf32>,
        %get3A_685 = vector.shape_cast %get3A_684 : vector<1x16xf32> to vector<16xf32>
        %mul3A_686 = arith.mulf %sub3A_628, %get3A_685 : vector<16xf32>
        %add3A_687 = arith.addf %mul3A_681, %mul3A_686 : vector<16xf32>
        %swap3A_688 = arith.index_cast %add3A_622 : i32 to index
        %swap3A_689 = arith.constant 48 : index
        %swap3A_690 = tpu.vector_load %arg14[%swap3A_688, %swap3A_689] {strides = array<i32>} : memref<64x64xf32, #tpu.memory_space<vmem>>, vector<1x16xf32>,
        %swap3A_691 = vector.shape_cast %swap3A_690 : vector<1x16xf32> to vector<16xf32>
        %swap3A_692 = vector.shape_cast %add3A_687 : vector<16xf32> to vector<1x16xf32>
        tpu.vector_store %arg14[%swap3A_688, %swap3A_689], %swap3A_692 {strides = array<i32>} : memref<64x64xf32, #tpu.memory_space<vmem>>, vector<1x16xf32>,
        %mul3A_693 = arith.constant 16 : i32
        %mul3A_694 = arith.muli %scan3A_28, %mul3A_693 : i32
        %add3A_695 = arith.constant 9 : i32
        %add3A_696 = arith.addi %mul3A_694, %add3A_695 : i32
        %slice3A_697 = vector.extract_strided_slice %get3A_32 {offsets = [9], sizes = [1], strides = [1]} : vector<16xf32> to vector<1xf32>
        %squeeze3A_698 = vector.extract %slice3A_697[0] : f32 from vector<1xf32>
        %broadcast_in_dim3A_699 = vector.broadcast %squeeze3A_698 : f32 to vector<16xf32>
        %sub3A_700 = arith.constant 1.000000e+00 : f32
        %sub3A_701 = vector.broadcast %sub3A_700 : f32 to vector<16xf32>
        %sub3A_702 = arith.subf %sub3A_701, %broadcast_in_dim3A_699 : vector<16xf32>
        %get3A_703 = arith.index_cast %add3A_696 : i32 to index
        %get3A_704 = arith.constant 0 : index
        %get3A_705 = tpu.vector_load %arg14[%get3A_703, %get3A_704] {strides = array<i32>} : memref<64x64xf32, #tpu.memory_space<vmem>>, vector<1x16xf32>,
        %get3A_706 = vector.shape_cast %get3A_705 : vector<1x16xf32> to vector<16xf32>
        %mul3A_707 = arith.mulf %broadcast_in_dim3A_699, %get3A_706 : vector<16xf32>
        %get3A_708 = arith.index_cast %add3A_696 : i32 to index
        %get3A_709 = arith.constant 0 : index
        %get3A_710 = tpu.vector_load %arg15[%get3A_708, %get3A_709] {strides = array<i32>} : memref<64x64xf32, #tpu.memory_space<vmem>>, vector<1x16xf32>,
        %get3A_711 = vector.shape_cast %get3A_710 : vector<1x16xf32> to vector<16xf32>
        %mul3A_712 = arith.mulf %sub3A_702, %get3A_711 : vector<16xf32>
        %add3A_713 = arith.addf %mul3A_707, %mul3A_712 : vector<16xf32>
        %swap3A_714 = arith.index_cast %add3A_696 : i32 to index
        %swap3A_715 = arith.constant 0 : index
        %swap3A_716 = tpu.vector_load %arg14[%swap3A_714, %swap3A_715] {strides = array<i32>} : memref<64x64xf32, #tpu.memory_space<vmem>>, vector<1x16xf32>,
        %swap3A_717 = vector.shape_cast %swap3A_716 : vector<1x16xf32> to vector<16xf32>
        %swap3A_718 = vector.shape_cast %add3A_713 : vector<16xf32> to vector<1x16xf32>
        tpu.vector_store %arg14[%swap3A_714, %swap3A_715], %swap3A_718 {strides = array<i32>} : memref<64x64xf32, #tpu.memory_space<vmem>>, vector<1x16xf32>,
        %get3A_719 = arith.index_cast %add3A_696 : i32 to index
        %get3A_720 = arith.constant 16 : index
        %get3A_721 = tpu.vector_load %arg14[%get3A_719, %get3A_720] {strides = array<i32>} : memref<64x64xf32, #tpu.memory_space<vmem>>, vector<1x16xf32>,
        %get3A_722 = vector.shape_cast %get3A_721 : vector<1x16xf32> to vector<16xf32>
        %mul3A_723 = arith.mulf %broadcast_in_dim3A_699, %get3A_722 : vector<16xf32>
        %get3A_724 = arith.index_cast %add3A_696 : i32 to index
        %get3A_725 = arith.constant 16 : index
        %get3A_726 = tpu.vector_load %arg15[%get3A_724, %get3A_725] {strides = array<i32>} : memref<64x64xf32, #tpu.memory_space<vmem>>, vector<1x16xf32>,
        %get3A_727 = vector.shape_cast %get3A_726 : vector<1x16xf32> to vector<16xf32>
        %mul3A_728 = arith.mulf %sub3A_702, %get3A_727 : vector<16xf32>
        %add3A_729 = arith.addf %mul3A_723, %mul3A_728 : vector<16xf32>
        %swap3A_730 = arith.index_cast %add3A_696 : i32 to index
        %swap3A_731 = arith.constant 16 : index
        %swap3A_732 = tpu.vector_load %arg14[%swap3A_730, %swap3A_731] {strides = array<i32>} : memref<64x64xf32, #tpu.memory_space<vmem>>, vector<1x16xf32>,
        %swap3A_733 = vector.shape_cast %swap3A_732 : vector<1x16xf32> to vector<16xf32>
        %swap3A_734 = vector.shape_cast %add3A_729 : vector<16xf32> to vector<1x16xf32>
        tpu.vector_store %arg14[%swap3A_730, %swap3A_731], %swap3A_734 {strides = array<i32>} : memref<64x64xf32, #tpu.memory_space<vmem>>, vector<1x16xf32>,
        %get3A_735 = arith.index_cast %add3A_696 : i32 to index
        %get3A_736 = arith.constant 32 : index
        %get3A_737 = tpu.vector_load %arg14[%get3A_735, %get3A_736] {strides = array<i32>} : memref<64x64xf32, #tpu.memory_space<vmem>>, vector<1x16xf32>,
        %get3A_738 = vector.shape_cast %get3A_737 : vector<1x16xf32> to vector<16xf32>
        %mul3A_739 = arith.mulf %broadcast_in_dim3A_699, %get3A_738 : vector<16xf32>
        %get3A_740 = arith.index_cast %add3A_696 : i32 to index
        %get3A_741 = arith.constant 32 : index
        %get3A_742 = tpu.vector_load %arg15[%get3A_740, %get3A_741] {strides = array<i32>} : memref<64x64xf32, #tpu.memory_space<vmem>>, vector<1x16xf32>,
        %get3A_743 = vector.shape_cast %get3A_742 : vector<1x16xf32> to vector<16xf32>
        %mul3A_744 = arith.mulf %sub3A_702, %get3A_743 : vector<16xf32>
        %add3A_745 = arith.addf %mul3A_739, %mul3A_744 : vector<16xf32>
        %swap3A_746 = arith.index_cast %add3A_696 : i32 to index
        %swap3A_747 = arith.constant 32 : index
        %swap3A_748 = tpu.vector_load %arg14[%swap3A_746, %swap3A_747] {strides = array<i32>} : memref<64x64xf32, #tpu.memory_space<vmem>>, vector<1x16xf32>,
        %swap3A_749 = vector.shape_cast %swap3A_748 : vector<1x16xf32> to vector<16xf32>
        %swap3A_750 = vector.shape_cast %add3A_745 : vector<16xf32> to vector<1x16xf32>
        tpu.vector_store %arg14[%swap3A_746, %swap3A_747], %swap3A_750 {strides = array<i32>} : memref<64x64xf32, #tpu.memory_space<vmem>>, vector<1x16xf32>,
        %get3A_751 = arith.index_cast %add3A_696 : i32 to index
        %get3A_752 = arith.constant 48 : index
        %get3A_753 = tpu.vector_load %arg14[%get3A_751, %get3A_752] {strides = array<i32>} : memref<64x64xf32, #tpu.memory_space<vmem>>, vector<1x16xf32>,
        %get3A_754 = vector.shape_cast %get3A_753 : vector<1x16xf32> to vector<16xf32>
        %mul3A_755 = arith.mulf %broadcast_in_dim3A_699, %get3A_754 : vector<16xf32>
        %get3A_756 = arith.index_cast %add3A_696 : i32 to index
        %get3A_757 = arith.constant 48 : index
        %get3A_758 = tpu.vector_load %arg15[%get3A_756, %get3A_757] {strides = array<i32>} : memref<64x64xf32, #tpu.memory_space<vmem>>, vector<1x16xf32>,
        %get3A_759 = vector.shape_cast %get3A_758 : vector<1x16xf32> to vector<16xf32>
        %mul3A_760 = arith.mulf %sub3A_702, %get3A_759 : vector<16xf32>
        %add3A_761 = arith.addf %mul3A_755, %mul3A_760 : vector<16xf32>
        %swap3A_762 = arith.index_cast %add3A_696 : i32 to index
        %swap3A_763 = arith.constant 48 : index
        %swap3A_764 = tpu.vector_load %arg14[%swap3A_762, %swap3A_763] {strides = array<i32>} : memref<64x64xf32, #tpu.memory_space<vmem>>, vector<1x16xf32>,
        %swap3A_765 = vector.shape_cast %swap3A_764 : vector<1x16xf32> to vector<16xf32>
        %swap3A_766 = vector.shape_cast %add3A_761 : vector<16xf32> to vector<1x16xf32>
        tpu.vector_store %arg14[%swap3A_762, %swap3A_763], %swap3A_766 {strides = array<i32>} : memref<64x64xf32, #tpu.memory_space<vmem>>, vector<1x16xf32>,
        %mul3A_767 = arith.constant 16 : i32
        %mul3A_768 = arith.muli %scan3A_28, %mul3A_767 : i32
        %add3A_769 = arith.constant 10 : i32
        %add3A_770 = arith.addi %mul3A_768, %add3A_769 : i32
        %slice3A_771 = vector.extract_strided_slice %get3A_32 {offsets = [10], sizes = [1], strides = [1]} : vector<16xf32> to vector<1xf32>
        %squeeze3A_772 = vector.extract %slice3A_771[0] : f32 from vector<1xf32>
        %broadcast_in_dim3A_773 = vector.broadcast %squeeze3A_772 : f32 to vector<16xf32>
        %sub3A_774 = arith.constant 1.000000e+00 : f32
        %sub3A_775 = vector.broadcast %sub3A_774 : f32 to vector<16xf32>
        %sub3A_776 = arith.subf %sub3A_775, %broadcast_in_dim3A_773 : vector<16xf32>
        %get3A_777 = arith.index_cast %add3A_770 : i32 to index
        %get3A_778 = arith.constant 0 : index
        %get3A_779 = tpu.vector_load %arg14[%get3A_777, %get3A_778] {strides = array<i32>} : memref<64x64xf32, #tpu.memory_space<vmem>>, vector<1x16xf32>,
        %get3A_780 = vector.shape_cast %get3A_779 : vector<1x16xf32> to vector<16xf32>
        %mul3A_781 = arith.mulf %broadcast_in_dim3A_773, %get3A_780 : vector<16xf32>
        %get3A_782 = arith.index_cast %add3A_770 : i32 to index
        %get3A_783 = arith.constant 0 : index
        %get3A_784 = tpu.vector_load %arg15[%get3A_782, %get3A_783] {strides = array<i32>} : memref<64x64xf32, #tpu.memory_space<vmem>>, vector<1x16xf32>,
        %get3A_785 = vector.shape_cast %get3A_784 : vector<1x16xf32> to vector<16xf32>
        %mul3A_786 = arith.mulf %sub3A_776, %get3A_785 : vector<16xf32>
        %add3A_787 = arith.addf %mul3A_781, %mul3A_786 : vector<16xf32>
        %swap3A_788 = arith.index_cast %add3A_770 : i32 to index
        %swap3A_789 = arith.constant 0 : index
        %swap3A_790 = tpu.vector_load %arg14[%swap3A_788, %swap3A_789] {strides = array<i32>} : memref<64x64xf32, #tpu.memory_space<vmem>>, vector<1x16xf32>,
        %swap3A_791 = vector.shape_cast %swap3A_790 : vector<1x16xf32> to vector<16xf32>
        %swap3A_792 = vector.shape_cast %add3A_787 : vector<16xf32> to vector<1x16xf32>
        tpu.vector_store %arg14[%swap3A_788, %swap3A_789], %swap3A_792 {strides = array<i32>} : memref<64x64xf32, #tpu.memory_space<vmem>>, vector<1x16xf32>,
        %get3A_793 = arith.index_cast %add3A_770 : i32 to index
        %get3A_794 = arith.constant 16 : index
        %get3A_795 = tpu.vector_load %arg14[%get3A_793, %get3A_794] {strides = array<i32>} : memref<64x64xf32, #tpu.memory_space<vmem>>, vector<1x16xf32>,
        %get3A_796 = vector.shape_cast %get3A_795 : vector<1x16xf32> to vector<16xf32>
        %mul3A_797 = arith.mulf %broadcast_in_dim3A_773, %get3A_796 : vector<16xf32>
        %get3A_798 = arith.index_cast %add3A_770 : i32 to index
        %get3A_799 = arith.constant 16 : index
        %get3A_800 = tpu.vector_load %arg15[%get3A_798, %get3A_799] {strides = array<i32>} : memref<64x64xf32, #tpu.memory_space<vmem>>, vector<1x16xf32>,
        %get3A_801 = vector.shape_cast %get3A_800 : vector<1x16xf32> to vector<16xf32>
        %mul3A_802 = arith.mulf %sub3A_776, %get3A_801 : vector<16xf32>
        %add3A_803 = arith.addf %mul3A_797, %mul3A_802 : vector<16xf32>
        %swap3A_804 = arith.index_cast %add3A_770 : i32 to index
        %swap3A_805 = arith.constant 16 : index
        %swap3A_806 = tpu.vector_load %arg14[%swap3A_804, %swap3A_805] {strides = array<i32>} : memref<64x64xf32, #tpu.memory_space<vmem>>, vector<1x16xf32>,
        %swap3A_807 = vector.shape_cast %swap3A_806 : vector<1x16xf32> to vector<16xf32>
        %swap3A_808 = vector.shape_cast %add3A_803 : vector<16xf32> to vector<1x16xf32>
        tpu.vector_store %arg14[%swap3A_804, %swap3A_805], %swap3A_808 {strides = array<i32>} : memref<64x64xf32, #tpu.memory_space<vmem>>, vector<1x16xf32>,
        %get3A_809 = arith.index_cast %add3A_770 : i32 to index
        %get3A_810 = arith.constant 32 : index
        %get3A_811 = tpu.vector_load %arg14[%get3A_809, %get3A_810] {strides = array<i32>} : memref<64x64xf32, #tpu.memory_space<vmem>>, vector<1x16xf32>,
        %get3A_812 = vector.shape_cast %get3A_811 : vector<1x16xf32> to vector<16xf32>
        %mul3A_813 = arith.mulf %broadcast_in_dim3A_773, %get3A_812 : vector<16xf32>
        %get3A_814 = arith.index_cast %add3A_770 : i32 to index
        %get3A_815 = arith.constant 32 : index
        %get3A_816 = tpu.vector_load %arg15[%get3A_814, %get3A_815] {strides = array<i32>} : memref<64x64xf32, #tpu.memory_space<vmem>>, vector<1x16xf32>,
        %get3A_817 = vector.shape_cast %get3A_816 : vector<1x16xf32> to vector<16xf32>
        %mul3A_818 = arith.mulf %sub3A_776, %get3A_817 : vector<16xf32>
        %add3A_819 = arith.addf %mul3A_813, %mul3A_818 : vector<16xf32>
        %swap3A_820 = arith.index_cast %add3A_770 : i32 to index
        %swap3A_821 = arith.constant 32 : index
        %swap3A_822 = tpu.vector_load %arg14[%swap3A_820, %swap3A_821] {strides = array<i32>} : memref<64x64xf32, #tpu.memory_space<vmem>>, vector<1x16xf32>,
        %swap3A_823 = vector.shape_cast %swap3A_822 : vector<1x16xf32> to vector<16xf32>
        %swap3A_824 = vector.shape_cast %add3A_819 : vector<16xf32> to vector<1x16xf32>
        tpu.vector_store %arg14[%swap3A_820, %swap3A_821], %swap3A_824 {strides = array<i32>} : memref<64x64xf32, #tpu.memory_space<vmem>>, vector<1x16xf32>,
        %get3A_825 = arith.index_cast %add3A_770 : i32 to index
        %get3A_826 = arith.constant 48 : index
        %get3A_827 = tpu.vector_load %arg14[%get3A_825, %get3A_826] {strides = array<i32>} : memref<64x64xf32, #tpu.memory_space<vmem>>, vector<1x16xf32>,
        %get3A_828 = vector.shape_cast %get3A_827 : vector<1x16xf32> to vector<16xf32>
        %mul3A_829 = arith.mulf %broadcast_in_dim3A_773, %get3A_828 : vector<16xf32>
        %get3A_830 = arith.index_cast %add3A_770 : i32 to index
        %get3A_831 = arith.constant 48 : index
        %get3A_832 = tpu.vector_load %arg15[%get3A_830, %get3A_831] {strides = array<i32>} : memref<64x64xf32, #tpu.memory_space<vmem>>, vector<1x16xf32>,
        %get3A_833 = vector.shape_cast %get3A_832 : vector<1x16xf32> to vector<16xf32>
        %mul3A_834 = arith.mulf %sub3A_776, %get3A_833 : vector<16xf32>
        %add3A_835 = arith.addf %mul3A_829, %mul3A_834 : vector<16xf32>
        %swap3A_836 = arith.index_cast %add3A_770 : i32 to index
        %swap3A_837 = arith.constant 48 : index
        %swap3A_838 = tpu.vector_load %arg14[%swap3A_836, %swap3A_837] {strides = array<i32>} : memref<64x64xf32, #tpu.memory_space<vmem>>, vector<1x16xf32>,
        %swap3A_839 = vector.shape_cast %swap3A_838 : vector<1x16xf32> to vector<16xf32>
        %swap3A_840 = vector.shape_cast %add3A_835 : vector<16xf32> to vector<1x16xf32>
        tpu.vector_store %arg14[%swap3A_836, %swap3A_837], %swap3A_840 {strides = array<i32>} : memref<64x64xf32, #tpu.memory_space<vmem>>, vector<1x16xf32>,
        %mul3A_841 = arith.constant 16 : i32
        %mul3A_842 = arith.muli %scan3A_28, %mul3A_841 : i32
        %add3A_843 = arith.constant 11 : i32
        %add3A_844 = arith.addi %mul3A_842, %add3A_843 : i32
        %slice3A_845 = vector.extract_strided_slice %get3A_32 {offsets = [11], sizes = [1], strides = [1]} : vector<16xf32> to vector<1xf32>
        %squeeze3A_846 = vector.extract %slice3A_845[0] : f32 from vector<1xf32>
        %broadcast_in_dim3A_847 = vector.broadcast %squeeze3A_846 : f32 to vector<16xf32>
        %sub3A_848 = arith.constant 1.000000e+00 : f32
        %sub3A_849 = vector.broadcast %sub3A_848 : f32 to vector<16xf32>
        %sub3A_850 = arith.subf %sub3A_849, %broadcast_in_dim3A_847 : vector<16xf32>
        %get3A_851 = arith.index_cast %add3A_844 : i32 to index
        %get3A_852 = arith.constant 0 : index
        %get3A_853 = tpu.vector_load %arg14[%get3A_851, %get3A_852] {strides = array<i32>} : memref<64x64xf32, #tpu.memory_space<vmem>>, vector<1x16xf32>,
        %get3A_854 = vector.shape_cast %get3A_853 : vector<1x16xf32> to vector<16xf32>
        %mul3A_855 = arith.mulf %broadcast_in_dim3A_847, %get3A_854 : vector<16xf32>
        %get3A_856 = arith.index_cast %add3A_844 : i32 to index
        %get3A_857 = arith.constant 0 : index
        %get3A_858 = tpu.vector_load %arg15[%get3A_856, %get3A_857] {strides = array<i32>} : memref<64x64xf32, #tpu.memory_space<vmem>>, vector<1x16xf32>,
        %get3A_859 = vector.shape_cast %get3A_858 : vector<1x16xf32> to vector<16xf32>
        %mul3A_860 = arith.mulf %sub3A_850, %get3A_859 : vector<16xf32>
        %add3A_861 = arith.addf %mul3A_855, %mul3A_860 : vector<16xf32>
        %swap3A_862 = arith.index_cast %add3A_844 : i32 to index
        %swap3A_863 = arith.constant 0 : index
        %swap3A_864 = tpu.vector_load %arg14[%swap3A_862, %swap3A_863] {strides = array<i32>} : memref<64x64xf32, #tpu.memory_space<vmem>>, vector<1x16xf32>,
        %swap3A_865 = vector.shape_cast %swap3A_864 : vector<1x16xf32> to vector<16xf32>
        %swap3A_866 = vector.shape_cast %add3A_861 : vector<16xf32> to vector<1x16xf32>
        tpu.vector_store %arg14[%swap3A_862, %swap3A_863], %swap3A_866 {strides = array<i32>} : memref<64x64xf32, #tpu.memory_space<vmem>>, vector<1x16xf32>,
        %get3A_867 = arith.index_cast %add3A_844 : i32 to index
        %get3A_868 = arith.constant 16 : index
        %get3A_869 = tpu.vector_load %arg14[%get3A_867, %get3A_868] {strides = array<i32>} : memref<64x64xf32, #tpu.memory_space<vmem>>, vector<1x16xf32>,
        %get3A_870 = vector.shape_cast %get3A_869 : vector<1x16xf32> to vector<16xf32>
        %mul3A_871 = arith.mulf %broadcast_in_dim3A_847, %get3A_870 : vector<16xf32>
        %get3A_872 = arith.index_cast %add3A_844 : i32 to index
        %get3A_873 = arith.constant 16 : index
        %get3A_874 = tpu.vector_load %arg15[%get3A_872, %get3A_873] {strides = array<i32>} : memref<64x64xf32, #tpu.memory_space<vmem>>, vector<1x16xf32>,
        %get3A_875 = vector.shape_cast %get3A_874 : vector<1x16xf32> to vector<16xf32>
        %mul3A_876 = arith.mulf %sub3A_850, %get3A_875 : vector<16xf32>
        %add3A_877 = arith.addf %mul3A_871, %mul3A_876 : vector<16xf32>
        %swap3A_878 = arith.index_cast %add3A_844 : i32 to index
        %swap3A_879 = arith.constant 16 : index
        %swap3A_880 = tpu.vector_load %arg14[%swap3A_878, %swap3A_879] {strides = array<i32>} : memref<64x64xf32, #tpu.memory_space<vmem>>, vector<1x16xf32>,
        %swap3A_881 = vector.shape_cast %swap3A_880 : vector<1x16xf32> to vector<16xf32>
        %swap3A_882 = vector.shape_cast %add3A_877 : vector<16xf32> to vector<1x16xf32>
        tpu.vector_store %arg14[%swap3A_878, %swap3A_879], %swap3A_882 {strides = array<i32>} : memref<64x64xf32, #tpu.memory_space<vmem>>, vector<1x16xf32>,
        %get3A_883 = arith.index_cast %add3A_844 : i32 to index
        %get3A_884 = arith.constant 32 : index
        %get3A_885 = tpu.vector_load %arg14[%get3A_883, %get3A_884] {strides = array<i32>} : memref<64x64xf32, #tpu.memory_space<vmem>>, vector<1x16xf32>,
        %get3A_886 = vector.shape_cast %get3A_885 : vector<1x16xf32> to vector<16xf32>
        %mul3A_887 = arith.mulf %broadcast_in_dim3A_847, %get3A_886 : vector<16xf32>
        %get3A_888 = arith.index_cast %add3A_844 : i32 to index
        %get3A_889 = arith.constant 32 : index
        %get3A_890 = tpu.vector_load %arg15[%get3A_888, %get3A_889] {strides = array<i32>} : memref<64x64xf32, #tpu.memory_space<vmem>>, vector<1x16xf32>,
        %get3A_891 = vector.shape_cast %get3A_890 : vector<1x16xf32> to vector<16xf32>
        %mul3A_892 = arith.mulf %sub3A_850, %get3A_891 : vector<16xf32>
        %add3A_893 = arith.addf %mul3A_887, %mul3A_892 : vector<16xf32>
        %swap3A_894 = arith.index_cast %add3A_844 : i32 to index
        %swap3A_895 = arith.constant 32 : index
        %swap3A_896 = tpu.vector_load %arg14[%swap3A_894, %swap3A_895] {strides = array<i32>} : memref<64x64xf32, #tpu.memory_space<vmem>>, vector<1x16xf32>,
        %swap3A_897 = vector.shape_cast %swap3A_896 : vector<1x16xf32> to vector<16xf32>
        %swap3A_898 = vector.shape_cast %add3A_893 : vector<16xf32> to vector<1x16xf32>
        tpu.vector_store %arg14[%swap3A_894, %swap3A_895], %swap3A_898 {strides = array<i32>} : memref<64x64xf32, #tpu.memory_space<vmem>>, vector<1x16xf32>,
        %get3A_899 = arith.index_cast %add3A_844 : i32 to index
        %get3A_900 = arith.constant 48 : index
        %get3A_901 = tpu.vector_load %arg14[%get3A_899, %get3A_900] {strides = array<i32>} : memref<64x64xf32, #tpu.memory_space<vmem>>, vector<1x16xf32>,
        %get3A_902 = vector.shape_cast %get3A_901 : vector<1x16xf32> to vector<16xf32>
        %mul3A_903 = arith.mulf %broadcast_in_dim3A_847, %get3A_902 : vector<16xf32>
        %get3A_904 = arith.index_cast %add3A_844 : i32 to index
        %get3A_905 = arith.constant 48 : index
        %get3A_906 = tpu.vector_load %arg15[%get3A_904, %get3A_905] {strides = array<i32>} : memref<64x64xf32, #tpu.memory_space<vmem>>, vector<1x16xf32>,
        %get3A_907 = vector.shape_cast %get3A_906 : vector<1x16xf32> to vector<16xf32>
        %mul3A_908 = arith.mulf %sub3A_850, %get3A_907 : vector<16xf32>
        %add3A_909 = arith.addf %mul3A_903, %mul3A_908 : vector<16xf32>
        %swap3A_910 = arith.index_cast %add3A_844 : i32 to index
        %swap3A_911 = arith.constant 48 : index
        %swap3A_912 = tpu.vector_load %arg14[%swap3A_910, %swap3A_911] {strides = array<i32>} : memref<64x64xf32, #tpu.memory_space<vmem>>, vector<1x16xf32>,
        %swap3A_913 = vector.shape_cast %swap3A_912 : vector<1x16xf32> to vector<16xf32>
        %swap3A_914 = vector.shape_cast %add3A_909 : vector<16xf32> to vector<1x16xf32>
        tpu.vector_store %arg14[%swap3A_910, %swap3A_911], %swap3A_914 {strides = array<i32>} : memref<64x64xf32, #tpu.memory_space<vmem>>, vector<1x16xf32>,
        %mul3A_915 = arith.constant 16 : i32
        %mul3A_916 = arith.muli %scan3A_28, %mul3A_915 : i32
        %add3A_917 = arith.constant 12 : i32
        %add3A_918 = arith.addi %mul3A_916, %add3A_917 : i32
        %slice3A_919 = vector.extract_strided_slice %get3A_32 {offsets = [12], sizes = [1], strides = [1]} : vector<16xf32> to vector<1xf32>
        %squeeze3A_920 = vector.extract %slice3A_919[0] : f32 from vector<1xf32>
        %broadcast_in_dim3A_921 = vector.broadcast %squeeze3A_920 : f32 to vector<16xf32>
        %sub3A_922 = arith.constant 1.000000e+00 : f32
        %sub3A_923 = vector.broadcast %sub3A_922 : f32 to vector<16xf32>
        %sub3A_924 = arith.subf %sub3A_923, %broadcast_in_dim3A_921 : vector<16xf32>
        %get3A_925 = arith.index_cast %add3A_918 : i32 to index
        %get3A_926 = arith.constant 0 : index
        %get3A_927 = tpu.vector_load %arg14[%get3A_925, %get3A_926] {strides = array<i32>} : memref<64x64xf32, #tpu.memory_space<vmem>>, vector<1x16xf32>,
        %get3A_928 = vector.shape_cast %get3A_927 : vector<1x16xf32> to vector<16xf32>
        %mul3A_929 = arith.mulf %broadcast_in_dim3A_921, %get3A_928 : vector<16xf32>
        %get3A_930 = arith.index_cast %add3A_918 : i32 to index
        %get3A_931 = arith.constant 0 : index
        %get3A_932 = tpu.vector_load %arg15[%get3A_930, %get3A_931] {strides = array<i32>} : memref<64x64xf32, #tpu.memory_space<vmem>>, vector<1x16xf32>,
        %get3A_933 = vector.shape_cast %get3A_932 : vector<1x16xf32> to vector<16xf32>
        %mul3A_934 = arith.mulf %sub3A_924, %get3A_933 : vector<16xf32>
        %add3A_935 = arith.addf %mul3A_929, %mul3A_934 : vector<16xf32>
        %swap3A_936 = arith.index_cast %add3A_918 : i32 to index
        %swap3A_937 = arith.constant 0 : index
        %swap3A_938 = tpu.vector_load %arg14[%swap3A_936, %swap3A_937] {strides = array<i32>} : memref<64x64xf32, #tpu.memory_space<vmem>>, vector<1x16xf32>,
        %swap3A_939 = vector.shape_cast %swap3A_938 : vector<1x16xf32> to vector<16xf32>
        %swap3A_940 = vector.shape_cast %add3A_935 : vector<16xf32> to vector<1x16xf32>
        tpu.vector_store %arg14[%swap3A_936, %swap3A_937], %swap3A_940 {strides = array<i32>} : memref<64x64xf32, #tpu.memory_space<vmem>>, vector<1x16xf32>,
        %get3A_941 = arith.index_cast %add3A_918 : i32 to index
        %get3A_942 = arith.constant 16 : index
        %get3A_943 = tpu.vector_load %arg14[%get3A_941, %get3A_942] {strides = array<i32>} : memref<64x64xf32, #tpu.memory_space<vmem>>, vector<1x16xf32>,
        %get3A_944 = vector.shape_cast %get3A_943 : vector<1x16xf32> to vector<16xf32>
        %mul3A_945 = arith.mulf %broadcast_in_dim3A_921, %get3A_944 : vector<16xf32>
        %get3A_946 = arith.index_cast %add3A_918 : i32 to index
        %get3A_947 = arith.constant 16 : index
        %get3A_948 = tpu.vector_load %arg15[%get3A_946, %get3A_947] {strides = array<i32>} : memref<64x64xf32, #tpu.memory_space<vmem>>, vector<1x16xf32>,
        %get3A_949 = vector.shape_cast %get3A_948 : vector<1x16xf32> to vector<16xf32>
        %mul3A_950 = arith.mulf %sub3A_924, %get3A_949 : vector<16xf32>
        %add3A_951 = arith.addf %mul3A_945, %mul3A_950 : vector<16xf32>
        %swap3A_952 = arith.index_cast %add3A_918 : i32 to index
        %swap3A_953 = arith.constant 16 : index
        %swap3A_954 = tpu.vector_load %arg14[%swap3A_952, %swap3A_953] {strides = array<i32>} : memref<64x64xf32, #tpu.memory_space<vmem>>, vector<1x16xf32>,
        %swap3A_955 = vector.shape_cast %swap3A_954 : vector<1x16xf32> to vector<16xf32>
        %swap3A_956 = vector.shape_cast %add3A_951 : vector<16xf32> to vector<1x16xf32>
        tpu.vector_store %arg14[%swap3A_952, %swap3A_953], %swap3A_956 {strides = array<i32>} : memref<64x64xf32, #tpu.memory_space<vmem>>, vector<1x16xf32>,
        %get3A_957 = arith.index_cast %add3A_918 : i32 to index
        %get3A_958 = arith.constant 32 : index
        %get3A_959 = tpu.vector_load %arg14[%get3A_957, %get3A_958] {strides = array<i32>} : memref<64x64xf32, #tpu.memory_space<vmem>>, vector<1x16xf32>,
        %get3A_960 = vector.shape_cast %get3A_959 : vector<1x16xf32> to vector<16xf32>
        %mul3A_961 = arith.mulf %broadcast_in_dim3A_921, %get3A_960 : vector<16xf32>
        %get3A_962 = arith.index_cast %add3A_918 : i32 to index
        %get3A_963 = arith.constant 32 : index
        %get3A_964 = tpu.vector_load %arg15[%get3A_962, %get3A_963] {strides = array<i32>} : memref<64x64xf32, #tpu.memory_space<vmem>>, vector<1x16xf32>,
        %get3A_965 = vector.shape_cast %get3A_964 : vector<1x16xf32> to vector<16xf32>
        %mul3A_966 = arith.mulf %sub3A_924, %get3A_965 : vector<16xf32>
        %add3A_967 = arith.addf %mul3A_961, %mul3A_966 : vector<16xf32>
        %swap3A_968 = arith.index_cast %add3A_918 : i32 to index
        %swap3A_969 = arith.constant 32 : index
        %swap3A_970 = tpu.vector_load %arg14[%swap3A_968, %swap3A_969] {strides = array<i32>} : memref<64x64xf32, #tpu.memory_space<vmem>>, vector<1x16xf32>,
        %swap3A_971 = vector.shape_cast %swap3A_970 : vector<1x16xf32> to vector<16xf32>
        %swap3A_972 = vector.shape_cast %add3A_967 : vector<16xf32> to vector<1x16xf32>
        tpu.vector_store %arg14[%swap3A_968, %swap3A_969], %swap3A_972 {strides = array<i32>} : memref<64x64xf32, #tpu.memory_space<vmem>>, vector<1x16xf32>,
        %get3A_973 = arith.index_cast %add3A_918 : i32 to index
        %get3A_974 = arith.constant 48 : index
        %get3A_975 = tpu.vector_load %arg14[%get3A_973, %get3A_974] {strides = array<i32>} : memref<64x64xf32, #tpu.memory_space<vmem>>, vector<1x16xf32>,
        %get3A_976 = vector.shape_cast %get3A_975 : vector<1x16xf32> to vector<16xf32>
        %mul3A_977 = arith.mulf %broadcast_in_dim3A_921, %get3A_976 : vector<16xf32>
        %get3A_978 = arith.index_cast %add3A_918 : i32 to index
        %get3A_979 = arith.constant 48 : index
        %get3A_980 = tpu.vector_load %arg15[%get3A_978, %get3A_979] {strides = array<i32>} : memref<64x64xf32, #tpu.memory_space<vmem>>, vector<1x16xf32>,
        %get3A_981 = vector.shape_cast %get3A_980 : vector<1x16xf32> to vector<16xf32>
        %mul3A_982 = arith.mulf %sub3A_924, %get3A_981 : vector<16xf32>
        %add3A_983 = arith.addf %mul3A_977, %mul3A_982 : vector<16xf32>
        %swap3A_984 = arith.index_cast %add3A_918 : i32 to index
        %swap3A_985 = arith.constant 48 : index
        %swap3A_986 = tpu.vector_load %arg14[%swap3A_984, %swap3A_985] {strides = array<i32>} : memref<64x64xf32, #tpu.memory_space<vmem>>, vector<1x16xf32>,
        %swap3A_987 = vector.shape_cast %swap3A_986 : vector<1x16xf32> to vector<16xf32>
        %swap3A_988 = vector.shape_cast %add3A_983 : vector<16xf32> to vector<1x16xf32>
        tpu.vector_store %arg14[%swap3A_984, %swap3A_985], %swap3A_988 {strides = array<i32>} : memref<64x64xf32, #tpu.memory_space<vmem>>, vector<1x16xf32>,
        %mul3A_989 = arith.constant 16 : i32
        %mul3A_990 = arith.muli %scan3A_28, %mul3A_989 : i32
        %add3A_991 = arith.constant 13 : i32
        %add3A_992 = arith.addi %mul3A_990, %add3A_991 : i32
        %slice3A_993 = vector.extract_strided_slice %get3A_32 {offsets = [13], sizes = [1], strides = [1]} : vector<16xf32> to vector<1xf32>
        %squeeze3A_994 = vector.extract %slice3A_993[0] : f32 from vector<1xf32>
        %broadcast_in_dim3A_995 = vector.broadcast %squeeze3A_994 : f32 to vector<16xf32>
        %sub3A_996 = arith.constant 1.000000e+00 : f32
        %sub3A_997 = vector.broadcast %sub3A_996 : f32 to vector<16xf32>
        %sub3A_998 = arith.subf %sub3A_997, %broadcast_in_dim3A_995 : vector<16xf32>
        %get3A_999 = arith.index_cast %add3A_992 : i32 to index
        %get3A_1000 = arith.constant 0 : index
        %get3A_1001 = tpu.vector_load %arg14[%get3A_999, %get3A_1000] {strides = array<i32>} : memref<64x64xf32, #tpu.memory_space<vmem>>, vector<1x16xf32>,
        %get3A_1002 = vector.shape_cast %get3A_1001 : vector<1x16xf32> to vector<16xf32>
        %mul3A_1003 = arith.mulf %broadcast_in_dim3A_995, %get3A_1002 : vector<16xf32>
        %get3A_1004 = arith.index_cast %add3A_992 : i32 to index
        %get3A_1005 = arith.constant 0 : index
        %get3A_1006 = tpu.vector_load %arg15[%get3A_1004, %get3A_1005] {strides = array<i32>} : memref<64x64xf32, #tpu.memory_space<vmem>>, vector<1x16xf32>,
        %get3A_1007 = vector.shape_cast %get3A_1006 : vector<1x16xf32> to vector<16xf32>
        %mul3A_1008 = arith.mulf %sub3A_998, %get3A_1007 : vector<16xf32>
        %add3A_1009 = arith.addf %mul3A_1003, %mul3A_1008 : vector<16xf32>
        %swap3A_1010 = arith.index_cast %add3A_992 : i32 to index
        %swap3A_1011 = arith.constant 0 : index
        %swap3A_1012 = tpu.vector_load %arg14[%swap3A_1010, %swap3A_1011] {strides = array<i32>} : memref<64x64xf32, #tpu.memory_space<vmem>>, vector<1x16xf32>,
        %swap3A_1013 = vector.shape_cast %swap3A_1012 : vector<1x16xf32> to vector<16xf32>
        %swap3A_1014 = vector.shape_cast %add3A_1009 : vector<16xf32> to vector<1x16xf32>
        tpu.vector_store %arg14[%swap3A_1010, %swap3A_1011], %swap3A_1014 {strides = array<i32>} : memref<64x64xf32, #tpu.memory_space<vmem>>, vector<1x16xf32>,
        %get3A_1015 = arith.index_cast %add3A_992 : i32 to index
        %get3A_1016 = arith.constant 16 : index
        %get3A_1017 = tpu.vector_load %arg14[%get3A_1015, %get3A_1016] {strides = array<i32>} : memref<64x64xf32, #tpu.memory_space<vmem>>, vector<1x16xf32>,
        %get3A_1018 = vector.shape_cast %get3A_1017 : vector<1x16xf32> to vector<16xf32>
        %mul3A_1019 = arith.mulf %broadcast_in_dim3A_995, %get3A_1018 : vector<16xf32>
        %get3A_1020 = arith.index_cast %add3A_992 : i32 to index
        %get3A_1021 = arith.constant 16 : index
        %get3A_1022 = tpu.vector_load %arg15[%get3A_1020, %get3A_1021] {strides = array<i32>} : memref<64x64xf32, #tpu.memory_space<vmem>>, vector<1x16xf32>,
        %get3A_1023 = vector.shape_cast %get3A_1022 : vector<1x16xf32> to vector<16xf32>
        %mul3A_1024 = arith.mulf %sub3A_998, %get3A_1023 : vector<16xf32>
        %add3A_1025 = arith.addf %mul3A_1019, %mul3A_1024 : vector<16xf32>
        %swap3A_1026 = arith.index_cast %add3A_992 : i32 to index
        %swap3A_1027 = arith.constant 16 : index
        %swap3A_1028 = tpu.vector_load %arg14[%swap3A_1026, %swap3A_1027] {strides = array<i32>} : memref<64x64xf32, #tpu.memory_space<vmem>>, vector<1x16xf32>,
        %swap3A_1029 = vector.shape_cast %swap3A_1028 : vector<1x16xf32> to vector<16xf32>
        %swap3A_1030 = vector.shape_cast %add3A_1025 : vector<16xf32> to vector<1x16xf32>
        tpu.vector_store %arg14[%swap3A_1026, %swap3A_1027], %swap3A_1030 {strides = array<i32>} : memref<64x64xf32, #tpu.memory_space<vmem>>, vector<1x16xf32>,
        %get3A_1031 = arith.index_cast %add3A_992 : i32 to index
        %get3A_1032 = arith.constant 32 : index
        %get3A_1033 = tpu.vector_load %arg14[%get3A_1031, %get3A_1032] {strides = array<i32>} : memref<64x64xf32, #tpu.memory_space<vmem>>, vector<1x16xf32>,
        %get3A_1034 = vector.shape_cast %get3A_1033 : vector<1x16xf32> to vector<16xf32>
        %mul3A_1035 = arith.mulf %broadcast_in_dim3A_995, %get3A_1034 : vector<16xf32>
        %get3A_1036 = arith.index_cast %add3A_992 : i32 to index
        %get3A_1037 = arith.constant 32 : index
        %get3A_1038 = tpu.vector_load %arg15[%get3A_1036, %get3A_1037] {strides = array<i32>} : memref<64x64xf32, #tpu.memory_space<vmem>>, vector<1x16xf32>,
        %get3A_1039 = vector.shape_cast %get3A_1038 : vector<1x16xf32> to vector<16xf32>
        %mul3A_1040 = arith.mulf %sub3A_998, %get3A_1039 : vector<16xf32>
        %add3A_1041 = arith.addf %mul3A_1035, %mul3A_1040 : vector<16xf32>
        %swap3A_1042 = arith.index_cast %add3A_992 : i32 to index
        %swap3A_1043 = arith.constant 32 : index
        %swap3A_1044 = tpu.vector_load %arg14[%swap3A_1042, %swap3A_1043] {strides = array<i32>} : memref<64x64xf32, #tpu.memory_space<vmem>>, vector<1x16xf32>,
        %swap3A_1045 = vector.shape_cast %swap3A_1044 : vector<1x16xf32> to vector<16xf32>
        %swap3A_1046 = vector.shape_cast %add3A_1041 : vector<16xf32> to vector<1x16xf32>
        tpu.vector_store %arg14[%swap3A_1042, %swap3A_1043], %swap3A_1046 {strides = array<i32>} : memref<64x64xf32, #tpu.memory_space<vmem>>, vector<1x16xf32>,
        %get3A_1047 = arith.index_cast %add3A_992 : i32 to index
        %get3A_1048 = arith.constant 48 : index
        %get3A_1049 = tpu.vector_load %arg14[%get3A_1047, %get3A_1048] {strides = array<i32>} : memref<64x64xf32, #tpu.memory_space<vmem>>, vector<1x16xf32>,
        %get3A_1050 = vector.shape_cast %get3A_1049 : vector<1x16xf32> to vector<16xf32>
        %mul3A_1051 = arith.mulf %broadcast_in_dim3A_995, %get3A_1050 : vector<16xf32>
        %get3A_1052 = arith.index_cast %add3A_992 : i32 to index
        %get3A_1053 = arith.constant 48 : index
        %get3A_1054 = tpu.vector_load %arg15[%get3A_1052, %get3A_1053] {strides = array<i32>} : memref<64x64xf32, #tpu.memory_space<vmem>>, vector<1x16xf32>,
        %get3A_1055 = vector.shape_cast %get3A_1054 : vector<1x16xf32> to vector<16xf32>
        %mul3A_1056 = arith.mulf %sub3A_998, %get3A_1055 : vector<16xf32>
        %add3A_1057 = arith.addf %mul3A_1051, %mul3A_1056 : vector<16xf32>
        %swap3A_1058 = arith.index_cast %add3A_992 : i32 to index
        %swap3A_1059 = arith.constant 48 : index
        %swap3A_1060 = tpu.vector_load %arg14[%swap3A_1058, %swap3A_1059] {strides = array<i32>} : memref<64x64xf32, #tpu.memory_space<vmem>>, vector<1x16xf32>,
        %swap3A_1061 = vector.shape_cast %swap3A_1060 : vector<1x16xf32> to vector<16xf32>
        %swap3A_1062 = vector.shape_cast %add3A_1057 : vector<16xf32> to vector<1x16xf32>
        tpu.vector_store %arg14[%swap3A_1058, %swap3A_1059], %swap3A_1062 {strides = array<i32>} : memref<64x64xf32, #tpu.memory_space<vmem>>, vector<1x16xf32>,
        %mul3A_1063 = arith.constant 16 : i32
        %mul3A_1064 = arith.muli %scan3A_28, %mul3A_1063 : i32
        %add3A_1065 = arith.constant 14 : i32
        %add3A_1066 = arith.addi %mul3A_1064, %add3A_1065 : i32
        %slice3A_1067 = vector.extract_strided_slice %get3A_32 {offsets = [14], sizes = [1], strides = [1]} : vector<16xf32> to vector<1xf32>
        %squeeze3A_1068 = vector.extract %slice3A_1067[0] : f32 from vector<1xf32>
        %broadcast_in_dim3A_1069 = vector.broadcast %squeeze3A_1068 : f32 to vector<16xf32>
        %sub3A_1070 = arith.constant 1.000000e+00 : f32
        %sub3A_1071 = vector.broadcast %sub3A_1070 : f32 to vector<16xf32>
        %sub3A_1072 = arith.subf %sub3A_1071, %broadcast_in_dim3A_1069 : vector<16xf32>
        %get3A_1073 = arith.index_cast %add3A_1066 : i32 to index
        %get3A_1074 = arith.constant 0 : index
        %get3A_1075 = tpu.vector_load %arg14[%get3A_1073, %get3A_1074] {strides = array<i32>} : memref<64x64xf32, #tpu.memory_space<vmem>>, vector<1x16xf32>,
        %get3A_1076 = vector.shape_cast %get3A_1075 : vector<1x16xf32> to vector<16xf32>
        %mul3A_1077 = arith.mulf %broadcast_in_dim3A_1069, %get3A_1076 : vector<16xf32>
        %get3A_1078 = arith.index_cast %add3A_1066 : i32 to index
        %get3A_1079 = arith.constant 0 : index
        %get3A_1080 = tpu.vector_load %arg15[%get3A_1078, %get3A_1079] {strides = array<i32>} : memref<64x64xf32, #tpu.memory_space<vmem>>, vector<1x16xf32>,
        %get3A_1081 = vector.shape_cast %get3A_1080 : vector<1x16xf32> to vector<16xf32>
        %mul3A_1082 = arith.mulf %sub3A_1072, %get3A_1081 : vector<16xf32>
        %add3A_1083 = arith.addf %mul3A_1077, %mul3A_1082 : vector<16xf32>
        %swap3A_1084 = arith.index_cast %add3A_1066 : i32 to index
        %swap3A_1085 = arith.constant 0 : index
        %swap3A_1086 = tpu.vector_load %arg14[%swap3A_1084, %swap3A_1085] {strides = array<i32>} : memref<64x64xf32, #tpu.memory_space<vmem>>, vector<1x16xf32>,
        %swap3A_1087 = vector.shape_cast %swap3A_1086 : vector<1x16xf32> to vector<16xf32>
        %swap3A_1088 = vector.shape_cast %add3A_1083 : vector<16xf32> to vector<1x16xf32>
        tpu.vector_store %arg14[%swap3A_1084, %swap3A_1085], %swap3A_1088 {strides = array<i32>} : memref<64x64xf32, #tpu.memory_space<vmem>>, vector<1x16xf32>,
        %get3A_1089 = arith.index_cast %add3A_1066 : i32 to index
        %get3A_1090 = arith.constant 16 : index
        %get3A_1091 = tpu.vector_load %arg14[%get3A_1089, %get3A_1090] {strides = array<i32>} : memref<64x64xf32, #tpu.memory_space<vmem>>, vector<1x16xf32>,
        %get3A_1092 = vector.shape_cast %get3A_1091 : vector<1x16xf32> to vector<16xf32>
        %mul3A_1093 = arith.mulf %broadcast_in_dim3A_1069, %get3A_1092 : vector<16xf32>
        %get3A_1094 = arith.index_cast %add3A_1066 : i32 to index
        %get3A_1095 = arith.constant 16 : index
        %get3A_1096 = tpu.vector_load %arg15[%get3A_1094, %get3A_1095] {strides = array<i32>} : memref<64x64xf32, #tpu.memory_space<vmem>>, vector<1x16xf32>,
        %get3A_1097 = vector.shape_cast %get3A_1096 : vector<1x16xf32> to vector<16xf32>
        %mul3A_1098 = arith.mulf %sub3A_1072, %get3A_1097 : vector<16xf32>
        %add3A_1099 = arith.addf %mul3A_1093, %mul3A_1098 : vector<16xf32>
        %swap3A_1100 = arith.index_cast %add3A_1066 : i32 to index
        %swap3A_1101 = arith.constant 16 : index
        %swap3A_1102 = tpu.vector_load %arg14[%swap3A_1100, %swap3A_1101] {strides = array<i32>} : memref<64x64xf32, #tpu.memory_space<vmem>>, vector<1x16xf32>,
        %swap3A_1103 = vector.shape_cast %swap3A_1102 : vector<1x16xf32> to vector<16xf32>
        %swap3A_1104 = vector.shape_cast %add3A_1099 : vector<16xf32> to vector<1x16xf32>
        tpu.vector_store %arg14[%swap3A_1100, %swap3A_1101], %swap3A_1104 {strides = array<i32>} : memref<64x64xf32, #tpu.memory_space<vmem>>, vector<1x16xf32>,
        %get3A_1105 = arith.index_cast %add3A_1066 : i32 to index
        %get3A_1106 = arith.constant 32 : index
        %get3A_1107 = tpu.vector_load %arg14[%get3A_1105, %get3A_1106] {strides = array<i32>} : memref<64x64xf32, #tpu.memory_space<vmem>>, vector<1x16xf32>,
        %get3A_1108 = vector.shape_cast %get3A_1107 : vector<1x16xf32> to vector<16xf32>
        %mul3A_1109 = arith.mulf %broadcast_in_dim3A_1069, %get3A_1108 : vector<16xf32>
        %get3A_1110 = arith.index_cast %add3A_1066 : i32 to index
        %get3A_1111 = arith.constant 32 : index
        %get3A_1112 = tpu.vector_load %arg15[%get3A_1110, %get3A_1111] {strides = array<i32>} : memref<64x64xf32, #tpu.memory_space<vmem>>, vector<1x16xf32>,
        %get3A_1113 = vector.shape_cast %get3A_1112 : vector<1x16xf32> to vector<16xf32>
        %mul3A_1114 = arith.mulf %sub3A_1072, %get3A_1113 : vector<16xf32>
        %add3A_1115 = arith.addf %mul3A_1109, %mul3A_1114 : vector<16xf32>
        %swap3A_1116 = arith.index_cast %add3A_1066 : i32 to index
        %swap3A_1117 = arith.constant 32 : index
        %swap3A_1118 = tpu.vector_load %arg14[%swap3A_1116, %swap3A_1117] {strides = array<i32>} : memref<64x64xf32, #tpu.memory_space<vmem>>, vector<1x16xf32>,
        %swap3A_1119 = vector.shape_cast %swap3A_1118 : vector<1x16xf32> to vector<16xf32>
        %swap3A_1120 = vector.shape_cast %add3A_1115 : vector<16xf32> to vector<1x16xf32>
        tpu.vector_store %arg14[%swap3A_1116, %swap3A_1117], %swap3A_1120 {strides = array<i32>} : memref<64x64xf32, #tpu.memory_space<vmem>>, vector<1x16xf32>,
        %get3A_1121 = arith.index_cast %add3A_1066 : i32 to index
        %get3A_1122 = arith.constant 48 : index
        %get3A_1123 = tpu.vector_load %arg14[%get3A_1121, %get3A_1122] {strides = array<i32>} : memref<64x64xf32, #tpu.memory_space<vmem>>, vector<1x16xf32>,
        %get3A_1124 = vector.shape_cast %get3A_1123 : vector<1x16xf32> to vector<16xf32>
        %mul3A_1125 = arith.mulf %broadcast_in_dim3A_1069, %get3A_1124 : vector<16xf32>
        %get3A_1126 = arith.index_cast %add3A_1066 : i32 to index
        %get3A_1127 = arith.constant 48 : index
        %get3A_1128 = tpu.vector_load %arg15[%get3A_1126, %get3A_1127] {strides = array<i32>} : memref<64x64xf32, #tpu.memory_space<vmem>>, vector<1x16xf32>,
        %get3A_1129 = vector.shape_cast %get3A_1128 : vector<1x16xf32> to vector<16xf32>
        %mul3A_1130 = arith.mulf %sub3A_1072, %get3A_1129 : vector<16xf32>
        %add3A_1131 = arith.addf %mul3A_1125, %mul3A_1130 : vector<16xf32>
        %swap3A_1132 = arith.index_cast %add3A_1066 : i32 to index
        %swap3A_1133 = arith.constant 48 : index
        %swap3A_1134 = tpu.vector_load %arg14[%swap3A_1132, %swap3A_1133] {strides = array<i32>} : memref<64x64xf32, #tpu.memory_space<vmem>>, vector<1x16xf32>,
        %swap3A_1135 = vector.shape_cast %swap3A_1134 : vector<1x16xf32> to vector<16xf32>
        %swap3A_1136 = vector.shape_cast %add3A_1131 : vector<16xf32> to vector<1x16xf32>
        tpu.vector_store %arg14[%swap3A_1132, %swap3A_1133], %swap3A_1136 {strides = array<i32>} : memref<64x64xf32, #tpu.memory_space<vmem>>, vector<1x16xf32>,
        %mul3A_1137 = arith.constant 16 : i32
        %mul3A_1138 = arith.muli %scan3A_28, %mul3A_1137 : i32
        %add3A_1139 = arith.constant 15 : i32
        %add3A_1140 = arith.addi %mul3A_1138, %add3A_1139 : i32
        %slice3A_1141 = vector.extract_strided_slice %get3A_32 {offsets = [15], sizes = [1], strides = [1]} : vector<16xf32> to vector<1xf32>
        %squeeze3A_1142 = vector.extract %slice3A_1141[0] : f32 from vector<1xf32>
        %broadcast_in_dim3A_1143 = vector.broadcast %squeeze3A_1142 : f32 to vector<16xf32>
        %sub3A_1144 = arith.constant 1.000000e+00 : f32
        %sub3A_1145 = vector.broadcast %sub3A_1144 : f32 to vector<16xf32>
        %sub3A_1146 = arith.subf %sub3A_1145, %broadcast_in_dim3A_1143 : vector<16xf32>
        %get3A_1147 = arith.index_cast %add3A_1140 : i32 to index
        %get3A_1148 = arith.constant 0 : index
        %get3A_1149 = tpu.vector_load %arg14[%get3A_1147, %get3A_1148] {strides = array<i32>} : memref<64x64xf32, #tpu.memory_space<vmem>>, vector<1x16xf32>,
        %get3A_1150 = vector.shape_cast %get3A_1149 : vector<1x16xf32> to vector<16xf32>
        %mul3A_1151 = arith.mulf %broadcast_in_dim3A_1143, %get3A_1150 : vector<16xf32>
        %get3A_1152 = arith.index_cast %add3A_1140 : i32 to index
        %get3A_1153 = arith.constant 0 : index
        %get3A_1154 = tpu.vector_load %arg15[%get3A_1152, %get3A_1153] {strides = array<i32>} : memref<64x64xf32, #tpu.memory_space<vmem>>, vector<1x16xf32>,
        %get3A_1155 = vector.shape_cast %get3A_1154 : vector<1x16xf32> to vector<16xf32>
        %mul3A_1156 = arith.mulf %sub3A_1146, %get3A_1155 : vector<16xf32>
        %add3A_1157 = arith.addf %mul3A_1151, %mul3A_1156 : vector<16xf32>
        %swap3A_1158 = arith.index_cast %add3A_1140 : i32 to index
        %swap3A_1159 = arith.constant 0 : index
        %swap3A_1160 = tpu.vector_load %arg14[%swap3A_1158, %swap3A_1159] {strides = array<i32>} : memref<64x64xf32, #tpu.memory_space<vmem>>, vector<1x16xf32>,
        %swap3A_1161 = vector.shape_cast %swap3A_1160 : vector<1x16xf32> to vector<16xf32>
        %swap3A_1162 = vector.shape_cast %add3A_1157 : vector<16xf32> to vector<1x16xf32>
        tpu.vector_store %arg14[%swap3A_1158, %swap3A_1159], %swap3A_1162 {strides = array<i32>} : memref<64x64xf32, #tpu.memory_space<vmem>>, vector<1x16xf32>,
        %get3A_1163 = arith.index_cast %add3A_1140 : i32 to index
        %get3A_1164 = arith.constant 16 : index
        %get3A_1165 = tpu.vector_load %arg14[%get3A_1163, %get3A_1164] {strides = array<i32>} : memref<64x64xf32, #tpu.memory_space<vmem>>, vector<1x16xf32>,
        %get3A_1166 = vector.shape_cast %get3A_1165 : vector<1x16xf32> to vector<16xf32>
        %mul3A_1167 = arith.mulf %broadcast_in_dim3A_1143, %get3A_1166 : vector<16xf32>
        %get3A_1168 = arith.index_cast %add3A_1140 : i32 to index
        %get3A_1169 = arith.constant 16 : index
        %get3A_1170 = tpu.vector_load %arg15[%get3A_1168, %get3A_1169] {strides = array<i32>} : memref<64x64xf32, #tpu.memory_space<vmem>>, vector<1x16xf32>,
        %get3A_1171 = vector.shape_cast %get3A_1170 : vector<1x16xf32> to vector<16xf32>
        %mul3A_1172 = arith.mulf %sub3A_1146, %get3A_1171 : vector<16xf32>
        %add3A_1173 = arith.addf %mul3A_1167, %mul3A_1172 : vector<16xf32>
        %swap3A_1174 = arith.index_cast %add3A_1140 : i32 to index
        %swap3A_1175 = arith.constant 16 : index
        %swap3A_1176 = tpu.vector_load %arg14[%swap3A_1174, %swap3A_1175] {strides = array<i32>} : memref<64x64xf32, #tpu.memory_space<vmem>>, vector<1x16xf32>,
        %swap3A_1177 = vector.shape_cast %swap3A_1176 : vector<1x16xf32> to vector<16xf32>
        %swap3A_1178 = vector.shape_cast %add3A_1173 : vector<16xf32> to vector<1x16xf32>
        tpu.vector_store %arg14[%swap3A_1174, %swap3A_1175], %swap3A_1178 {strides = array<i32>} : memref<64x64xf32, #tpu.memory_space<vmem>>, vector<1x16xf32>,
        %get3A_1179 = arith.index_cast %add3A_1140 : i32 to index
        %get3A_1180 = arith.constant 32 : index
        %get3A_1181 = tpu.vector_load %arg14[%get3A_1179, %get3A_1180] {strides = array<i32>} : memref<64x64xf32, #tpu.memory_space<vmem>>, vector<1x16xf32>,
        %get3A_1182 = vector.shape_cast %get3A_1181 : vector<1x16xf32> to vector<16xf32>
        %mul3A_1183 = arith.mulf %broadcast_in_dim3A_1143, %get3A_1182 : vector<16xf32>
        %get3A_1184 = arith.index_cast %add3A_1140 : i32 to index
        %get3A_1185 = arith.constant 32 : index
        %get3A_1186 = tpu.vector_load %arg15[%get3A_1184, %get3A_1185] {strides = array<i32>} : memref<64x64xf32, #tpu.memory_space<vmem>>, vector<1x16xf32>,
        %get3A_1187 = vector.shape_cast %get3A_1186 : vector<1x16xf32> to vector<16xf32>
        %mul3A_1188 = arith.mulf %sub3A_1146, %get3A_1187 : vector<16xf32>
        %add3A_1189 = arith.addf %mul3A_1183, %mul3A_1188 : vector<16xf32>
        %swap3A_1190 = arith.index_cast %add3A_1140 : i32 to index
        %swap3A_1191 = arith.constant 32 : index
        %swap3A_1192 = tpu.vector_load %arg14[%swap3A_1190, %swap3A_1191] {strides = array<i32>} : memref<64x64xf32, #tpu.memory_space<vmem>>, vector<1x16xf32>,
        %swap3A_1193 = vector.shape_cast %swap3A_1192 : vector<1x16xf32> to vector<16xf32>
        %swap3A_1194 = vector.shape_cast %add3A_1189 : vector<16xf32> to vector<1x16xf32>
        tpu.vector_store %arg14[%swap3A_1190, %swap3A_1191], %swap3A_1194 {strides = array<i32>} : memref<64x64xf32, #tpu.memory_space<vmem>>, vector<1x16xf32>,
        %get3A_1195 = arith.index_cast %add3A_1140 : i32 to index
        %get3A_1196 = arith.constant 48 : index
        %get3A_1197 = tpu.vector_load %arg14[%get3A_1195, %get3A_1196] {strides = array<i32>} : memref<64x64xf32, #tpu.memory_space<vmem>>, vector<1x16xf32>,
        %get3A_1198 = vector.shape_cast %get3A_1197 : vector<1x16xf32> to vector<16xf32>
        %mul3A_1199 = arith.mulf %broadcast_in_dim3A_1143, %get3A_1198 : vector<16xf32>
        %get3A_1200 = arith.index_cast %add3A_1140 : i32 to index
        %get3A_1201 = arith.constant 48 : index
        %get3A_1202 = tpu.vector_load %arg15[%get3A_1200, %get3A_1201] {strides = array<i32>} : memref<64x64xf32, #tpu.memory_space<vmem>>, vector<1x16xf32>,
        %get3A_1203 = vector.shape_cast %get3A_1202 : vector<1x16xf32> to vector<16xf32>
        %mul3A_1204 = arith.mulf %sub3A_1146, %get3A_1203 : vector<16xf32>
        %add3A_1205 = arith.addf %mul3A_1199, %mul3A_1204 : vector<16xf32>
        %swap3A_1206 = arith.index_cast %add3A_1140 : i32 to index
        %swap3A_1207 = arith.constant 48 : index
        %swap3A_1208 = tpu.vector_load %arg14[%swap3A_1206, %swap3A_1207] {strides = array<i32>} : memref<64x64xf32, #tpu.memory_space<vmem>>, vector<1x16xf32>,
        %swap3A_1209 = vector.shape_cast %swap3A_1208 : vector<1x16xf32> to vector<16xf32>
        %swap3A_1210 = vector.shape_cast %add3A_1205 : vector<16xf32> to vector<1x16xf32>
        tpu.vector_store %arg14[%swap3A_1206, %swap3A_1207], %swap3A_1210 {strides = array<i32>} : memref<64x64xf32, #tpu.memory_space<vmem>>, vector<1x16xf32>,
      }
      %scan3A_21 = arith.constant 4 : i32
      %dma_start3A_22 = arith.constant 0 : i32
      %dma_start3A_23 = arith.constant 0 : i32
      %dma_start3A_24 = tpu.memref_slice %arg3[%dma_start3A_22, %dma_start3A_23] : memref<100000x64xf32, #tpu.memory_space<hbm>> -> memref<100000x64xf32, #tpu.memory_space<hbm>>
      tpu.enqueue_indirect_dma source(%arg14 : memref<64x64xf32, #tpu.memory_space<vmem>>) target(%dma_start3A_24 : memref<100000x64xf32, #tpu.memory_space<hbm>>) offsets(%arg12 : memref<64xi32, #tpu.memory_space<vmem>>) semaphore(%arg17 : memref<!tpu.dma_semaphore, #tpu.memory_space<semaphore_mem>>)
      %dma_wait3A_25 = arith.constant 0 : i32
      %dma_wait3A_26 = arith.constant 0 : i32
      %dma_wait3A_27 = tpu.memref_slice %arg3[%dma_wait3A_25, %dma_wait3A_26] : memref<100000x64xf32, #tpu.memory_space<hbm>> -> memref<100000x64xf32, #tpu.memory_space<hbm>>
      tpu.wait_indirect_dma semaphore(%arg17 : memref<!tpu.dma_semaphore, #tpu.memory_space<semaphore_mem>>) src(%arg14 : memref<64x64xf32, #tpu.memory_space<vmem>>) dst(%dma_wait3A_27 : memref<100000x64xf32, #tpu.memory_space<hbm>>)
    } else {
    }
    return
  }
}

module attributes {stable_mosaic.version = 14 : i64} {
  func.func @_attn_body(%arg0: i32, %arg1: memref<1024x64xf32, #tpu.memory_space<vmem>>, %arg2: memref<1024x64xf32, #tpu.memory_space<vmem>>, %arg3: memref<1x64xf32, #tpu.memory_space<vmem>>, %arg4: memref<1x64xf32, #tpu.memory_space<vmem>>, %arg5: memref<2000x64xf32, #tpu.memory_space<vmem>>, %arg6: memref<2000x64xf32, #tpu.memory_space<vmem>>, %arg7: memref<1024x64xf32, #tpu.memory_space<vmem>>, %arg8: memref<1024x1xf32, #tpu.memory_space<vmem>>, %arg9: memref<1024x64xf32, #tpu.memory_space<vmem>>, %arg10: memref<1024x1xf32, #tpu.memory_space<vmem>>, %arg11: memref<2000x64xf32, #tpu.memory_space<vmem>>, %arg12: memref<2000x64xf32, #tpu.memory_space<vmem>>, %arg13: memref<1024x1xf32, #tpu.memory_space<vmem>>, %arg14: memref<1024x1xf32, #tpu.memory_space<vmem>>, %arg15: memref<1024x64xf32, #tpu.memory_space<vmem>>) attributes {dimension_semantics = [#tpu.dimension_semantics<arbitrary>], iteration_bounds = array<i64: 50>, scalar_prefetch = 0 : i64, scratch_operands = 3 : i64, tpu.core_type = #tpu.core_type<tc>, window_params = [{pipeline_mode = #tpu.pipeline_mode<synchronous>, transform_indices = @transform_0, window_bounds = array<i64: 1024, 64>}, {pipeline_mode = #tpu.pipeline_mode<synchronous>, transform_indices = @transform_1, window_bounds = array<i64: 1024, 64>}, {pipeline_mode = #tpu.pipeline_mode<synchronous>, transform_indices = @transform_2, window_bounds = array<i64: 1, 64>}, {pipeline_mode = #tpu.pipeline_mode<synchronous>, transform_indices = @transform_3, window_bounds = array<i64: 1, 64>}, {transform_indices = @transform_4, window_bounds = array<i64: 2000, 64>}, {transform_indices = @transform_5, window_bounds = array<i64: 2000, 64>}, {pipeline_mode = #tpu.pipeline_mode<synchronous>, transform_indices = @transform_6, window_bounds = array<i64: 1024, 64>}, {pipeline_mode = #tpu.pipeline_mode<synchronous>, transform_indices = @transform_7, window_bounds = array<i64: 1024, 1>}, {pipeline_mode = #tpu.pipeline_mode<synchronous>, transform_indices = @transform_8, window_bounds = array<i64: 1024, 64>}, {pipeline_mode = #tpu.pipeline_mode<synchronous>, transform_indices = @transform_9, window_bounds = array<i64: 1024, 1>}, {transform_indices = @transform_10, window_bounds = array<i64: 2000, 64>}, {transform_indices = @transform_11, window_bounds = array<i64: 2000, 64>}]} {
    %get3A = arith.constant 0 : index
    %get3A_0 = arith.constant 0 : index
    %get3A_1 = vector.load %arg5[%get3A, %get3A_0] : memref<2000x64xf32, #tpu.memory_space<vmem>>, vector<2000x64xf32>
    %swap3A = arith.constant 0 : index
    %swap3A_2 = arith.constant 0 : index
    %swap3A_3 = vector.load %arg11[%swap3A, %swap3A_2] : memref<2000x64xf32, #tpu.memory_space<vmem>>, vector<2000x64xf32>
    tpu.vector_store %arg11[%swap3A, %swap3A_2], %get3A_1 {strides = array<i32>} : memref<2000x64xf32, #tpu.memory_space<vmem>>, vector<2000x64xf32>,
    %get3A_4 = arith.constant 0 : index
    %get3A_5 = arith.constant 0 : index
    %get3A_6 = vector.load %arg6[%get3A_4, %get3A_5] : memref<2000x64xf32, #tpu.memory_space<vmem>>, vector<2000x64xf32>
    %swap3A_7 = arith.constant 0 : index
    %swap3A_8 = arith.constant 0 : index
    %swap3A_9 = vector.load %arg12[%swap3A_7, %swap3A_8] : memref<2000x64xf32, #tpu.memory_space<vmem>>, vector<2000x64xf32>
    tpu.vector_store %arg12[%swap3A_7, %swap3A_8], %get3A_6 {strides = array<i32>} : memref<2000x64xf32, #tpu.memory_space<vmem>>, vector<2000x64xf32>,
    %eq3A = arith.constant 0 : i32
    %eq3A_10 = arith.cmpi eq, %arg0, %eq3A : i32
    %convert_element_type3A = arith.extui %eq3A_10 : i1 to i32
    %cond3A = arith.constant 0 : i32
    %cond3A_11 = arith.cmpi ne, %convert_element_type3A, %cond3A : i32
    scf.if %cond3A_11 {
      %get3A_76 = arith.constant 0 : index
      %get3A_77 = arith.constant 0 : index
      %get3A_78 = vector.load %arg1[%get3A_76, %get3A_77] : memref<1024x64xf32, #tpu.memory_space<vmem>>, vector<1024x64xf32>
      %reduce_sum3A_79 = arith.constant dense<0.000000e+00> : vector<1024xf32>
      %reduce_sum3A_80 = vector.multi_reduction <add>, %get3A_78, %reduce_sum3A_79 [1] : vector<1024x64xf32> to vector<1024xf32>
      %broadcast_in_dim3A_81 = vector.shape_cast %reduce_sum3A_80 : vector<1024xf32> to vector<1024x1xf32>
      %div3A = arith.constant 6.400000e+01 : f32
      %div3A_82 = vector.broadcast %div3A : f32 to vector<1024x1xf32>
      %div3A_83 = arith.divf %broadcast_in_dim3A_81, %div3A_82 : vector<1024x1xf32>
      %sub3A_84 = vector.broadcast %div3A_83 : vector<1024x1xf32> to vector<1024x64xf32>
      %sub3A_85 = arith.subf %get3A_78, %sub3A_84 : vector<1024x64xf32>
      %integer_pow3A = arith.mulf %sub3A_85, %sub3A_85 : vector<1024x64xf32>
      %reduce_sum3A_86 = arith.constant dense<0.000000e+00> : vector<1024xf32>
      %reduce_sum3A_87 = vector.multi_reduction <add>, %integer_pow3A, %reduce_sum3A_86 [1] : vector<1024x64xf32> to vector<1024xf32>
      %broadcast_in_dim3A_88 = vector.shape_cast %reduce_sum3A_87 : vector<1024xf32> to vector<1024x1xf32>
      %div3A_89 = arith.constant 6.400000e+01 : f32
      %div3A_90 = vector.broadcast %div3A_89 : f32 to vector<1024x1xf32>
      %div3A_91 = arith.divf %broadcast_in_dim3A_88, %div3A_90 : vector<1024x1xf32>
      %sub3A_92 = vector.broadcast %div3A_83 : vector<1024x1xf32> to vector<1024x64xf32>
      %sub3A_93 = arith.subf %get3A_78, %sub3A_92 : vector<1024x64xf32>
      %add3A_94 = arith.constant 9.99999974E-6 : f32
      %add3A_95 = vector.broadcast %add3A_94 : f32 to vector<1024x1xf32>
      %add3A_96 = arith.addf %div3A_91, %add3A_95 : vector<1024x1xf32>
      %rsqrt3A = math.rsqrt %add3A_96 : vector<1024x1xf32>
      %mul3A_97 = vector.broadcast %rsqrt3A : vector<1024x1xf32> to vector<1024x64xf32>
      %mul3A_98 = arith.mulf %sub3A_93, %mul3A_97 : vector<1024x64xf32>
      %get3A_99 = arith.constant 0 : index
      %get3A_100 = arith.constant 0 : index
      %get3A_101 = vector.load %arg3[%get3A_99, %get3A_100] : memref<1x64xf32, #tpu.memory_space<vmem>>, vector<1x64xf32>
      %mul3A_102 = vector.broadcast %get3A_101 : vector<1x64xf32> to vector<1024x64xf32>
      %mul3A_103 = arith.mulf %mul3A_98, %mul3A_102 : vector<1024x64xf32>
      %get3A_104 = arith.constant 0 : index
      %get3A_105 = arith.constant 0 : index
      %get3A_106 = vector.load %arg4[%get3A_104, %get3A_105] : memref<1x64xf32, #tpu.memory_space<vmem>>, vector<1x64xf32>
      %add3A_107 = vector.broadcast %get3A_106 : vector<1x64xf32> to vector<1024x64xf32>
      %add3A_108 = arith.addf %mul3A_103, %add3A_107 : vector<1024x64xf32>
      %swap3A_109 = arith.constant 0 : index
      %swap3A_110 = arith.constant 0 : index
      %swap3A_111 = vector.load %arg9[%swap3A_109, %swap3A_110] : memref<1024x64xf32, #tpu.memory_space<vmem>>, vector<1024x64xf32>
      tpu.vector_store %arg9[%swap3A_109, %swap3A_110], %add3A_108 {strides = array<i32>} : memref<1024x64xf32, #tpu.memory_space<vmem>>, vector<1024x64xf32>,
      %broadcast_in_dim3A_112 = arith.constant -1.000000e+30 : f32
      %broadcast_in_dim3A_113 = vector.broadcast %broadcast_in_dim3A_112 : f32 to vector<1024x1xf32>
      %swap3A_114 = arith.constant 0 : index
      %swap3A_115 = arith.constant 0 : index
      %swap3A_116 = vector.load %arg13[%swap3A_114, %swap3A_115] : memref<1024x1xf32, #tpu.memory_space<vmem>>, vector<1024x1xf32>
      tpu.vector_store %arg13[%swap3A_114, %swap3A_115], %broadcast_in_dim3A_113 {strides = array<i32>} : memref<1024x1xf32, #tpu.memory_space<vmem>>, vector<1024x1xf32>,
      %broadcast_in_dim3A_117 = arith.constant 0.000000e+00 : f32
      %broadcast_in_dim3A_118 = vector.broadcast %broadcast_in_dim3A_117 : f32 to vector<1024x1xf32>
      %swap3A_119 = arith.constant 0 : index
      %swap3A_120 = arith.constant 0 : index
      %swap3A_121 = vector.load %arg14[%swap3A_119, %swap3A_120] : memref<1024x1xf32, #tpu.memory_space<vmem>>, vector<1024x1xf32>
      tpu.vector_store %arg14[%swap3A_119, %swap3A_120], %broadcast_in_dim3A_118 {strides = array<i32>} : memref<1024x1xf32, #tpu.memory_space<vmem>>, vector<1024x1xf32>,
      %broadcast_in_dim3A_122 = arith.constant 0.000000e+00 : f32
      %broadcast_in_dim3A_123 = vector.broadcast %broadcast_in_dim3A_122 : f32 to vector<1024x64xf32>
      %swap3A_124 = arith.constant 0 : index
      %swap3A_125 = arith.constant 0 : index
      %swap3A_126 = vector.load %arg15[%swap3A_124, %swap3A_125] : memref<1024x64xf32, #tpu.memory_space<vmem>>, vector<1024x64xf32>
      tpu.vector_store %arg15[%swap3A_124, %swap3A_125], %broadcast_in_dim3A_123 {strides = array<i32>} : memref<1024x64xf32, #tpu.memory_space<vmem>>, vector<1024x64xf32>,
    } else {
    }
    %get3A_12 = arith.constant 0 : index
    %get3A_13 = arith.constant 0 : index
    %get3A_14 = vector.load %arg9[%get3A_12, %get3A_13] : memref<1024x64xf32, #tpu.memory_space<vmem>>, vector<1024x64xf32>
    %mul3A = arith.mulf %get3A_14, %get3A_14 : vector<1024x64xf32>
    %reduce_sum3A = arith.constant dense<0.000000e+00> : vector<1024xf32>
    %reduce_sum3A_15 = vector.multi_reduction <add>, %mul3A, %reduce_sum3A [1] : vector<1024x64xf32> to vector<1024xf32>
    %broadcast_in_dim3A = vector.shape_cast %reduce_sum3A_15 : vector<1024xf32> to vector<1024x1xf32>
    %get3A_16 = arith.constant 0 : index
    %get3A_17 = arith.constant 0 : index
    %get3A_18 = vector.load %arg5[%get3A_16, %get3A_17] : memref<2000x64xf32, #tpu.memory_space<vmem>>, vector<2000x64xf32>
    %mul3A_19 = arith.mulf %get3A_18, %get3A_18 : vector<2000x64xf32>
    %reduce_sum3A_20 = arith.constant dense<0.000000e+00> : vector<2000xf32>
    %reduce_sum3A_21 = vector.multi_reduction <add>, %mul3A_19, %reduce_sum3A_20 [1] : vector<2000x64xf32> to vector<2000xf32>
    %broadcast_in_dim3A_22 = vector.shape_cast %reduce_sum3A_21 : vector<2000xf32> to vector<1x2000xf32>
    %dot_general3A = arith.constant dense<0.000000e+00> : vector<1024x2000xf32>
    %dot_general3A_23 = tpu.matmul %get3A_14, %get3A_18, %dot_general3A {dimension_numbers = #tpu.dot_dimension_numbers<[1], [1], [0], [0], [0, 0, 1, 0], [], []>, transpose_lhs_hint = false} : vector<1024x64xf32>, vector<2000x64xf32>, vector<1024x2000xf32> -> vector<1024x2000xf32>
    %add3A = vector.broadcast %broadcast_in_dim3A : vector<1024x1xf32> to vector<1024x2000xf32>
    %add3A_24 = vector.broadcast %broadcast_in_dim3A_22 : vector<1x2000xf32> to vector<1024x2000xf32>
    %add3A_25 = arith.addf %add3A, %add3A_24 : vector<1024x2000xf32>
    %mul3A_26 = arith.constant 2.000000e+00 : f32
    %mul3A_27 = vector.broadcast %mul3A_26 : f32 to vector<1024x2000xf32>
    %mul3A_28 = arith.mulf %mul3A_27, %dot_general3A_23 : vector<1024x2000xf32>
    %sub3A = arith.subf %add3A_25, %mul3A_28 : vector<1024x2000xf32>
    %max3A = arith.constant 0.000000e+00 : f32
    %max3A_29 = vector.broadcast %max3A : f32 to vector<1024x2000xf32>
    %max3A_30 = arith.maximumf %sub3A, %max3A_29 : vector<1024x2000xf32>
    %neg3A = arith.constant 0.000000e+00 : f32
    %neg3A_31 = vector.broadcast %neg3A : f32 to vector<1024x2000xf32>
    %neg3A_32 = arith.subf %neg3A_31, %max3A_30 : vector<1024x2000xf32>
    %get3A_33 = arith.constant 0 : index
    %get3A_34 = arith.constant 0 : index
    %get3A_35 = vector.load %arg13[%get3A_33, %get3A_34] : memref<1024x1xf32, #tpu.memory_space<vmem>>, vector<1024x1xf32>
    %reduce_max3A = arith.constant dense<0xFF800000> : vector<1024xf32>
    %reduce_max3A_36 = vector.multi_reduction <maximumf>, %neg3A_32, %reduce_max3A [1] : vector<1024x2000xf32> to vector<1024xf32>
    %broadcast_in_dim3A_37 = vector.shape_cast %reduce_max3A_36 : vector<1024xf32> to vector<1024x1xf32>
    %max3A_38 = arith.maximumf %get3A_35, %broadcast_in_dim3A_37 : vector<1024x1xf32>
    %sub3A_39 = arith.subf %get3A_35, %max3A_38 : vector<1024x1xf32>
    %exp3A = math.exp %sub3A_39 : vector<1024x1xf32>
    %sub3A_40 = vector.broadcast %max3A_38 : vector<1024x1xf32> to vector<1024x2000xf32>
    %sub3A_41 = arith.subf %neg3A_32, %sub3A_40 : vector<1024x2000xf32>
    %exp3A_42 = math.exp %sub3A_41 : vector<1024x2000xf32>
    %get3A_43 = arith.constant 0 : index
    %get3A_44 = arith.constant 0 : index
    %get3A_45 = vector.load %arg14[%get3A_43, %get3A_44] : memref<1024x1xf32, #tpu.memory_space<vmem>>, vector<1024x1xf32>
    %mul3A_46 = arith.mulf %get3A_45, %exp3A : vector<1024x1xf32>
    %reduce_sum3A_47 = arith.constant dense<0.000000e+00> : vector<1024xf32>
    %reduce_sum3A_48 = vector.multi_reduction <add>, %exp3A_42, %reduce_sum3A_47 [1] : vector<1024x2000xf32> to vector<1024xf32>
    %broadcast_in_dim3A_49 = vector.shape_cast %reduce_sum3A_48 : vector<1024xf32> to vector<1024x1xf32>
    %add3A_50 = arith.addf %mul3A_46, %broadcast_in_dim3A_49 : vector<1024x1xf32>
    %swap3A_51 = arith.constant 0 : index
    %swap3A_52 = arith.constant 0 : index
    %swap3A_53 = vector.load %arg14[%swap3A_51, %swap3A_52] : memref<1024x1xf32, #tpu.memory_space<vmem>>, vector<1024x1xf32>
    tpu.vector_store %arg14[%swap3A_51, %swap3A_52], %add3A_50 {strides = array<i32>} : memref<1024x1xf32, #tpu.memory_space<vmem>>, vector<1024x1xf32>,
    %get3A_54 = arith.constant 0 : index
    %get3A_55 = arith.constant 0 : index
    %get3A_56 = vector.load %arg15[%get3A_54, %get3A_55] : memref<1024x64xf32, #tpu.memory_space<vmem>>, vector<1024x64xf32>
    %mul3A_57 = vector.broadcast %exp3A : vector<1024x1xf32> to vector<1024x64xf32>
    %mul3A_58 = arith.mulf %get3A_56, %mul3A_57 : vector<1024x64xf32>
    %get3A_59 = arith.constant 0 : index
    %get3A_60 = arith.constant 0 : index
    %get3A_61 = vector.load %arg6[%get3A_59, %get3A_60] : memref<2000x64xf32, #tpu.memory_space<vmem>>, vector<2000x64xf32>
    %dot_general3A_62 = arith.constant dense<0.000000e+00> : vector<1024x64xf32>
    %dot_general3A_63 = tpu.matmul %exp3A_42, %get3A_61, %dot_general3A_62 {dimension_numbers = #tpu.dot_dimension_numbers<[1], [0], [0], [1], [0, 0, 1, 1], [], []>, transpose_lhs_hint = false} : vector<1024x2000xf32>, vector<2000x64xf32>, vector<1024x64xf32> -> vector<1024x64xf32>
    %add3A_64 = arith.addf %mul3A_58, %dot_general3A_63 : vector<1024x64xf32>
    %swap3A_65 = arith.constant 0 : index
    %swap3A_66 = arith.constant 0 : index
    %swap3A_67 = vector.load %arg15[%swap3A_65, %swap3A_66] : memref<1024x64xf32, #tpu.memory_space<vmem>>, vector<1024x64xf32>
    tpu.vector_store %arg15[%swap3A_65, %swap3A_66], %add3A_64 {strides = array<i32>} : memref<1024x64xf32, #tpu.memory_space<vmem>>, vector<1024x64xf32>,
    %swap3A_68 = arith.constant 0 : index
    %swap3A_69 = arith.constant 0 : index
    %swap3A_70 = vector.load %arg13[%swap3A_68, %swap3A_69] : memref<1024x1xf32, #tpu.memory_space<vmem>>, vector<1024x1xf32>
    tpu.vector_store %arg13[%swap3A_68, %swap3A_69], %max3A_38 {strides = array<i32>} : memref<1024x1xf32, #tpu.memory_space<vmem>>, vector<1024x1xf32>,
    %eq3A_71 = arith.constant 49 : i32
    %eq3A_72 = arith.cmpi eq, %arg0, %eq3A_71 : i32
    %convert_element_type3A_73 = arith.extui %eq3A_72 : i1 to i32
    %cond3A_74 = arith.constant 0 : i32
    %cond3A_75 = arith.cmpi ne, %convert_element_type3A_73, %cond3A_74 : i32
    scf.if %cond3A_75 {
      %get3A_76 = arith.constant 0 : index
      %get3A_77 = arith.constant 0 : index
      %get3A_78 = vector.load %arg15[%get3A_76, %get3A_77] : memref<1024x64xf32, #tpu.memory_space<vmem>>, vector<1024x64xf32>
      %get3A_79 = arith.constant 0 : index
      %get3A_80 = arith.constant 0 : index
      %get3A_81 = vector.load %arg14[%get3A_79, %get3A_80] : memref<1024x1xf32, #tpu.memory_space<vmem>>, vector<1024x1xf32>
      %div3A = vector.broadcast %get3A_81 : vector<1024x1xf32> to vector<1024x64xf32>
      %div3A_82 = arith.divf %get3A_78, %div3A : vector<1024x64xf32>
      %swap3A_83 = arith.constant 0 : index
      %swap3A_84 = arith.constant 0 : index
      %swap3A_85 = vector.load %arg7[%swap3A_83, %swap3A_84] : memref<1024x64xf32, #tpu.memory_space<vmem>>, vector<1024x64xf32>
      tpu.vector_store %arg7[%swap3A_83, %swap3A_84], %div3A_82 {strides = array<i32>} : memref<1024x64xf32, #tpu.memory_space<vmem>>, vector<1024x64xf32>,
      %get3A_86 = arith.constant 0 : index
      %get3A_87 = arith.constant 0 : index
      %get3A_88 = vector.load %arg2[%get3A_86, %get3A_87] : memref<1024x64xf32, #tpu.memory_space<vmem>>, vector<1024x64xf32>
      %sub3A_89 = arith.subf %div3A_82, %get3A_88 : vector<1024x64xf32>
      %mul3A_90 = arith.mulf %sub3A_89, %sub3A_89 : vector<1024x64xf32>
      %reduce_sum3A_91 = arith.constant dense<0.000000e+00> : vector<1024xf32>
      %reduce_sum3A_92 = vector.multi_reduction <add>, %mul3A_90, %reduce_sum3A_91 [1] : vector<1024x64xf32> to vector<1024xf32>
      %broadcast_in_dim3A_93 = vector.shape_cast %reduce_sum3A_92 : vector<1024xf32> to vector<1024x1xf32>
      %div3A_94 = arith.constant 6.400000e+01 : f32
      %div3A_95 = vector.broadcast %div3A_94 : f32 to vector<1024x1xf32>
      %div3A_96 = arith.divf %broadcast_in_dim3A_93, %div3A_95 : vector<1024x1xf32>
      %swap3A_97 = arith.constant 0 : index
      %swap3A_98 = arith.constant 0 : index
      %swap3A_99 = vector.load %arg8[%swap3A_97, %swap3A_98] : memref<1024x1xf32, #tpu.memory_space<vmem>>, vector<1024x1xf32>
      tpu.vector_store %arg8[%swap3A_97, %swap3A_98], %div3A_96 {strides = array<i32>} : memref<1024x1xf32, #tpu.memory_space<vmem>>, vector<1024x1xf32>,
      %reduce_sum3A_100 = vector.shape_cast %div3A_96 : vector<1024x1xf32> to vector<1x1024x1xf32>
      %reduce_sum3A_101 = arith.constant dense<0.000000e+00> : vector<1xf32>
      %reduce_sum3A_102 = vector.multi_reduction <add>, %reduce_sum3A_100, %reduce_sum3A_101 [1, 2] : vector<1x1024x1xf32> to vector<1xf32>
      %reduce_sum3A_103 = vector.shape_cast %reduce_sum3A_102 : vector<1xf32> to vector<1x1x1xf32>
      %reduce_sum3A_104 = vector.extract %reduce_sum3A_103[0, 0, 0] : f32 from vector<1x1x1xf32>
      %div3A_105 = arith.constant 1.024000e+03 : f32
      %div3A_106 = arith.divf %reduce_sum3A_104, %div3A_105 : f32
      %sub3A_107 = vector.broadcast %div3A_106 : f32 to vector<1024x1xf32>
      %sub3A_108 = arith.subf %div3A_96, %sub3A_107 : vector<1024x1xf32>
      %logistic3A = arith.negf %sub3A_108 : vector<1024x1xf32>
      %logistic3A_109 = math.exp %logistic3A : vector<1024x1xf32>
      %logistic3A_110 = arith.constant 1.000000e+00 : f32
      %logistic3A_111 = vector.broadcast %logistic3A_110 : f32 to vector<1024x1xf32>
      %logistic3A_112 = arith.addf %logistic3A_111, %logistic3A_109 : vector<1024x1xf32>
      %logistic3A_113 = arith.divf %logistic3A_111, %logistic3A_112 : vector<1024x1xf32>
      %sub3A_114 = arith.constant 1.000000e+00 : f32
      %sub3A_115 = vector.broadcast %sub3A_114 : f32 to vector<1024x1xf32>
      %sub3A_116 = arith.subf %sub3A_115, %logistic3A_113 : vector<1024x1xf32>
      %mul3A_117 = arith.constant 9.900000e-01 : f32
      %mul3A_118 = vector.broadcast %mul3A_117 : f32 to vector<1024x1xf32>
      %mul3A_119 = arith.mulf %mul3A_118, %sub3A_116 : vector<1024x1xf32>
      %swap3A_120 = arith.constant 0 : index
      %swap3A_121 = arith.constant 0 : index
      %swap3A_122 = vector.load %arg10[%swap3A_120, %swap3A_121] : memref<1024x1xf32, #tpu.memory_space<vmem>>, vector<1024x1xf32>
      tpu.vector_store %arg10[%swap3A_120, %swap3A_121], %mul3A_119 {strides = array<i32>} : memref<1024x1xf32, #tpu.memory_space<vmem>>, vector<1024x1xf32>,
    } else {
    }
    return
  }
  func.func @transform_0(%arg0: i32) -> (i32, i32) {
    %c0_i32 = arith.constant 0 : i32
    %c0_i32_0 = arith.constant 0 : i32
    %c0_i32_1 = arith.constant 0 : i32
    return %c0_i32, %c0_i32_0 : i32, i32
  }
  func.func @transform_1(%arg0: i32) -> (i32, i32) {
    %c0_i32 = arith.constant 0 : i32
    %c0_i32_0 = arith.constant 0 : i32
    %c0_i32_1 = arith.constant 0 : i32
    return %c0_i32, %c0_i32_0 : i32, i32
  }
  func.func @transform_2(%arg0: i32) -> (i32, i32) {
    %c0_i32 = arith.constant 0 : i32
    %c0_i32_0 = arith.constant 0 : i32
    %c0_i32_1 = arith.constant 0 : i32
    return %c0_i32, %c0_i32_0 : i32, i32
  }
  func.func @transform_3(%arg0: i32) -> (i32, i32) {
    %c0_i32 = arith.constant 0 : i32
    %c0_i32_0 = arith.constant 0 : i32
    %c0_i32_1 = arith.constant 0 : i32
    return %c0_i32, %c0_i32_0 : i32, i32
  }
  func.func @transform_4(%arg0: i32) -> (i32, i32) {
    %c0_i32 = arith.constant 0 : i32
    %c0_i32_0 = arith.constant 0 : i32
    return %arg0, %c0_i32 : i32, i32
  }
  func.func @transform_5(%arg0: i32) -> (i32, i32) {
    %c0_i32 = arith.constant 0 : i32
    %c0_i32_0 = arith.constant 0 : i32
    return %arg0, %c0_i32 : i32, i32
  }
  func.func @transform_6(%arg0: i32) -> (i32, i32) {
    %c0_i32 = arith.constant 0 : i32
    %c0_i32_0 = arith.constant 0 : i32
    %c0_i32_1 = arith.constant 0 : i32
    return %c0_i32, %c0_i32_0 : i32, i32
  }
  func.func @transform_7(%arg0: i32) -> (i32, i32) {
    %c0_i32 = arith.constant 0 : i32
    %c0_i32_0 = arith.constant 0 : i32
    %c0_i32_1 = arith.constant 0 : i32
    return %c0_i32, %c0_i32_0 : i32, i32
  }
  func.func @transform_8(%arg0: i32) -> (i32, i32) {
    %c0_i32 = arith.constant 0 : i32
    %c0_i32_0 = arith.constant 0 : i32
    %c0_i32_1 = arith.constant 0 : i32
    return %c0_i32, %c0_i32_0 : i32, i32
  }
  func.func @transform_9(%arg0: i32) -> (i32, i32) {
    %c0_i32 = arith.constant 0 : i32
    %c0_i32_0 = arith.constant 0 : i32
    %c0_i32_1 = arith.constant 0 : i32
    return %c0_i32, %c0_i32_0 : i32, i32
  }
  func.func @transform_10(%arg0: i32) -> (i32, i32) {
    %c0_i32 = arith.constant 0 : i32
    %c0_i32_0 = arith.constant 0 : i32
    return %arg0, %c0_i32 : i32, i32
  }
  func.func @transform_11(%arg0: i32) -> (i32, i32) {
    %c0_i32 = arith.constant 0 : i32
    %c0_i32_0 = arith.constant 0 : i32
    return %arg0, %c0_i32 : i32, i32
  }
}

</mosaic_0001>

<sc_bundles>
// kernel: kernel.4.cloned.1.call-start
scs
__scs_entry_jumppad:
0x0: {  	(pc) =	sbr.rel $0x88, $3  }
0x1: {  	(tag) =	ssettag $0x0;
	lr =	simm.s32 $0x1  }
0x2: {  	[smem:$0x3F9A] =	sst lr;
	_ =	strace $0xD0000000  }
0x3: {  	_ = 	snop  }
0x4: {  	_ = 	snop  }
0x5: {  	_ = 	snop  }
0x6: {  	_ = 	snop  }
0x7: {  	_ = 	snop  }
__scs_overlays_trampoline_lowered:
0x8: {  	[smem:$0x3FA9] =	sst s0  }
0x9: {  	[smem:$0x3FAA] =	sst s1  }
0xa: {  	[smem:$0x3FAB] =	sst s2  }
0xb: {  	[smem:$0x3FAC] =	sst s3  }
0xc: {  	[smem:$0x3FAD] =	sst s4  }
0xd: {  	[smem:$0x3FAE] =	sst s5  }
0xe: {  	[smem:$0x3FAF] =	sst s6  }
0xf: {  	[smem:$0x3FB0] =	sst s7  }
0x10: {  	[smem:$0x3FB1] =	sst s8  }
0x11: {  	[smem:$0x3FB2] =	sst s9;
	s0 =	simm.s32 @!p0 $0x0  }
0x12: {  	s1 =	sld [smem:$0x3F98];
	s0 =	simm.s32 @p0 $0x1  }
0x13: {  	[smem:$0x3FB3] =	sst s0;
	s0 =	simm.s32 @!p1 $0x0  }
0x14: {  	s2 =	sld [smem:$0x3F97];
	s0 =	simm.s32 @p1 $0x1  }
0x15: {  	[smem:$0x3FB4] =	sst s0;
	s0 =	simm.s32 @!p2 $0x0  }
0x16: {  	s3 =	sld [smem:$0x3FDB];
	s0 =	simm.s32 @p2 $0x1  }
0x17: {  	s4 =	simm.s32 $0x1BF5;
	[smem:$0x3FB6] =	sst s0  }
0x18: {  	s0 =	sld [smem:$0x3F99];
	_ =	swait.ge [sflag:s4], $0x0  }
0x19: {  	s7 =	sld [smem:$0x3F9A]  }
0x1a: {  	s8 =	sadd.s32 $0xFFFFE003, lr  }
0x1b: {  	s9 =	sadd.s32 $0xFFFFFEF7, lr;
	s5 =	simm.s32 $0xFFFFFFFF;
	p2 =	slt.u32 s8, $0xFFFFF086  }
0x1c: {  	p1 =	slt.u32 s9, $0xF7A;
	s5 =	simm.s32 @!p2 $0x0  }
0x1d: {  	s5 =	simm.s32 @p1 $0x1;
	p0 =	seq.s32 s7, s2  }
0x1e: {  	s7 =	smul.u32 @!p0 $0xF7A, s2;
	p2 =	seq.s32 @!p0 s5, $0x0  }
0x1f: {  	s9 =	smul.u32 $0xF7A, s1;
	s8 =	simm.s32 @!p0 $0x1BF5;
	p2 =	por !p2, p0  }
0x20: {  	[sflag:s8] =	ssyncset.s32 @!p0 $0xFFFFF086;
	s6 =	sadd.s32 @!p0 s3, s7;
	s7 =	simm.s32 @!p0 $0x108  }
0x21: {  	s3 =	sadd.s32 s3, s9;
	s6 =	sadd.s32 @!p0 $0x88, s6;
	s7 =	simm.s32 @p2 $0x1082  }
0x22: {  	[simem:s7], [sflag:s8] =	dma.local @!p0 [hbm:s6], $0xF7A  }
0x23: {  	s9 =	sor.u32 $0xD0000000, s2;
	s6 =	simm.s32 $0x108;
	_ =	swait.ge @!p0 [sflag:s8], $0x0  }
0x24: {  	s3 =	sadd.s32 $0x88, s3;
	s6 =	simm.s32 @!p1 $0x1082;
	[sflag:s4] =	ssyncset.s32 $0xFFFFF086  }
0x25: {  	[simem:s6], [sflag:s4] =	dma.local [hbm:s3], $0xF7A  }
0x26: {  	[smem:$0x3F9A] =	sst s1;
	(tag) =	ssettag s2;
	_ =	strace s9  }
0x27: {  	s1 =	sld [smem:$0x3FAA]  }
0x28: {  	s2 =	sld [smem:$0x3FAB]  }
0x29: {  	s4 =	sld [smem:$0x3FAD]  }
0x2a: {  	p0 =	seq.s32 s5, $0x0;
	s5 =	sld [smem:$0x3FAE]  }
0x2b: {  	s6 =	sld [smem:$0x3FAF]  }
0x2c: {  	s7 =	sld [smem:$0x3FB0]  }
0x2d: {  	s3 =	simm.s32 $0x108;
	s8 =	sld [smem:$0x3FB1]  }
0x2e: {  	s3 =	simm.s32 @!p0 $0x1082;
	s9 =	sld [smem:$0x3FB2]  }
0x2f: {  	lr =	sadd.s32 s0, s3;
	s0 =	sld [smem:$0x3FA9]  }
0x30: {  	s3 =	sld [smem:$0x3FAC]  }
0x31: {  	[smem:$0x3FB5] =	sst s10  }
0x32: {  	s10 =	sld [smem:$0x3FB3];
	_ =	sdelay $0x3  }
0x33: {  	p0 =	seq.s32 s10, $0x1;
	s10 =	sld [smem:$0x3FB5];
	_ =	sdelay $0x3  }
0x34: {  	[smem:$0x3FB5] =	sst s10  }
0x35: {  	s10 =	sld [smem:$0x3FB4];
	_ =	sdelay $0x3  }
0x36: {  	p1 =	seq.s32 s10, $0x1;
	s10 =	sld [smem:$0x3FB5];
	_ =	sdelay $0x3  }
0x37: {  	[smem:$0x3FB5] =	sst s10  }
0x38: {  	s10 =	sld [smem:$0x3FB6]  }
0x39: {  	_ = 	snop;
	(pc) =	sbr.ind lr, $3  }
0x3a: {  	_ = 	snop  }
0x3b: {  	_ = 	snop  }
0x3c: {  	p2 =	seq.s32 s10, $0x1;
	s10 =	sld [smem:$0x3FB5]  }
0x3d: {  	_ =	shalt  }
0x3e: {  	_ =	shalt  }
0x3f: {  	_ =	shalt  }
0x40: {  	_ =	shalt  }
0x41: {  	_ =	shalt  }
0x42: {  	_ =	shalt  }
0x43: {  	_ =	shalt  }
0x44: {  	_ =	shalt  }
0x45: {  	_ =	shalt  }
0x46: {  	_ =	shalt  }
0x47: {  	_ =	shalt  }
0x48: {  	_ =	shalt  }
0x49: {  	_ =	shalt  }
0x4a: {  	_ =	shalt  }
0x4b: {  	_ =	shalt  }
0x4c: {  	_ =	shalt  }
0x4d: {  	_ =	shalt  }
0x4e: {  	_ =	shalt  }
0x4f: {  	_ =	shalt  }
0x50: {  	_ =	shalt  }
0x51: {  	_ =	shalt  }
0x52: {  	_ =	shalt  }
0x53: {  	_ =	shalt  }
0x54: {  	_ =	shalt  }
0x55: {  	_ =	shalt  }
0x56: {  	_ =	shalt  }
0x57: {  	_ =	shalt  }
0x58: {  	_ =	shalt  }
0x59: {  	_ =	shalt  }
0x5a: {  	_ =	shalt  }
0x5b: {  	_ =	shalt  }
0x5c: {  	_ =	shalt  }
0x5d: {  	_ =	shalt  }
0x5e: {  	_ =	shalt  }
0x5f: {  	_ =	shalt  }
0x60: {  	_ =	shalt  }
0x61: {  	_ =	shalt  }
0x62: {  	_ =	shalt  }
0x63: {  	_ =	shalt  }
0x64: {  	_ =	shalt  }
0x65: {  	_ =	shalt  }
0x66: {  	_ =	shalt  }
0x67: {  	_ =	shalt  }
0x68: {  	_ =	shalt  }
0x69: {  	_ =	shalt  }
0x6a: {  	_ =	shalt  }
0x6b: {  	_ =	shalt  }
0x6c: {  	_ =	shalt  }
0x6d: {  	_ =	shalt  }
0x6e: {  	_ =	shalt  }
0x6f: {  	_ =	shalt  }
0x70: {  	_ =	shalt  }
0x71: {  	_ =	shalt  }
0x72: {  	_ =	shalt  }
0x73: {  	_ =	shalt  }
0x74: {  	_ =	shalt  }
0x75: {  	_ =	shalt  }
0x76: {  	_ =	shalt  }
0x77: {  	_ =	shalt  }
0x78: {  	_ =	shalt  }
0x79: {  	_ =	shalt  }
0x7a: {  	_ =	shalt  }
0x7b: {  	_ =	shalt  }
0x7c: {  	_ =	shalt  }
0x7d: {  	_ =	shalt  }
0x7e: {  	_ =	shalt  }
0x7f: {  	_ =	shalt  }
0x80: {  	_ =	shalt  }
0x81: {  	_ =	shalt  }
0x82: {  	_ =	shalt  }
0x83: {  	_ =	shalt  }
0x84: {  	_ =	shalt  }
0x85: {  	_ =	shalt  }
0x86: {  	_ =	shalt  }
0x87: {  	_ =	shalt  }
.Lfunc_end0:
.L_simem_size_0:
called_computation_lowered:
.L_overlay_start_0:
0x88: {  	s2 =	sld [smem:$0x3FD9]  }
0x89: {  	s3 =	sld [smem:$0x3FFE];
	_ =	sdelay $0x1  }
0x8a: {  	s1 =	srdreg.scid  }
0x8b: {  	s0 =	sand.u32 $0x1, s1  }
0x8c: {  	s14 =	sshll.u32 s0, $0xA;
	s2 =	sadd.s32 s3, s2  }
0x8d: {  	s2 =	sadd.s32 s2, s14  }
0x8e: {  	[smem:$0x3FC1] =	sst s2  }
0x8f: {  	_ = 	snop  }
0x90: {  	s2 =	sld [smem:$0x3FD0];
	_ =	sdelay $0x2  }
0x91: {  	s15 =	simm.s32 $0xA;
	s4 =	simm.s32 $0x10  }
0x92: {  	[smem:s4], [sflag:s15] =	dma.local [hbm:s2], $0x1  }
0x93: {  	_ =	swait.eq [sflag:s15], $0x1  }
0x94: {  	s16 =	sld [smem:$0x12];
	[sflag:s15] =	ssyncset.done $0x0  }
0x95: {  	s17 =	sld [smem:$0x13];
	[sflag:s15] =	ssyncadd.s32 $0xFFFFFFFF  }
0x96: {  	s18 =	sld [smem:$0x14];
	(tm) =	ssettm $0x1  }
0x97: {  	s5 =	sld [smem:$0x3FFB];
	_ =	sdelay $0x3  }
0x98: {  	_ =	strace s5  }
0x99: {  	s5 =	sld [smem:$0x3FFC];
	_ =	sdelay $0x3  }
0x9a: {  	_ =	strace s5  }
0x9b: {  	s5 =	sld [smem:$0x3FFD];
	_ =	sdelay $0x3  }
0x9c: {  	_ =	strace s5  }
0x9d: {  	_ =	strace $0x8FFFFFFF  }
0x9e: {  	s19 =	sld [smem:$0x3FDB];
	_ =	sdelay $0x1  }
0x9f: {  	s6 =	simm.s32 $_scs_section_size  }
0xa0: {  	s7 =	simm.s32 $_size__tile_overlayer_lowered;
	s8 =	simm.s32 $_tile_overlayer_lowered  }
0xa1: {  	s22 =	simm.s32 $0x1BFF;
	s21 =	sshll.u32 s8, $0x1;
	s5 =	sadd.s32 s6, s19  }
0xa2: {  	s9 =	simm.s32 $0x0;
	s20 =	sshll.u32 s7, $0x1;
	s7 =	sadd.s32 s21, s5  }
0xa3: {  	[timem:s9], [sflag:s22] =	dma.local [hbm:s7], s20  }
0xa4: {  	_ =	swait.ge [sflag:s22], s20  }
0xa5: {  	s6 =	ssub.s32 $0x0, s20;
	[sflag:s22] =	ssyncset.done $0x0  }
0xa6: {  	[sflag:s22] =	ssyncadd.s32 s6;
	_ =	sdelay $0x1  }
0xa7: {  	s23 =	simm.s32 $0x1B8B  }
0xa8: {  	_ =	swait.ge [sflag:s23], $0x1  }
0xa9: {  	[sflag:s23] =	ssyncset.done $0x0  }
0xaa: {  	s25 =	simm.s32 $0x1B8E;
	s24 =	sld [smem:$0x3FFE];
	[sflag:s23] =	ssyncadd.s32 $0xFFFFFFFF  }
0xab: {  	s26 =	simm.s32 $execute0_lowered;
	[smem:$0x3FD2] =	sst s25  }
0xac: {  	s7 =	sshll.u32 s26, $0x1;
	_ =	strace $0x80000046;
	[dreg:$0x1] =	wrdreg $0xFFFFFFFF  }
0xad: {  	s28 =	simm.s32 $_size_execute0_lowered;
	s5 =	sadd.s32 s5, s7;
	[dreg:$0x0] =	wrdreg $0x0  }
0xae: {  	s7 =	sshll.u32 s28, $0x1;
	[dreg:$0x2] =	wrdreg s5  }
0xaf: {  	[dreg:$0x3] =	wrdreg s7  }
0xb0: {  	[dreg:$0x4] =	wrdreg $0xC0  }
0xb1: {  	_ =	task [dreg:s9], $0x5FFFF  }
0xb2: {  	[dreg:$0x1] =	wrdreg $0xFFFFFFFF  }
0xb3: {  	[dreg:$0x0] =	wrdreg $0x60  }
0xb4: {  	[dreg:$0x2] =	wrdreg s17  }
0xb5: {  	[dreg:$0x3] =	wrdreg s24  }
0xb6: {  	[dreg:$0x4] =	wrdreg s16  }
0xb7: {  	[dreg:$0x5] =	wrdreg s18  }
0xb8: {  	[dreg:$0x6] =	wrdreg $0x9  }
0xb9: {  	_ =	task.clear_ibuf [dreg:s9], $0x7FFFF;
	_ =	strace $0x90000046  }
0xba: {  	s29 =	simm.s32 $0x9;
	_ =	strace $0x80000048  }
0xbb: {  	_ =	swait.ge [sflag:s29], $0x1  }
0xbc: {  	[sflag:s29] =	ssyncadd.s32 $0xFFFFFFFF  }
0xbd: {  	_ =	strace $0x90000048  }
0xbe: {  	_ =	sfence  }
0xbf: {  	s30 =	sld [smem:$0x0];
	_ =	sdelay $0x2  }
0xc0: {  	s31 =	sshll.u32 s1, $0xD;
	s1 =	sshrl.u32 s1, $0x2  }
0xc1: {  	s3 =	sand.u32 $0x4000, s31;
	s1 =	sadd.s32 s1, s30  }
0xc2: {  	s0 =	sor.u32 s3, s0;
	s1 =	sshll.u32 s1, $0x11  }
0xc3: {  	s0 =	sor.u32 s1, s0  }
0xc4: {  	s0 =	sadd.s32 $0x8F2B, s0  }
0xc5: {  	[sflag:s0] =	ssyncadd.remote.s32 $0x1  }
0xc6: {  	_ =	sfence.sel $0xFFFF  }
0xc7: {  	[dreg:$0x0] =	wrdreg $0xFFFFFFFF;
	(pc) =	sbr.abs _section_cstart, $3  }
0xc8: {  	[dreg:$0x1] =	wrdreg $0xFFFFFFFF  }
0xc9: {  	_ =	task.clear_ibuf [dreg:s9], $0x2FFFF;
	_ =	strace $0x9FFFFFFF  }
0xca: {  	(tm) =	ssettm $0x7FFFFFFF  }
0xcb: {  	_ =	shalt  }
tec
execute0_lowered:
.L_overlay_start_1:
0x0: {  	(tag) =	ssettag $0x1  }
0x1: {  	s1 =	rddreg [dreg:$0x0]  }
0x2: {  	s5 =	rddreg [dreg:$0x1]  }
0x3: {  	s6 =	rddreg [dreg:$0x2]  }
0x4: {  	s8 =	rddreg [dreg:$0x3]  }
0x5: {  	s0 =	rddreg [dreg:$0x4];
	s3 =	simm.s32 $0x0;
	s2 =	stileid.u32  }
0x6: {  	s4 =	srdreg.scid;
	s15 =	simm.s32 $0x40;
	s16 =	simm.s32 $0x80  }
0x7: {  	s17 =	simm.s32 $0x1;
	s18 =	simm.s32 $0x1080;
	s19 =	simm.s32 $0x0  }
0x8: {  	[smem:$0x7FF] =	sst s3;
	s9 =	sshll.u32 s2, $0x3;
	s13 =	sand.u32 $0x1, s4  }
0x9: {  	s4 =	sadd.s32 $0x400, s5;
	s11 =	sshll.u32 s2, $0x9;
	s14 =	smul.u32 $0x320, s2  }
0xa: {  	_ =	strace $0x80000047;
	s10 =	sadd.s32 s9, s5;
	s7 =	ssub.s32 $0x2, s13  }
.Ltmp0:
0xb: {  	s11 =	sadd.s32 s11, s5;
	s5 =	sadd.s32 $0xC5C00, s5;
	(pc) =	sbr.rel .LBB2_1-.Ltmp0, $4  }
0xc: {  	s8 =	sadd.s32 s8, s9;
	p0 =	sne.s32 s13, $0x0;
	s13 =	simm.s32 $0x2080  }
0xd: {  	s12 =	sshrl.u32 s7, $0x1;
	s6 =	sadd.s32 s6, s14;
	s9 =	sadd.s32 $0xC5A00, s10  }
0xe: {  	s10 =	sadd.s32 $0x30D800, s11;
	s11 =	sadd.s32 $0xC3A00, s11;
	s12 =	ssub.s32 s7, s12  }
0xf: {  	s7 =	sadd.s32 s5, s14;
	s14 =	simm.s32 $0x2;
	s12 =	smax.u32 s12, $0x1  }
.LBB2_11:
0x10: {  	v3 =	vld [tilespmem:s20+$0xA0]  }
0x11: {  	v37 =	vld [tilespmem:s20+$0x80]  }
0x12: {  	v4 =	vld [tilespmem:s20+$0x90];
	v40 =	vbroadcast v1, $0x0  }
0x13: {  	v5 =	vld [tilespmem:s20+$0xB0]  }
0x14: {  	v2 =	vld [tilespmem:s20+$0x13C0];
	v58 =	vsub.f32 $1.000000000e+00, v40  }
0x15: {  	v0 =	vld [tilespmem:s20+$0x13D0]  }
0x16: {  	v59 =	vld [tilespmem:s20+$0xD0];
	v56 =	vmul.f32 v56, v58;
	v37 =	vmul.f32 v37, v40  }
0x17: {  	v60 =	vld [tilespmem:s20+$0xE0];
	v54 =	vmul.f32 v54, v58;
	v4 =	vmul.f32 v4, v40  }
0x18: {  	v61 =	vld [tilespmem:s20+$0xF0];
	v53 =	vmul.f32 v53, v58;
	v5 =	vmul.f32 v5, v40;
	v37 =	vadd.f32 v56, v37  }
0x19: {  	v36 =	vld [tilespmem:s20+$0x13E0];
	v4 =	vadd.f32 v54, v4;
	v54 =	vbroadcast v1, $0x1  }
0x1a: {  	v3 =	vmul.f32 v3, v40;
	v40 =	vld [tilespmem:s20+$0x120];
	v5 =	vadd.f32 v53, v5;
	[tilespmem:s20+$0x80] =	vst v37;
	v37 =	vmul.f32 v55, v58  }
0x1b: {  	v56 =	vld [tilespmem:s20+$0x100];
	[tilespmem:s20+$0x90] =	vst v4;
	v4 =	vsub.f32 $1.000000000e+00, v54;
	v57 =	vmul.f32 v57, v54;
	v58 =	vmul.f32 v59, v54  }
0x1c: {  	v62 =	vld [tilespmem:s20+$0x110];
	[tilespmem:s20+$0xB0] =	vst v5;
	v5 =	vbroadcast v1, $0x2;
	v59 =	vmul.f32 v60, v54  }
0x1d: {  	v55 =	vld [tilespmem:s20+$0x150];
	v60 =	vmul.f32 v61, v54;
	v52 =	vmul.f32 v52, v4  }
0x1e: {  	v54 =	vld [tilespmem:s20+$0x160];
	v3 =	vadd.f32 v37, v3;
	v51 =	vmul.f32 v51, v4;
	v50 =	vmul.f32 v50, v4  }
0x1f: {  	v37 =	vld [tilespmem:s20+$0x130];
	v4 =	vmul.f32 v49, v4;
	v52 =	vadd.f32 v52, v57;
	v57 =	vsub.f32 $1.000000000e+00, v5  }
0x20: {  	v49 =	vld [tilespmem:s20+$0x1B0];
	v40 =	vmul.f32 v40, v5;
	v61 =	vadd.f32 v50, v59;
	v59 =	vmul.f32 v56, v5  }
0x21: {  	[tilespmem:s20+$0xA0] =	vst v3;
	v3 =	vld [tilespmem:s20+$0x140];
	v4 =	vadd.f32 v4, v60;
	v60 =	vmul.f32 v62, v5;
	v48 =	vmul.f32 v48, v57  }
0x22: {  	v51 =	vadd.f32 v51, v58;
	v58 =	vld [tilespmem:s20+$0x170];
	[tilespmem:s20+$0xC0] =	vst v52;
	v47 =	vmul.f32 v47, v57;
	v46 =	vmul.f32 v46, v57  }
0x23: {  	[tilespmem:s20+$0xE0] =	vst v61;
	v61 =	vbroadcast v1, $0x3;
	v52 =	vld [tilespmem:s20+$0x190];
	v45 =	vmul.f32 v45, v57  }
0x24: {  	v5 =	vmul.f32 v37, v5;
	v37 =	vld [tilespmem:s20+$0x180];
	v47 =	vadd.f32 v47, v60;
	v40 =	vadd.f32 v46, v40  }
0x25: {  	v62 =	vsub.f32 $1.000000000e+00, v61;
	v53 =	vmul.f32 v55, v61;
	v56 =	vmul.f32 v54, v61;
	v46 =	vld [tilespmem:s20+$0x220]  }
0x26: {  	v60 =	vbroadcast v1, $0x4;
	v3 =	vmul.f32 v3, v61;
	[tilespmem:s20+$0x110] =	vst v47;
	v47 =	vld [tilespmem:s20+$0x1A0]  }
0x27: {  	v48 =	vadd.f32 v48, v59;
	v58 =	vmul.f32 v58, v61;
	v50 =	vmul.f32 v44, v62;
	v44 =	vld [tilespmem:s20+$0x13F0]  }
0x28: {  	[tilespmem:s20+$0xD0] =	vst v51;
	v5 =	vadd.f32 v45, v5;
	v55 =	vmul.f32 v43, v62;
	v43 =	vld [tilespmem:s20+$0x1400];
	v57 =	vmul.f32 v42, v62  }
0x29: {  	[tilespmem:s20+$0x100] =	vst v48;
	v59 =	vmul.f32 v41, v62;
	v41 =	vld [tilespmem:s20+$0x1C0];
	v61 =	vsub.f32 $1.000000000e+00, v60;
	v48 =	vbroadcast v1, $0x8  }
0x2a: {  	[tilespmem:s20+$0xF0] =	vst v4;
	v62 =	vld [tilespmem:s20+$0x1D0];
	v54 =	vmul.f32 v52, v60;
	v3 =	vadd.f32 v50, v3;
	v50 =	vmul.f32 v37, v60  }
0x2b: {  	[tilespmem:s20+$0x120] =	vst v40;
	v42 =	vld [tilespmem:s20+$0x1410];
	v40 =	vadd.f32 v55, v53;
	v51 =	vmul.f32 v39, v61;
	v38 =	vmul.f32 v38, v61  }
0x2c: {  	[tilespmem:s20+$0x130] =	vst v5;
	v5 =	vadd.f32 v57, v56;
	v39 =	vld [tilespmem:s20+$0x1E0];
	v56 =	vbroadcast v1, $0x5;
	v35 =	vmul.f32 v35, v61  }
0x2d: {  	v53 =	vld [tilespmem:s20+$0x1F0];
	v4 =	vmul.f32 v34, v61;
	v34 =	vbroadcast v1, $0xA;
	[tilespmem:s20+$0x140] =	vst v3;
	v3 =	vadd.f32 v59, v58  }
0x2e: {  	v55 =	vld [tilespmem:s20+$0x200];
	[tilespmem:s20+$0x150] =	vst v40;
	v40 =	vmul.f32 v49, v60;
	v59 =	vsub.f32 $1.000000000e+00, v56;
	v58 =	vmul.f32 v47, v60  }
0x2f: {  	v57 =	vld [tilespmem:s20+$0x210];
	[tilespmem:s20+$0x160] =	vst v5;
	v61 =	vmul.f32 v41, v56;
	v5 =	vmul.f32 v62, v56  }
0x30: {  	v52 =	vld [tilespmem:s20+$0x260];
	v38 =	vadd.f32 v38, v54;
	v62 =	vbroadcast v1, $0x6;
	v33 =	vmul.f32 v33, v59  }
0x31: {  	v54 =	vld [tilespmem:s20+$0x270];
	[tilespmem:s20+$0x170] =	vst v3;
	v3 =	vadd.f32 v51, v50;
	v32 =	vmul.f32 v32, v59;
	v31 =	vmul.f32 v31, v59  }
0x32: {  	v60 =	vld [tilespmem:s20+$0x230];
	v4 =	vadd.f32 v4, v40;
	v30 =	vmul.f32 v30, v59;
	v49 =	vmul.f32 v39, v56  }
0x33: {  	v47 =	vld [tilespmem:s20+$0x250];
	v50 =	vsub.f32 $1.000000000e+00, v48;
	v51 =	vmul.f32 v53, v56;
	v55 =	vmul.f32 v55, v62  }
0x34: {  	v53 =	vsub.f32 $1.000000000e+00, v62;
	v56 =	vmul.f32 v57, v62;
	v57 =	vbroadcast v1, $0x7;
	v39 =	vld [tilespmem:s20+$0x360]  }
0x35: {  	v59 =	vmul.f32 v46, v62;
	[tilespmem:s20+$0x180] =	vst v3;
	v3 =	vadd.f32 v35, v58;
	v58 =	vld [tilespmem:s20+$0x290];
	v21 =	vmul.f32 v21, v50  }
0x36: {  	v33 =	vadd.f32 v33, v61;
	v20 =	vmul.f32 v20, v50;
	v19 =	vmul.f32 v19, v50;
	v35 =	vld [tilespmem:s20+$0x350]  }
0x37: {  	v5 =	vadd.f32 v32, v5;
	v32 =	vld [tilespmem:s20+$0x420];
	v29 =	vmul.f32 v29, v53;
	v28 =	vmul.f32 v28, v53  }
0x38: {  	[tilespmem:s20+$0x190] =	vst v38;
	v31 =	vadd.f32 v31, v49;
	v27 =	vmul.f32 v27, v53;
	v26 =	vmul.f32 v26, v53;
	v49 =	vld [tilespmem:s20+$0x2C0]  }
0x39: {  	v61 =	vsub.f32 $1.000000000e+00, v57;
	v41 =	vmul.f32 v52, v57;
	v46 =	vmul.f32 v54, v57;
	[tilespmem:s20+$0x1A0] =	vst v3;
	v3 =	vld [tilespmem:s20+$0x240]  }
0x3a: {  	[tilespmem:s20+$0x1B0] =	vst v4;
	v30 =	vadd.f32 v30, v51;
	v4 =	vmul.f32 v60, v62;
	v60 =	vld [tilespmem:s20+$0x280];
	v38 =	vmul.f32 v47, v57  }
0x3b: {  	[tilespmem:s20+$0x1C0] =	vst v33;
	v62 =	vld [tilespmem:s20+$0x2A0];
	v29 =	vadd.f32 v29, v55;
	v37 =	vmul.f32 v25, v61;
	v40 =	vmul.f32 v24, v61  }
0x3c: {  	v51 =	vld [tilespmem:s20+$0x2D0];
	[tilespmem:s20+$0x1D0] =	vst v5;
	v28 =	vadd.f32 v28, v56;
	v45 =	vmul.f32 v23, v61;
	v47 =	vmul.f32 v22, v61  }
0x3d: {  	[tilespmem:s20+$0x1E0] =	vst v31;
	v31 =	vld [tilespmem:s20+$0x2B0];
	v4 =	vadd.f32 v26, v4;
	v26 =	vadd.f32 v40, v38;
	v55 =	vmul.f32 v58, v48  }
0x3e: {  	v56 =	vld [tilespmem:s20+$0x300];
	[tilespmem:s20+$0x210] =	vst v28;
	v40 =	vsub.f32 $1.000000000e+00, v34;
	v28 =	vbroadcast v1, $0xD;
	v3 =	vmul.f32 v3, v57  }
0x3f: {  	v53 =	vld [tilespmem:s20+$0x2E0];
	[tilespmem:s20+$0x1F0] =	vst v30;
	v52 =	vmul.f32 v60, v48;
	v57 =	vbroadcast v1, $0x9  }
0x40: {  	v54 =	vld [tilespmem:s20+$0x2F0];
	v27 =	vadd.f32 v27, v59;
	[tilespmem:s20+$0x200] =	vst v29;
	v59 =	vmul.f32 v62, v48;
	v13 =	vmul.f32 v13, v40  }
0x41: {  	v25 =	vld [tilespmem:s20+$0x1420];
	[tilespmem:s20+$0x230] =	vst v4;
	v4 =	vadd.f32 v45, v41;
	v12 =	vmul.f32 v12, v40;
	v11 =	vmul.f32 v11, v40  }
0x42: {  	v24 =	vld [tilespmem:s20+$0x1430];
	[tilespmem:s20+$0x220] =	vst v27;
	v20 =	vadd.f32 v20, v55;
	v10 =	vmul.f32 v10, v40;
	v22 =	vmul.f32 v31, v48  }
0x43: {  	v23 =	vld [tilespmem:s20+$0x1440];
	v33 =	vsub.f32 $1.000000000e+00, v28;
	[tilespmem:s20+$0x260] =	vst v4;
	v4 =	vmul.f32 v18, v50;
	v45 =	vmul.f32 v56, v34  }
0x44: {  	v58 =	vld [tilespmem:s20+$0x310];
	[tilespmem:s20+$0x250] =	vst v26;
	v48 =	vbroadcast v1, $0xB;
	v56 =	vbroadcast v1, $0xC;
	v3 =	vadd.f32 v37, v3  }
0x45: {  	v60 =	vld [tilespmem:s20+$0x320];
	v61 =	vsub.f32 $1.000000000e+00, v57;
	[tilespmem:s20+$0x290] =	vst v20;
	v30 =	vmul.f32 v49, v57;
	v4 =	vadd.f32 v4, v22  }
0x46: {  	v62 =	vld [tilespmem:s20+$0x330];
	v5 =	vmul.f32 v51, v57;
	v37 =	vmul.f32 v53, v57;
	[tilespmem:s20+$0x240] =	vst v3;
	v3 =	vadd.f32 v47, v46  }
0x47: {  	v38 =	vmul.f32 v54, v57;
	v49 =	vld [tilespmem:s20+$0x390];
	v13 =	vadd.f32 v13, v45;
	v17 =	vmul.f32 v17, v61;
	[tilespmem:s20+$0x2B0] =	vst v4  }
0x48: {  	v51 =	vld [tilespmem:s20+$0x380];
	v2 =	vmul.f32 v2, v33;
	v16 =	vmul.f32 v16, v61;
	[tilespmem:s20+$0x270] =	vst v3;
	v3 =	vadd.f32 v21, v52  }
0x49: {  	v53 =	vld [tilespmem:s20+$0x3A0];
	v54 =	vmul.f32 v35, v48;
	v15 =	vmul.f32 v15, v61;
	[tilespmem:s20+$0x300] =	vst v13;
	v17 =	vadd.f32 v17, v30  }
0x4a: {  	v57 =	vld [tilespmem:s20+$0x3C0];
	v55 =	vmul.f32 v39, v48;
	v14 =	vmul.f32 v14, v61;
	v5 =	vadd.f32 v16, v5;
	[tilespmem:s20+$0x280] =	vst v3  }
0x4b: {  	v27 =	vld [tilespmem:s20+$0x400];
	v47 =	vmul.f32 v58, v34;
	v58 =	vsub.f32 $1.000000000e+00, v56;
	v15 =	vadd.f32 v15, v37;
	[tilespmem:s20+$0x2C0] =	vst v17  }
0x4c: {  	v29 =	vld [tilespmem:s20+$0x410];
	v50 =	vmul.f32 v60, v34;
	v4 =	vmul.f32 v62, v34;
	v14 =	vadd.f32 v14, v38;
	[tilespmem:s20+$0x2D0] =	vst v5  }
0x4d: {  	v41 =	vld [tilespmem:s20+$0x370];
	v12 =	vadd.f32 v12, v47;
	v52 =	vsub.f32 $1.000000000e+00, v48;
	v37 =	vbroadcast v1, $0xE;
	[tilespmem:s20+$0x2E0] =	vst v15  }
0x4e: {  	v26 =	vld [tilespmem:$0x1FF70];
	v11 =	vadd.f32 v11, v50;
	v60 =	vmul.f32 v51, v56;
	v22 =	vmul.f32 v49, v56;
	[tilespmem:s20+$0x2F0] =	vst v14  }
0x4f: {  	v31 =	vld [tilespmem:s20+$0x340];
	v4 =	vadd.f32 v10, v4;
	v30 =	vmul.f32 v53, v56;
	v35 =	vmul.f32 v57, v28;
	[tilespmem:s20+$0x310] =	vst v12  }
0x50: {  	v61 =	vld [tilespmem:$0x1FF60];
	v51 =	vbroadcast v1, $0xF;
	v3 =	vadd.f32 v19, v59;
	v8 =	vmul.f32 v8, v52;
	[tilespmem:s20+$0x320] =	vst v11  }
0x51: {  	v45 =	vld [tilespmem:s20+$0x450];
	v9 =	vmul.f32 v9, v52;
	v7 =	vmul.f32 v7, v52;
	[tilespmem:s20+$0x330] =	vst v4;
	v2 =	vadd.f32 v2, v35  }
0x52: {  	v46 =	vld [tilespmem:s20+$0x3B0];
	v5 =	vmul.f32 v41, v48;
	v6 =	vmul.f32 v6, v52;
	[tilespmem:s20+$0x2A0] =	vst v3;
	v8 =	vadd.f32 v8, v54  }
0x53: {  	v62 =	vld [tilespmem:s20+$0x3E0];
	v17 =	vmul.f32 v26, v58;
	v39 =	vsub.f32 $1.000000000e+00, v37;
	v7 =	vadd.f32 v7, v55;
	[tilespmem:s20+$0x3C0] =	vst v2  }
0x54: {  	v10 =	vld [tilespmem:s20+$0x1450];
	v47 =	vmul.f32 v27, v37;
	v3 =	vmul.f32 v31, v48;
	v5 =	vadd.f32 v6, v5;
	[tilespmem:s20+$0x350] =	vst v8  }
0x55: {  	v59 =	vld [tilespmem:s20+$0x3D0];
	v52 =	vmul.f32 v29, v37;
	v11 =	vmul.f32 v61, v58;
	v16 =	vadd.f32 v17, v22;
	[tilespmem:s20+$0x360] =	vst v7  }
0x56: {  	v34 =	vld [tilespmem:s20+$0x430];
	v61 =	vmul.f32 v45, v51;
	v48 =	vmul.f32 v43, v39;
	v3 =	vadd.f32 v9, v3;
	[tilespmem:s20+$0x370] =	vst v5  }
0x57: {  	v38 =	vld [tilespmem:s20+$0x440];
	v53 =	vmul.f32 v42, v39;
	v55 =	vsub.f32 $1.000000000e+00, v51;
	v5 =	vadd.f32 v11, v60;
	[tilespmem:s20+$0x390] =	vst v16  }
0x58: {  	v31 =	vld [tilespmem:$0x1FF80];
	v6 =	vmul.f32 v63, v58;
	v8 =	vmul.f32 v46, v56;
	v2 =	vadd.f32 v48, v47;
	[tilespmem:s20+$0x340] =	vst v3  }
0x59: {  	v49 =	vld [tilespmem:s20+$0x460];
	v40 =	vmul.f32 v62, v28;
	v1 =	vadd.f32 v53, v52;
	v62 =	vmul.f32 v10, v55;
	[tilespmem:s20+$0x380] =	vst v5  }
0x5a: {  	v0 =	vmul.f32 v0, v33;
	v4 =	vld [tilespmem:s20+$0x1460];
	v7 =	vmul.f32 v59, v28;
	v6 =	vadd.f32 v6, v8;
	[tilespmem:s20+$0x400] =	vst v2  }
0x5b: {  	v21 =	vld [tilespmem:s20+$0x3F0];
	v46 =	vmul.f32 v36, v33;
	[tilespmem:s20+$0x410] =	vst v1;
	v1 =	vadd.f32 v62, v61  }
0x5c: {  	v54 =	vld [tilespmem:s20+$0x470];
	v57 =	vmul.f32 v25, v39;
	v56 =	vmul.f32 v32, v37;
	v0 =	vadd.f32 v0, v7;
	[tilespmem:s20+$0x3B0] =	vst v6  }
0x5d: {  	v3 =	vld [tilespmem:s20+$0x1470];
	v12 =	vmul.f32 v31, v58;
	v7 =	vadd.f32 v46, v40;
	[tilespmem:s20+$0x450] =	vst v1  }
0x5e: {  	v60 =	vmul.f32 v23, v55;
	v59 =	vmul.f32 v38, v51;
	v58 =	vadd.f32 v57, v56;
	[tilespmem:s20+$0x3D0] =	vst v0  }
0x5f: {  	v63 =	vmul.f32 v49, v51;
	v4 =	vmul.f32 v4, v55;
	v5 =	vadd.f32 v12, v30;
	[tilespmem:s20+$0x3E0] =	vst v7  }
0x60: {  	v41 =	vmul.f32 v21, v28;
	v2 =	vadd.f32 v60, v59;
	v12 =	vmul.f32 v44, v33;
	[tilespmem:s20+$0x420] =	vst v58  }
0x61: {  	v6 =	vmul.f32 v24, v39;
	v4 =	vadd.f32 v4, v63;
	[tilespmem:s20+$0x3A0] =	vst v5;
	v5 =	vmul.f32 v34, v37  }
0x62: {  	v0 =	vmul.f32 v54, v51;
	[tilespmem:s20+$0x440] =	vst v2;
	v50 =	vadd.f32 v12, v41;
	v3 =	vmul.f32 v3, v55  }
0x63: {  	[tilespmem:s20+$0x460] =	vst v4;
	v5 =	vadd.f32 v6, v5  }
0x64: {  	[tilespmem:s20+$0x3F0] =	vst v50;
	v0 =	vadd.f32 v3, v0  }
0x65: {  	[tilespmem:s20+$0x430] =	vst v5  }
0x66: {  	[tilespmem:s20+$0x470] =	vst v0  }
0x67: {  	[hbm4b:s4+s15] =	stream.indirect.scatter [tilespmem:s16], [sflag:$0x1], $0x40, s3, s15, $0xb8;
	[tilespmem:$0x3980] =	vst v63  }
0x68: {  	_ =	swait.ge [sflag:s17], $0x1000  }
0x69: {  	[sflag:s17] =	ssyncset.done $0x0  }
0x6a: {  	[sflag:s17] =	ssyncadd.s32 $0xFFFFF000  }
.LBB2_12:
0x6b: {  	s19 =	sadd.s32 $0x1, s19  }
0x6c: {  	p1 =	sne.s32 s19, s12  }
.Ltmp1:
0x6d: {  	_ = 	snop;
	(pc) =	sbr.rel @!p1 .LBB2_13-.Ltmp1, $1  }
0x6e: {  	_ =	sdelay $0x3  }
.LBB2_1:
.Ltmp2:
0x6f: {  	(pc) =	sbr.rel @p0 .LBB2_5-.Ltmp2, $1  }
0x70: {  	_ =	sdelay $0x3  }
0x71: {  	s20 =	simm.s32 $0x0  }
0x72: {  	[tilespmem:s13], [sflag:$0x2] =	stream.linear.gather [hbm4b:s6+s20], $0x1900, $0x38;
	[tilespmem:$0x3980] =	vst v63  }
0x73: {  	_ =	swait.ge [sflag:s14], $0x1900  }
0x74: {  	[sflag:s14] =	ssyncset.done $0x0  }
0x75: {  	s21 =	simm.s32 $0x40;
	s20 =	simm.s32 $0x0;
	[sflag:s14] =	ssyncadd.s32 $0xFFFFE700  }
.LBB2_3:
0x76: {  	p1 =	sne.s32 s21, $0x63C0;
	v1 =	vld [tilespmem:s20+$0x2080];
	_ =	sdelay $0x2  }
.Ltmp3:
0x77: {  	(pc) =	sbr.rel @p1 .LBB2_3-.Ltmp3, $3  }
0x78: {  	_ = 	snop  }
0x79: {  	v1 =	vadd.f32 $1.000000000e+00, v1;
	_ =	sdelay $0x1  }
0x7a: {  	[tilespmem:s20+$0x2080] =	vst v1;
	s20 =	sshra.s32 s21, $0x2;
	s21 =	sadd.s32 $0x40, s21  }
0x7b: {  	v1 =	vld [tilespmem:s20+$0x2080];
	_ =	sdelay $0x4  }
0x7c: {  	v1 =	vadd.f32 $1.000000000e+00, v1;
	_ =	sdelay $0x1  }
0x7d: {  	[tilespmem:s20+$0x2080] =	vst v1  }
0x7e: {  	[hbm4b:s7+s3] =	stream.linear.scatter [tilespmem:s13], [sflag:$0x2], $0x1900, $0x38;
	[tilespmem:$0x3980] =	vst v63  }
0x7f: {  	_ =	swait.ge [sflag:s14], $0x1900  }
0x80: {  	[sflag:s14] =	ssyncset.done $0x0  }
0x81: {  	[sflag:s14] =	ssyncadd.s32 $0xFFFFE700  }
.LBB2_5:
0x82: {  	[bflag:$0x0] =	sbarrier.arrive $0xFFFF  }
0x83: {  	[tilespmem:s3], [sflag:$0x2] =	stream.linear.gather [hbm4b:s8+s3], $0x40, $0x38;
	[tilespmem:$0x3980] =	vst v63  }
0x84: {  	_ =	swait.ge [sflag:s14], $0x40  }
0x85: {  	[sflag:s14] =	ssyncset.done $0x0  }
.Ltmp4:
0x86: {  	[sflag:s14] =	ssyncadd.s32 $0xFFFFFFC0;
	(pc) =	sbr.rel @p0 .LBB2_9-.Ltmp4, $4  }
0x87: {  	[tilespmem:s15], [sflag:$0x2] =	stream.linear.gather [hbm4b:s9+s3], $0x40, $0x38;
	[tilespmem:$0x3980] =	vst v63  }
0x88: {  	_ =	swait.ge [sflag:s14], $0x40  }
0x89: {  	[sflag:s14] =	ssyncset.done $0x0  }
0x8a: {  	s21 =	simm.s32 $0x40;
	s20 =	simm.s32 $0x0;
	[sflag:s14] =	ssyncadd.s32 $0xFFFFFFC0  }
0x8b: {  	[tilespmem:s16], [sflag:$0x1] =	stream.indirect.gather [hbm4b:s1+s21], $0x40, s20, s21, $0xb8;
	[tilespmem:$0x3980] =	vst v63  }
0x8c: {  	_ =	swait.ge [sflag:s17], $0x1000  }
0x8d: {  	[sflag:s17] =	ssyncset.done $0x0  }
0x8e: {  	[sflag:s17] =	ssyncadd.s32 $0xFFFFF000  }
0x8f: {  	[tilespmem:s18], [sflag:$0x2] =	stream.linear.gather [hbm4b:s11+s20], $0x1000, $0x38;
	[tilespmem:$0x3980] =	vst v63  }
0x90: {  	_ =	swait.ge [sflag:s14], $0x1000  }
0x91: {  	[sflag:s14] =	ssyncset.done $0x0  }
0x92: {  	s20 =	simm.s32 $0x0;
	[sflag:s14] =	ssyncadd.s32 $0xFFFFF000  }
0x93: {  	v56 =	vld [tilespmem:s20+$0x1080]  }
0x94: {  	v54 =	vld [tilespmem:s20+$0x1090]  }
0x95: {  	v55 =	vld [tilespmem:s20+$0x10A0]  }
0x96: {  	v53 =	vld [tilespmem:s20+$0x10B0]  }
0x97: {  	v52 =	vld [tilespmem:s20+$0x10C0]  }
0x98: {  	v51 =	vld [tilespmem:s20+$0x10D0]  }
0x99: {  	v50 =	vld [tilespmem:s20+$0x10E0]  }
0x9a: {  	v49 =	vld [tilespmem:s20+$0x10F0]  }
0x9b: {  	v48 =	vld [tilespmem:s20+$0x1100]  }
0x9c: {  	v47 =	vld [tilespmem:s20+$0x1110]  }
0x9d: {  	v46 =	vld [tilespmem:s20+$0x1120]  }
0x9e: {  	v45 =	vld [tilespmem:s20+$0x1130]  }
0x9f: {  	v44 =	vld [tilespmem:s20+$0x1140]  }
0xa0: {  	v43 =	vld [tilespmem:s20+$0x1150]  }
0xa1: {  	v42 =	vld [tilespmem:s20+$0x1160]  }
0xa2: {  	v41 =	vld [tilespmem:s20+$0x1170]  }
0xa3: {  	v39 =	vld [tilespmem:s20+$0x1180]  }
0xa4: {  	v38 =	vld [tilespmem:s20+$0x1190]  }
0xa5: {  	v35 =	vld [tilespmem:s20+$0x11A0]  }
0xa6: {  	v34 =	vld [tilespmem:s20+$0x11B0]  }
0xa7: {  	v33 =	vld [tilespmem:s20+$0x11C0]  }
0xa8: {  	v32 =	vld [tilespmem:s20+$0x11D0]  }
0xa9: {  	v31 =	vld [tilespmem:s20+$0x11E0]  }
0xaa: {  	v30 =	vld [tilespmem:s20+$0x11F0]  }
0xab: {  	v29 =	vld [tilespmem:s20+$0x1200]  }
0xac: {  	v28 =	vld [tilespmem:s20+$0x1210]  }
0xad: {  	v27 =	vld [tilespmem:s20+$0x1220]  }
0xae: {  	v26 =	vld [tilespmem:s20+$0x1230]  }
0xaf: {  	v25 =	vld [tilespmem:s20+$0x1240]  }
0xb0: {  	v24 =	vld [tilespmem:s20+$0x1250]  }
0xb1: {  	v23 =	vld [tilespmem:s20+$0x1260]  }
0xb2: {  	v22 =	vld [tilespmem:s20+$0x1270]  }
0xb3: {  	v21 =	vld [tilespmem:s20+$0x1280]  }
0xb4: {  	v20 =	vld [tilespmem:s20+$0x1290]  }
0xb5: {  	v19 =	vld [tilespmem:s20+$0x12A0]  }
0xb6: {  	v18 =	vld [tilespmem:s20+$0x12B0]  }
0xb7: {  	v17 =	vld [tilespmem:s20+$0x12C0]  }
0xb8: {  	v16 =	vld [tilespmem:s20+$0x12D0]  }
0xb9: {  	v0 =	vld [tilespmem:s20+$0x1370]  }
0xba: {  	v15 =	vld [tilespmem:s20+$0x12E0]  }
0xbb: {  	v14 =	vld [tilespmem:s20+$0x12F0]  }
0xbc: {  	v13 =	vld [tilespmem:s20+$0x1300]  }
0xbd: {  	v12 =	vld [tilespmem:s20+$0x1310]  }
0xbe: {  	[tilespmem:$0x1FFD0] =	vst v0;
	v0 =	vld [tilespmem:s20+$0x1380]  }
0xbf: {  	v11 =	vld [tilespmem:s20+$0x1320]  }
0xc0: {  	v10 =	vld [tilespmem:s20+$0x1330]  }
0xc1: {  	v9 =	vld [tilespmem:s20+$0x1340]  }
0xc2: {  	v8 =	vld [tilespmem:s20+$0x1350]  }
0xc3: {  	[tilespmem:$0x1FFE0] =	vst v0;
	v0 =	vld [tilespmem:s20+$0x1390]  }
0xc4: {  	v7 =	vld [tilespmem:s20+$0x1360]  }
0xc5: {  	v63 =	vld [tilespmem:s20+$0x13A0]  }
0xc6: {  	v62 =	vld [tilespmem:s20+$0x13B0]  }
0xc7: {  	v57 =	vld [tilespmem:s20+$0xC0]  }
0xc8: {  	s22 =	simm.s32 $0x1000;
	v1 =	vld [tilespmem:s21+$0x0];
	[tilespmem:$0x1FFF0] =	vst v0  }
.LBB2_7:
0xc9: {  	v36 =	vld [tilespmem:s20+$0xA0]  }
0xca: {  	v58 =	vld [tilespmem:s20+$0x90]  }
0xcb: {  	v0 =	vld [tilespmem:s20+$0x13C0]  }
0xcc: {  	v2 =	vld [tilespmem:s20+$0x13D0]  }
0xcd: {  	v59 =	vld [tilespmem:s20+$0xB0]  }
0xce: {  	v60 =	vld [tilespmem:s20+$0x80];
	[tilespmem:$0x1FF90] =	vst v63  }
0xcf: {  	[tilespmem:$0x1FFA0] =	vst v62;
	v61 =	vbroadcast v1, $0x0;
	v62 =	vbroadcast v1, $0x1  }
0xd0: {  	v63 =	vbroadcast v1, $0x2;
	[tilespmem:$0x1FFB0] =	vst v0;
	v0 =	vbroadcast v1, $0x3  }
0xd1: {  	v3 =	vld [tilespmem:s20+$0xD0];
	[tilespmem:$0x1FFC0] =	vst v2;
	v2 =	vsub.f32 $1.000000000e+00, v61;
	v58 =	vmul.f32 v58, v61;
	v37 =	vmul.f32 v36, v61  }
0xd2: {  	v5 =	vld [tilespmem:s20+$0xF0];
	v59 =	vmul.f32 v59, v61;
	v57 =	vmul.f32 v57, v62  }
0xd3: {  	v40 =	vsub.f32 $1.000000000e+00, v62;
	v60 =	vmul.f32 v60, v61;
	v56 =	vmul.f32 v56, v2  }
0xd4: {  	v61 =	vld [tilespmem:s20+$0xE0];
	v54 =	vmul.f32 v54, v2;
	v55 =	vmul.f32 v55, v2  }
0xd5: {  	v2 =	vmul.f32 v53, v2;
	v52 =	vmul.f32 v52, v40;
	v53 =	vld [tilespmem:s20+$0x100];
	v56 =	vadd.f32 v56, v60  }
0xd6: {  	v4 =	vsub.f32 $1.000000000e+00, v63;
	v3 =	vmul.f32 v3, v62;
	v54 =	vadd.f32 v54, v58;
	v60 =	vld [tilespmem:s20+$0x110]  }
0xd7: {  	v5 =	vmul.f32 v5, v62;
	v37 =	vadd.f32 v55, v37;
	v52 =	vadd.f32 v52, v57;
	v57 =	vld [tilespmem:s20+$0x130];
	[tilespmem:s20+$0x80] =	vst v56  }
0xd8: {  	v51 =	vmul.f32 v51, v40;
	v50 =	vmul.f32 v50, v40;
	v2 =	vadd.f32 v2, v59;
	v59 =	vld [tilespmem:s20+$0x150];
	[tilespmem:s20+$0x90] =	vst v54  }
0xd9: {  	v6 =	vsub.f32 $1.000000000e+00, v0;
	v48 =	vmul.f32 v48, v4;
	v61 =	vmul.f32 v61, v62;
	v56 =	vld [tilespmem:s20+$0x120];
	[tilespmem:s20+$0xA0] =	vst v37  }
0xda: {  	v47 =	vmul.f32 v47, v4;
	v3 =	vadd.f32 v51, v3;
	v62 =	vmul.f32 v49, v40;
	v40 =	vld [tilespmem:s20+$0x140];
	[tilespmem:s20+$0xB0] =	vst v2  }
0xdb: {  	v46 =	vmul.f32 v46, v4;
	[tilespmem:s20+$0xC0] =	vst v52;
	v52 =	vld [tilespmem:s20+$0x170];
	v2 =	vadd.f32 v50, v61;
	v58 =	vmul.f32 v53, v63  }
0xdc: {  	v4 =	vmul.f32 v45, v4;
	[tilespmem:s20+$0xD0] =	vst v3;
	v5 =	vadd.f32 v62, v5;
	v61 =	vld [tilespmem:s20+$0x160];
	v60 =	vmul.f32 v60, v63  }
0xdd: {  	v44 =	vmul.f32 v44, v6;
	v3 =	vadd.f32 v48, v58;
	[tilespmem:s20+$0xE0] =	vst v2;
	v53 =	vmul.f32 v57, v63  }
0xde: {  	v42 =	vmul.f32 v42, v6;
	v55 =	vld [tilespmem:s20+$0x190];
	[tilespmem:s20+$0xF0] =	vst v5;
	v62 =	vmul.f32 v56, v63;
	v2 =	vadd.f32 v47, v60  }
0xdf: {  	v54 =	vld [tilespmem:s20+$0x1B0];
	v37 =	vbroadcast v1, $0x5;
	v40 =	vmul.f32 v40, v0;
	[tilespmem:s20+$0x100] =	vst v3;
	v3 =	vadd.f32 v4, v53  }
0xe0: {  	v57 =	vld [tilespmem:s20+$0x180];
	v4 =	vmul.f32 v59, v0;
	v56 =	vmul.f32 v43, v6;
	v5 =	vadd.f32 v46, v62;
	[tilespmem:s20+$0x110] =	vst v2  }
0xe1: {  	v59 =	vld [tilespmem:s20+$0x1A0];
	v58 =	vmul.f32 v61, v0;
	v0 =	vmul.f32 v52, v0;
	v2 =	vadd.f32 v44, v40;
	[tilespmem:s20+$0x130] =	vst v3  }
0xe2: {  	v4 =	vadd.f32 v56, v4;
	v62 =	vsub.f32 $1.000000000e+00, v37;
	[tilespmem:s20+$0x120] =	vst v5;
	v5 =	vmul.f32 v41, v6  }
0xe3: {  	v3 =	vadd.f32 v42, v58;
	v6 =	vbroadcast v1, $0x4;
	[tilespmem:s20+$0x140] =	vst v2;
	v2 =	vbroadcast v1, $0x6  }
0xe4: {  	v33 =	vmul.f32 v33, v62;
	v32 =	vmul.f32 v32, v62;
	v0 =	vadd.f32 v5, v0  }
0xe5: {  	v61 =	vld [tilespmem:s20+$0x1C0];
	[tilespmem:s20+$0x150] =	vst v4;
	v4 =	vsub.f32 $1.000000000e+00, v6;
	v60 =	vmul.f32 v57, v6;
	v46 =	vmul.f32 v55, v6  }
0xe6: {  	v52 =	vld [tilespmem:s20+$0x1E0];
	[tilespmem:s20+$0x160] =	vst v3;
	v3 =	vmul.f32 v59, v6;
	v6 =	vmul.f32 v54, v6  }
0xe7: {  	v63 =	vld [tilespmem:s20+$0x1D0];
	[tilespmem:s20+$0x170] =	vst v0;
	v0 =	vmul.f32 v39, v4;
	v38 =	vmul.f32 v38, v4  }
0xe8: {  	v54 =	vld [tilespmem:s20+$0x1F0];
	v35 =	vmul.f32 v35, v4;
	v4 =	vmul.f32 v34, v4  }
0xe9: {  	v56 =	vld [tilespmem:s20+$0x200];
	v31 =	vmul.f32 v31, v62;
	v30 =	vmul.f32 v30, v62;
	v0 =	vadd.f32 v0, v60  }
0xea: {  	v57 =	vld [tilespmem:s20+$0x210];
	v3 =	vadd.f32 v35, v3;
	v4 =	vadd.f32 v4, v6;
	v6 =	vmul.f32 v61, v37  }
0xeb: {  	v58 =	vld [tilespmem:s20+$0x220];
	v5 =	vbroadcast v1, $0x7;
	v59 =	vmul.f32 v52, v37;
	[tilespmem:s20+$0x180] =	vst v0  }
0xec: {  	v53 =	vsub.f32 $1.000000000e+00, v2;
	v60 =	vld [tilespmem:s20+$0x230];
	v0 =	vmul.f32 v63, v37;
	v6 =	vadd.f32 v33, v6;
	[tilespmem:s20+$0x1A0] =	vst v3  }
0xed: {  	v55 =	vsub.f32 $1.000000000e+00, v5;
	v61 =	vld [tilespmem:s20+$0x240];
	v3 =	vmul.f32 v54, v37;
	[tilespmem:s20+$0x1B0] =	vst v4;
	v4 =	vadd.f32 v31, v59  }
0xee: {  	v62 =	vld [tilespmem:s20+$0x250];
	v29 =	vmul.f32 v29, v53;
	v31 =	vmul.f32 v56, v2;
	v0 =	vadd.f32 v32, v0;
	[tilespmem:s20+$0x1C0] =	vst v6  }
0xef: {  	v28 =	vmul.f32 v28, v53;
	v3 =	vadd.f32 v30, v3;
	v6 =	vmul.f32 v57, v2;
	v30 =	vld [tilespmem:s20+$0x260];
	[tilespmem:s20+$0x1E0] =	vst v4  }
0xf0: {  	v27 =	vmul.f32 v27, v53;
	[tilespmem:s20+$0x1D0] =	vst v0;
	v0 =	vadd.f32 v29, v31;
	v29 =	vmul.f32 v58, v2;
	v31 =	vld [tilespmem:s20+$0x270]  }
0xf1: {  	v4 =	vadd.f32 v28, v6;
	v2 =	vmul.f32 v60, v2;
	v6 =	vmul.f32 v26, v53;
	[tilespmem:s20+$0x1F0] =	vst v3  }
0xf2: {  	v25 =	vmul.f32 v25, v55;
	v28 =	vld [tilespmem:s20+$0x290];
	v3 =	vadd.f32 v27, v29;
	v27 =	vmul.f32 v61, v5;
	[tilespmem:s20+$0x200] =	vst v0  }
0xf3: {  	v0 =	vadd.f32 v6, v2;
	v2 =	vmul.f32 v62, v5;
	v6 =	vmul.f32 v24, v55;
	v29 =	vld [tilespmem:s20+$0x280];
	[tilespmem:s20+$0x210] =	vst v4  }
0xf4: {  	v23 =	vmul.f32 v23, v55;
	v4 =	vadd.f32 v25, v27;
	v25 =	vmul.f32 v30, v5;
	v27 =	vld [tilespmem:s20+$0x2A0];
	[tilespmem:s20+$0x220] =	vst v3  }
0xf5: {  	v26 =	vld [tilespmem:s20+$0x2B0];
	v2 =	vadd.f32 v6, v2;
	[tilespmem:s20+$0x230] =	vst v0;
	v6 =	vbroadcast v1, $0x8;
	v3 =	vmul.f32 v31, v5  }
0xf6: {  	v5 =	vmul.f32 v22, v55;
	v0 =	vadd.f32 v23, v25;
	v25 =	vbroadcast v1, $0x9;
	[tilespmem:s20+$0x240] =	vst v4  }
0xf7: {  	v4 =	vbroadcast v1, $0xA;
	[tilespmem:s20+$0x250] =	vst v2;
	v2 =	vsub.f32 $1.000000000e+00, v6;
	v28 =	vmul.f32 v28, v6  }
0xf8: {  	v30 =	vld [tilespmem:s20+$0x2C0];
	v3 =	vadd.f32 v5, v3;
	v5 =	vbroadcast v1, $0xB;
	v29 =	vmul.f32 v29, v6  }
0xf9: {  	[tilespmem:s20+$0x260] =	vst v0;
	v20 =	vmul.f32 v20, v2;
	v0 =	vmul.f32 v27, v6;
	v27 =	vld [tilespmem:s20+$0x2D0]  }
0xfa: {  	v6 =	vmul.f32 v26, v6;
	v26 =	vsub.f32 $1.000000000e+00, v25;
	[tilespmem:s20+$0x270] =	vst v3;
	v3 =	vmul.f32 v21, v2;
	v21 =	vld [tilespmem:s20+$0x2E0]  }
0xfb: {  	v31 =	vsub.f32 $1.000000000e+00, v4;
	v19 =	vmul.f32 v19, v2;
	v2 =	vmul.f32 v18, v2;
	v18 =	vld [tilespmem:s20+$0x2F0]  }
0xfc: {  	v20 =	vadd.f32 v20, v28;
	v28 =	vld [tilespmem:s20+$0x300];
	v3 =	vadd.f32 v3, v29;
	v17 =	vmul.f32 v17, v26  }
0xfd: {  	v0 =	vadd.f32 v19, v0;
	v2 =	vadd.f32 v2, v6;
	v6 =	vmul.f32 v30, v25;
	v19 =	vld [tilespmem:s20+$0x310]  }
0xfe: {  	v63 =	vsub.f32 $1.000000000e+00, v5;
	v16 =	vmul.f32 v16, v26;
	[tilespmem:s20+$0x280] =	vst v3;
	v3 =	vmul.f32 v27, v25;
	v27 =	vld [tilespmem:s20+$0x320]  }
0xff: {  	v15 =	vmul.f32 v15, v26;
	[tilespmem:s20+$0x290] =	vst v20;
	v20 =	vld [tilespmem:s20+$0x330];
	v6 =	vadd.f32 v17, v6;
	v17 =	vmul.f32 v21, v25  }
0x100: {  	v14 =	vmul.f32 v14, v26;
	[tilespmem:s20+$0x2A0] =	vst v0;
	v0 =	vadd.f32 v16, v3;
	v3 =	vmul.f32 v18, v25;
	v16 =	vld [tilespmem:s20+$0x340]  }
0x101: {  	v13 =	vmul.f32 v13, v31;
	[tilespmem:s20+$0x2B0] =	vst v2;
	v2 =	vadd.f32 v15, v17;
	v15 =	vmul.f32 v28, v4;
	v17 =	vld [tilespmem:s20+$0x350]  }
0x102: {  	v12 =	vmul.f32 v12, v31;
	[tilespmem:s20+$0x2C0] =	vst v6;
	v6 =	vmul.f32 v19, v4;
	v3 =	vadd.f32 v14, v3;
	v14 =	vld [tilespmem:s20+$0x360]  }
0x103: {  	v11 =	vmul.f32 v11, v31;
	[tilespmem:s20+$0x2D0] =	vst v0;
	v0 =	vadd.f32 v13, v15;
	v15 =	vld [tilespmem:s20+$0x370];
	v13 =	vmul.f32 v27, v4  }
0x104: {  	v36 =	vld [tilespmem:s20+$0x13E0];
	[tilespmem:s20+$0x2E0] =	vst v2;
	v2 =	vadd.f32 v12, v6;
	v6 =	vmul.f32 v10, v31;
	v4 =	vmul.f32 v20, v4  }
0x105: {  	v43 =	vld [tilespmem:s20+$0x1410];
	v9 =	vmul.f32 v9, v63;
	[tilespmem:s20+$0x2F0] =	vst v3;
	v3 =	vadd.f32 v11, v13;
	v11 =	vmul.f32 v16, v5  }
0x106: {  	v42 =	vld [tilespmem:s20+$0x1400];
	[tilespmem:s20+$0x300] =	vst v0;
	v0 =	vadd.f32 v6, v4;
	v4 =	vmul.f32 v17, v5;
	v6 =	vmul.f32 v8, v63  }
0x107: {  	v41 =	vld [tilespmem:s20+$0x13F0];
	[tilespmem:s20+$0x310] =	vst v2;
	v2 =	vadd.f32 v9, v11  }
0x108: {  	v9 =	vmul.f32 v14, v5;
	[tilespmem:s20+$0x320] =	vst v3;
	v3 =	vadd.f32 v6, v4;
	v4 =	vmul.f32 v15, v5;
	v5 =	vld [tilespmem:$0x1FFD0]  }
0x109: {  	v24 =	vld [tilespmem:s20+$0x1420]  }
0x10a: {  	v22 =	vld [tilespmem:s20+$0x1430]  }
0x10b: {  	v23 =	vld [tilespmem:s20+$0x1440]  }
0x10c: {  	v18 =	vld [tilespmem:$0x1FF90]  }
0x10d: {  	v19 =	vld [tilespmem:$0x1FFA0];
	v5 =	vmul.f32 v5, v63  }
0x10e: {  	v12 =	vld [tilespmem:s20+$0x390]  }
0x10f: {  	v8 =	vld [tilespmem:s20+$0x380];
	[tilespmem:s20+$0x340] =	vst v2;
	v2 =	vadd.f32 v5, v4  }
0x110: {  	v7 =	vmul.f32 v7, v63;
	v11 =	vld [tilespmem:s20+$0x3A0]  }
0x111: {  	[tilespmem:s20+$0x370] =	vst v2;
	v2 =	vld [tilespmem:$0x1FFE0]  }
0x112: {  	[tilespmem:s20+$0x330] =	vst v0;
	v15 =	vld [tilespmem:$0x1FFF0];
	v0 =	vadd.f32 v7, v9;
	v7 =	vbroadcast v1, $0xC  }
0x113: {  	v10 =	vld [tilespmem:s20+$0x3B0]  }
0x114: {  	v13 =	vld [tilespmem:s20+$0x1460];
	[tilespmem:s20+$0x350] =	vst v3;
	v3 =	vsub.f32 $1.000000000e+00, v7  }
0x115: {  	[tilespmem:s20+$0x360] =	vst v0;
	v0 =	vmul.f32 v11, v7;
	v11 =	vld [tilespmem:s20+$0x3D0]  }
0x116: {  	v16 =	vld [tilespmem:s20+$0x3E0];
	v8 =	vmul.f32 v8, v7;
	v2 =	vmul.f32 v2, v3  }
0x117: {  	v6 =	vld [tilespmem:s20+$0x1450];
	v12 =	vmul.f32 v12, v7;
	v15 =	vmul.f32 v15, v3  }
0x118: {  	v14 =	vld [tilespmem:s20+$0x3C0];
	v9 =	vbroadcast v1, $0xD;
	v2 =	vadd.f32 v2, v8  }
0x119: {  	v8 =	vadd.f32 v15, v12;
	v12 =	vld [tilespmem:$0x1FFB0]  }
0x11a: {  	[tilespmem:s20+$0x380] =	vst v2;
	v2 =	vmul.f32 v11, v9;
	v11 =	vld [tilespmem:$0x1FFC0]  }
0x11b: {  	v7 =	vmul.f32 v10, v7;
	v5 =	vld [tilespmem:s20+$0x1470]  }
0x11c: {  	v10 =	vsub.f32 $1.000000000e+00, v9;
	v18 =	vmul.f32 v18, v3;
	v3 =	vmul.f32 v19, v3;
	v19 =	vld [tilespmem:s20+$0x3F0]  }
0x11d: {  	v38 =	vadd.f32 v38, v46;
	v4 =	vbroadcast v1, $0xE;
	v15 =	vld [tilespmem:s20+$0x400]  }
0x11e: {  	v3 =	vadd.f32 v3, v7;
	v7 =	vmul.f32 v14, v9;
	v14 =	vld [tilespmem:s20+$0x410];
	v12 =	vmul.f32 v12, v10  }
0x11f: {  	[tilespmem:s20+$0x190] =	vst v38;
	v0 =	vadd.f32 v18, v0;
	v18 =	vld [tilespmem:s20+$0x420];
	v17 =	vsub.f32 $1.000000000e+00, v4;
	v11 =	vmul.f32 v11, v10  }
0x120: {  	[tilespmem:s20+$0x390] =	vst v8;
	v8 =	vmul.f32 v16, v9;
	v16 =	vld [tilespmem:s20+$0x430];
	v7 =	vadd.f32 v12, v7;
	v12 =	vmul.f32 v36, v10  }
0x121: {  	[tilespmem:s20+$0x3A0] =	vst v0;
	v0 =	vadd.f32 v11, v2;
	v2 =	vmul.f32 v19, v9;
	v9 =	vmul.f32 v41, v10;
	v10 =	vld [tilespmem:s20+$0x440]  }
0x122: {  	v1 =	vbroadcast v1, $0xF;
	[tilespmem:s20+$0x3B0] =	vst v3;
	v3 =	vadd.f32 v12, v8;
	v8 =	vmul.f32 v15, v4;
	v12 =	vld [tilespmem:s20+$0x450]  }
0x123: {  	v11 =	vmul.f32 v42, v17;
	[tilespmem:s20+$0x3C0] =	vst v7;
	v7 =	vmul.f32 v14, v4;
	v14 =	vld [tilespmem:s20+$0x460]  }
0x124: {  	s23 =	sshra.s32 s22, $0x2;
	v20 =	vsub.f32 $1.000000000e+00, v1;
	v15 =	vld [tilespmem:s20+$0x470];
	v2 =	vadd.f32 v9, v2;
	v9 =	vmul.f32 v43, v17;
	[tilespmem:s20+$0x3D0] =	vst v0  }
0x125: {  	v0 =	vadd.f32 v11, v8;
	v8 =	vmul.f32 v18, v4;
	v11 =	vmul.f32 v24, v17;
	v56 =	vld [tilespmem:s23+$0x1080];
	[tilespmem:s20+$0x3E0] =	vst v3  }
0x126: {  	v4 =	vmul.f32 v16, v4;
	v3 =	vadd.f32 v9, v7;
	v7 =	vmul.f32 v22, v17;
	v54 =	vld [tilespmem:s23+$0x1090];
	[tilespmem:s20+$0x3F0] =	vst v2  }
0x127: {  	v2 =	vadd.f32 v11, v8;
	v9 =	vmul.f32 v23, v20;
	v8 =	vmul.f32 v10, v1;
	v55 =	vld [tilespmem:s23+$0x10A0];
	[tilespmem:s20+$0x400] =	vst v0  }
0x128: {  	v6 =	vmul.f32 v6, v20;
	v0 =	vadd.f32 v7, v4;
	v4 =	vmul.f32 v12, v1;
	v53 =	vld [tilespmem:s23+$0x10B0];
	[tilespmem:s20+$0x410] =	vst v3  }
0x129: {  	v7 =	vmul.f32 v14, v1;
	v3 =	vadd.f32 v9, v8;
	v8 =	vmul.f32 v13, v20;
	v52 =	vld [tilespmem:s23+$0x10C0];
	[tilespmem:s20+$0x420] =	vst v2  }
0x12a: {  	v1 =	vmul.f32 v15, v1;
	v2 =	vadd.f32 v6, v4;
	v4 =	vmul.f32 v5, v20;
	v51 =	vld [tilespmem:s23+$0x10D0];
	[tilespmem:s20+$0x430] =	vst v0  }
0x12b: {  	v0 =	vadd.f32 v8, v7;
	v50 =	vld [tilespmem:s23+$0x10E0];
	[tilespmem:s20+$0x440] =	vst v3  }
0x12c: {  	v1 =	vadd.f32 v4, v1;
	v49 =	vld [tilespmem:s23+$0x10F0];
	[tilespmem:s20+$0x450] =	vst v2  }
0x12d: {  	v48 =	vld [tilespmem:s23+$0x1100];
	[tilespmem:s20+$0x460] =	vst v0  }
0x12e: {  	v47 =	vld [tilespmem:s23+$0x1110];
	[tilespmem:s20+$0x470] =	vst v1;
	s20 =	smov.u32 s23  }
0x12f: {  	v46 =	vld [tilespmem:s20+$0x1120]  }
0x130: {  	v45 =	vld [tilespmem:s20+$0x1130]  }
0x131: {  	v44 =	vld [tilespmem:s20+$0x1140]  }
0x132: {  	v43 =	vld [tilespmem:s20+$0x1150]  }
0x133: {  	v42 =	vld [tilespmem:s20+$0x1160]  }
0x134: {  	v41 =	vld [tilespmem:s20+$0x1170]  }
0x135: {  	v39 =	vld [tilespmem:s20+$0x1180]  }
0x136: {  	v38 =	vld [tilespmem:s20+$0x1190]  }
0x137: {  	v35 =	vld [tilespmem:s20+$0x11A0]  }
0x138: {  	v34 =	vld [tilespmem:s20+$0x11B0]  }
0x139: {  	v33 =	vld [tilespmem:s20+$0x11C0]  }
0x13a: {  	v32 =	vld [tilespmem:s20+$0x11D0]  }
0x13b: {  	v31 =	vld [tilespmem:s20+$0x11E0]  }
0x13c: {  	v30 =	vld [tilespmem:s20+$0x11F0]  }
0x13d: {  	v29 =	vld [tilespmem:s20+$0x1200]  }
0x13e: {  	v28 =	vld [tilespmem:s20+$0x1210]  }
0x13f: {  	v27 =	vld [tilespmem:s20+$0x1220]  }
0x140: {  	v26 =	vld [tilespmem:s20+$0x1230]  }
0x141: {  	v25 =	vld [tilespmem:s20+$0x1240]  }
0x142: {  	v24 =	vld [tilespmem:s20+$0x1250]  }
0x143: {  	v23 =	vld [tilespmem:s20+$0x1260]  }
0x144: {  	v22 =	vld [tilespmem:s20+$0x1270]  }
0x145: {  	v21 =	vld [tilespmem:s20+$0x1280]  }
0x146: {  	v20 =	vld [tilespmem:s20+$0x1290]  }
0x147: {  	v19 =	vld [tilespmem:s20+$0x12A0]  }
0x148: {  	v18 =	vld [tilespmem:s20+$0x12B0]  }
0x149: {  	v17 =	vld [tilespmem:s20+$0x12C0]  }
0x14a: {  	v16 =	vld [tilespmem:s20+$0x12D0]  }
0x14b: {  	v0 =	vld [tilespmem:s20+$0x1370]  }
0x14c: {  	v15 =	vld [tilespmem:s20+$0x12E0]  }
0x14d: {  	v14 =	vld [tilespmem:s20+$0x12F0]  }
0x14e: {  	v13 =	vld [tilespmem:s20+$0x1300]  }
0x14f: {  	v12 =	vld [tilespmem:s20+$0x1310]  }
0x150: {  	[tilespmem:$0x1FFD0] =	vst v0;
	v0 =	vld [tilespmem:s20+$0x1380]  }
0x151: {  	v11 =	vld [tilespmem:s20+$0x1320]  }
0x152: {  	v10 =	vld [tilespmem:s20+$0x1330]  }
0x153: {  	v9 =	vld [tilespmem:s20+$0x1340]  }
0x154: {  	v8 =	vld [tilespmem:s20+$0x1350]  }
0x155: {  	p1 =	sne.s32 s22, $0x3000;
	[tilespmem:$0x1FFE0] =	vst v0;
	v0 =	vld [tilespmem:s20+$0x1390]  }
.Ltmp5:
0x156: {  	v7 =	vld [tilespmem:s20+$0x1360];
	(pc) =	sbr.rel @p1 .LBB2_7-.Ltmp5, $4  }
0x157: {  	v63 =	vld [tilespmem:s20+$0x13A0]  }
0x158: {  	v62 =	vld [tilespmem:s20+$0x13B0]  }
0x159: {  	s21 =	sadd.s32 $0x10, s21;
	v57 =	vld [tilespmem:s20+$0xC0]  }
0x15a: {  	s22 =	sadd.s32 $0x1000, s22;
	v1 =	vld [tilespmem:s21+$0x0];
	[tilespmem:$0x1FFF0] =	vst v0  }
0x15b: {  	_ =	sdelay $0x2  }
0x15c: {  	v6 =	vld [tilespmem:s20+$0x80]  }
0x15d: {  	v4 =	vld [tilespmem:s20+$0x90];
	v37 =	vbroadcast v1, $0x0  }
0x15e: {  	v3 =	vld [tilespmem:s20+$0xA0]  }
0x15f: {  	v5 =	vld [tilespmem:s20+$0xB0];
	v40 =	vsub.f32 $1.000000000e+00, v37  }
0x160: {  	v58 =	vld [tilespmem:s20+$0xD0]  }
0x161: {  	v59 =	vld [tilespmem:s20+$0xE0];
	v6 =	vmul.f32 v6, v37;
	v56 =	vmul.f32 v56, v40  }
0x162: {  	v60 =	vld [tilespmem:s20+$0xF0];
	v4 =	vmul.f32 v4, v37;
	v54 =	vmul.f32 v54, v40  }
0x163: {  	v2 =	vld [tilespmem:s20+$0x13C0];
	v3 =	vmul.f32 v3, v37;
	v6 =	vadd.f32 v56, v6  }
0x164: {  	v61 =	vld [tilespmem:s20+$0x110];
	v5 =	vmul.f32 v5, v37;
	v4 =	vadd.f32 v54, v4;
	v54 =	vbroadcast v1, $0x1  }
0x165: {  	v37 =	vld [tilespmem:s20+$0x120];
	[tilespmem:s20+$0x80] =	vst v6;
	v6 =	vmul.f32 v55, v40;
	v40 =	vmul.f32 v53, v40  }
0x166: {  	v56 =	vld [tilespmem:s20+$0x100];
	[tilespmem:s20+$0x90] =	vst v4;
	v4 =	vsub.f32 $1.000000000e+00, v54;
	v57 =	vmul.f32 v57, v54;
	v58 =	vmul.f32 v58, v54  }
0x167: {  	v53 =	vld [tilespmem:s20+$0x150];
	v59 =	vmul.f32 v59, v54;
	v60 =	vmul.f32 v60, v54  }
0x168: {  	v54 =	vld [tilespmem:s20+$0x160];
	v5 =	vadd.f32 v40, v5;
	v52 =	vmul.f32 v52, v4;
	v51 =	vmul.f32 v51, v4  }
0x169: {  	v3 =	vadd.f32 v6, v3;
	v6 =	vld [tilespmem:s20+$0x130];
	v50 =	vmul.f32 v50, v4;
	v4 =	vmul.f32 v49, v4  }
0x16a: {  	v0 =	vld [tilespmem:s20+$0x13D0];
	v40 =	vadd.f32 v52, v57;
	[tilespmem:s20+$0xB0] =	vst v5;
	v5 =	vbroadcast v1, $0x2  }
0x16b: {  	v36 =	vld [tilespmem:s20+$0x13E0];
	[tilespmem:s20+$0xA0] =	vst v3;
	v51 =	vadd.f32 v51, v58;
	v4 =	vadd.f32 v4, v60;
	v60 =	vbroadcast v1, $0x3  }
0x16c: {  	v3 =	vld [tilespmem:s20+$0x140];
	[tilespmem:s20+$0xC0] =	vst v40;
	v40 =	vadd.f32 v50, v59;
	v58 =	vmul.f32 v56, v5;
	v59 =	vmul.f32 v61, v5  }
0x16d: {  	v57 =	vsub.f32 $1.000000000e+00, v5;
	v50 =	vld [tilespmem:s20+$0x170];
	v37 =	vmul.f32 v37, v5;
	v53 =	vmul.f32 v53, v60  }
0x16e: {  	[tilespmem:s20+$0xD0] =	vst v51;
	v51 =	vld [tilespmem:s20+$0x190];
	v56 =	vmul.f32 v54, v60;
	v5 =	vmul.f32 v6, v5  }
0x16f: {  	v61 =	vsub.f32 $1.000000000e+00, v60;
	v6 =	vld [tilespmem:s20+$0x180];
	v48 =	vmul.f32 v48, v57;
	v47 =	vmul.f32 v47, v57  }
0x170: {  	[tilespmem:s20+$0xE0] =	vst v40;
	v40 =	vld [tilespmem:s20+$0x1B0];
	v46 =	vmul.f32 v46, v57;
	v45 =	vmul.f32 v45, v57  }
0x171: {  	v52 =	vmul.f32 v44, v61;
	v44 =	vld [tilespmem:s20+$0x13F0];
	v55 =	vmul.f32 v43, v61  }
0x172: {  	v43 =	vld [tilespmem:s20+$0x1400];
	v57 =	vmul.f32 v42, v61;
	v3 =	vmul.f32 v3, v60;
	v47 =	vadd.f32 v47, v59  }
0x173: {  	v42 =	vld [tilespmem:s20+$0x1410];
	v48 =	vadd.f32 v48, v58;
	v37 =	vadd.f32 v46, v37;
	v59 =	vmul.f32 v41, v61  }
0x174: {  	v5 =	vadd.f32 v45, v5;
	v41 =	vld [tilespmem:s20+$0x1C0];
	v58 =	vmul.f32 v50, v60;
	v60 =	vbroadcast v1, $0x4;
	[tilespmem:s20+$0x110] =	vst v47  }
0x175: {  	v46 =	vbroadcast v1, $0x6;
	v3 =	vadd.f32 v52, v3;
	v52 =	vld [tilespmem:s20+$0x1E0];
	[tilespmem:s20+$0x120] =	vst v37  }
0x176: {  	v47 =	vld [tilespmem:s20+$0x1A0];
	[tilespmem:s20+$0x130] =	vst v5;
	v37 =	vadd.f32 v55, v53;
	v55 =	vbroadcast v1, $0x5;
	v61 =	vsub.f32 $1.000000000e+00, v60  }
0x177: {  	v5 =	vadd.f32 v57, v56;
	v53 =	vld [tilespmem:s20+$0x1F0];
	[tilespmem:s20+$0x140] =	vst v3;
	v49 =	vmul.f32 v6, v60;
	v54 =	vmul.f32 v51, v60  }
0x178: {  	v56 =	vld [tilespmem:s20+$0x210];
	v3 =	vadd.f32 v59, v58;
	[tilespmem:s20+$0x150] =	vst v37;
	v37 =	vmul.f32 v40, v60;
	v50 =	vmul.f32 v39, v61  }
0x179: {  	v6 =	vld [tilespmem:s20+$0x200];
	v59 =	vsub.f32 $1.000000000e+00, v55;
	v38 =	vmul.f32 v38, v61;
	v35 =	vmul.f32 v35, v61  }
0x17a: {  	[tilespmem:s20+$0xF0] =	vst v4;
	v58 =	vld [tilespmem:s20+$0x220];
	v4 =	vmul.f32 v34, v61;
	v61 =	vmul.f32 v41, v55  }
0x17b: {  	[tilespmem:s20+$0x160] =	vst v5;
	v5 =	vld [tilespmem:s20+$0x1D0];
	v34 =	vbroadcast v1, $0xA;
	v33 =	vmul.f32 v33, v59  }
0x17c: {  	[tilespmem:s20+$0x100] =	vst v48;
	v48 =	vld [tilespmem:s20+$0x2C0];
	v32 =	vmul.f32 v32, v59;
	v31 =	vmul.f32 v31, v59  }
0x17d: {  	[tilespmem:s20+$0x170] =	vst v3;
	v41 =	vld [tilespmem:s20+$0x240];
	v30 =	vmul.f32 v30, v59;
	v3 =	vadd.f32 v50, v49;
	v38 =	vadd.f32 v38, v54  }
0x17e: {  	v57 =	vmul.f32 v47, v60;
	v60 =	vld [tilespmem:s20+$0x230];
	v4 =	vadd.f32 v4, v37;
	v50 =	vmul.f32 v52, v55  }
0x17f: {  	v47 =	vld [tilespmem:s20+$0x250];
	v51 =	vmul.f32 v53, v55;
	v53 =	vsub.f32 $1.000000000e+00, v46;
	v6 =	vmul.f32 v6, v46  }
0x180: {  	v52 =	vld [tilespmem:s20+$0x260];
	v33 =	vadd.f32 v33, v61;
	v58 =	vmul.f32 v58, v46;
	v5 =	vmul.f32 v5, v55  }
0x181: {  	v54 =	vld [tilespmem:s20+$0x270];
	[tilespmem:s20+$0x180] =	vst v3;
	v3 =	vadd.f32 v35, v57;
	v29 =	vmul.f32 v29, v53;
	v55 =	vmul.f32 v56, v46  }
0x182: {  	v59 =	vld [tilespmem:s20+$0x280];
	v31 =	vadd.f32 v31, v50;
	v28 =	vmul.f32 v28, v53;
	v56 =	vbroadcast v1, $0x7  }
0x183: {  	v61 =	vld [tilespmem:s20+$0x2A0];
	[tilespmem:s20+$0x1B0] =	vst v4;
	v30 =	vadd.f32 v30, v51;
	v27 =	vmul.f32 v27, v53;
	v26 =	vmul.f32 v26, v53  }
0x184: {  	v57 =	vld [tilespmem:s20+$0x290];
	[tilespmem:s20+$0x1A0] =	vst v3;
	v6 =	vadd.f32 v29, v6;
	v3 =	vmul.f32 v41, v56;
	v4 =	vmul.f32 v60, v46  }
0x185: {  	v50 =	vld [tilespmem:s20+$0x2D0];
	[tilespmem:s20+$0x1C0] =	vst v33;
	v28 =	vadd.f32 v28, v55;
	v37 =	vmul.f32 v47, v56;
	v40 =	vmul.f32 v52, v56  }
0x186: {  	v53 =	vld [tilespmem:s20+$0x2F0];
	[tilespmem:s20+$0x1E0] =	vst v31;
	v60 =	vsub.f32 $1.000000000e+00, v56;
	v45 =	vmul.f32 v54, v56;
	v47 =	vbroadcast v1, $0x8  }
0x187: {  	v33 =	vld [tilespmem:s20+$0x340];
	v5 =	vadd.f32 v32, v5;
	v56 =	vbroadcast v1, $0x9;
	[tilespmem:s20+$0x210] =	vst v28;
	v28 =	vbroadcast v1, $0xD  }
0x188: {  	v31 =	vld [tilespmem:s20+$0x2B0];
	[tilespmem:s20+$0x200] =	vst v6;
	v6 =	vadd.f32 v27, v58;
	v35 =	vmul.f32 v25, v60;
	v39 =	vmul.f32 v24, v60  }
0x189: {  	v55 =	vld [tilespmem:s20+$0x300];
	v4 =	vadd.f32 v26, v4;
	v41 =	vmul.f32 v23, v60;
	v46 =	vmul.f32 v22, v60  }
0x18a: {  	[tilespmem:s20+$0x190] =	vst v38;
	v32 =	vld [tilespmem:s20+$0x420];
	v49 =	vsub.f32 $1.000000000e+00, v47;
	v51 =	vmul.f32 v59, v47;
	v54 =	vmul.f32 v57, v47  }
0x18b: {  	v52 =	vld [tilespmem:s20+$0x2E0];
	[tilespmem:s20+$0x1D0] =	vst v5;
	v58 =	vmul.f32 v61, v47;
	v60 =	vsub.f32 $1.000000000e+00, v56;
	v5 =	vmul.f32 v50, v56  }
0x18c: {  	[tilespmem:s20+$0x1F0] =	vst v30;
	v27 =	vld [tilespmem:s20+$0x400];
	v38 =	vmul.f32 v53, v56;
	v3 =	vadd.f32 v35, v3;
	v21 =	vmul.f32 v21, v49  }
0x18d: {  	v57 =	vld [tilespmem:s20+$0x310];
	[tilespmem:s20+$0x220] =	vst v6;
	v6 =	vadd.f32 v39, v37;
	v20 =	vmul.f32 v20, v49;
	v19 =	vmul.f32 v19, v49  }
0x18e: {  	v59 =	vld [tilespmem:s20+$0x320];
	[tilespmem:s20+$0x230] =	vst v4;
	v4 =	vadd.f32 v41, v40;
	v29 =	vmul.f32 v17, v60;
	v16 =	vmul.f32 v16, v60  }
0x18f: {  	v61 =	vld [tilespmem:s20+$0x330];
	v15 =	vmul.f32 v15, v60;
	v14 =	vmul.f32 v14, v60;
	v40 =	vsub.f32 $1.000000000e+00, v34;
	[tilespmem:s20+$0x240] =	vst v3  }
0x190: {  	v53 =	vld [tilespmem:s20+$0x3A0];
	v37 =	vmul.f32 v52, v56;
	[tilespmem:s20+$0x250] =	vst v6;
	v3 =	vadd.f32 v46, v45;
	v6 =	vmul.f32 v31, v47  }
0x191: {  	v22 =	vld [tilespmem:s20+$0x3F0];
	[tilespmem:s20+$0x260] =	vst v4;
	v20 =	vadd.f32 v20, v54;
	v4 =	vmul.f32 v18, v49;
	v31 =	vmul.f32 v48, v56  }
0x192: {  	v35 =	vld [tilespmem:s20+$0x350];
	v5 =	vadd.f32 v16, v5;
	v45 =	vmul.f32 v55, v34;
	v13 =	vmul.f32 v13, v40;
	[tilespmem:s20+$0x270] =	vst v3  }
0x193: {  	v39 =	vld [tilespmem:s20+$0x360];
	v14 =	vadd.f32 v14, v38;
	v12 =	vmul.f32 v12, v40;
	v48 =	vbroadcast v1, $0xB;
	[tilespmem:s20+$0x290] =	vst v20  }
0x194: {  	v41 =	vld [tilespmem:s20+$0x370];
	v11 =	vmul.f32 v11, v40;
	v10 =	vmul.f32 v10, v40;
	v3 =	vadd.f32 v21, v51;
	[tilespmem:s20+$0x2D0] =	vst v5  }
0x195: {  	v60 =	vld [tilespmem:s20+$0x3D0];
	v47 =	vmul.f32 v57, v34;
	v50 =	vmul.f32 v59, v34;
	v4 =	vadd.f32 v4, v6;
	[tilespmem:s20+$0x2F0] =	vst v14  }
0x196: {  	v25 =	vld [tilespmem:s20+$0x1420];
	v57 =	vbroadcast v1, $0xC;
	v6 =	vadd.f32 v29, v31;
	v13 =	vadd.f32 v13, v45;
	[tilespmem:s20+$0x280] =	vst v3  }
0x197: {  	v49 =	vld [tilespmem:s20+$0x390];
	v52 =	vsub.f32 $1.000000000e+00, v48;
	v45 =	vmul.f32 v22, v28;
	v12 =	vadd.f32 v12, v47;
	[tilespmem:s20+$0x2B0] =	vst v4  }
0x198: {  	v26 =	vld [tilespmem:$0x1FFF0];
	v11 =	vadd.f32 v11, v50;
	v54 =	vmul.f32 v35, v48;
	v55 =	vmul.f32 v39, v48;
	[tilespmem:s20+$0x2C0] =	vst v6  }
0x199: {  	v24 =	vld [tilespmem:s20+$0x1430];
	v5 =	vmul.f32 v41, v48;
	v59 =	vsub.f32 $1.000000000e+00, v57;
	v30 =	vmul.f32 v53, v57;
	[tilespmem:s20+$0x300] =	vst v13  }
0x19a: {  	v56 =	vld [tilespmem:$0x1FFD0];
	v39 =	vmul.f32 v60, v28;
	v3 =	vadd.f32 v19, v58;
	v4 =	vmul.f32 v61, v34;
	[tilespmem:s20+$0x310] =	vst v12  }
0x19b: {  	v46 =	vld [tilespmem:s20+$0x3B0];
	v6 =	vadd.f32 v15, v37;
	v9 =	vmul.f32 v9, v52;
	v8 =	vmul.f32 v8, v52;
	[tilespmem:s20+$0x320] =	vst v11  }
0x19c: {  	v51 =	vld [tilespmem:s20+$0x380];
	v7 =	vmul.f32 v7, v52;
	v16 =	vmul.f32 v49, v57;
	[tilespmem:s20+$0x2A0] =	vst v3;
	v4 =	vadd.f32 v10, v4  }
0x19d: {  	v21 =	vld [tilespmem:s20+$0x3E0];
	v17 =	vmul.f32 v26, v59;
	[tilespmem:s20+$0x2E0] =	vst v6;
	v3 =	vmul.f32 v33, v48;
	v8 =	vadd.f32 v8, v54  }
0x19e: {  	v29 =	vld [tilespmem:s20+$0x410];
	v37 =	vbroadcast v1, $0xE;
	v7 =	vadd.f32 v7, v55;
	v33 =	vsub.f32 $1.000000000e+00, v28;
	[tilespmem:s20+$0x330] =	vst v4  }
0x19f: {  	v23 =	vld [tilespmem:s20+$0x1440];
	v16 =	vadd.f32 v17, v16;
	v3 =	vadd.f32 v9, v3;
	v9 =	vmul.f32 v56, v52;
	[tilespmem:s20+$0x350] =	vst v8  }
0x1a0: {  	v38 =	vld [tilespmem:s20+$0x440];
	v6 =	vmul.f32 v46, v57;
	v40 =	vsub.f32 $1.000000000e+00, v37;
	[tilespmem:s20+$0x360] =	vst v7;
	v7 =	vmul.f32 v62, v59  }
0x1a1: {  	v58 =	vld [tilespmem:s20+$0x3C0];
	v61 =	vmul.f32 v51, v57;
	v0 =	vmul.f32 v0, v33;
	[tilespmem:s20+$0x390] =	vst v16;
	v5 =	vadd.f32 v9, v5  }
0x1a2: {  	v20 =	vld [tilespmem:$0x1FFE0];
	v41 =	vmul.f32 v21, v28;
	v47 =	vmul.f32 v36, v33;
	[tilespmem:s20+$0x340] =	vst v3;
	v6 =	vadd.f32 v7, v6  }
0x1a3: {  	v50 =	vld [tilespmem:s20+$0x460];
	v53 =	vmul.f32 v29, v37;
	v12 =	vmul.f32 v44, v33;
	v0 =	vadd.f32 v0, v39;
	[tilespmem:s20+$0x370] =	vst v5  }
0x1a4: {  	v10 =	vld [tilespmem:s20+$0x1450];
	v2 =	vmul.f32 v2, v33;
	v54 =	vmul.f32 v42, v40;
	v7 =	vadd.f32 v47, v41;
	[tilespmem:s20+$0x3B0] =	vst v6  }
0x1a5: {  	v46 =	vld [tilespmem:s20+$0x450];
	v8 =	vmul.f32 v32, v37;
	v57 =	vmul.f32 v25, v40;
	v51 =	vadd.f32 v12, v45;
	[tilespmem:s20+$0x3D0] =	vst v0  }
0x1a6: {  	v55 =	vld [tilespmem:s20+$0x470];
	v52 =	vbroadcast v1, $0xF;
	v35 =	vmul.f32 v58, v28;
	v1 =	vadd.f32 v54, v53;
	[tilespmem:s20+$0x3E0] =	vst v7  }
0x1a7: {  	v48 =	vmul.f32 v27, v37;
	v13 =	vmul.f32 v20, v59;
	v4 =	vld [tilespmem:s20+$0x1460];
	v8 =	vadd.f32 v57, v8;
	[tilespmem:s20+$0x3F0] =	vst v51  }
0x1a8: {  	v49 =	vmul.f32 v43, v40;
	v3 =	vld [tilespmem:s20+$0x1470];
	v56 =	vsub.f32 $1.000000000e+00, v52;
	v2 =	vadd.f32 v2, v35;
	[tilespmem:s20+$0x410] =	vst v1  }
0x1a9: {  	v34 =	vld [tilespmem:s20+$0x430];
	v31 =	vmul.f32 v63, v59;
	v5 =	vadd.f32 v13, v61;
	[tilespmem:s20+$0x420] =	vst v8  }
0x1aa: {  	v60 =	vmul.f32 v46, v52;
	v61 =	vmul.f32 v10, v56;
	[tilespmem:s20+$0x3C0] =	vst v2;
	v2 =	vadd.f32 v49, v48  }
0x1ab: {  	v58 =	vmul.f32 v38, v52;
	v59 =	vmul.f32 v23, v56;
	[tilespmem:s20+$0x380] =	vst v5;
	v5 =	vadd.f32 v31, v30  }
0x1ac: {  	v62 =	vmul.f32 v50, v52;
	v4 =	vmul.f32 v4, v56;
	v1 =	vadd.f32 v61, v60;
	[tilespmem:s20+$0x400] =	vst v2  }
0x1ad: {  	v0 =	vmul.f32 v55, v52;
	v2 =	vadd.f32 v59, v58;
	v3 =	vmul.f32 v3, v56;
	[tilespmem:s20+$0x3A0] =	vst v5  }
0x1ae: {  	v6 =	vmul.f32 v24, v40;
	v4 =	vadd.f32 v4, v62;
	v5 =	vmul.f32 v34, v37;
	[tilespmem:s20+$0x450] =	vst v1  }
0x1af: {  	[tilespmem:s20+$0x440] =	vst v2;
	v0 =	vadd.f32 v3, v0  }
0x1b0: {  	[tilespmem:s20+$0x460] =	vst v4;
	v5 =	vadd.f32 v6, v5  }
0x1b1: {  	[tilespmem:s20+$0x470] =	vst v0  }
0x1b2: {  	[tilespmem:s20+$0x430] =	vst v5  }
0x1b3: {  	[hbm4b:s1+s15] =	stream.indirect.scatter [tilespmem:s16], [sflag:$0x1], $0x40, s3, s15, $0xb8;
	[tilespmem:$0x3980] =	vst v63  }
0x1b4: {  	_ =	swait.ge [sflag:s17], $0x1000  }
0x1b5: {  	[sflag:s17] =	ssyncset.done $0x0  }
0x1b6: {  	v63 =	vimm.f32 $1.000000000e+00;
	[sflag:s17] =	ssyncadd.s32 $0xFFFFF000  }
0x1b7: {  	[tilespmem:$0x2080] =	vst v63  }
0x1b8: {  	[tilespmem:$0x2090] =	vst v63  }
0x1b9: {  	[tilespmem:$0x20A0] =	vst v63  }
.Ltmp6:
0x1ba: {  	[tilespmem:$0x20B0] =	vst v63;
	(pc) =	sbr.rel .LBB2_12-.Ltmp6, $4  }
0x1bb: {  	[hbm4b:s5+s15] =	stream.indirect.scatter [tilespmem:s13], [sflag:$0x1], $0x1, s3, s15, $0xb8;
	[tilespmem:$0x3980] =	vst v63  }
0x1bc: {  	_ =	swait.ge [sflag:s17], $0x40  }
0x1bd: {  	[sflag:s17] =	ssyncset.done $0x0  }
0x1be: {  	[sflag:s17] =	ssyncadd.s32 $0xFFFFFFC0  }
.LBB2_9:
0x1bf: {  	[tilespmem:s16], [sflag:$0x1] =	stream.indirect.gather [hbm4b:s4+s21], $0x40, s20, s21, $0xb8;
	[tilespmem:$0x3980] =	vst v63  }
0x1c0: {  	_ =	swait.ge [sflag:s17], $0x1000  }
0x1c1: {  	[sflag:s17] =	ssyncset.done $0x0  }
0x1c2: {  	[sflag:s17] =	ssyncadd.s32 $0xFFFFF000  }
0x1c3: {  	[tilespmem:s18], [sflag:$0x2] =	stream.linear.gather [hbm4b:s10+s20], $0x1000, $0x38;
	[tilespmem:$0x3980] =	vst v63  }
0x1c4: {  	_ =	swait.ge [sflag:s14], $0x1000  }
0x1c5: {  	[sflag:s14] =	ssyncset.done $0x0  }
0x1c6: {  	s20 =	simm.s32 $0x0;
	[sflag:s14] =	ssyncadd.s32 $0xFFFFF000  }
0x1c7: {  	v56 =	vld [tilespmem:s20+$0x1080]  }
0x1c8: {  	v54 =	vld [tilespmem:s20+$0x1090]  }
0x1c9: {  	v55 =	vld [tilespmem:s20+$0x10A0]  }
0x1ca: {  	v53 =	vld [tilespmem:s20+$0x10B0]  }
0x1cb: {  	v52 =	vld [tilespmem:s20+$0x10C0]  }
0x1cc: {  	v51 =	vld [tilespmem:s20+$0x10D0]  }
0x1cd: {  	v50 =	vld [tilespmem:s20+$0x10E0]  }
0x1ce: {  	v49 =	vld [tilespmem:s20+$0x10F0]  }
0x1cf: {  	v48 =	vld [tilespmem:s20+$0x1100]  }
0x1d0: {  	v47 =	vld [tilespmem:s20+$0x1110]  }
0x1d1: {  	v46 =	vld [tilespmem:s20+$0x1120]  }
0x1d2: {  	v45 =	vld [tilespmem:s20+$0x1130]  }
0x1d3: {  	v44 =	vld [tilespmem:s20+$0x1140]  }
0x1d4: {  	v43 =	vld [tilespmem:s20+$0x1150]  }
0x1d5: {  	v42 =	vld [tilespmem:s20+$0x1160]  }
0x1d6: {  	v41 =	vld [tilespmem:s20+$0x1170]  }
0x1d7: {  	v39 =	vld [tilespmem:s20+$0x1180]  }
0x1d8: {  	v38 =	vld [tilespmem:s20+$0x1190]  }
0x1d9: {  	v35 =	vld [tilespmem:s20+$0x11A0]  }
0x1da: {  	v34 =	vld [tilespmem:s20+$0x11B0]  }
0x1db: {  	v33 =	vld [tilespmem:s20+$0x11C0]  }
0x1dc: {  	v32 =	vld [tilespmem:s20+$0x11D0]  }
0x1dd: {  	v31 =	vld [tilespmem:s20+$0x11E0]  }
0x1de: {  	v30 =	vld [tilespmem:s20+$0x11F0]  }
0x1df: {  	v29 =	vld [tilespmem:s20+$0x1200]  }
0x1e0: {  	v28 =	vld [tilespmem:s20+$0x1210]  }
0x1e1: {  	v27 =	vld [tilespmem:s20+$0x1220]  }
0x1e2: {  	v26 =	vld [tilespmem:s20+$0x1230]  }
0x1e3: {  	v25 =	vld [tilespmem:s20+$0x1240]  }
0x1e4: {  	v24 =	vld [tilespmem:s20+$0x1250]  }
0x1e5: {  	v23 =	vld [tilespmem:s20+$0x1260]  }
0x1e6: {  	v22 =	vld [tilespmem:s20+$0x1270]  }
0x1e7: {  	v21 =	vld [tilespmem:s20+$0x1280]  }
0x1e8: {  	v20 =	vld [tilespmem:s20+$0x1290]  }
0x1e9: {  	v19 =	vld [tilespmem:s20+$0x12A0]  }
0x1ea: {  	v18 =	vld [tilespmem:s20+$0x12B0]  }
0x1eb: {  	v17 =	vld [tilespmem:s20+$0x12C0]  }
0x1ec: {  	v16 =	vld [tilespmem:s20+$0x12D0]  }
0x1ed: {  	v0 =	vld [tilespmem:s20+$0x1380]  }
0x1ee: {  	v15 =	vld [tilespmem:s20+$0x12E0]  }
0x1ef: {  	v14 =	vld [tilespmem:s20+$0x12F0]  }
0x1f0: {  	v13 =	vld [tilespmem:s20+$0x1300]  }
0x1f1: {  	v12 =	vld [tilespmem:s20+$0x1310]  }
0x1f2: {  	[tilespmem:$0x1FF60] =	vst v0;
	v0 =	vld [tilespmem:s20+$0x1390]  }
0x1f3: {  	v11 =	vld [tilespmem:s20+$0x1320]  }
0x1f4: {  	v10 =	vld [tilespmem:s20+$0x1330]  }
0x1f5: {  	v9 =	vld [tilespmem:s20+$0x1340]  }
0x1f6: {  	v8 =	vld [tilespmem:s20+$0x1350]  }
0x1f7: {  	[tilespmem:$0x1FF70] =	vst v0;
	v0 =	vld [tilespmem:s20+$0x13A0]  }
0x1f8: {  	v7 =	vld [tilespmem:s20+$0x1360]  }
0x1f9: {  	v6 =	vld [tilespmem:s20+$0x1370]  }
0x1fa: {  	v63 =	vld [tilespmem:s20+$0x13B0]  }
0x1fb: {  	v1 =	vld [tilespmem:s21+$0x0]  }
0x1fc: {  	s22 =	simm.s32 $0x1000;
	v57 =	vld [tilespmem:s20+$0xC0];
	[tilespmem:$0x1FF80] =	vst v0  }
.LBB2_10:
0x1fd: {  	v2 =	vld [tilespmem:s20+$0x13C0]  }
0x1fe: {  	v0 =	vld [tilespmem:s20+$0xA0]  }
0x1ff: {  	v36 =	vld [tilespmem:s20+$0x90]  }
0x200: {  	v58 =	vld [tilespmem:s20+$0xB0];
	v61 =	vbroadcast v1, $0x1  }
0x201: {  	v59 =	vld [tilespmem:s20+$0x80]  }
0x202: {  	v37 =	vsub.f32 $1.000000000e+00, v61;
	[tilespmem:$0x1FF30] =	vst v2;
	v2 =	vld [tilespmem:s20+$0x13D0]  }
0x203: {  	v60 =	vbroadcast v1, $0x0;
	v62 =	vbroadcast v1, $0x2;
	v4 =	vld [tilespmem:s20+$0xF0]  }
0x204: {  	v57 =	vmul.f32 v57, v61;
	v52 =	vmul.f32 v52, v37  }
0x205: {  	v3 =	vld [tilespmem:s20+$0x13E0];
	v51 =	vmul.f32 v51, v37;
	v50 =	vmul.f32 v50, v37  }
0x206: {  	v37 =	vmul.f32 v49, v37;
	v36 =	vmul.f32 v36, v60  }
0x207: {  	v40 =	vld [tilespmem:s20+$0xD0];
	v0 =	vmul.f32 v0, v60;
	v58 =	vmul.f32 v58, v60;
	[tilespmem:$0x1FF40] =	vst v2;
	v2 =	vsub.f32 $1.000000000e+00, v60  }
0x208: {  	v49 =	vld [tilespmem:s20+$0x150];
	v59 =	vmul.f32 v59, v60;
	v4 =	vmul.f32 v4, v61  }
0x209: {  	[tilespmem:$0x1FF20] =	vst v63;
	v52 =	vadd.f32 v52, v57;
	v60 =	vld [tilespmem:s20+$0xE0];
	v56 =	vmul.f32 v56, v2;
	v54 =	vmul.f32 v54, v2  }
0x20a: {  	[tilespmem:$0x1FF50] =	vst v3;
	v4 =	vadd.f32 v37, v4;
	v55 =	vmul.f32 v55, v2;
	v2 =	vmul.f32 v53, v2;
	v53 =	vld [tilespmem:s20+$0x100]  }
0x20b: {  	v63 =	vbroadcast v1, $0x3;
	[tilespmem:s20+$0xC0] =	vst v52;
	v56 =	vadd.f32 v56, v59;
	v36 =	vadd.f32 v54, v36;
	v54 =	vld [tilespmem:s20+$0x110]  }
0x20c: {  	v3 =	vsub.f32 $1.000000000e+00, v62;
	[tilespmem:s20+$0xF0] =	vst v4;
	v0 =	vadd.f32 v55, v0;
	v55 =	vld [tilespmem:s20+$0x120]  }
0x20d: {  	v5 =	vsub.f32 $1.000000000e+00, v63;
	v40 =	vmul.f32 v40, v61;
	[tilespmem:s20+$0x80] =	vst v56;
	v56 =	vld [tilespmem:s20+$0x130]  }
0x20e: {  	v48 =	vmul.f32 v48, v3;
	v2 =	vadd.f32 v2, v58;
	[tilespmem:s20+$0x90] =	vst v36;
	v36 =	vmul.f32 v60, v61;
	v60 =	vld [tilespmem:s20+$0x140]  }
0x20f: {  	v57 =	vld [tilespmem:s20+$0x170];
	v47 =	vmul.f32 v47, v3;
	[tilespmem:s20+$0xA0] =	vst v0;
	v0 =	vadd.f32 v51, v40;
	v61 =	vmul.f32 v53, v62  }
0x210: {  	v46 =	vmul.f32 v46, v3;
	v59 =	vld [tilespmem:s20+$0x1B0];
	[tilespmem:s20+$0xB0] =	vst v2;
	v2 =	vadd.f32 v50, v36;
	v53 =	vmul.f32 v54, v62  }
0x211: {  	v3 =	vmul.f32 v45, v3;
	[tilespmem:s20+$0xD0] =	vst v0;
	v54 =	vld [tilespmem:s20+$0x160];
	v0 =	vadd.f32 v48, v61;
	v55 =	vmul.f32 v55, v62  }
0x212: {  	v37 =	vbroadcast v1, $0x5;
	[tilespmem:s20+$0xE0] =	vst v2;
	v2 =	vadd.f32 v47, v53;
	v58 =	vmul.f32 v56, v62  }
0x213: {  	v52 =	vld [tilespmem:s20+$0x180];
	v61 =	vmul.f32 v44, v5;
	v4 =	vadd.f32 v46, v55;
	v60 =	vmul.f32 v60, v63;
	[tilespmem:s20+$0x100] =	vst v0  }
0x214: {  	v51 =	vmul.f32 v43, v5;
	v56 =	vbroadcast v1, $0x4;
	v0 =	vadd.f32 v3, v58;
	[tilespmem:s20+$0x110] =	vst v2  }
0x215: {  	v3 =	vmul.f32 v49, v63;
	v2 =	vadd.f32 v61, v60;
	[tilespmem:s20+$0x120] =	vst v4;
	v4 =	vmul.f32 v57, v63  }
0x216: {  	v36 =	vmul.f32 v59, v56;
	v59 =	vsub.f32 $1.000000000e+00, v37;
	v53 =	vmul.f32 v54, v63  }
0x217: {  	v62 =	vld [tilespmem:s20+$0x190];
	v54 =	vmul.f32 v42, v5;
	v5 =	vmul.f32 v41, v5;
	v3 =	vadd.f32 v51, v3  }
0x218: {  	v55 =	vld [tilespmem:s20+$0x1A0];
	v57 =	vmul.f32 v52, v56;
	[tilespmem:s20+$0x140] =	vst v2;
	v33 =	vmul.f32 v33, v59  }
0x219: {  	v58 =	vld [tilespmem:s20+$0x1C0];
	v32 =	vmul.f32 v32, v59;
	v2 =	vadd.f32 v5, v4;
	[tilespmem:s20+$0x150] =	vst v3;
	v3 =	vsub.f32 $1.000000000e+00, v56  }
0x21a: {  	v60 =	vld [tilespmem:s20+$0x1D0];
	[tilespmem:s20+$0x130] =	vst v0;
	v31 =	vmul.f32 v31, v59;
	v30 =	vmul.f32 v30, v59  }
0x21b: {  	v61 =	vld [tilespmem:s20+$0x1E0];
	v0 =	vadd.f32 v54, v53;
	v4 =	vbroadcast v1, $0x6;
	[tilespmem:s20+$0x170] =	vst v2;
	v2 =	vmul.f32 v39, v3  }
0x21c: {  	v63 =	vld [tilespmem:s20+$0x1F0];
	v5 =	vbroadcast v1, $0x7;
	v44 =	vmul.f32 v62, v56  }
0x21d: {  	v53 =	vld [tilespmem:s20+$0x200];
	[tilespmem:s20+$0x160] =	vst v0;
	v0 =	vmul.f32 v55, v56;
	v35 =	vmul.f32 v35, v3;
	v2 =	vadd.f32 v2, v57  }
0x21e: {  	v62 =	vsub.f32 $1.000000000e+00, v4;
	v55 =	vld [tilespmem:s20+$0x210];
	v38 =	vmul.f32 v38, v3;
	v3 =	vmul.f32 v34, v3  }
0x21f: {  	v52 =	vsub.f32 $1.000000000e+00, v5;
	v56 =	vld [tilespmem:s20+$0x220];
	v0 =	vadd.f32 v35, v0;
	[tilespmem:s20+$0x180] =	vst v2;
	v2 =	vmul.f32 v60, v37  }
0x220: {  	v54 =	vmul.f32 v58, v37;
	v58 =	vld [tilespmem:s20+$0x230];
	v3 =	vadd.f32 v3, v36;
	v57 =	vmul.f32 v61, v37  }
0x221: {  	v59 =	vld [tilespmem:s20+$0x240];
	v29 =	vmul.f32 v29, v62;
	[tilespmem:s20+$0x1A0] =	vst v0;
	v0 =	vadd.f32 v32, v2;
	v2 =	vmul.f32 v63, v37  }
0x222: {  	v28 =	vmul.f32 v28, v62;
	[tilespmem:s20+$0x1B0] =	vst v3;
	v3 =	vadd.f32 v31, v57;
	v31 =	vmul.f32 v53, v4;
	v60 =	vld [tilespmem:s20+$0x250]  }
0x223: {  	v27 =	vmul.f32 v27, v62;
	v26 =	vmul.f32 v26, v62;
	v61 =	vld [tilespmem:s20+$0x260];
	v2 =	vadd.f32 v30, v2  }
0x224: {  	v30 =	vmul.f32 v55, v4;
	[tilespmem:s20+$0x1D0] =	vst v0;
	v0 =	vadd.f32 v29, v31;
	v29 =	vmul.f32 v56, v4;
	v31 =	vld [tilespmem:s20+$0x270]  }
0x225: {  	v25 =	vmul.f32 v25, v52;
	[tilespmem:s20+$0x1E0] =	vst v3;
	v4 =	vmul.f32 v58, v4  }
0x226: {  	v3 =	vadd.f32 v28, v30;
	[tilespmem:s20+$0x1F0] =	vst v2;
	v2 =	vadd.f32 v27, v29;
	v27 =	vmul.f32 v59, v5;
	v29 =	vld [tilespmem:s20+$0x290]  }
0x227: {  	v24 =	vmul.f32 v24, v52;
	[tilespmem:s20+$0x200] =	vst v0;
	v0 =	vadd.f32 v26, v4;
	v4 =	vmul.f32 v60, v5;
	v26 =	vld [tilespmem:s20+$0x280]  }
0x228: {  	v23 =	vmul.f32 v23, v52;
	[tilespmem:s20+$0x210] =	vst v3;
	v3 =	vadd.f32 v25, v27;
	v25 =	vmul.f32 v61, v5;
	v27 =	vld [tilespmem:s20+$0x2A0]  }
0x229: {  	v28 =	vld [tilespmem:s20+$0x2B0];
	[tilespmem:s20+$0x220] =	vst v2;
	v2 =	vadd.f32 v24, v4;
	v4 =	vmul.f32 v31, v5;
	v5 =	vmul.f32 v22, v52  }
0x22a: {  	[tilespmem:s20+$0x230] =	vst v0;
	v0 =	vadd.f32 v23, v25;
	v25 =	vbroadcast v1, $0x8  }
0x22b: {  	v30 =	vbroadcast v1, $0x9;
	[tilespmem:s20+$0x240] =	vst v3;
	v3 =	vadd.f32 v5, v4;
	v4 =	vbroadcast v1, $0xA  }
0x22c: {  	v43 =	vld [tilespmem:s20+$0x1410];
	[tilespmem:s20+$0x250] =	vst v2;
	v5 =	vbroadcast v1, $0xB;
	v2 =	vsub.f32 $1.000000000e+00, v25;
	v26 =	vmul.f32 v26, v25  }
0x22d: {  	v31 =	vld [tilespmem:s20+$0x2C0];
	v29 =	vmul.f32 v29, v25;
	[tilespmem:s20+$0x260] =	vst v0;
	v0 =	vmul.f32 v27, v25  }
0x22e: {  	v25 =	vmul.f32 v28, v25;
	v27 =	vsub.f32 $1.000000000e+00, v30;
	v28 =	vld [tilespmem:s20+$0x2D0];
	[tilespmem:s20+$0x270] =	vst v3;
	v3 =	vmul.f32 v21, v2  }
0x22f: {  	v20 =	vmul.f32 v20, v2;
	v21 =	vld [tilespmem:s20+$0x2E0];
	v19 =	vmul.f32 v19, v2  }
0x230: {  	v62 =	vsub.f32 $1.000000000e+00, v4;
	v2 =	vmul.f32 v18, v2;
	v18 =	vld [tilespmem:s20+$0x2F0];
	v17 =	vmul.f32 v17, v27  }
0x231: {  	v16 =	vmul.f32 v16, v27;
	v3 =	vadd.f32 v3, v26;
	v20 =	vadd.f32 v20, v29;
	v26 =	vld [tilespmem:s20+$0x300]  }
0x232: {  	v0 =	vadd.f32 v19, v0;
	v2 =	vadd.f32 v2, v25;
	v19 =	vmul.f32 v31, v30;
	v25 =	vld [tilespmem:s20+$0x310]  }
0x233: {  	v63 =	vsub.f32 $1.000000000e+00, v5;
	v15 =	vmul.f32 v15, v27;
	[tilespmem:s20+$0x280] =	vst v3;
	v3 =	vmul.f32 v28, v30;
	v28 =	vld [tilespmem:s20+$0x320]  }
0x234: {  	v14 =	vmul.f32 v14, v27;
	[tilespmem:s20+$0x290] =	vst v20;
	v17 =	vadd.f32 v17, v19;
	v20 =	vld [tilespmem:s20+$0x330];
	v19 =	vmul.f32 v21, v30  }
0x235: {  	v13 =	vmul.f32 v13, v62;
	[tilespmem:s20+$0x2A0] =	vst v0;
	v0 =	vadd.f32 v16, v3;
	v3 =	vmul.f32 v18, v30;
	v16 =	vld [tilespmem:s20+$0x340]  }
0x236: {  	v12 =	vmul.f32 v12, v62;
	[tilespmem:s20+$0x2B0] =	vst v2;
	v18 =	vld [tilespmem:s20+$0x350];
	v2 =	vadd.f32 v15, v19;
	v15 =	vmul.f32 v26, v4  }
0x237: {  	v11 =	vmul.f32 v11, v62;
	v10 =	vmul.f32 v10, v62;
	[tilespmem:s20+$0x2C0] =	vst v17;
	v17 =	vld [tilespmem:s20+$0x360];
	v3 =	vadd.f32 v14, v3  }
0x238: {  	v14 =	vmul.f32 v25, v4;
	[tilespmem:s20+$0x2D0] =	vst v0;
	v0 =	vadd.f32 v13, v15;
	v13 =	vmul.f32 v28, v4;
	v15 =	vld [tilespmem:s20+$0x370]  }
0x239: {  	v41 =	vld [tilespmem:s20+$0x13F0];
	v9 =	vmul.f32 v9, v63;
	[tilespmem:s20+$0x2E0] =	vst v2;
	v4 =	vmul.f32 v20, v4  }
0x23a: {  	v42 =	vld [tilespmem:s20+$0x1400];
	v2 =	vadd.f32 v12, v14;
	[tilespmem:s20+$0x2F0] =	vst v3;
	v3 =	vadd.f32 v11, v13;
	v11 =	vmul.f32 v16, v5  }
0x23b: {  	v24 =	vld [tilespmem:s20+$0x1420];
	v8 =	vmul.f32 v8, v63;
	[tilespmem:s20+$0x300] =	vst v0;
	v0 =	vadd.f32 v10, v4;
	v4 =	vmul.f32 v18, v5  }
0x23c: {  	v22 =	vld [tilespmem:s20+$0x1430];
	[tilespmem:s20+$0x310] =	vst v2;
	v2 =	vadd.f32 v9, v11;
	v9 =	vmul.f32 v17, v5  }
0x23d: {  	v12 =	vld [tilespmem:s20+$0x3B0];
	[tilespmem:s20+$0x320] =	vst v3;
	v3 =	vadd.f32 v8, v4;
	v4 =	vmul.f32 v15, v5;
	v5 =	vmul.f32 v6, v63  }
0x23e: {  	v13 =	vld [tilespmem:s20+$0x390]  }
0x23f: {  	v10 =	vld [tilespmem:s20+$0x380];
	[tilespmem:s20+$0x340] =	vst v2;
	v2 =	vadd.f32 v5, v4  }
0x240: {  	v7 =	vmul.f32 v7, v63;
	v15 =	vld [tilespmem:$0x1FF70]  }
0x241: {  	[tilespmem:s20+$0x370] =	vst v2;
	v2 =	vld [tilespmem:$0x1FF60]  }
0x242: {  	v11 =	vld [tilespmem:s20+$0x3A0];
	[tilespmem:s20+$0x330] =	vst v0;
	v0 =	vadd.f32 v7, v9;
	v7 =	vbroadcast v1, $0xC  }
0x243: {  	v23 =	vld [tilespmem:s20+$0x1440]  }
0x244: {  	v19 =	vld [tilespmem:$0x1FF20];
	[tilespmem:s20+$0x350] =	vst v3;
	v3 =	vsub.f32 $1.000000000e+00, v7  }
0x245: {  	v18 =	vld [tilespmem:$0x1FF80];
	v10 =	vmul.f32 v10, v7;
	v13 =	vmul.f32 v13, v7  }
0x246: {  	v14 =	vld [tilespmem:s20+$0x3C0];
	v15 =	vmul.f32 v15, v3;
	v2 =	vmul.f32 v2, v3  }
0x247: {  	[tilespmem:s20+$0x360] =	vst v0;
	v0 =	vmul.f32 v11, v7;
	v7 =	vmul.f32 v12, v7;
	v12 =	vld [tilespmem:s20+$0x3D0]  }
0x248: {  	v2 =	vadd.f32 v2, v10;
	v10 =	vadd.f32 v15, v13;
	v13 =	vld [tilespmem:$0x1FF30]  }
0x249: {  	v16 =	vld [tilespmem:s20+$0x3E0];
	v8 =	vbroadcast v1, $0xD  }
0x24a: {  	v6 =	vld [tilespmem:s20+$0x1450];
	v18 =	vmul.f32 v18, v3;
	v3 =	vmul.f32 v19, v3  }
0x24b: {  	v9 =	vld [tilespmem:s20+$0x1460];
	v11 =	vsub.f32 $1.000000000e+00, v8  }
0x24c: {  	v5 =	vld [tilespmem:s20+$0x1470];
	v3 =	vadd.f32 v3, v7;
	v7 =	vmul.f32 v14, v8  }
0x24d: {  	[tilespmem:s20+$0x380] =	vst v2;
	v2 =	vmul.f32 v12, v8;
	v12 =	vld [tilespmem:$0x1FF40];
	v13 =	vmul.f32 v13, v11  }
0x24e: {  	v33 =	vadd.f32 v33, v54;
	v14 =	vld [tilespmem:s20+$0x410]  }
0x24f: {  	v38 =	vadd.f32 v38, v44;
	v7 =	vadd.f32 v13, v7;
	v13 =	vld [tilespmem:$0x1FF50]  }
0x250: {  	[tilespmem:s20+$0x1C0] =	vst v33;
	v0 =	vadd.f32 v18, v0;
	v19 =	vld [tilespmem:s20+$0x3F0]  }
0x251: {  	[tilespmem:s20+$0x190] =	vst v38;
	v4 =	vbroadcast v1, $0xE;
	v15 =	vld [tilespmem:s20+$0x400]  }
0x252: {  	v18 =	vld [tilespmem:s20+$0x420];
	[tilespmem:s20+$0x3A0] =	vst v0;
	v12 =	vmul.f32 v12, v11  }
0x253: {  	v1 =	vbroadcast v1, $0xF;
	v17 =	vsub.f32 $1.000000000e+00, v4;
	[tilespmem:s20+$0x390] =	vst v10;
	v10 =	vmul.f32 v16, v8;
	v16 =	vld [tilespmem:s20+$0x430]  }
0x254: {  	v0 =	vadd.f32 v12, v2;
	[tilespmem:s20+$0x3C0] =	vst v7;
	v7 =	vmul.f32 v14, v4;
	v14 =	vld [tilespmem:s20+$0x460];
	v13 =	vmul.f32 v13, v11  }
0x255: {  	[tilespmem:s20+$0x3B0] =	vst v3;
	v2 =	vmul.f32 v19, v8;
	v8 =	vmul.f32 v41, v11;
	v11 =	vld [tilespmem:s20+$0x440]  }
0x256: {  	s23 =	sshra.s32 s22, $0x2;
	v12 =	vmul.f32 v42, v17;
	[tilespmem:s20+$0x3D0] =	vst v0;
	v3 =	vadd.f32 v13, v10;
	v10 =	vmul.f32 v15, v4;
	v13 =	vld [tilespmem:s20+$0x450]  }
0x257: {  	v20 =	vsub.f32 $1.000000000e+00, v1;
	v2 =	vadd.f32 v8, v2;
	v8 =	vmul.f32 v43, v17;
	v56 =	vld [tilespmem:s23+$0x1080]  }
0x258: {  	v15 =	vld [tilespmem:s20+$0x470];
	v0 =	vadd.f32 v12, v10;
	v10 =	vmul.f32 v18, v4;
	v12 =	vmul.f32 v24, v17;
	[tilespmem:s20+$0x3E0] =	vst v3  }
0x259: {  	v3 =	vadd.f32 v8, v7;
	v4 =	vmul.f32 v16, v4;
	v7 =	vmul.f32 v22, v17;
	v54 =	vld [tilespmem:s23+$0x1090];
	[tilespmem:s20+$0x3F0] =	vst v2  }
0x25a: {  	v8 =	vmul.f32 v11, v1;
	v2 =	vadd.f32 v12, v10;
	v10 =	vmul.f32 v23, v20;
	v55 =	vld [tilespmem:s23+$0x10A0];
	[tilespmem:s20+$0x400] =	vst v0  }
0x25b: {  	v6 =	vmul.f32 v6, v20;
	v0 =	vadd.f32 v7, v4;
	v4 =	vmul.f32 v13, v1;
	v53 =	vld [tilespmem:s23+$0x10B0];
	[tilespmem:s20+$0x410] =	vst v3  }
0x25c: {  	v7 =	vmul.f32 v14, v1;
	v3 =	vadd.f32 v10, v8;
	v8 =	vmul.f32 v9, v20;
	v52 =	vld [tilespmem:s23+$0x10C0];
	[tilespmem:s20+$0x420] =	vst v2  }
0x25d: {  	v1 =	vmul.f32 v15, v1;
	v2 =	vadd.f32 v6, v4;
	v4 =	vmul.f32 v5, v20;
	v51 =	vld [tilespmem:s23+$0x10D0];
	[tilespmem:s20+$0x430] =	vst v0  }
0x25e: {  	v0 =	vadd.f32 v8, v7;
	v50 =	vld [tilespmem:s23+$0x10E0];
	[tilespmem:s20+$0x440] =	vst v3  }
0x25f: {  	v1 =	vadd.f32 v4, v1;
	v49 =	vld [tilespmem:s23+$0x10F0];
	[tilespmem:s20+$0x450] =	vst v2  }
0x260: {  	v48 =	vld [tilespmem:s23+$0x1100];
	[tilespmem:s20+$0x460] =	vst v0  }
0x261: {  	v47 =	vld [tilespmem:s23+$0x1110];
	[tilespmem:s20+$0x470] =	vst v1;
	s20 =	smov.u32 s23  }
0x262: {  	v46 =	vld [tilespmem:s20+$0x1120]  }
0x263: {  	v45 =	vld [tilespmem:s20+$0x1130]  }
0x264: {  	v44 =	vld [tilespmem:s20+$0x1140]  }
0x265: {  	v43 =	vld [tilespmem:s20+$0x1150]  }
0x266: {  	v42 =	vld [tilespmem:s20+$0x1160]  }
0x267: {  	v41 =	vld [tilespmem:s20+$0x1170]  }
0x268: {  	v39 =	vld [tilespmem:s20+$0x1180]  }
0x269: {  	v38 =	vld [tilespmem:s20+$0x1190]  }
0x26a: {  	v35 =	vld [tilespmem:s20+$0x11A0]  }
0x26b: {  	v34 =	vld [tilespmem:s20+$0x11B0]  }
0x26c: {  	v33 =	vld [tilespmem:s20+$0x11C0]  }
0x26d: {  	v32 =	vld [tilespmem:s20+$0x11D0]  }
0x26e: {  	v31 =	vld [tilespmem:s20+$0x11E0]  }
0x26f: {  	v30 =	vld [tilespmem:s20+$0x11F0]  }
0x270: {  	v29 =	vld [tilespmem:s20+$0x1200]  }
0x271: {  	v28 =	vld [tilespmem:s20+$0x1210]  }
0x272: {  	v27 =	vld [tilespmem:s20+$0x1220]  }
0x273: {  	v26 =	vld [tilespmem:s20+$0x1230]  }
0x274: {  	v25 =	vld [tilespmem:s20+$0x1240]  }
0x275: {  	v24 =	vld [tilespmem:s20+$0x1250]  }
0x276: {  	v23 =	vld [tilespmem:s20+$0x1260]  }
0x277: {  	v22 =	vld [tilespmem:s20+$0x1270]  }
0x278: {  	v21 =	vld [tilespmem:s20+$0x1280]  }
0x279: {  	v20 =	vld [tilespmem:s20+$0x1290]  }
0x27a: {  	v19 =	vld [tilespmem:s20+$0x12A0]  }
0x27b: {  	v18 =	vld [tilespmem:s20+$0x12B0]  }
0x27c: {  	v17 =	vld [tilespmem:s20+$0x12C0]  }
0x27d: {  	v16 =	vld [tilespmem:s20+$0x12D0]  }
0x27e: {  	v0 =	vld [tilespmem:s20+$0x1380]  }
0x27f: {  	v15 =	vld [tilespmem:s20+$0x12E0]  }
0x280: {  	v14 =	vld [tilespmem:s20+$0x12F0]  }
0x281: {  	v13 =	vld [tilespmem:s20+$0x1300]  }
0x282: {  	v12 =	vld [tilespmem:s20+$0x1310]  }
0x283: {  	[tilespmem:$0x1FF60] =	vst v0;
	v0 =	vld [tilespmem:s20+$0x1390]  }
0x284: {  	v11 =	vld [tilespmem:s20+$0x1320]  }
0x285: {  	v10 =	vld [tilespmem:s20+$0x1330]  }
0x286: {  	v9 =	vld [tilespmem:s20+$0x1340]  }
0x287: {  	v8 =	vld [tilespmem:s20+$0x1350]  }
0x288: {  	p1 =	sne.s32 s22, $0x3000;
	[tilespmem:$0x1FF70] =	vst v0;
	v0 =	vld [tilespmem:s20+$0x13A0]  }
.Ltmp7:
0x289: {  	v7 =	vld [tilespmem:s20+$0x1360];
	(pc) =	sbr.rel @p1 .LBB2_10-.Ltmp7, $4  }
0x28a: {  	v6 =	vld [tilespmem:s20+$0x1370]  }
0x28b: {  	v63 =	vld [tilespmem:s20+$0x13B0]  }
0x28c: {  	s21 =	sadd.s32 $0x10, s21;
	v57 =	vld [tilespmem:s20+$0xC0]  }
0x28d: {  	s22 =	sadd.s32 $0x1000, s22;
	v1 =	vld [tilespmem:s21+$0x0];
	[tilespmem:$0x1FF80] =	vst v0  }
.Ltmp8:
0x28e: {  	_ = 	snop;
	(pc) =	sbr.rel .LBB2_11-.Ltmp8, $1  }
0x28f: {  	_ =	sdelay $0x3  }
.LBB2_13:
0x290: {  	_ =	sfence.sel $0x180000  }
0x291: {  	[bflag:$0x0] =	sbarrier.arrive $0xFFFF  }
0x292: {  	p0 =	sne.s32 s2, $0x0;
	_ =	strace $0x90000047  }
0x293: {  	s0 =	sadd.s32 @!p0 $0x100000, s0;
	[bflag:$0x2] =	sbarrier.arrive $0xFFFF  }
0x294: {  	[sflag:s0] =	ssyncadd.tile.s32 @!p0 $0x1;
	_ =	shalt  }
.Lfunc_end2:
_tile_overlayer_lowered:
.L_overlay_start_2:
0x295: {  	(tag) =	ssettag $0x2  }
0x296: {  	s0 =	rddreg [dreg:$0x0];
	s2 =	stileid.u32  }
0x297: {  	s1 =	rddreg [dreg:$0x1];
	p0 =	sne.s32 s2, $0x0  }
0x298: {  	s3 =	rddreg [dreg:$0x2];
	[bflag:$0x3] =	sbarrier.arrive $0xFFFF;
	s2 =	simm.s32 @!p0 $0x1C02  }
0x299: {  	[timem:s3], [sflag:s2] =	dma.local @!p0 [hbm:s0], s1  }
0x29a: {  	s0 =	simm.s32 @!p0 $0x2  }
0x29b: {  	_ =	swait.ge @!p0 [sflag:s0], s1  }
0x29c: {  	s1 =	ssub.s32 @!p0 $0x0, s1;
	[sflag:s0] =	ssyncset.done @!p0 $0x0  }
0x29d: {  	[sflag:s0] =	ssyncadd.s32 @!p0 s1  }
0x29e: {  	[bflag:$0x3] =	sbarrier.arrive $0xFFFF  }
0x29f: {  	_ =	shalt  }

</sc_bundles>
